<compile_context>
chip_gen: v7x
topology: tpu7x:2x2x1
jax: 0.10.2.dev20260603
libtpu: 0.0.44.dev20260713+nightly
codegen_flags: <defaults>
</compile_context>

<pallas_src>
import functools

import jax
import jax.numpy as jnp
from jax import lax
from jax.experimental import pallas as pl
from jax.experimental.pallas import tpu as pltpu
from jax.experimental.pallas import tpu_sc as plsc

N = 10000
E = 160000
D = 256
H = 16
C = 2
R = 4

NC, NS, L = 2, 16, 16
NW = NC * NS
NPAD = 10240
NR = R * NPAD
GARB = NR - 8
EPT = E // NW
CH = 128
NCH = (EPT + CH - 1) // CH
EBUF = NCH * CH
BPT = NR // NS
NBLK = 1024
PBLK = NBLK // 8
NG = NPAD // NBLK
PROW = NPAD // 8
CP = 128
NBUF = 4
NROW = 8


def _stream_pass(table_hbm, ga2, key2, rows, gsem, ssem, a_sh,
                 c_sh=None, ones_v=None, osem=None):
    for b in range(NBUF):
        pltpu.async_copy(table_hbm.at[ga2.at[b]], rows[b], gsem[b])

    def body(j, carry):
        for b in range(NROW):
            c = j * NROW + b
            pltpu.make_async_copy(
                table_hbm.at[ga2.at[c]], rows[b], gsem[b]).wait()
            if c_sh is not None:
                @pl.when(c >= NROW)
                def _():
                    pltpu.make_async_copy(
                        ones_v, c_sh.at[key2.at[c - NROW]], osem[b]).wait()
                pltpu.async_copy(ones_v, c_sh.at[key2.at[c]], osem[b],
                                 add=True)
            pltpu.async_copy(rows[b], a_sh.at[key2.at[c]], ssem[b], add=True)
            bp = (b + NBUF) % NROW

            @pl.when((c + NBUF < NCH) & (c >= NBUF))
            def _():
                pltpu.make_async_copy(
                    rows[bp], a_sh.at[key2.at[c - NBUF]], ssem[bp]).wait()

            @pl.when(c + NBUF < NCH)
            def _():
                pltpu.async_copy(
                    table_hbm.at[ga2.at[c + NBUF]], rows[bp], gsem[bp])
        return carry

    lax.fori_loop(0, NCH // NROW, body, 0)
    for b in range(NROW):
        c = NCH - NROW + b
        pltpu.make_async_copy(rows[b], a_sh.at[key2.at[c]], ssem[b]).wait()
        if c_sh is not None:
            pltpu.make_async_copy(
                ones_v, c_sh.at[key2.at[c]], osem[b]).wait()


def _pack(h):
    hs = h.reshape(PBLK, 8, H)
    return jnp.concatenate([hs[:, j, :] for j in range(8)], axis=1)


_mesh = plsc.VectorSubcoreMesh(core_axis_name="c", subcore_axis_name="s")


def _tca_body(x_ref, w_ref, b1_ref, h1_ref, xr_ref):
    h = jnp.dot(x_ref[...], w_ref[...], preferred_element_type=jnp.float32)
    for r in range(R):
        h1_ref[r] = _pack(h[:, H * r:H * (r + 1)])
    xr_ref[...] = _pack(h[:, H * R:H * (R + 1)] + b1_ref[...])


def _tca(x, wcat, b1):
    return pl.pallas_call(
        _tca_body,
        grid=(NG,),
        in_specs=[
            pl.BlockSpec((NBLK, D), lambda i: (i, 0)),
            pl.BlockSpec((D, H * (R + 1)), lambda i: (0, 0)),
            pl.BlockSpec((1, H), lambda i: (0, 0)),
        ],
        out_specs=[
            pl.BlockSpec((R, PBLK, 128), lambda i: (0, i, 0)),
            pl.BlockSpec((PBLK, 128), lambda i: (i, 0)),
        ],
        out_shape=[
            jax.ShapeDtypeStruct((R, PROW, 128), jnp.float32),
            jax.ShapeDtypeStruct((PROW, 128), jnp.float32),
        ],
    )(x, wcat, b1)


@functools.partial(
    pl.kernel,
    out_type=[
        jax.ShapeDtypeStruct((NC, NR, H), jnp.float32),
        jax.ShapeDtypeStruct((NC, NR, H), jnp.float32),
    ],
    mesh=_mesh,
    scratch_types=[
        pltpu.VMEM_SHARED((NR, H), jnp.float32),
        pltpu.VMEM_SHARED((NR, H), jnp.float32),
        pltpu.VMEM((EBUF,), jnp.int32),
        pltpu.VMEM((EBUF,), jnp.int32),
        pltpu.VMEM((EBUF,), jnp.int32),
        pltpu.VMEM((NCH, CH), jnp.int32),
        pltpu.VMEM((NCH, CH), jnp.int32),
        [pltpu.VMEM((CH, H), jnp.float32) for _ in range(NROW)],
        pltpu.VMEM((CH, H), jnp.float32),
        [pltpu.SemaphoreType.DMA for _ in range(NROW)],
        [pltpu.SemaphoreType.DMA for _ in range(NROW)],
        [pltpu.SemaphoreType.DMA for _ in range(NROW)],
    ],
    compiler_params=pltpu.CompilerParams(use_tc_tiling_on_sc=False),
)
def _sc1(h1_hbm, ei_hbm, et_hbm, zeros_hbm, ones_hbm,
         a_out, c_out,
         a_sh, c_sh, src_v, dst_v, et_v, ga2, key2, rows, ones_v,
         gsem, ssem, osem):
    cid = lax.axis_index("c")
    sid = lax.axis_index("s")
    base = (cid * NS + sid) * EPT
    rows0 = sid * BPT
    dz1 = pltpu.async_copy(zeros_hbm, a_sh.at[pl.ds(rows0, BPT)], gsem[0])
    dz2 = pltpu.async_copy(zeros_hbm, c_sh.at[pl.ds(rows0, BPT)], gsem[1])
    ds_ = pltpu.async_copy(ei_hbm.at[0, pl.ds(base, EPT)],
                           src_v.at[pl.ds(0, EPT)], gsem[2])
    dd_ = pltpu.async_copy(ei_hbm.at[1, pl.ds(base, EPT)],
                           dst_v.at[pl.ds(0, EPT)], gsem[3])
    pltpu.sync_copy(et_hbm.at[pl.ds(base, EPT)], et_v.at[pl.ds(0, EPT)])
    pltpu.sync_copy(ones_hbm, ones_v)
    ds_.wait()
    dd_.wait()

    lane = lax.iota(jnp.int32, L)

    def idx_chunk(c, carry):
        off = c * CH
        for i in range(CH // L):
            pos = off + i * L
            valid = (lane + pos) < EPT
            s16 = src_v[pl.ds(pos, L)]
            d16 = dst_v[pl.ds(pos, L)]
            tb = et_v[pl.ds(pos, L)] * NPAD
            ga2[c, pl.ds(i * L, L)] = jnp.where(valid, tb + s16, 0)
            key2[c, pl.ds(i * L, L)] = jnp.where(valid, tb + d16, GARB)
        return carry

    lax.fori_loop(0, NCH, idx_chunk, 0)
    dz1.wait()
    dz2.wait()
    plsc.subcore_barrier()
    _stream_pass(h1_hbm, ga2, key2, rows, gsem, ssem, a_sh,
                 c_sh=c_sh, ones_v=ones_v, osem=osem)
    plsc.subcore_barrier()
    pltpu.sync_copy(a_sh.at[pl.ds(rows0, BPT)],
                    a_out.at[cid, pl.ds(rows0, BPT)])
    pltpu.sync_copy(c_sh.at[pl.ds(rows0, BPT)],
                    c_out.at[cid, pl.ds(rows0, BPT)])


def _tcb_body(a_ref, c_ref, xr_ref, out1_ref, inv_ref):
    cnt = c_ref[0] + c_ref[1]
    inv = 1.0 / jnp.maximum(cnt, 1.0)
    agg = jnp.sum(inv * (a_ref[0] + a_ref[1]), axis=0)
    out1_ref[...] = jnp.maximum(agg + xr_ref[...], 0.0)
    inv_ref[...] = inv


def _tcb(a1, ccnt, xr1):
    return pl.pallas_call(
        _tcb_body,
        grid=(NG,),
        in_specs=[
            pl.BlockSpec((NC, R, PBLK, 128), lambda i: (0, 0, i, 0)),
            pl.BlockSpec((NC, R, PBLK, 128), lambda i: (0, 0, i, 0)),
            pl.BlockSpec((PBLK, 128), lambda i: (i, 0)),
        ],
        out_specs=[
            pl.BlockSpec((PBLK, 128), lambda i: (i, 0)),
            pl.BlockSpec((R, PBLK, 128), lambda i: (0, i, 0)),
        ],
        out_shape=[
            jax.ShapeDtypeStruct((PROW, 128), jnp.float32),
            jax.ShapeDtypeStruct((R, PROW, 128), jnp.float32),
        ],
    )(a1, ccnt, xr1)


@functools.partial(
    pl.kernel,
    out_type=jax.ShapeDtypeStruct((NC, NR, H), jnp.float32),
    mesh=_mesh,
    scratch_types=[
        pltpu.VMEM_SHARED((NR, H), jnp.float32),
        pltpu.VMEM((EBUF,), jnp.int32),
        pltpu.VMEM((EBUF,), jnp.int32),
        pltpu.VMEM((EBUF,), jnp.int32),
        pltpu.VMEM((NCH, CH), jnp.int32),
        pltpu.VMEM((NCH, CH), jnp.int32),
        [pltpu.VMEM((CH, H), jnp.float32) for _ in range(NROW)],
        [pltpu.SemaphoreType.DMA for _ in range(NROW)],
        [pltpu.SemaphoreType.DMA for _ in range(NROW)],
    ],
    compiler_params=pltpu.CompilerParams(use_tc_tiling_on_sc=False),
)
def _sc2(out1_hbm, ei_hbm, et_hbm, zeros_hbm,
         a_out,
         a_sh, src_v, dst_v, et_v, ga2, key2, rows, gsem, ssem):
    cid = lax.axis_index("c")
    sid = lax.axis_index("s")
    base = (cid * NS + sid) * EPT
    rows0 = sid * BPT
    dz1 = pltpu.async_copy(zeros_hbm, a_sh.at[pl.ds(rows0, BPT)], gsem[0])
    ds_ = pltpu.async_copy(ei_hbm.at[0, pl.ds(base, EPT)],
                           src_v.at[pl.ds(0, EPT)], gsem[1])
    dd_ = pltpu.async_copy(ei_hbm.at[1, pl.ds(base, EPT)],
                           dst_v.at[pl.ds(0, EPT)], gsem[2])
    pltpu.sync_copy(et_hbm.at[pl.ds(base, EPT)], et_v.at[pl.ds(0, EPT)])
    ds_.wait()
    dd_.wait()

    lane = lax.iota(jnp.int32, L)

    def idx_chunk(c, carry):
        off = c * CH
        for i in range(CH // L):
            pos = off + i * L
            valid = (lane + pos) < EPT
            s16 = src_v[pl.ds(pos, L)]
            d16 = dst_v[pl.ds(pos, L)]
            tb = et_v[pl.ds(pos, L)] * NPAD
            ga2[c, pl.ds(i * L, L)] = jnp.where(valid, s16, 0)
            key2[c, pl.ds(i * L, L)] = jnp.where(valid, tb + d16, GARB)
        return carry

    lax.fori_loop(0, NCH, idx_chunk, 0)
    dz1.wait()
    plsc.subcore_barrier()
    _stream_pass(out1_hbm, ga2, key2, rows, gsem, ssem, a_sh)
    plsc.subcore_barrier()
    pltpu.sync_copy(a_sh.at[pl.ds(rows0, BPT)],
                    a_out.at[cid, pl.ds(rows0, BPT)])


def _tcc_body(a_ref, inv_ref, out1_ref, w_ref, b2_ref, o_ref):
    p = inv_ref[...] * (a_ref[0] + a_ref[1])
    xcat = jnp.concatenate(
        [p[r] for r in range(R)] + [out1_ref[...]], axis=1)
    acc = jnp.dot(xcat, w_ref[...],
                  preferred_element_type=jnp.float32) + b2_ref[...]
    lanemod = lax.broadcasted_iota(jnp.int32, (PBLK, 128), 1) % H
    nxt = pltpu.roll(acc, 127, 1)
    m = jnp.maximum(acc, nxt)
    s = jnp.exp(acc - m) + jnp.exp(nxt - m)
    lse0 = m + jnp.log(s)
    lse = jnp.where(lanemod == 0, lse0, pltpu.roll(lse0, 1, 1))
    res = acc - lse
    parts = [res[:, H * j:H * j + C] for j in range(8)]
    o_ref[...] = jnp.stack(parts, axis=1).reshape(8 * PBLK, C)


def _tcc(a2, inv, out1, wstack, b2row):
    return pl.pallas_call(
        _tcc_body,
        grid=(NG,),
        in_specs=[
            pl.BlockSpec((NC, R, PBLK, 128), lambda i: (0, 0, i, 0)),
            pl.BlockSpec((R, PBLK, 128), lambda i: (0, i, 0)),
            pl.BlockSpec((PBLK, 128), lambda i: (i, 0)),
            pl.BlockSpec((128 * (R + 1), 128), lambda i: (0, 0)),
            pl.BlockSpec((1, 128), lambda i: (0, 0)),
        ],
        out_specs=pl.BlockSpec((8 * PBLK, C), lambda i: (i, 0)),
        out_shape=jax.ShapeDtypeStruct((N, C), jnp.float32),
    )(a2, inv, out1, wstack, b2row)


def kernel(x, edge_index, edge_type, W1, root1, b1, W2, root2, b2):
    f32 = jnp.float32
    x = x.astype(f32)
    ei = edge_index.astype(jnp.int32)
    et = edge_type.astype(jnp.int32)

    zeros_t = jnp.zeros((BPT, H), f32)
    ones_t = jnp.ones((CH, H), f32)

    wcat = jnp.concatenate(
        [W1.astype(f32)[r] for r in range(R)] + [root1.astype(f32)], axis=1)

    h1p, xr1p = _tca(x, wcat, b1.astype(f32).reshape(1, H))

    a1, cc = _sc1(h1p.reshape(NR, H), ei, et, zeros_t, ones_t)

    out1p, invp = _tcb(a1.reshape(NC, R, PROW, 128),
                       cc.reshape(NC, R, PROW, 128), xr1p)

    a2 = _sc2(out1p.reshape(NPAD, H), ei, et, zeros_t)

    eye8 = jnp.eye(8, dtype=f32)
    blocks = [jnp.kron(eye8, jnp.pad(W2.astype(f32)[r], ((0, 0), (0, H - C))))
              for r in range(R)]
    blocks.append(jnp.kron(eye8, jnp.pad(root2.astype(f32),
                                         ((0, 0), (0, H - C)))))
    wstack = jnp.concatenate(blocks, axis=0)
    b2row = jnp.tile(jnp.pad(b2.astype(f32), (0, H - C)), 8).reshape(1, 128)

    return _tcc(a2.reshape(NC, R, PROW, 128), invp, out1p, wstack, b2row)

# --- scband reference (transcript-rebuilt; emitter-appended) ---
"""Pipeline reference for scband-gcn-36344013259001 (READ-ONLY COPY).

The authoritative reference and input builder live on the scoring server;
editing this copy changes nothing except your own understanding.
"""

import jax, jax.numpy as jnp
import numpy as np

N = 10000
E = 160000
D = 256
H = 16
C = 2
R = 4


def rgcn_conv(x, edge_index, edge_type, W, root, bias):
    # Faithful PyG RGCNConv with default aggr='mean':
    # x_i' = root @ x_i + bias + sum_r mean_{j in N_r(i)} (W_r @ x_j)
    n = x.shape[0]
    r = W.shape[0]
    out_dim = W.shape[2]
    # transform all nodes under every relation (compute-dense einsum)
    h = jnp.einsum('nd,rdo->nro', x, W)  # [N, R, out]
    src = edge_index[0]
    dst = edge_index[1]
    msg = h[src, edge_type]  # gather [E, out]
    key = dst * r + edge_type
    cnt = jnp.zeros((n * r,), dtype=x.dtype).at[key].add(1.0)
    norm = 1.0 / jnp.maximum(cnt[key], 1.0)
    agg = jnp.zeros((n, out_dim), dtype=x.dtype).at[dst].add(msg * norm[:, None])
    return agg + x @ root + bias


def setup_inputs(seed: int = 0) -> dict:
    key = jax.random.key(seed)
    ks = jax.random.split(key, 9)
    x = jax.random.normal(ks[0], (N, D), dtype=jnp.float32)
    edge_index = jax.random.randint(ks[1], (2, E), 0, N)
    edge_type = jax.random.randint(ks[2], (E,), 0, R)
    s1 = 1.0 / np.sqrt(D)
    s2 = 1.0 / np.sqrt(H)
    W1 = jax.random.normal(ks[3], (R, D, H), dtype=jnp.float32) * s1
    root1 = jax.random.normal(ks[4], (D, H), dtype=jnp.float32) * s1
    b1 = jnp.zeros((H,), dtype=jnp.float32)
    W2 = jax.random.normal(ks[5], (R, H, C), dtype=jnp.float32) * s2
    root2 = jax.random.normal(ks[6], (H, C), dtype=jnp.float32) * s2
    b2 = jnp.zeros((C,), dtype=jnp.float32)
    return {"x": x, "edge_index": edge_index, "edge_type": edge_type,
            "W1": W1, "root1": root1, "b1": b1,
            "W2": W2, "root2": root2, "b2": b2}


def reference(x, edge_index, edge_type, W1, root1, b1, W2, root2, b2):
    h = jax.nn.relu(rgcn_conv(x, edge_index, edge_type, W1, root1, b1))
    out = rgcn_conv(h, edge_index, edge_type, W2, root2, b2)
    return jax.nn.log_softmax(out, axis=1)

if __name__ == "__main__":
    import jax
    _d = setup_inputs()
    print(jax.jit(kernel)(*tuple(_d.values())))

</pallas_src>

<mosaic_0001>
#map = affine_map<(d0, d1) -> (0, 0)>
#map1 = affine_map<(d0, d1) -> (0)>
#map2 = affine_map<(d0, d1) -> (0, 0, 0)>
module attributes {stable_mosaic.version = 14 : i64} {
  func.func @_sc2(%arg0: i32, %arg1: i32, %arg2: memref<10240x16xf32, #tpu.memory_space<hbm>>, %arg3: memref<2x160000xi32, #tpu.memory_space<hbm>>, %arg4: memref<160000xi32, #tpu.memory_space<hbm>>, %arg5: memref<2560x16xf32, #tpu.memory_space<hbm>>, %arg6: memref<2x40960x16xf32, #tpu.memory_space<hbm>>, %arg7: memref<40960x16xf32, #tpu.memory_space<vmem_shared>>, %arg8: memref<5120xi32, #tpu.memory_space<vmem>>, %arg9: memref<5120xi32, #tpu.memory_space<vmem>>, %arg10: memref<5120xi32, #tpu.memory_space<vmem>>, %arg11: memref<40x128xi32, #tpu.memory_space<vmem>>, %arg12: memref<40x128xi32, #tpu.memory_space<vmem>>, %arg13: memref<128x16xf32, #tpu.memory_space<vmem>>, %arg14: memref<128x16xf32, #tpu.memory_space<vmem>>, %arg15: memref<128x16xf32, #tpu.memory_space<vmem>>, %arg16: memref<128x16xf32, #tpu.memory_space<vmem>>, %arg17: memref<128x16xf32, #tpu.memory_space<vmem>>, %arg18: memref<128x16xf32, #tpu.memory_space<vmem>>, %arg19: memref<128x16xf32, #tpu.memory_space<vmem>>, %arg20: memref<128x16xf32, #tpu.memory_space<vmem>>, %arg21: memref<!tpu.dma_semaphore, #tpu.memory_space<semaphore_mem>>, %arg22: memref<!tpu.dma_semaphore, #tpu.memory_space<semaphore_mem>>, %arg23: memref<!tpu.dma_semaphore, #tpu.memory_space<semaphore_mem>>, %arg24: memref<!tpu.dma_semaphore, #tpu.memory_space<semaphore_mem>>, %arg25: memref<!tpu.dma_semaphore, #tpu.memory_space<semaphore_mem>>, %arg26: memref<!tpu.dma_semaphore, #tpu.memory_space<semaphore_mem>>, %arg27: memref<!tpu.dma_semaphore, #tpu.memory_space<semaphore_mem>>, %arg28: memref<!tpu.dma_semaphore, #tpu.memory_space<semaphore_mem>>, %arg29: memref<!tpu.dma_semaphore, #tpu.memory_space<semaphore_mem>>, %arg30: memref<!tpu.dma_semaphore, #tpu.memory_space<semaphore_mem>>, %arg31: memref<!tpu.dma_semaphore, #tpu.memory_space<semaphore_mem>>, %arg32: memref<!tpu.dma_semaphore, #tpu.memory_space<semaphore_mem>>, %arg33: memref<!tpu.dma_semaphore, #tpu.memory_space<semaphore_mem>>, %arg34: memref<!tpu.dma_semaphore, #tpu.memory_space<semaphore_mem>>, %arg35: memref<!tpu.dma_semaphore, #tpu.memory_space<semaphore_mem>>, %arg36: memref<!tpu.dma_semaphore, #tpu.memory_space<semaphore_mem>>) attributes {dimension_semantics = [#tpu.dimension_semantics<core_parallel>, #tpu.dimension_semantics<subcore_parallel>], iteration_bounds = array<i64: 2, 16>, scalar_prefetch = 0 : i64, scratch_operands = 30 : i64, tpu.core_type = #tpu.core_type<sc_vector_subcore>, window_params = [{transform_indices = #map}, {transform_indices = #map}, {transform_indices = #map1}, {transform_indices = #map}, {transform_indices = #map2}]} {
    %mul3A = arith.constant 16 : i32
    %mul3A_0 = arith.muli %arg0, %mul3A : i32
    %add3A = arith.addi %mul3A_0, %arg1 : i32
    %mul3A_1 = arith.constant 5000 : i32
    %mul3A_2 = arith.muli %add3A, %mul3A_1 : i32
    %mul3A_3 = arith.constant 2560 : i32
    %mul3A_4 = arith.muli %arg1, %mul3A_3 : i32
    %dma_start3A = arith.constant 0 : i32
    %dma_start3A_5 = tpu.memref_slice %arg7[%mul3A_4, %dma_start3A] : memref<40960x16xf32, #tpu.memory_space<vmem_shared>> -> memref<2560x16xf32, #tpu.memory_space<vmem_shared>>
    tpu.enqueue_dma source(%arg5 : memref<2560x16xf32, #tpu.memory_space<hbm>>) target(%dma_start3A_5 : memref<2560x16xf32, #tpu.memory_space<vmem_shared>>) target_semaphore(%arg21 : memref<!tpu.dma_semaphore, #tpu.memory_space<semaphore_mem>>)
    %dma_start3A_6 = arith.constant 0 : i32
    %dma_start3A_7 = arith.constant 0 : i32
    %dma_start3A_8 = tpu.memref_slice %arg8[%dma_start3A_7] : memref<5120xi32, #tpu.memory_space<vmem>> -> memref<5000xi32, #tpu.memory_space<vmem>>
    %dma_start3A_9 = tpu.memref_slice %arg3[%dma_start3A_6, %mul3A_2] : memref<2x160000xi32, #tpu.memory_space<hbm>> -> memref<1x5000xi32, #tpu.memory_space<hbm>>
    %dma_start3A_10 = tpu.memref_squeeze %dma_start3A_9 : memref<1x5000xi32, #tpu.memory_space<hbm>> -> memref<5000xi32, #tpu.memory_space<hbm>>
    %dma_start3A_11 = arith.constant 0 : i32
    %dma_start3A_12 = tpu.memref_slice %arg8[%dma_start3A_11] : memref<5120xi32, #tpu.memory_space<vmem>> -> memref<5000xi32, #tpu.memory_space<vmem>>
    %dma_start3A_13 = tpu.memref_slice %arg3[%dma_start3A_6, %mul3A_2] : memref<2x160000xi32, #tpu.memory_space<hbm>> -> memref<1x5000xi32, #tpu.memory_space<hbm>>
    %dma_start3A_14 = tpu.memref_squeeze %dma_start3A_13 : memref<1x5000xi32, #tpu.memory_space<hbm>> -> memref<5000xi32, #tpu.memory_space<hbm>>
    tpu.enqueue_dma source(%dma_start3A_14 : memref<5000xi32, #tpu.memory_space<hbm>>) target(%dma_start3A_12 : memref<5000xi32, #tpu.memory_space<vmem>>) target_semaphore(%arg22 : memref<!tpu.dma_semaphore, #tpu.memory_space<semaphore_mem>>)
    %dma_start3A_15 = arith.constant 1 : i32
    %dma_start3A_16 = arith.constant 0 : i32
    %dma_start3A_17 = tpu.memref_slice %arg9[%dma_start3A_16] : memref<5120xi32, #tpu.memory_space<vmem>> -> memref<5000xi32, #tpu.memory_space<vmem>>
    %dma_start3A_18 = tpu.memref_slice %arg3[%dma_start3A_15, %mul3A_2] : memref<2x160000xi32, #tpu.memory_space<hbm>> -> memref<1x5000xi32, #tpu.memory_space<hbm>>
    %dma_start3A_19 = tpu.memref_squeeze %dma_start3A_18 : memref<1x5000xi32, #tpu.memory_space<hbm>> -> memref<5000xi32, #tpu.memory_space<hbm>>
    %dma_start3A_20 = arith.constant 0 : i32
    %dma_start3A_21 = tpu.memref_slice %arg9[%dma_start3A_20] : memref<5120xi32, #tpu.memory_space<vmem>> -> memref<5000xi32, #tpu.memory_space<vmem>>
    %dma_start3A_22 = tpu.memref_slice %arg3[%dma_start3A_15, %mul3A_2] : memref<2x160000xi32, #tpu.memory_space<hbm>> -> memref<1x5000xi32, #tpu.memory_space<hbm>>
    %dma_start3A_23 = tpu.memref_squeeze %dma_start3A_22 : memref<1x5000xi32, #tpu.memory_space<hbm>> -> memref<5000xi32, #tpu.memory_space<hbm>>
    tpu.enqueue_dma source(%dma_start3A_23 : memref<5000xi32, #tpu.memory_space<hbm>>) target(%dma_start3A_21 : memref<5000xi32, #tpu.memory_space<vmem>>) target_semaphore(%arg23 : memref<!tpu.dma_semaphore, #tpu.memory_space<semaphore_mem>>)
    "tpu.region"() ({
      %run_scoped3A = tpu.sem_alloc : memref<!tpu.dma_semaphore, #tpu.memory_space<semaphore_mem>>
      %dma_start3A_139 = arith.constant 0 : i32
      %dma_start3A_140 = tpu.memref_slice %arg10[%dma_start3A_139] : memref<5120xi32, #tpu.memory_space<vmem>> -> memref<5000xi32, #tpu.memory_space<vmem>>
      %dma_start3A_141 = tpu.memref_slice %arg4[%mul3A_2] : memref<160000xi32, #tpu.memory_space<hbm>> -> memref<5000xi32, #tpu.memory_space<hbm>>
      %dma_start3A_142 = arith.constant 0 : i32
      %dma_start3A_143 = tpu.memref_slice %arg10[%dma_start3A_142] : memref<5120xi32, #tpu.memory_space<vmem>> -> memref<5000xi32, #tpu.memory_space<vmem>>
      %dma_start3A_144 = tpu.memref_slice %arg4[%mul3A_2] : memref<160000xi32, #tpu.memory_space<hbm>> -> memref<5000xi32, #tpu.memory_space<hbm>>
      tpu.enqueue_dma source(%dma_start3A_144 : memref<5000xi32, #tpu.memory_space<hbm>>) target(%dma_start3A_143 : memref<5000xi32, #tpu.memory_space<vmem>>) target_semaphore(%run_scoped3A : memref<!tpu.dma_semaphore, #tpu.memory_space<semaphore_mem>>)
      %dma_wait3A_145 = arith.constant 0 : i32
      %dma_wait3A_146 = tpu.memref_slice %arg10[%dma_wait3A_145] : memref<5120xi32, #tpu.memory_space<vmem>> -> memref<5000xi32, #tpu.memory_space<vmem>>
      %dma_wait3A_147 = tpu.memref_slice %arg4[%mul3A_2] : memref<160000xi32, #tpu.memory_space<hbm>> -> memref<5000xi32, #tpu.memory_space<hbm>>
      %dma_wait3A_148 = arith.constant 0 : i32
      %dma_wait3A_149 = tpu.memref_slice %arg10[%dma_wait3A_148] : memref<5120xi32, #tpu.memory_space<vmem>> -> memref<5000xi32, #tpu.memory_space<vmem>>
      %dma_wait3A_150 = tpu.memref_slice %arg4[%mul3A_2] : memref<160000xi32, #tpu.memory_space<hbm>> -> memref<5000xi32, #tpu.memory_space<hbm>>
      tpu.wait_dma2 semaphore(%run_scoped3A : memref<!tpu.dma_semaphore, #tpu.memory_space<semaphore_mem>>) src(%dma_wait3A_150 : memref<5000xi32, #tpu.memory_space<hbm>>) dst(%dma_wait3A_149 : memref<5000xi32, #tpu.memory_space<vmem>>)
      tpu.yield
    }) : () -> ()
    %dma_wait3A = arith.constant 0 : i32
    %dma_wait3A_24 = arith.constant 0 : i32
    %dma_wait3A_25 = tpu.memref_slice %arg8[%dma_wait3A_24] : memref<5120xi32, #tpu.memory_space<vmem>> -> memref<5000xi32, #tpu.memory_space<vmem>>
    %dma_wait3A_26 = tpu.memref_slice %arg3[%dma_wait3A, %mul3A_2] : memref<2x160000xi32, #tpu.memory_space<hbm>> -> memref<1x5000xi32, #tpu.memory_space<hbm>>
    %dma_wait3A_27 = tpu.memref_squeeze %dma_wait3A_26 : memref<1x5000xi32, #tpu.memory_space<hbm>> -> memref<5000xi32, #tpu.memory_space<hbm>>
    %dma_wait3A_28 = arith.constant 0 : i32
    %dma_wait3A_29 = tpu.memref_slice %arg8[%dma_wait3A_28] : memref<5120xi32, #tpu.memory_space<vmem>> -> memref<5000xi32, #tpu.memory_space<vmem>>
    %dma_wait3A_30 = tpu.memref_slice %arg3[%dma_wait3A, %mul3A_2] : memref<2x160000xi32, #tpu.memory_space<hbm>> -> memref<1x5000xi32, #tpu.memory_space<hbm>>
    %dma_wait3A_31 = tpu.memref_squeeze %dma_wait3A_30 : memref<1x5000xi32, #tpu.memory_space<hbm>> -> memref<5000xi32, #tpu.memory_space<hbm>>
    tpu.wait_dma2 semaphore(%arg22 : memref<!tpu.dma_semaphore, #tpu.memory_space<semaphore_mem>>) src(%dma_wait3A_31 : memref<5000xi32, #tpu.memory_space<hbm>>) dst(%dma_wait3A_29 : memref<5000xi32, #tpu.memory_space<vmem>>)
    %dma_wait3A_32 = arith.constant 1 : i32
    %dma_wait3A_33 = arith.constant 0 : i32
    %dma_wait3A_34 = tpu.memref_slice %arg9[%dma_wait3A_33] : memref<5120xi32, #tpu.memory_space<vmem>> -> memref<5000xi32, #tpu.memory_space<vmem>>
    %dma_wait3A_35 = tpu.memref_slice %arg3[%dma_wait3A_32, %mul3A_2] : memref<2x160000xi32, #tpu.memory_space<hbm>> -> memref<1x5000xi32, #tpu.memory_space<hbm>>
    %dma_wait3A_36 = tpu.memref_squeeze %dma_wait3A_35 : memref<1x5000xi32, #tpu.memory_space<hbm>> -> memref<5000xi32, #tpu.memory_space<hbm>>
    %dma_wait3A_37 = arith.constant 0 : i32
    %dma_wait3A_38 = tpu.memref_slice %arg9[%dma_wait3A_37] : memref<5120xi32, #tpu.memory_space<vmem>> -> memref<5000xi32, #tpu.memory_space<vmem>>
    %dma_wait3A_39 = tpu.memref_slice %arg3[%dma_wait3A_32, %mul3A_2] : memref<2x160000xi32, #tpu.memory_space<hbm>> -> memref<1x5000xi32, #tpu.memory_space<hbm>>
    %dma_wait3A_40 = tpu.memref_squeeze %dma_wait3A_39 : memref<1x5000xi32, #tpu.memory_space<hbm>> -> memref<5000xi32, #tpu.memory_space<hbm>>
    tpu.wait_dma2 semaphore(%arg23 : memref<!tpu.dma_semaphore, #tpu.memory_space<semaphore_mem>>) src(%dma_wait3A_40 : memref<5000xi32, #tpu.memory_space<hbm>>) dst(%dma_wait3A_38 : memref<5000xi32, #tpu.memory_space<vmem>>)
    %iota3A = tpu.iota {dimensions = array<i32: 0>} : vector<16xi32>
    %scan3A = arith.constant 0 : i32
    %scan3A_41 = arith.constant 0 : i32
    %scan3A_42 = arith.constant 40 : i32
    %scan3A_43 = arith.addi %scan3A_41, %scan3A_42 : i32
    %scan3A_44 = arith.constant 1 : i32
    scf.for %scan3A_139 = %scan3A_41 to %scan3A_43 step %scan3A_44  : i32 {
      %mul3A_140 = arith.constant 128 : i32
      %mul3A_141 = arith.muli %scan3A_139, %mul3A_140 : i32
      %add3A_142 = arith.constant 0 : i32
      %add3A_143 = arith.addi %mul3A_141, %add3A_142 : i32
      %add3A_144 = vector.broadcast %add3A_143 : i32 to vector<16xi32>
      %add3A_145 = arith.addi %iota3A, %add3A_144 : vector<16xi32>
      %lt3A = arith.constant 5000 : i32
      %lt3A_146 = vector.broadcast %lt3A : i32 to vector<16xi32>
      %lt3A_147 = arith.cmpi slt, %add3A_145, %lt3A_146 : vector<16xi32>
      %get3A = arith.index_cast %add3A_143 : i32 to index
      %get3A_148 = tpu.vector_load %arg8[%get3A] {strides = array<i32>} : memref<5120xi32, #tpu.memory_space<vmem>>, vector<16xi32>,
      %get3A_149 = vector.shape_cast %get3A_148 : vector<16xi32> to vector<16xi32>
      %get3A_150 = arith.index_cast %add3A_143 : i32 to index
      %get3A_151 = tpu.vector_load %arg9[%get3A_150] {strides = array<i32>} : memref<5120xi32, #tpu.memory_space<vmem>>, vector<16xi32>,
      %get3A_152 = vector.shape_cast %get3A_151 : vector<16xi32> to vector<16xi32>
      %get3A_153 = arith.index_cast %add3A_143 : i32 to index
      %get3A_154 = tpu.vector_load %arg10[%get3A_153] {strides = array<i32>} : memref<5120xi32, #tpu.memory_space<vmem>>, vector<16xi32>,
      %get3A_155 = vector.shape_cast %get3A_154 : vector<16xi32> to vector<16xi32>
      %mul3A_156 = arith.constant 10240 : i32
      %mul3A_157 = vector.broadcast %mul3A_156 : i32 to vector<16xi32>
      %mul3A_158 = arith.muli %get3A_155, %mul3A_157 : vector<16xi32>
      %jit3A = arith.constant 0 : i32
      %broadcast_in_dim3A = vector.broadcast %jit3A : i32 to vector<16xi32>
      %select_n3A = arith.select %lt3A_147, %get3A_149, %broadcast_in_dim3A : vector<16xi1>, vector<16xi32>
      %swap3A = arith.index_cast %scan3A_139 : i32 to index
      %swap3A_159 = arith.constant 0 : index
      %swap3A_160 = tpu.vector_load %arg11[%swap3A, %swap3A_159] {strides = array<i32>} : memref<40x128xi32, #tpu.memory_space<vmem>>, vector<1x16xi32>,
      %swap3A_161 = vector.shape_cast %swap3A_160 : vector<1x16xi32> to vector<16xi32>
      %swap3A_162 = vector.shape_cast %select_n3A : vector<16xi32> to vector<1x16xi32>
      tpu.vector_store %arg11[%swap3A, %swap3A_159], %swap3A_162 {strides = array<i32>} : memref<40x128xi32, #tpu.memory_space<vmem>>, vector<1x16xi32>,
      %add3A_163 = arith.addi %mul3A_158, %get3A_152 : vector<16xi32>
      %jit3A_164 = arith.constant 40952 : i32
      %broadcast_in_dim3A_165 = vector.broadcast %jit3A_164 : i32 to vector<16xi32>
      %select_n3A_166 = arith.select %lt3A_147, %add3A_163, %broadcast_in_dim3A_165 : vector<16xi1>, vector<16xi32>
      %swap3A_167 = arith.index_cast %scan3A_139 : i32 to index
      %swap3A_168 = arith.constant 0 : index
      %swap3A_169 = tpu.vector_load %arg12[%swap3A_167, %swap3A_168] {strides = array<i32>} : memref<40x128xi32, #tpu.memory_space<vmem>>, vector<1x16xi32>,
      %swap3A_170 = vector.shape_cast %swap3A_169 : vector<1x16xi32> to vector<16xi32>
      %swap3A_171 = vector.shape_cast %select_n3A_166 : vector<16xi32> to vector<1x16xi32>
      tpu.vector_store %arg12[%swap3A_167, %swap3A_168], %swap3A_171 {strides = array<i32>} : memref<40x128xi32, #tpu.memory_space<vmem>>, vector<1x16xi32>,
      %add3A_172 = arith.constant 16 : i32
      %add3A_173 = arith.addi %mul3A_141, %add3A_172 : i32
      %add3A_174 = vector.broadcast %add3A_173 : i32 to vector<16xi32>
      %add3A_175 = arith.addi %iota3A, %add3A_174 : vector<16xi32>
      %lt3A_176 = arith.constant 5000 : i32
      %lt3A_177 = vector.broadcast %lt3A_176 : i32 to vector<16xi32>
      %lt3A_178 = arith.cmpi slt, %add3A_175, %lt3A_177 : vector<16xi32>
      %get3A_179 = arith.index_cast %add3A_173 : i32 to index
      %get3A_180 = tpu.vector_load %arg8[%get3A_179] {strides = array<i32>} : memref<5120xi32, #tpu.memory_space<vmem>>, vector<16xi32>,
      %get3A_181 = vector.shape_cast %get3A_180 : vector<16xi32> to vector<16xi32>
      %get3A_182 = arith.index_cast %add3A_173 : i32 to index
      %get3A_183 = tpu.vector_load %arg9[%get3A_182] {strides = array<i32>} : memref<5120xi32, #tpu.memory_space<vmem>>, vector<16xi32>,
      %get3A_184 = vector.shape_cast %get3A_183 : vector<16xi32> to vector<16xi32>
      %get3A_185 = arith.index_cast %add3A_173 : i32 to index
      %get3A_186 = tpu.vector_load %arg10[%get3A_185] {strides = array<i32>} : memref<5120xi32, #tpu.memory_space<vmem>>, vector<16xi32>,
      %get3A_187 = vector.shape_cast %get3A_186 : vector<16xi32> to vector<16xi32>
      %mul3A_188 = arith.constant 10240 : i32
      %mul3A_189 = vector.broadcast %mul3A_188 : i32 to vector<16xi32>
      %mul3A_190 = arith.muli %get3A_187, %mul3A_189 : vector<16xi32>
      %jit3A_191 = arith.constant 0 : i32
      %broadcast_in_dim3A_192 = vector.broadcast %jit3A_191 : i32 to vector<16xi32>
      %select_n3A_193 = arith.select %lt3A_178, %get3A_181, %broadcast_in_dim3A_192 : vector<16xi1>, vector<16xi32>
      %swap3A_194 = arith.index_cast %scan3A_139 : i32 to index
      %swap3A_195 = arith.constant 16 : index
      %swap3A_196 = tpu.vector_load %arg11[%swap3A_194, %swap3A_195] {strides = array<i32>} : memref<40x128xi32, #tpu.memory_space<vmem>>, vector<1x16xi32>,
      %swap3A_197 = vector.shape_cast %swap3A_196 : vector<1x16xi32> to vector<16xi32>
      %swap3A_198 = vector.shape_cast %select_n3A_193 : vector<16xi32> to vector<1x16xi32>
      tpu.vector_store %arg11[%swap3A_194, %swap3A_195], %swap3A_198 {strides = array<i32>} : memref<40x128xi32, #tpu.memory_space<vmem>>, vector<1x16xi32>,
      %add3A_199 = arith.addi %mul3A_190, %get3A_184 : vector<16xi32>
      %jit3A_200 = arith.constant 40952 : i32
      %broadcast_in_dim3A_201 = vector.broadcast %jit3A_200 : i32 to vector<16xi32>
      %select_n3A_202 = arith.select %lt3A_178, %add3A_199, %broadcast_in_dim3A_201 : vector<16xi1>, vector<16xi32>
      %swap3A_203 = arith.index_cast %scan3A_139 : i32 to index
      %swap3A_204 = arith.constant 16 : index
      %swap3A_205 = tpu.vector_load %arg12[%swap3A_203, %swap3A_204] {strides = array<i32>} : memref<40x128xi32, #tpu.memory_space<vmem>>, vector<1x16xi32>,
      %swap3A_206 = vector.shape_cast %swap3A_205 : vector<1x16xi32> to vector<16xi32>
      %swap3A_207 = vector.shape_cast %select_n3A_202 : vector<16xi32> to vector<1x16xi32>
      tpu.vector_store %arg12[%swap3A_203, %swap3A_204], %swap3A_207 {strides = array<i32>} : memref<40x128xi32, #tpu.memory_space<vmem>>, vector<1x16xi32>,
      %add3A_208 = arith.constant 32 : i32
      %add3A_209 = arith.addi %mul3A_141, %add3A_208 : i32
      %add3A_210 = vector.broadcast %add3A_209 : i32 to vector<16xi32>
      %add3A_211 = arith.addi %iota3A, %add3A_210 : vector<16xi32>
      %lt3A_212 = arith.constant 5000 : i32
      %lt3A_213 = vector.broadcast %lt3A_212 : i32 to vector<16xi32>
      %lt3A_214 = arith.cmpi slt, %add3A_211, %lt3A_213 : vector<16xi32>
      %get3A_215 = arith.index_cast %add3A_209 : i32 to index
      %get3A_216 = tpu.vector_load %arg8[%get3A_215] {strides = array<i32>} : memref<5120xi32, #tpu.memory_space<vmem>>, vector<16xi32>,
      %get3A_217 = vector.shape_cast %get3A_216 : vector<16xi32> to vector<16xi32>
      %get3A_218 = arith.index_cast %add3A_209 : i32 to index
      %get3A_219 = tpu.vector_load %arg9[%get3A_218] {strides = array<i32>} : memref<5120xi32, #tpu.memory_space<vmem>>, vector<16xi32>,
      %get3A_220 = vector.shape_cast %get3A_219 : vector<16xi32> to vector<16xi32>
      %get3A_221 = arith.index_cast %add3A_209 : i32 to index
      %get3A_222 = tpu.vector_load %arg10[%get3A_221] {strides = array<i32>} : memref<5120xi32, #tpu.memory_space<vmem>>, vector<16xi32>,
      %get3A_223 = vector.shape_cast %get3A_222 : vector<16xi32> to vector<16xi32>
      %mul3A_224 = arith.constant 10240 : i32
      %mul3A_225 = vector.broadcast %mul3A_224 : i32 to vector<16xi32>
      %mul3A_226 = arith.muli %get3A_223, %mul3A_225 : vector<16xi32>
      %jit3A_227 = arith.constant 0 : i32
      %broadcast_in_dim3A_228 = vector.broadcast %jit3A_227 : i32 to vector<16xi32>
      %select_n3A_229 = arith.select %lt3A_214, %get3A_217, %broadcast_in_dim3A_228 : vector<16xi1>, vector<16xi32>
      %swap3A_230 = arith.index_cast %scan3A_139 : i32 to index
      %swap3A_231 = arith.constant 32 : index
      %swap3A_232 = tpu.vector_load %arg11[%swap3A_230, %swap3A_231] {strides = array<i32>} : memref<40x128xi32, #tpu.memory_space<vmem>>, vector<1x16xi32>,
      %swap3A_233 = vector.shape_cast %swap3A_232 : vector<1x16xi32> to vector<16xi32>
      %swap3A_234 = vector.shape_cast %select_n3A_229 : vector<16xi32> to vector<1x16xi32>
      tpu.vector_store %arg11[%swap3A_230, %swap3A_231], %swap3A_234 {strides = array<i32>} : memref<40x128xi32, #tpu.memory_space<vmem>>, vector<1x16xi32>,
      %add3A_235 = arith.addi %mul3A_226, %get3A_220 : vector<16xi32>
      %jit3A_236 = arith.constant 40952 : i32
      %broadcast_in_dim3A_237 = vector.broadcast %jit3A_236 : i32 to vector<16xi32>
      %select_n3A_238 = arith.select %lt3A_214, %add3A_235, %broadcast_in_dim3A_237 : vector<16xi1>, vector<16xi32>
      %swap3A_239 = arith.index_cast %scan3A_139 : i32 to index
      %swap3A_240 = arith.constant 32 : index
      %swap3A_241 = tpu.vector_load %arg12[%swap3A_239, %swap3A_240] {strides = array<i32>} : memref<40x128xi32, #tpu.memory_space<vmem>>, vector<1x16xi32>,
      %swap3A_242 = vector.shape_cast %swap3A_241 : vector<1x16xi32> to vector<16xi32>
      %swap3A_243 = vector.shape_cast %select_n3A_238 : vector<16xi32> to vector<1x16xi32>
      tpu.vector_store %arg12[%swap3A_239, %swap3A_240], %swap3A_243 {strides = array<i32>} : memref<40x128xi32, #tpu.memory_space<vmem>>, vector<1x16xi32>,
      %add3A_244 = arith.constant 48 : i32
      %add3A_245 = arith.addi %mul3A_141, %add3A_244 : i32
      %add3A_246 = vector.broadcast %add3A_245 : i32 to vector<16xi32>
      %add3A_247 = arith.addi %iota3A, %add3A_246 : vector<16xi32>
      %lt3A_248 = arith.constant 5000 : i32
      %lt3A_249 = vector.broadcast %lt3A_248 : i32 to vector<16xi32>
      %lt3A_250 = arith.cmpi slt, %add3A_247, %lt3A_249 : vector<16xi32>
      %get3A_251 = arith.index_cast %add3A_245 : i32 to index
      %get3A_252 = tpu.vector_load %arg8[%get3A_251] {strides = array<i32>} : memref<5120xi32, #tpu.memory_space<vmem>>, vector<16xi32>,
      %get3A_253 = vector.shape_cast %get3A_252 : vector<16xi32> to vector<16xi32>
      %get3A_254 = arith.index_cast %add3A_245 : i32 to index
      %get3A_255 = tpu.vector_load %arg9[%get3A_254] {strides = array<i32>} : memref<5120xi32, #tpu.memory_space<vmem>>, vector<16xi32>,
      %get3A_256 = vector.shape_cast %get3A_255 : vector<16xi32> to vector<16xi32>
      %get3A_257 = arith.index_cast %add3A_245 : i32 to index
      %get3A_258 = tpu.vector_load %arg10[%get3A_257] {strides = array<i32>} : memref<5120xi32, #tpu.memory_space<vmem>>, vector<16xi32>,
      %get3A_259 = vector.shape_cast %get3A_258 : vector<16xi32> to vector<16xi32>
      %mul3A_260 = arith.constant 10240 : i32
      %mul3A_261 = vector.broadcast %mul3A_260 : i32 to vector<16xi32>
      %mul3A_262 = arith.muli %get3A_259, %mul3A_261 : vector<16xi32>
      %jit3A_263 = arith.constant 0 : i32
      %broadcast_in_dim3A_264 = vector.broadcast %jit3A_263 : i32 to vector<16xi32>
      %select_n3A_265 = arith.select %lt3A_250, %get3A_253, %broadcast_in_dim3A_264 : vector<16xi1>, vector<16xi32>
      %swap3A_266 = arith.index_cast %scan3A_139 : i32 to index
      %swap3A_267 = arith.constant 48 : index
      %swap3A_268 = tpu.vector_load %arg11[%swap3A_266, %swap3A_267] {strides = array<i32>} : memref<40x128xi32, #tpu.memory_space<vmem>>, vector<1x16xi32>,
      %swap3A_269 = vector.shape_cast %swap3A_268 : vector<1x16xi32> to vector<16xi32>
      %swap3A_270 = vector.shape_cast %select_n3A_265 : vector<16xi32> to vector<1x16xi32>
      tpu.vector_store %arg11[%swap3A_266, %swap3A_267], %swap3A_270 {strides = array<i32>} : memref<40x128xi32, #tpu.memory_space<vmem>>, vector<1x16xi32>,
      %add3A_271 = arith.addi %mul3A_262, %get3A_256 : vector<16xi32>
      %jit3A_272 = arith.constant 40952 : i32
      %broadcast_in_dim3A_273 = vector.broadcast %jit3A_272 : i32 to vector<16xi32>
      %select_n3A_274 = arith.select %lt3A_250, %add3A_271, %broadcast_in_dim3A_273 : vector<16xi1>, vector<16xi32>
      %swap3A_275 = arith.index_cast %scan3A_139 : i32 to index
      %swap3A_276 = arith.constant 48 : index
      %swap3A_277 = tpu.vector_load %arg12[%swap3A_275, %swap3A_276] {strides = array<i32>} : memref<40x128xi32, #tpu.memory_space<vmem>>, vector<1x16xi32>,
      %swap3A_278 = vector.shape_cast %swap3A_277 : vector<1x16xi32> to vector<16xi32>
      %swap3A_279 = vector.shape_cast %select_n3A_274 : vector<16xi32> to vector<1x16xi32>
      tpu.vector_store %arg12[%swap3A_275, %swap3A_276], %swap3A_279 {strides = array<i32>} : memref<40x128xi32, #tpu.memory_space<vmem>>, vector<1x16xi32>,
      %add3A_280 = arith.constant 64 : i32
      %add3A_281 = arith.addi %mul3A_141, %add3A_280 : i32
      %add3A_282 = vector.broadcast %add3A_281 : i32 to vector<16xi32>
      %add3A_283 = arith.addi %iota3A, %add3A_282 : vector<16xi32>
      %lt3A_284 = arith.constant 5000 : i32
      %lt3A_285 = vector.broadcast %lt3A_284 : i32 to vector<16xi32>
      %lt3A_286 = arith.cmpi slt, %add3A_283, %lt3A_285 : vector<16xi32>
      %get3A_287 = arith.index_cast %add3A_281 : i32 to index
      %get3A_288 = tpu.vector_load %arg8[%get3A_287] {strides = array<i32>} : memref<5120xi32, #tpu.memory_space<vmem>>, vector<16xi32>,
      %get3A_289 = vector.shape_cast %get3A_288 : vector<16xi32> to vector<16xi32>
      %get3A_290 = arith.index_cast %add3A_281 : i32 to index
      %get3A_291 = tpu.vector_load %arg9[%get3A_290] {strides = array<i32>} : memref<5120xi32, #tpu.memory_space<vmem>>, vector<16xi32>,
      %get3A_292 = vector.shape_cast %get3A_291 : vector<16xi32> to vector<16xi32>
      %get3A_293 = arith.index_cast %add3A_281 : i32 to index
      %get3A_294 = tpu.vector_load %arg10[%get3A_293] {strides = array<i32>} : memref<5120xi32, #tpu.memory_space<vmem>>, vector<16xi32>,
      %get3A_295 = vector.shape_cast %get3A_294 : vector<16xi32> to vector<16xi32>
      %mul3A_296 = arith.constant 10240 : i32
      %mul3A_297 = vector.broadcast %mul3A_296 : i32 to vector<16xi32>
      %mul3A_298 = arith.muli %get3A_295, %mul3A_297 : vector<16xi32>
      %jit3A_299 = arith.constant 0 : i32
      %broadcast_in_dim3A_300 = vector.broadcast %jit3A_299 : i32 to vector<16xi32>
      %select_n3A_301 = arith.select %lt3A_286, %get3A_289, %broadcast_in_dim3A_300 : vector<16xi1>, vector<16xi32>
      %swap3A_302 = arith.index_cast %scan3A_139 : i32 to index
      %swap3A_303 = arith.constant 64 : index
      %swap3A_304 = tpu.vector_load %arg11[%swap3A_302, %swap3A_303] {strides = array<i32>} : memref<40x128xi32, #tpu.memory_space<vmem>>, vector<1x16xi32>,
      %swap3A_305 = vector.shape_cast %swap3A_304 : vector<1x16xi32> to vector<16xi32>
      %swap3A_306 = vector.shape_cast %select_n3A_301 : vector<16xi32> to vector<1x16xi32>
      tpu.vector_store %arg11[%swap3A_302, %swap3A_303], %swap3A_306 {strides = array<i32>} : memref<40x128xi32, #tpu.memory_space<vmem>>, vector<1x16xi32>,
      %add3A_307 = arith.addi %mul3A_298, %get3A_292 : vector<16xi32>
      %jit3A_308 = arith.constant 40952 : i32
      %broadcast_in_dim3A_309 = vector.broadcast %jit3A_308 : i32 to vector<16xi32>
      %select_n3A_310 = arith.select %lt3A_286, %add3A_307, %broadcast_in_dim3A_309 : vector<16xi1>, vector<16xi32>
      %swap3A_311 = arith.index_cast %scan3A_139 : i32 to index
      %swap3A_312 = arith.constant 64 : index
      %swap3A_313 = tpu.vector_load %arg12[%swap3A_311, %swap3A_312] {strides = array<i32>} : memref<40x128xi32, #tpu.memory_space<vmem>>, vector<1x16xi32>,
      %swap3A_314 = vector.shape_cast %swap3A_313 : vector<1x16xi32> to vector<16xi32>
      %swap3A_315 = vector.shape_cast %select_n3A_310 : vector<16xi32> to vector<1x16xi32>
      tpu.vector_store %arg12[%swap3A_311, %swap3A_312], %swap3A_315 {strides = array<i32>} : memref<40x128xi32, #tpu.memory_space<vmem>>, vector<1x16xi32>,
      %add3A_316 = arith.constant 80 : i32
      %add3A_317 = arith.addi %mul3A_141, %add3A_316 : i32
      %add3A_318 = vector.broadcast %add3A_317 : i32 to vector<16xi32>
      %add3A_319 = arith.addi %iota3A, %add3A_318 : vector<16xi32>
      %lt3A_320 = arith.constant 5000 : i32
      %lt3A_321 = vector.broadcast %lt3A_320 : i32 to vector<16xi32>
      %lt3A_322 = arith.cmpi slt, %add3A_319, %lt3A_321 : vector<16xi32>
      %get3A_323 = arith.index_cast %add3A_317 : i32 to index
      %get3A_324 = tpu.vector_load %arg8[%get3A_323] {strides = array<i32>} : memref<5120xi32, #tpu.memory_space<vmem>>, vector<16xi32>,
      %get3A_325 = vector.shape_cast %get3A_324 : vector<16xi32> to vector<16xi32>
      %get3A_326 = arith.index_cast %add3A_317 : i32 to index
      %get3A_327 = tpu.vector_load %arg9[%get3A_326] {strides = array<i32>} : memref<5120xi32, #tpu.memory_space<vmem>>, vector<16xi32>,
      %get3A_328 = vector.shape_cast %get3A_327 : vector<16xi32> to vector<16xi32>
      %get3A_329 = arith.index_cast %add3A_317 : i32 to index
      %get3A_330 = tpu.vector_load %arg10[%get3A_329] {strides = array<i32>} : memref<5120xi32, #tpu.memory_space<vmem>>, vector<16xi32>,
      %get3A_331 = vector.shape_cast %get3A_330 : vector<16xi32> to vector<16xi32>
      %mul3A_332 = arith.constant 10240 : i32
      %mul3A_333 = vector.broadcast %mul3A_332 : i32 to vector<16xi32>
      %mul3A_334 = arith.muli %get3A_331, %mul3A_333 : vector<16xi32>
      %jit3A_335 = arith.constant 0 : i32
      %broadcast_in_dim3A_336 = vector.broadcast %jit3A_335 : i32 to vector<16xi32>
      %select_n3A_337 = arith.select %lt3A_322, %get3A_325, %broadcast_in_dim3A_336 : vector<16xi1>, vector<16xi32>
      %swap3A_338 = arith.index_cast %scan3A_139 : i32 to index
      %swap3A_339 = arith.constant 80 : index
      %swap3A_340 = tpu.vector_load %arg11[%swap3A_338, %swap3A_339] {strides = array<i32>} : memref<40x128xi32, #tpu.memory_space<vmem>>, vector<1x16xi32>,
      %swap3A_341 = vector.shape_cast %swap3A_340 : vector<1x16xi32> to vector<16xi32>
      %swap3A_342 = vector.shape_cast %select_n3A_337 : vector<16xi32> to vector<1x16xi32>
      tpu.vector_store %arg11[%swap3A_338, %swap3A_339], %swap3A_342 {strides = array<i32>} : memref<40x128xi32, #tpu.memory_space<vmem>>, vector<1x16xi32>,
      %add3A_343 = arith.addi %mul3A_334, %get3A_328 : vector<16xi32>
      %jit3A_344 = arith.constant 40952 : i32
      %broadcast_in_dim3A_345 = vector.broadcast %jit3A_344 : i32 to vector<16xi32>
      %select_n3A_346 = arith.select %lt3A_322, %add3A_343, %broadcast_in_dim3A_345 : vector<16xi1>, vector<16xi32>
      %swap3A_347 = arith.index_cast %scan3A_139 : i32 to index
      %swap3A_348 = arith.constant 80 : index
      %swap3A_349 = tpu.vector_load %arg12[%swap3A_347, %swap3A_348] {strides = array<i32>} : memref<40x128xi32, #tpu.memory_space<vmem>>, vector<1x16xi32>,
      %swap3A_350 = vector.shape_cast %swap3A_349 : vector<1x16xi32> to vector<16xi32>
      %swap3A_351 = vector.shape_cast %select_n3A_346 : vector<16xi32> to vector<1x16xi32>
      tpu.vector_store %arg12[%swap3A_347, %swap3A_348], %swap3A_351 {strides = array<i32>} : memref<40x128xi32, #tpu.memory_space<vmem>>, vector<1x16xi32>,
      %add3A_352 = arith.constant 96 : i32
      %add3A_353 = arith.addi %mul3A_141, %add3A_352 : i32
      %add3A_354 = vector.broadcast %add3A_353 : i32 to vector<16xi32>
      %add3A_355 = arith.addi %iota3A, %add3A_354 : vector<16xi32>
      %lt3A_356 = arith.constant 5000 : i32
      %lt3A_357 = vector.broadcast %lt3A_356 : i32 to vector<16xi32>
      %lt3A_358 = arith.cmpi slt, %add3A_355, %lt3A_357 : vector<16xi32>
      %get3A_359 = arith.index_cast %add3A_353 : i32 to index
      %get3A_360 = tpu.vector_load %arg8[%get3A_359] {strides = array<i32>} : memref<5120xi32, #tpu.memory_space<vmem>>, vector<16xi32>,
      %get3A_361 = vector.shape_cast %get3A_360 : vector<16xi32> to vector<16xi32>
      %get3A_362 = arith.index_cast %add3A_353 : i32 to index
      %get3A_363 = tpu.vector_load %arg9[%get3A_362] {strides = array<i32>} : memref<5120xi32, #tpu.memory_space<vmem>>, vector<16xi32>,
      %get3A_364 = vector.shape_cast %get3A_363 : vector<16xi32> to vector<16xi32>
      %get3A_365 = arith.index_cast %add3A_353 : i32 to index
      %get3A_366 = tpu.vector_load %arg10[%get3A_365] {strides = array<i32>} : memref<5120xi32, #tpu.memory_space<vmem>>, vector<16xi32>,
      %get3A_367 = vector.shape_cast %get3A_366 : vector<16xi32> to vector<16xi32>
      %mul3A_368 = arith.constant 10240 : i32
      %mul3A_369 = vector.broadcast %mul3A_368 : i32 to vector<16xi32>
      %mul3A_370 = arith.muli %get3A_367, %mul3A_369 : vector<16xi32>
      %jit3A_371 = arith.constant 0 : i32
      %broadcast_in_dim3A_372 = vector.broadcast %jit3A_371 : i32 to vector<16xi32>
      %select_n3A_373 = arith.select %lt3A_358, %get3A_361, %broadcast_in_dim3A_372 : vector<16xi1>, vector<16xi32>
      %swap3A_374 = arith.index_cast %scan3A_139 : i32 to index
      %swap3A_375 = arith.constant 96 : index
      %swap3A_376 = tpu.vector_load %arg11[%swap3A_374, %swap3A_375] {strides = array<i32>} : memref<40x128xi32, #tpu.memory_space<vmem>>, vector<1x16xi32>,
      %swap3A_377 = vector.shape_cast %swap3A_376 : vector<1x16xi32> to vector<16xi32>
      %swap3A_378 = vector.shape_cast %select_n3A_373 : vector<16xi32> to vector<1x16xi32>
      tpu.vector_store %arg11[%swap3A_374, %swap3A_375], %swap3A_378 {strides = array<i32>} : memref<40x128xi32, #tpu.memory_space<vmem>>, vector<1x16xi32>,
      %add3A_379 = arith.addi %mul3A_370, %get3A_364 : vector<16xi32>
      %jit3A_380 = arith.constant 40952 : i32
      %broadcast_in_dim3A_381 = vector.broadcast %jit3A_380 : i32 to vector<16xi32>
      %select_n3A_382 = arith.select %lt3A_358, %add3A_379, %broadcast_in_dim3A_381 : vector<16xi1>, vector<16xi32>
      %swap3A_383 = arith.index_cast %scan3A_139 : i32 to index
      %swap3A_384 = arith.constant 96 : index
      %swap3A_385 = tpu.vector_load %arg12[%swap3A_383, %swap3A_384] {strides = array<i32>} : memref<40x128xi32, #tpu.memory_space<vmem>>, vector<1x16xi32>,
      %swap3A_386 = vector.shape_cast %swap3A_385 : vector<1x16xi32> to vector<16xi32>
      %swap3A_387 = vector.shape_cast %select_n3A_382 : vector<16xi32> to vector<1x16xi32>
      tpu.vector_store %arg12[%swap3A_383, %swap3A_384], %swap3A_387 {strides = array<i32>} : memref<40x128xi32, #tpu.memory_space<vmem>>, vector<1x16xi32>,
      %add3A_388 = arith.constant 112 : i32
      %add3A_389 = arith.addi %mul3A_141, %add3A_388 : i32
      %add3A_390 = vector.broadcast %add3A_389 : i32 to vector<16xi32>
      %add3A_391 = arith.addi %iota3A, %add3A_390 : vector<16xi32>
      %lt3A_392 = arith.constant 5000 : i32
      %lt3A_393 = vector.broadcast %lt3A_392 : i32 to vector<16xi32>
      %lt3A_394 = arith.cmpi slt, %add3A_391, %lt3A_393 : vector<16xi32>
      %get3A_395 = arith.index_cast %add3A_389 : i32 to index
      %get3A_396 = tpu.vector_load %arg8[%get3A_395] {strides = array<i32>} : memref<5120xi32, #tpu.memory_space<vmem>>, vector<16xi32>,
      %get3A_397 = vector.shape_cast %get3A_396 : vector<16xi32> to vector<16xi32>
      %get3A_398 = arith.index_cast %add3A_389 : i32 to index
      %get3A_399 = tpu.vector_load %arg9[%get3A_398] {strides = array<i32>} : memref<5120xi32, #tpu.memory_space<vmem>>, vector<16xi32>,
      %get3A_400 = vector.shape_cast %get3A_399 : vector<16xi32> to vector<16xi32>
      %get3A_401 = arith.index_cast %add3A_389 : i32 to index
      %get3A_402 = tpu.vector_load %arg10[%get3A_401] {strides = array<i32>} : memref<5120xi32, #tpu.memory_space<vmem>>, vector<16xi32>,
      %get3A_403 = vector.shape_cast %get3A_402 : vector<16xi32> to vector<16xi32>
      %mul3A_404 = arith.constant 10240 : i32
      %mul3A_405 = vector.broadcast %mul3A_404 : i32 to vector<16xi32>
      %mul3A_406 = arith.muli %get3A_403, %mul3A_405 : vector<16xi32>
      %jit3A_407 = arith.constant 0 : i32
      %broadcast_in_dim3A_408 = vector.broadcast %jit3A_407 : i32 to vector<16xi32>
      %select_n3A_409 = arith.select %lt3A_394, %get3A_397, %broadcast_in_dim3A_408 : vector<16xi1>, vector<16xi32>
      %swap3A_410 = arith.index_cast %scan3A_139 : i32 to index
      %swap3A_411 = arith.constant 112 : index
      %swap3A_412 = tpu.vector_load %arg11[%swap3A_410, %swap3A_411] {strides = array<i32>} : memref<40x128xi32, #tpu.memory_space<vmem>>, vector<1x16xi32>,
      %swap3A_413 = vector.shape_cast %swap3A_412 : vector<1x16xi32> to vector<16xi32>
      %swap3A_414 = vector.shape_cast %select_n3A_409 : vector<16xi32> to vector<1x16xi32>
      tpu.vector_store %arg11[%swap3A_410, %swap3A_411], %swap3A_414 {strides = array<i32>} : memref<40x128xi32, #tpu.memory_space<vmem>>, vector<1x16xi32>,
      %add3A_415 = arith.addi %mul3A_406, %get3A_400 : vector<16xi32>
      %jit3A_416 = arith.constant 40952 : i32
      %broadcast_in_dim3A_417 = vector.broadcast %jit3A_416 : i32 to vector<16xi32>
      %select_n3A_418 = arith.select %lt3A_394, %add3A_415, %broadcast_in_dim3A_417 : vector<16xi1>, vector<16xi32>
      %swap3A_419 = arith.index_cast %scan3A_139 : i32 to index
      %swap3A_420 = arith.constant 112 : index
      %swap3A_421 = tpu.vector_load %arg12[%swap3A_419, %swap3A_420] {strides = array<i32>} : memref<40x128xi32, #tpu.memory_space<vmem>>, vector<1x16xi32>,
      %swap3A_422 = vector.shape_cast %swap3A_421 : vector<1x16xi32> to vector<16xi32>
      %swap3A_423 = vector.shape_cast %select_n3A_418 : vector<16xi32> to vector<1x16xi32>
      tpu.vector_store %arg12[%swap3A_419, %swap3A_420], %swap3A_423 {strides = array<i32>} : memref<40x128xi32, #tpu.memory_space<vmem>>, vector<1x16xi32>,
    }
    %scan3A_45 = arith.constant 40 : i32
    %dma_wait3A_46 = arith.constant 0 : i32
    %dma_wait3A_47 = tpu.memref_slice %arg7[%mul3A_4, %dma_wait3A_46] : memref<40960x16xf32, #tpu.memory_space<vmem_shared>> -> memref<2560x16xf32, #tpu.memory_space<vmem_shared>>
    tpu.wait_dma2 semaphore(%arg21 : memref<!tpu.dma_semaphore, #tpu.memory_space<semaphore_mem>>) src(%arg5 : memref<2560x16xf32, #tpu.memory_space<hbm>>) dst(%dma_wait3A_47 : memref<2560x16xf32, #tpu.memory_space<vmem_shared>>)
    %barrier3A = arith.constant 0 : index
    tpu.barrier barrier_id(%barrier3A)
    %dma_start3A_48 = arith.constant 0 : i32
    %dma_start3A_49 = arith.constant 0 : i32
    %dma_start3A_50 = tpu.memref_slice %arg11[%dma_start3A_48, %dma_start3A_49] : memref<40x128xi32, #tpu.memory_space<vmem>> -> memref<1x128xi32, #tpu.memory_space<vmem>>
    %dma_start3A_51 = tpu.memref_squeeze %dma_start3A_50 : memref<1x128xi32, #tpu.memory_space<vmem>> -> memref<128xi32, #tpu.memory_space<vmem>>
    %dma_start3A_52 = arith.constant 0 : i32
    %dma_start3A_53 = arith.constant 0 : i32
    %dma_start3A_54 = tpu.memref_slice %arg2[%dma_start3A_52, %dma_start3A_53] : memref<10240x16xf32, #tpu.memory_space<hbm>> -> memref<10240x16xf32, #tpu.memory_space<hbm>>
    tpu.enqueue_indirect_dma source(%dma_start3A_54 : memref<10240x16xf32, #tpu.memory_space<hbm>>) target(%arg13 : memref<128x16xf32, #tpu.memory_space<vmem>>) offsets(%dma_start3A_51 : memref<128xi32, #tpu.memory_space<vmem>>) semaphore(%arg21 : memref<!tpu.dma_semaphore, #tpu.memory_space<semaphore_mem>>)
    %dma_start3A_55 = arith.constant 1 : i32
    %dma_start3A_56 = arith.constant 0 : i32
    %dma_start3A_57 = tpu.memref_slice %arg11[%dma_start3A_55, %dma_start3A_56] : memref<40x128xi32, #tpu.memory_space<vmem>> -> memref<1x128xi32, #tpu.memory_space<vmem>>
    %dma_start3A_58 = tpu.memref_squeeze %dma_start3A_57 : memref<1x128xi32, #tpu.memory_space<vmem>> -> memref<128xi32, #tpu.memory_space<vmem>>
    %dma_start3A_59 = arith.constant 0 : i32
    %dma_start3A_60 = arith.constant 0 : i32
    %dma_start3A_61 = tpu.memref_slice %arg2[%dma_start3A_59, %dma_start3A_60] : memref<10240x16xf32, #tpu.memory_space<hbm>> -> memref<10240x16xf32, #tpu.memory_space<hbm>>
    tpu.enqueue_indirect_dma source(%dma_start3A_61 : memref<10240x16xf32, #tpu.memory_space<hbm>>) target(%arg14 : memref<128x16xf32, #tpu.memory_space<vmem>>) offsets(%dma_start3A_58 : memref<128xi32, #tpu.memory_space<vmem>>) semaphore(%arg22 : memref<!tpu.dma_semaphore, #tpu.memory_space<semaphore_mem>>)
    %dma_start3A_62 = arith.constant 2 : i32
    %dma_start3A_63 = arith.constant 0 : i32
    %dma_start3A_64 = tpu.memref_slice %arg11[%dma_start3A_62, %dma_start3A_63] : memref<40x128xi32, #tpu.memory_space<vmem>> -> memref<1x128xi32, #tpu.memory_space<vmem>>
    %dma_start3A_65 = tpu.memref_squeeze %dma_start3A_64 : memref<1x128xi32, #tpu.memory_space<vmem>> -> memref<128xi32, #tpu.memory_space<vmem>>
    %dma_start3A_66 = arith.constant 0 : i32
    %dma_start3A_67 = arith.constant 0 : i32
    %dma_start3A_68 = tpu.memref_slice %arg2[%dma_start3A_66, %dma_start3A_67] : memref<10240x16xf32, #tpu.memory_space<hbm>> -> memref<10240x16xf32, #tpu.memory_space<hbm>>
    tpu.enqueue_indirect_dma source(%dma_start3A_68 : memref<10240x16xf32, #tpu.memory_space<hbm>>) target(%arg15 : memref<128x16xf32, #tpu.memory_space<vmem>>) offsets(%dma_start3A_65 : memref<128xi32, #tpu.memory_space<vmem>>) semaphore(%arg23 : memref<!tpu.dma_semaphore, #tpu.memory_space<semaphore_mem>>)
    %dma_start3A_69 = arith.constant 3 : i32
    %dma_start3A_70 = arith.constant 0 : i32
    %dma_start3A_71 = tpu.memref_slice %arg11[%dma_start3A_69, %dma_start3A_70] : memref<40x128xi32, #tpu.memory_space<vmem>> -> memref<1x128xi32, #tpu.memory_space<vmem>>
    %dma_start3A_72 = tpu.memref_squeeze %dma_start3A_71 : memref<1x128xi32, #tpu.memory_space<vmem>> -> memref<128xi32, #tpu.memory_space<vmem>>
    %dma_start3A_73 = arith.constant 0 : i32
    %dma_start3A_74 = arith.constant 0 : i32
    %dma_start3A_75 = tpu.memref_slice %arg2[%dma_start3A_73, %dma_start3A_74] : memref<10240x16xf32, #tpu.memory_space<hbm>> -> memref<10240x16xf32, #tpu.memory_space<hbm>>
    tpu.enqueue_indirect_dma source(%dma_start3A_75 : memref<10240x16xf32, #tpu.memory_space<hbm>>) target(%arg16 : memref<128x16xf32, #tpu.memory_space<vmem>>) offsets(%dma_start3A_72 : memref<128xi32, #tpu.memory_space<vmem>>) semaphore(%arg24 : memref<!tpu.dma_semaphore, #tpu.memory_space<semaphore_mem>>)
    %scan3A_76 = arith.constant 0 : i32
    %scan3A_77 = arith.constant 0 : i32
    %scan3A_78 = arith.constant 5 : i32
    %scan3A_79 = arith.addi %scan3A_77, %scan3A_78 : i32
    %scan3A_80 = arith.constant 1 : i32
    scf.for %scan3A_139 = %scan3A_77 to %scan3A_79 step %scan3A_80  : i32 {
      %mul3A_140 = arith.constant 8 : i32
      %mul3A_141 = arith.muli %scan3A_139, %mul3A_140 : i32
      %add3A_142 = arith.constant 0 : i32
      %add3A_143 = arith.addi %mul3A_141, %add3A_142 : i32
      %dma_wait3A_144 = arith.constant 0 : i32
      %dma_wait3A_145 = tpu.memref_slice %arg11[%add3A_143, %dma_wait3A_144] : memref<40x128xi32, #tpu.memory_space<vmem>> -> memref<1x128xi32, #tpu.memory_space<vmem>>
      %dma_wait3A_146 = tpu.memref_squeeze %dma_wait3A_145 : memref<1x128xi32, #tpu.memory_space<vmem>> -> memref<128xi32, #tpu.memory_space<vmem>>
      %dma_wait3A_147 = arith.constant 0 : i32
      %dma_wait3A_148 = arith.constant 0 : i32
      %dma_wait3A_149 = tpu.memref_slice %arg2[%dma_wait3A_147, %dma_wait3A_148] : memref<10240x16xf32, #tpu.memory_space<hbm>> -> memref<10240x16xf32, #tpu.memory_space<hbm>>
      tpu.wait_indirect_dma semaphore(%arg21 : memref<!tpu.dma_semaphore, #tpu.memory_space<semaphore_mem>>) src(%dma_wait3A_149 : memref<10240x16xf32, #tpu.memory_space<hbm>>) dst(%arg13 : memref<128x16xf32, #tpu.memory_space<vmem>>)
      %dma_start3A_150 = arith.constant 0 : i32
      %dma_start3A_151 = tpu.memref_slice %arg12[%add3A_143, %dma_start3A_150] : memref<40x128xi32, #tpu.memory_space<vmem>> -> memref<1x128xi32, #tpu.memory_space<vmem>>
      %dma_start3A_152 = tpu.memref_squeeze %dma_start3A_151 : memref<1x128xi32, #tpu.memory_space<vmem>> -> memref<128xi32, #tpu.memory_space<vmem>>
      %dma_start3A_153 = arith.constant 0 : i32
      %dma_start3A_154 = arith.constant 0 : i32
      %dma_start3A_155 = tpu.memref_slice %arg7[%dma_start3A_153, %dma_start3A_154] : memref<40960x16xf32, #tpu.memory_space<vmem_shared>> -> memref<40960x16xf32, #tpu.memory_space<vmem_shared>>
      tpu.enqueue_indirect_dma source(%arg13 : memref<128x16xf32, #tpu.memory_space<vmem>>) target(%dma_start3A_155 : memref<40960x16xf32, #tpu.memory_space<vmem_shared>>) offsets(%dma_start3A_152 : memref<128xi32, #tpu.memory_space<vmem>>) semaphore(%arg29 : memref<!tpu.dma_semaphore, #tpu.memory_space<semaphore_mem>>) {add = true}
      %add3A_156 = arith.constant 4 : i32
      %add3A_157 = arith.addi %add3A_143, %add3A_156 : i32
      %lt3A = arith.constant 40 : i32
      %lt3A_158 = arith.cmpi slt, %add3A_157, %lt3A : i32
      %ge3A = arith.constant 4 : i32
      %ge3A_159 = arith.cmpi sge, %add3A_143, %ge3A : i32
      %and3A = arith.andi %lt3A_158, %ge3A_159 : i1
      %convert_element_type3A = arith.extui %and3A : i1 to i32
      %cond3A = arith.constant 0 : i32
      %cond3A_160 = arith.cmpi ne, %convert_element_type3A, %cond3A : i32
      scf.if %cond3A_160 {
        %sub3A = arith.constant 4 : i32
        %sub3A_399 = arith.subi %add3A_143, %sub3A : i32
        %dma_wait3A_400 = arith.constant 0 : i32
        %dma_wait3A_401 = tpu.memref_slice %arg12[%sub3A_399, %dma_wait3A_400] : memref<40x128xi32, #tpu.memory_space<vmem>> -> memref<1x128xi32, #tpu.memory_space<vmem>>
        %dma_wait3A_402 = tpu.memref_squeeze %dma_wait3A_401 : memref<1x128xi32, #tpu.memory_space<vmem>> -> memref<128xi32, #tpu.memory_space<vmem>>
        %dma_wait3A_403 = arith.constant 0 : i32
        %dma_wait3A_404 = arith.constant 0 : i32
        %dma_wait3A_405 = tpu.memref_slice %arg7[%dma_wait3A_403, %dma_wait3A_404] : memref<40960x16xf32, #tpu.memory_space<vmem_shared>> -> memref<40960x16xf32, #tpu.memory_space<vmem_shared>>
        tpu.wait_indirect_dma semaphore(%arg33 : memref<!tpu.dma_semaphore, #tpu.memory_space<semaphore_mem>>) src(%arg17 : memref<128x16xf32, #tpu.memory_space<vmem>>) dst(%dma_wait3A_405 : memref<40960x16xf32, #tpu.memory_space<vmem_shared>>)
      } else {
      }
      %add3A_161 = arith.constant 4 : i32
      %add3A_162 = arith.addi %add3A_143, %add3A_161 : i32
      %lt3A_163 = arith.constant 40 : i32
      %lt3A_164 = arith.cmpi slt, %add3A_162, %lt3A_163 : i32
      %convert_element_type3A_165 = arith.extui %lt3A_164 : i1 to i32
      %cond3A_166 = arith.constant 0 : i32
      %cond3A_167 = arith.cmpi ne, %convert_element_type3A_165, %cond3A_166 : i32
      scf.if %cond3A_167 {
        %add3A_399 = arith.constant 4 : i32
        %add3A_400 = arith.addi %add3A_143, %add3A_399 : i32
        %dma_start3A_401 = arith.constant 0 : i32
        %dma_start3A_402 = tpu.memref_slice %arg11[%add3A_400, %dma_start3A_401] : memref<40x128xi32, #tpu.memory_space<vmem>> -> memref<1x128xi32, #tpu.memory_space<vmem>>
        %dma_start3A_403 = tpu.memref_squeeze %dma_start3A_402 : memref<1x128xi32, #tpu.memory_space<vmem>> -> memref<128xi32, #tpu.memory_space<vmem>>
        %dma_start3A_404 = arith.constant 0 : i32
        %dma_start3A_405 = arith.constant 0 : i32
        %dma_start3A_406 = tpu.memref_slice %arg2[%dma_start3A_404, %dma_start3A_405] : memref<10240x16xf32, #tpu.memory_space<hbm>> -> memref<10240x16xf32, #tpu.memory_space<hbm>>
        tpu.enqueue_indirect_dma source(%dma_start3A_406 : memref<10240x16xf32, #tpu.memory_space<hbm>>) target(%arg17 : memref<128x16xf32, #tpu.memory_space<vmem>>) offsets(%dma_start3A_403 : memref<128xi32, #tpu.memory_space<vmem>>) semaphore(%arg25 : memref<!tpu.dma_semaphore, #tpu.memory_space<semaphore_mem>>)
      } else {
      }
      %mul3A_168 = arith.constant 8 : i32
      %mul3A_169 = arith.muli %scan3A_139, %mul3A_168 : i32
      %add3A_170 = arith.constant 1 : i32
      %add3A_171 = arith.addi %mul3A_169, %add3A_170 : i32
      %dma_wait3A_172 = arith.constant 0 : i32
      %dma_wait3A_173 = tpu.memref_slice %arg11[%add3A_171, %dma_wait3A_172] : memref<40x128xi32, #tpu.memory_space<vmem>> -> memref<1x128xi32, #tpu.memory_space<vmem>>
      %dma_wait3A_174 = tpu.memref_squeeze %dma_wait3A_173 : memref<1x128xi32, #tpu.memory_space<vmem>> -> memref<128xi32, #tpu.memory_space<vmem>>
      %dma_wait3A_175 = arith.constant 0 : i32
      %dma_wait3A_176 = arith.constant 0 : i32
      %dma_wait3A_177 = tpu.memref_slice %arg2[%dma_wait3A_175, %dma_wait3A_176] : memref<10240x16xf32, #tpu.memory_space<hbm>> -> memref<10240x16xf32, #tpu.memory_space<hbm>>
      tpu.wait_indirect_dma semaphore(%arg22 : memref<!tpu.dma_semaphore, #tpu.memory_space<semaphore_mem>>) src(%dma_wait3A_177 : memref<10240x16xf32, #tpu.memory_space<hbm>>) dst(%arg14 : memref<128x16xf32, #tpu.memory_space<vmem>>)
      %dma_start3A_178 = arith.constant 0 : i32
      %dma_start3A_179 = tpu.memref_slice %arg12[%add3A_171, %dma_start3A_178] : memref<40x128xi32, #tpu.memory_space<vmem>> -> memref<1x128xi32, #tpu.memory_space<vmem>>
      %dma_start3A_180 = tpu.memref_squeeze %dma_start3A_179 : memref<1x128xi32, #tpu.memory_space<vmem>> -> memref<128xi32, #tpu.memory_space<vmem>>
      %dma_start3A_181 = arith.constant 0 : i32
      %dma_start3A_182 = arith.constant 0 : i32
      %dma_start3A_183 = tpu.memref_slice %arg7[%dma_start3A_181, %dma_start3A_182] : memref<40960x16xf32, #tpu.memory_space<vmem_shared>> -> memref<40960x16xf32, #tpu.memory_space<vmem_shared>>
      tpu.enqueue_indirect_dma source(%arg14 : memref<128x16xf32, #tpu.memory_space<vmem>>) target(%dma_start3A_183 : memref<40960x16xf32, #tpu.memory_space<vmem_shared>>) offsets(%dma_start3A_180 : memref<128xi32, #tpu.memory_space<vmem>>) semaphore(%arg30 : memref<!tpu.dma_semaphore, #tpu.memory_space<semaphore_mem>>) {add = true}
      %add3A_184 = arith.constant 4 : i32
      %add3A_185 = arith.addi %add3A_171, %add3A_184 : i32
      %lt3A_186 = arith.constant 40 : i32
      %lt3A_187 = arith.cmpi slt, %add3A_185, %lt3A_186 : i32
      %ge3A_188 = arith.constant 4 : i32
      %ge3A_189 = arith.cmpi sge, %add3A_171, %ge3A_188 : i32
      %and3A_190 = arith.andi %lt3A_187, %ge3A_189 : i1
      %convert_element_type3A_191 = arith.extui %and3A_190 : i1 to i32
      %cond3A_192 = arith.constant 0 : i32
      %cond3A_193 = arith.cmpi ne, %convert_element_type3A_191, %cond3A_192 : i32
      scf.if %cond3A_193 {
        %sub3A = arith.constant 4 : i32
        %sub3A_399 = arith.subi %add3A_171, %sub3A : i32
        %dma_wait3A_400 = arith.constant 0 : i32
        %dma_wait3A_401 = tpu.memref_slice %arg12[%sub3A_399, %dma_wait3A_400] : memref<40x128xi32, #tpu.memory_space<vmem>> -> memref<1x128xi32, #tpu.memory_space<vmem>>
        %dma_wait3A_402 = tpu.memref_squeeze %dma_wait3A_401 : memref<1x128xi32, #tpu.memory_space<vmem>> -> memref<128xi32, #tpu.memory_space<vmem>>
        %dma_wait3A_403 = arith.constant 0 : i32
        %dma_wait3A_404 = arith.constant 0 : i32
        %dma_wait3A_405 = tpu.memref_slice %arg7[%dma_wait3A_403, %dma_wait3A_404] : memref<40960x16xf32, #tpu.memory_space<vmem_shared>> -> memref<40960x16xf32, #tpu.memory_space<vmem_shared>>
        tpu.wait_indirect_dma semaphore(%arg34 : memref<!tpu.dma_semaphore, #tpu.memory_space<semaphore_mem>>) src(%arg18 : memref<128x16xf32, #tpu.memory_space<vmem>>) dst(%dma_wait3A_405 : memref<40960x16xf32, #tpu.memory_space<vmem_shared>>)
      } else {
      }
      %add3A_194 = arith.constant 4 : i32
      %add3A_195 = arith.addi %add3A_171, %add3A_194 : i32
      %lt3A_196 = arith.constant 40 : i32
      %lt3A_197 = arith.cmpi slt, %add3A_195, %lt3A_196 : i32
      %convert_element_type3A_198 = arith.extui %lt3A_197 : i1 to i32
      %cond3A_199 = arith.constant 0 : i32
      %cond3A_200 = arith.cmpi ne, %convert_element_type3A_198, %cond3A_199 : i32
      scf.if %cond3A_200 {
        %add3A_399 = arith.constant 4 : i32
        %add3A_400 = arith.addi %add3A_171, %add3A_399 : i32
        %dma_start3A_401 = arith.constant 0 : i32
        %dma_start3A_402 = tpu.memref_slice %arg11[%add3A_400, %dma_start3A_401] : memref<40x128xi32, #tpu.memory_space<vmem>> -> memref<1x128xi32, #tpu.memory_space<vmem>>
        %dma_start3A_403 = tpu.memref_squeeze %dma_start3A_402 : memref<1x128xi32, #tpu.memory_space<vmem>> -> memref<128xi32, #tpu.memory_space<vmem>>
        %dma_start3A_404 = arith.constant 0 : i32
        %dma_start3A_405 = arith.constant 0 : i32
        %dma_start3A_406 = tpu.memref_slice %arg2[%dma_start3A_404, %dma_start3A_405] : memref<10240x16xf32, #tpu.memory_space<hbm>> -> memref<10240x16xf32, #tpu.memory_space<hbm>>
        tpu.enqueue_indirect_dma source(%dma_start3A_406 : memref<10240x16xf32, #tpu.memory_space<hbm>>) target(%arg18 : memref<128x16xf32, #tpu.memory_space<vmem>>) offsets(%dma_start3A_403 : memref<128xi32, #tpu.memory_space<vmem>>) semaphore(%arg26 : memref<!tpu.dma_semaphore, #tpu.memory_space<semaphore_mem>>)
      } else {
      }
      %mul3A_201 = arith.constant 8 : i32
      %mul3A_202 = arith.muli %scan3A_139, %mul3A_201 : i32
      %add3A_203 = arith.constant 2 : i32
      %add3A_204 = arith.addi %mul3A_202, %add3A_203 : i32
      %dma_wait3A_205 = arith.constant 0 : i32
      %dma_wait3A_206 = tpu.memref_slice %arg11[%add3A_204, %dma_wait3A_205] : memref<40x128xi32, #tpu.memory_space<vmem>> -> memref<1x128xi32, #tpu.memory_space<vmem>>
      %dma_wait3A_207 = tpu.memref_squeeze %dma_wait3A_206 : memref<1x128xi32, #tpu.memory_space<vmem>> -> memref<128xi32, #tpu.memory_space<vmem>>
      %dma_wait3A_208 = arith.constant 0 : i32
      %dma_wait3A_209 = arith.constant 0 : i32
      %dma_wait3A_210 = tpu.memref_slice %arg2[%dma_wait3A_208, %dma_wait3A_209] : memref<10240x16xf32, #tpu.memory_space<hbm>> -> memref<10240x16xf32, #tpu.memory_space<hbm>>
      tpu.wait_indirect_dma semaphore(%arg23 : memref<!tpu.dma_semaphore, #tpu.memory_space<semaphore_mem>>) src(%dma_wait3A_210 : memref<10240x16xf32, #tpu.memory_space<hbm>>) dst(%arg15 : memref<128x16xf32, #tpu.memory_space<vmem>>)
      %dma_start3A_211 = arith.constant 0 : i32
      %dma_start3A_212 = tpu.memref_slice %arg12[%add3A_204, %dma_start3A_211] : memref<40x128xi32, #tpu.memory_space<vmem>> -> memref<1x128xi32, #tpu.memory_space<vmem>>
      %dma_start3A_213 = tpu.memref_squeeze %dma_start3A_212 : memref<1x128xi32, #tpu.memory_space<vmem>> -> memref<128xi32, #tpu.memory_space<vmem>>
      %dma_start3A_214 = arith.constant 0 : i32
      %dma_start3A_215 = arith.constant 0 : i32
      %dma_start3A_216 = tpu.memref_slice %arg7[%dma_start3A_214, %dma_start3A_215] : memref<40960x16xf32, #tpu.memory_space<vmem_shared>> -> memref<40960x16xf32, #tpu.memory_space<vmem_shared>>
      tpu.enqueue_indirect_dma source(%arg15 : memref<128x16xf32, #tpu.memory_space<vmem>>) target(%dma_start3A_216 : memref<40960x16xf32, #tpu.memory_space<vmem_shared>>) offsets(%dma_start3A_213 : memref<128xi32, #tpu.memory_space<vmem>>) semaphore(%arg31 : memref<!tpu.dma_semaphore, #tpu.memory_space<semaphore_mem>>) {add = true}
      %add3A_217 = arith.constant 4 : i32
      %add3A_218 = arith.addi %add3A_204, %add3A_217 : i32
      %lt3A_219 = arith.constant 40 : i32
      %lt3A_220 = arith.cmpi slt, %add3A_218, %lt3A_219 : i32
      %ge3A_221 = arith.constant 4 : i32
      %ge3A_222 = arith.cmpi sge, %add3A_204, %ge3A_221 : i32
      %and3A_223 = arith.andi %lt3A_220, %ge3A_222 : i1
      %convert_element_type3A_224 = arith.extui %and3A_223 : i1 to i32
      %cond3A_225 = arith.constant 0 : i32
      %cond3A_226 = arith.cmpi ne, %convert_element_type3A_224, %cond3A_225 : i32
      scf.if %cond3A_226 {
        %sub3A = arith.constant 4 : i32
        %sub3A_399 = arith.subi %add3A_204, %sub3A : i32
        %dma_wait3A_400 = arith.constant 0 : i32
        %dma_wait3A_401 = tpu.memref_slice %arg12[%sub3A_399, %dma_wait3A_400] : memref<40x128xi32, #tpu.memory_space<vmem>> -> memref<1x128xi32, #tpu.memory_space<vmem>>
        %dma_wait3A_402 = tpu.memref_squeeze %dma_wait3A_401 : memref<1x128xi32, #tpu.memory_space<vmem>> -> memref<128xi32, #tpu.memory_space<vmem>>
        %dma_wait3A_403 = arith.constant 0 : i32
        %dma_wait3A_404 = arith.constant 0 : i32
        %dma_wait3A_405 = tpu.memref_slice %arg7[%dma_wait3A_403, %dma_wait3A_404] : memref<40960x16xf32, #tpu.memory_space<vmem_shared>> -> memref<40960x16xf32, #tpu.memory_space<vmem_shared>>
        tpu.wait_indirect_dma semaphore(%arg35 : memref<!tpu.dma_semaphore, #tpu.memory_space<semaphore_mem>>) src(%arg19 : memref<128x16xf32, #tpu.memory_space<vmem>>) dst(%dma_wait3A_405 : memref<40960x16xf32, #tpu.memory_space<vmem_shared>>)
      } else {
      }
      %add3A_227 = arith.constant 4 : i32
      %add3A_228 = arith.addi %add3A_204, %add3A_227 : i32
      %lt3A_229 = arith.constant 40 : i32
      %lt3A_230 = arith.cmpi slt, %add3A_228, %lt3A_229 : i32
      %convert_element_type3A_231 = arith.extui %lt3A_230 : i1 to i32
      %cond3A_232 = arith.constant 0 : i32
      %cond3A_233 = arith.cmpi ne, %convert_element_type3A_231, %cond3A_232 : i32
      scf.if %cond3A_233 {
        %add3A_399 = arith.constant 4 : i32
        %add3A_400 = arith.addi %add3A_204, %add3A_399 : i32
        %dma_start3A_401 = arith.constant 0 : i32
        %dma_start3A_402 = tpu.memref_slice %arg11[%add3A_400, %dma_start3A_401] : memref<40x128xi32, #tpu.memory_space<vmem>> -> memref<1x128xi32, #tpu.memory_space<vmem>>
        %dma_start3A_403 = tpu.memref_squeeze %dma_start3A_402 : memref<1x128xi32, #tpu.memory_space<vmem>> -> memref<128xi32, #tpu.memory_space<vmem>>
        %dma_start3A_404 = arith.constant 0 : i32
        %dma_start3A_405 = arith.constant 0 : i32
        %dma_start3A_406 = tpu.memref_slice %arg2[%dma_start3A_404, %dma_start3A_405] : memref<10240x16xf32, #tpu.memory_space<hbm>> -> memref<10240x16xf32, #tpu.memory_space<hbm>>
        tpu.enqueue_indirect_dma source(%dma_start3A_406 : memref<10240x16xf32, #tpu.memory_space<hbm>>) target(%arg19 : memref<128x16xf32, #tpu.memory_space<vmem>>) offsets(%dma_start3A_403 : memref<128xi32, #tpu.memory_space<vmem>>) semaphore(%arg27 : memref<!tpu.dma_semaphore, #tpu.memory_space<semaphore_mem>>)
      } else {
      }
      %mul3A_234 = arith.constant 8 : i32
      %mul3A_235 = arith.muli %scan3A_139, %mul3A_234 : i32
      %add3A_236 = arith.constant 3 : i32
      %add3A_237 = arith.addi %mul3A_235, %add3A_236 : i32
      %dma_wait3A_238 = arith.constant 0 : i32
      %dma_wait3A_239 = tpu.memref_slice %arg11[%add3A_237, %dma_wait3A_238] : memref<40x128xi32, #tpu.memory_space<vmem>> -> memref<1x128xi32, #tpu.memory_space<vmem>>
      %dma_wait3A_240 = tpu.memref_squeeze %dma_wait3A_239 : memref<1x128xi32, #tpu.memory_space<vmem>> -> memref<128xi32, #tpu.memory_space<vmem>>
      %dma_wait3A_241 = arith.constant 0 : i32
      %dma_wait3A_242 = arith.constant 0 : i32
      %dma_wait3A_243 = tpu.memref_slice %arg2[%dma_wait3A_241, %dma_wait3A_242] : memref<10240x16xf32, #tpu.memory_space<hbm>> -> memref<10240x16xf32, #tpu.memory_space<hbm>>
      tpu.wait_indirect_dma semaphore(%arg24 : memref<!tpu.dma_semaphore, #tpu.memory_space<semaphore_mem>>) src(%dma_wait3A_243 : memref<10240x16xf32, #tpu.memory_space<hbm>>) dst(%arg16 : memref<128x16xf32, #tpu.memory_space<vmem>>)
      %dma_start3A_244 = arith.constant 0 : i32
      %dma_start3A_245 = tpu.memref_slice %arg12[%add3A_237, %dma_start3A_244] : memref<40x128xi32, #tpu.memory_space<vmem>> -> memref<1x128xi32, #tpu.memory_space<vmem>>
      %dma_start3A_246 = tpu.memref_squeeze %dma_start3A_245 : memref<1x128xi32, #tpu.memory_space<vmem>> -> memref<128xi32, #tpu.memory_space<vmem>>
      %dma_start3A_247 = arith.constant 0 : i32
      %dma_start3A_248 = arith.constant 0 : i32
      %dma_start3A_249 = tpu.memref_slice %arg7[%dma_start3A_247, %dma_start3A_248] : memref<40960x16xf32, #tpu.memory_space<vmem_shared>> -> memref<40960x16xf32, #tpu.memory_space<vmem_shared>>
      tpu.enqueue_indirect_dma source(%arg16 : memref<128x16xf32, #tpu.memory_space<vmem>>) target(%dma_start3A_249 : memref<40960x16xf32, #tpu.memory_space<vmem_shared>>) offsets(%dma_start3A_246 : memref<128xi32, #tpu.memory_space<vmem>>) semaphore(%arg32 : memref<!tpu.dma_semaphore, #tpu.memory_space<semaphore_mem>>) {add = true}
      %add3A_250 = arith.constant 4 : i32
      %add3A_251 = arith.addi %add3A_237, %add3A_250 : i32
      %lt3A_252 = arith.constant 40 : i32
      %lt3A_253 = arith.cmpi slt, %add3A_251, %lt3A_252 : i32
      %ge3A_254 = arith.constant 4 : i32
      %ge3A_255 = arith.cmpi sge, %add3A_237, %ge3A_254 : i32
      %and3A_256 = arith.andi %lt3A_253, %ge3A_255 : i1
      %convert_element_type3A_257 = arith.extui %and3A_256 : i1 to i32
      %cond3A_258 = arith.constant 0 : i32
      %cond3A_259 = arith.cmpi ne, %convert_element_type3A_257, %cond3A_258 : i32
      scf.if %cond3A_259 {
        %sub3A = arith.constant 4 : i32
        %sub3A_399 = arith.subi %add3A_237, %sub3A : i32
        %dma_wait3A_400 = arith.constant 0 : i32
        %dma_wait3A_401 = tpu.memref_slice %arg12[%sub3A_399, %dma_wait3A_400] : memref<40x128xi32, #tpu.memory_space<vmem>> -> memref<1x128xi32, #tpu.memory_space<vmem>>
        %dma_wait3A_402 = tpu.memref_squeeze %dma_wait3A_401 : memref<1x128xi32, #tpu.memory_space<vmem>> -> memref<128xi32, #tpu.memory_space<vmem>>
        %dma_wait3A_403 = arith.constant 0 : i32
        %dma_wait3A_404 = arith.constant 0 : i32
        %dma_wait3A_405 = tpu.memref_slice %arg7[%dma_wait3A_403, %dma_wait3A_404] : memref<40960x16xf32, #tpu.memory_space<vmem_shared>> -> memref<40960x16xf32, #tpu.memory_space<vmem_shared>>
        tpu.wait_indirect_dma semaphore(%arg36 : memref<!tpu.dma_semaphore, #tpu.memory_space<semaphore_mem>>) src(%arg20 : memref<128x16xf32, #tpu.memory_space<vmem>>) dst(%dma_wait3A_405 : memref<40960x16xf32, #tpu.memory_space<vmem_shared>>)
      } else {
      }
      %add3A_260 = arith.constant 4 : i32
      %add3A_261 = arith.addi %add3A_237, %add3A_260 : i32
      %lt3A_262 = arith.constant 40 : i32
      %lt3A_263 = arith.cmpi slt, %add3A_261, %lt3A_262 : i32
      %convert_element_type3A_264 = arith.extui %lt3A_263 : i1 to i32
      %cond3A_265 = arith.constant 0 : i32
      %cond3A_266 = arith.cmpi ne, %convert_element_type3A_264, %cond3A_265 : i32
      scf.if %cond3A_266 {
        %add3A_399 = arith.constant 4 : i32
        %add3A_400 = arith.addi %add3A_237, %add3A_399 : i32
        %dma_start3A_401 = arith.constant 0 : i32
        %dma_start3A_402 = tpu.memref_slice %arg11[%add3A_400, %dma_start3A_401] : memref<40x128xi32, #tpu.memory_space<vmem>> -> memref<1x128xi32, #tpu.memory_space<vmem>>
        %dma_start3A_403 = tpu.memref_squeeze %dma_start3A_402 : memref<1x128xi32, #tpu.memory_space<vmem>> -> memref<128xi32, #tpu.memory_space<vmem>>
        %dma_start3A_404 = arith.constant 0 : i32
        %dma_start3A_405 = arith.constant 0 : i32
        %dma_start3A_406 = tpu.memref_slice %arg2[%dma_start3A_404, %dma_start3A_405] : memref<10240x16xf32, #tpu.memory_space<hbm>> -> memref<10240x16xf32, #tpu.memory_space<hbm>>
        tpu.enqueue_indirect_dma source(%dma_start3A_406 : memref<10240x16xf32, #tpu.memory_space<hbm>>) target(%arg20 : memref<128x16xf32, #tpu.memory_space<vmem>>) offsets(%dma_start3A_403 : memref<128xi32, #tpu.memory_space<vmem>>) semaphore(%arg28 : memref<!tpu.dma_semaphore, #tpu.memory_space<semaphore_mem>>)
      } else {
      }
      %mul3A_267 = arith.constant 8 : i32
      %mul3A_268 = arith.muli %scan3A_139, %mul3A_267 : i32
      %add3A_269 = arith.constant 4 : i32
      %add3A_270 = arith.addi %mul3A_268, %add3A_269 : i32
      %dma_wait3A_271 = arith.constant 0 : i32
      %dma_wait3A_272 = tpu.memref_slice %arg11[%add3A_270, %dma_wait3A_271] : memref<40x128xi32, #tpu.memory_space<vmem>> -> memref<1x128xi32, #tpu.memory_space<vmem>>
      %dma_wait3A_273 = tpu.memref_squeeze %dma_wait3A_272 : memref<1x128xi32, #tpu.memory_space<vmem>> -> memref<128xi32, #tpu.memory_space<vmem>>
      %dma_wait3A_274 = arith.constant 0 : i32
      %dma_wait3A_275 = arith.constant 0 : i32
      %dma_wait3A_276 = tpu.memref_slice %arg2[%dma_wait3A_274, %dma_wait3A_275] : memref<10240x16xf32, #tpu.memory_space<hbm>> -> memref<10240x16xf32, #tpu.memory_space<hbm>>
      tpu.wait_indirect_dma semaphore(%arg25 : memref<!tpu.dma_semaphore, #tpu.memory_space<semaphore_mem>>) src(%dma_wait3A_276 : memref<10240x16xf32, #tpu.memory_space<hbm>>) dst(%arg17 : memref<128x16xf32, #tpu.memory_space<vmem>>)
      %dma_start3A_277 = arith.constant 0 : i32
      %dma_start3A_278 = tpu.memref_slice %arg12[%add3A_270, %dma_start3A_277] : memref<40x128xi32, #tpu.memory_space<vmem>> -> memref<1x128xi32, #tpu.memory_space<vmem>>
      %dma_start3A_279 = tpu.memref_squeeze %dma_start3A_278 : memref<1x128xi32, #tpu.memory_space<vmem>> -> memref<128xi32, #tpu.memory_space<vmem>>
      %dma_start3A_280 = arith.constant 0 : i32
      %dma_start3A_281 = arith.constant 0 : i32
      %dma_start3A_282 = tpu.memref_slice %arg7[%dma_start3A_280, %dma_start3A_281] : memref<40960x16xf32, #tpu.memory_space<vmem_shared>> -> memref<40960x16xf32, #tpu.memory_space<vmem_shared>>
      tpu.enqueue_indirect_dma source(%arg17 : memref<128x16xf32, #tpu.memory_space<vmem>>) target(%dma_start3A_282 : memref<40960x16xf32, #tpu.memory_space<vmem_shared>>) offsets(%dma_start3A_279 : memref<128xi32, #tpu.memory_space<vmem>>) semaphore(%arg33 : memref<!tpu.dma_semaphore, #tpu.memory_space<semaphore_mem>>) {add = true}
      %add3A_283 = arith.constant 4 : i32
      %add3A_284 = arith.addi %add3A_270, %add3A_283 : i32
      %lt3A_285 = arith.constant 40 : i32
      %lt3A_286 = arith.cmpi slt, %add3A_284, %lt3A_285 : i32
      %ge3A_287 = arith.constant 4 : i32
      %ge3A_288 = arith.cmpi sge, %add3A_270, %ge3A_287 : i32
      %and3A_289 = arith.andi %lt3A_286, %ge3A_288 : i1
      %convert_element_type3A_290 = arith.extui %and3A_289 : i1 to i32
      %cond3A_291 = arith.constant 0 : i32
      %cond3A_292 = arith.cmpi ne, %convert_element_type3A_290, %cond3A_291 : i32
      scf.if %cond3A_292 {
        %sub3A = arith.constant 4 : i32
        %sub3A_399 = arith.subi %add3A_270, %sub3A : i32
        %dma_wait3A_400 = arith.constant 0 : i32
        %dma_wait3A_401 = tpu.memref_slice %arg12[%sub3A_399, %dma_wait3A_400] : memref<40x128xi32, #tpu.memory_space<vmem>> -> memref<1x128xi32, #tpu.memory_space<vmem>>
        %dma_wait3A_402 = tpu.memref_squeeze %dma_wait3A_401 : memref<1x128xi32, #tpu.memory_space<vmem>> -> memref<128xi32, #tpu.memory_space<vmem>>
        %dma_wait3A_403 = arith.constant 0 : i32
        %dma_wait3A_404 = arith.constant 0 : i32
        %dma_wait3A_405 = tpu.memref_slice %arg7[%dma_wait3A_403, %dma_wait3A_404] : memref<40960x16xf32, #tpu.memory_space<vmem_shared>> -> memref<40960x16xf32, #tpu.memory_space<vmem_shared>>
        tpu.wait_indirect_dma semaphore(%arg29 : memref<!tpu.dma_semaphore, #tpu.memory_space<semaphore_mem>>) src(%arg13 : memref<128x16xf32, #tpu.memory_space<vmem>>) dst(%dma_wait3A_405 : memref<40960x16xf32, #tpu.memory_space<vmem_shared>>)
      } else {
      }
      %add3A_293 = arith.constant 4 : i32
      %add3A_294 = arith.addi %add3A_270, %add3A_293 : i32
      %lt3A_295 = arith.constant 40 : i32
      %lt3A_296 = arith.cmpi slt, %add3A_294, %lt3A_295 : i32
      %convert_element_type3A_297 = arith.extui %lt3A_296 : i1 to i32
      %cond3A_298 = arith.constant 0 : i32
      %cond3A_299 = arith.cmpi ne, %convert_element_type3A_297, %cond3A_298 : i32
      scf.if %cond3A_299 {
        %add3A_399 = arith.constant 4 : i32
        %add3A_400 = arith.addi %add3A_270, %add3A_399 : i32
        %dma_start3A_401 = arith.constant 0 : i32
        %dma_start3A_402 = tpu.memref_slice %arg11[%add3A_400, %dma_start3A_401] : memref<40x128xi32, #tpu.memory_space<vmem>> -> memref<1x128xi32, #tpu.memory_space<vmem>>
        %dma_start3A_403 = tpu.memref_squeeze %dma_start3A_402 : memref<1x128xi32, #tpu.memory_space<vmem>> -> memref<128xi32, #tpu.memory_space<vmem>>
        %dma_start3A_404 = arith.constant 0 : i32
        %dma_start3A_405 = arith.constant 0 : i32
        %dma_start3A_406 = tpu.memref_slice %arg2[%dma_start3A_404, %dma_start3A_405] : memref<10240x16xf32, #tpu.memory_space<hbm>> -> memref<10240x16xf32, #tpu.memory_space<hbm>>
        tpu.enqueue_indirect_dma source(%dma_start3A_406 : memref<10240x16xf32, #tpu.memory_space<hbm>>) target(%arg13 : memref<128x16xf32, #tpu.memory_space<vmem>>) offsets(%dma_start3A_403 : memref<128xi32, #tpu.memory_space<vmem>>) semaphore(%arg21 : memref<!tpu.dma_semaphore, #tpu.memory_space<semaphore_mem>>)
      } else {
      }
      %mul3A_300 = arith.constant 8 : i32
      %mul3A_301 = arith.muli %scan3A_139, %mul3A_300 : i32
      %add3A_302 = arith.constant 5 : i32
      %add3A_303 = arith.addi %mul3A_301, %add3A_302 : i32
      %dma_wait3A_304 = arith.constant 0 : i32
      %dma_wait3A_305 = tpu.memref_slice %arg11[%add3A_303, %dma_wait3A_304] : memref<40x128xi32, #tpu.memory_space<vmem>> -> memref<1x128xi32, #tpu.memory_space<vmem>>
      %dma_wait3A_306 = tpu.memref_squeeze %dma_wait3A_305 : memref<1x128xi32, #tpu.memory_space<vmem>> -> memref<128xi32, #tpu.memory_space<vmem>>
      %dma_wait3A_307 = arith.constant 0 : i32
      %dma_wait3A_308 = arith.constant 0 : i32
      %dma_wait3A_309 = tpu.memref_slice %arg2[%dma_wait3A_307, %dma_wait3A_308] : memref<10240x16xf32, #tpu.memory_space<hbm>> -> memref<10240x16xf32, #tpu.memory_space<hbm>>
      tpu.wait_indirect_dma semaphore(%arg26 : memref<!tpu.dma_semaphore, #tpu.memory_space<semaphore_mem>>) src(%dma_wait3A_309 : memref<10240x16xf32, #tpu.memory_space<hbm>>) dst(%arg18 : memref<128x16xf32, #tpu.memory_space<vmem>>)
      %dma_start3A_310 = arith.constant 0 : i32
      %dma_start3A_311 = tpu.memref_slice %arg12[%add3A_303, %dma_start3A_310] : memref<40x128xi32, #tpu.memory_space<vmem>> -> memref<1x128xi32, #tpu.memory_space<vmem>>
      %dma_start3A_312 = tpu.memref_squeeze %dma_start3A_311 : memref<1x128xi32, #tpu.memory_space<vmem>> -> memref<128xi32, #tpu.memory_space<vmem>>
      %dma_start3A_313 = arith.constant 0 : i32
      %dma_start3A_314 = arith.constant 0 : i32
      %dma_start3A_315 = tpu.memref_slice %arg7[%dma_start3A_313, %dma_start3A_314] : memref<40960x16xf32, #tpu.memory_space<vmem_shared>> -> memref<40960x16xf32, #tpu.memory_space<vmem_shared>>
      tpu.enqueue_indirect_dma source(%arg18 : memref<128x16xf32, #tpu.memory_space<vmem>>) target(%dma_start3A_315 : memref<40960x16xf32, #tpu.memory_space<vmem_shared>>) offsets(%dma_start3A_312 : memref<128xi32, #tpu.memory_space<vmem>>) semaphore(%arg34 : memref<!tpu.dma_semaphore, #tpu.memory_space<semaphore_mem>>) {add = true}
      %add3A_316 = arith.constant 4 : i32
      %add3A_317 = arith.addi %add3A_303, %add3A_316 : i32
      %lt3A_318 = arith.constant 40 : i32
      %lt3A_319 = arith.cmpi slt, %add3A_317, %lt3A_318 : i32
      %ge3A_320 = arith.constant 4 : i32
      %ge3A_321 = arith.cmpi sge, %add3A_303, %ge3A_320 : i32
      %and3A_322 = arith.andi %lt3A_319, %ge3A_321 : i1
      %convert_element_type3A_323 = arith.extui %and3A_322 : i1 to i32
      %cond3A_324 = arith.constant 0 : i32
      %cond3A_325 = arith.cmpi ne, %convert_element_type3A_323, %cond3A_324 : i32
      scf.if %cond3A_325 {
        %sub3A = arith.constant 4 : i32
        %sub3A_399 = arith.subi %add3A_303, %sub3A : i32
        %dma_wait3A_400 = arith.constant 0 : i32
        %dma_wait3A_401 = tpu.memref_slice %arg12[%sub3A_399, %dma_wait3A_400] : memref<40x128xi32, #tpu.memory_space<vmem>> -> memref<1x128xi32, #tpu.memory_space<vmem>>
        %dma_wait3A_402 = tpu.memref_squeeze %dma_wait3A_401 : memref<1x128xi32, #tpu.memory_space<vmem>> -> memref<128xi32, #tpu.memory_space<vmem>>
        %dma_wait3A_403 = arith.constant 0 : i32
        %dma_wait3A_404 = arith.constant 0 : i32
        %dma_wait3A_405 = tpu.memref_slice %arg7[%dma_wait3A_403, %dma_wait3A_404] : memref<40960x16xf32, #tpu.memory_space<vmem_shared>> -> memref<40960x16xf32, #tpu.memory_space<vmem_shared>>
        tpu.wait_indirect_dma semaphore(%arg30 : memref<!tpu.dma_semaphore, #tpu.memory_space<semaphore_mem>>) src(%arg14 : memref<128x16xf32, #tpu.memory_space<vmem>>) dst(%dma_wait3A_405 : memref<40960x16xf32, #tpu.memory_space<vmem_shared>>)
      } else {
      }
      %add3A_326 = arith.constant 4 : i32
      %add3A_327 = arith.addi %add3A_303, %add3A_326 : i32
      %lt3A_328 = arith.constant 40 : i32
      %lt3A_329 = arith.cmpi slt, %add3A_327, %lt3A_328 : i32
      %convert_element_type3A_330 = arith.extui %lt3A_329 : i1 to i32
      %cond3A_331 = arith.constant 0 : i32
      %cond3A_332 = arith.cmpi ne, %convert_element_type3A_330, %cond3A_331 : i32
      scf.if %cond3A_332 {
        %add3A_399 = arith.constant 4 : i32
        %add3A_400 = arith.addi %add3A_303, %add3A_399 : i32
        %dma_start3A_401 = arith.constant 0 : i32
        %dma_start3A_402 = tpu.memref_slice %arg11[%add3A_400, %dma_start3A_401] : memref<40x128xi32, #tpu.memory_space<vmem>> -> memref<1x128xi32, #tpu.memory_space<vmem>>
        %dma_start3A_403 = tpu.memref_squeeze %dma_start3A_402 : memref<1x128xi32, #tpu.memory_space<vmem>> -> memref<128xi32, #tpu.memory_space<vmem>>
        %dma_start3A_404 = arith.constant 0 : i32
        %dma_start3A_405 = arith.constant 0 : i32
        %dma_start3A_406 = tpu.memref_slice %arg2[%dma_start3A_404, %dma_start3A_405] : memref<10240x16xf32, #tpu.memory_space<hbm>> -> memref<10240x16xf32, #tpu.memory_space<hbm>>
        tpu.enqueue_indirect_dma source(%dma_start3A_406 : memref<10240x16xf32, #tpu.memory_space<hbm>>) target(%arg14 : memref<128x16xf32, #tpu.memory_space<vmem>>) offsets(%dma_start3A_403 : memref<128xi32, #tpu.memory_space<vmem>>) semaphore(%arg22 : memref<!tpu.dma_semaphore, #tpu.memory_space<semaphore_mem>>)
      } else {
      }
      %mul3A_333 = arith.constant 8 : i32
      %mul3A_334 = arith.muli %scan3A_139, %mul3A_333 : i32
      %add3A_335 = arith.constant 6 : i32
      %add3A_336 = arith.addi %mul3A_334, %add3A_335 : i32
      %dma_wait3A_337 = arith.constant 0 : i32
      %dma_wait3A_338 = tpu.memref_slice %arg11[%add3A_336, %dma_wait3A_337] : memref<40x128xi32, #tpu.memory_space<vmem>> -> memref<1x128xi32, #tpu.memory_space<vmem>>
      %dma_wait3A_339 = tpu.memref_squeeze %dma_wait3A_338 : memref<1x128xi32, #tpu.memory_space<vmem>> -> memref<128xi32, #tpu.memory_space<vmem>>
      %dma_wait3A_340 = arith.constant 0 : i32
      %dma_wait3A_341 = arith.constant 0 : i32
      %dma_wait3A_342 = tpu.memref_slice %arg2[%dma_wait3A_340, %dma_wait3A_341] : memref<10240x16xf32, #tpu.memory_space<hbm>> -> memref<10240x16xf32, #tpu.memory_space<hbm>>
      tpu.wait_indirect_dma semaphore(%arg27 : memref<!tpu.dma_semaphore, #tpu.memory_space<semaphore_mem>>) src(%dma_wait3A_342 : memref<10240x16xf32, #tpu.memory_space<hbm>>) dst(%arg19 : memref<128x16xf32, #tpu.memory_space<vmem>>)
      %dma_start3A_343 = arith.constant 0 : i32
      %dma_start3A_344 = tpu.memref_slice %arg12[%add3A_336, %dma_start3A_343] : memref<40x128xi32, #tpu.memory_space<vmem>> -> memref<1x128xi32, #tpu.memory_space<vmem>>
      %dma_start3A_345 = tpu.memref_squeeze %dma_start3A_344 : memref<1x128xi32, #tpu.memory_space<vmem>> -> memref<128xi32, #tpu.memory_space<vmem>>
      %dma_start3A_346 = arith.constant 0 : i32
      %dma_start3A_347 = arith.constant 0 : i32
      %dma_start3A_348 = tpu.memref_slice %arg7[%dma_start3A_346, %dma_start3A_347] : memref<40960x16xf32, #tpu.memory_space<vmem_shared>> -> memref<40960x16xf32, #tpu.memory_space<vmem_shared>>
      tpu.enqueue_indirect_dma source(%arg19 : memref<128x16xf32, #tpu.memory_space<vmem>>) target(%dma_start3A_348 : memref<40960x16xf32, #tpu.memory_space<vmem_shared>>) offsets(%dma_start3A_345 : memref<128xi32, #tpu.memory_space<vmem>>) semaphore(%arg35 : memref<!tpu.dma_semaphore, #tpu.memory_space<semaphore_mem>>) {add = true}
      %add3A_349 = arith.constant 4 : i32
      %add3A_350 = arith.addi %add3A_336, %add3A_349 : i32
      %lt3A_351 = arith.constant 40 : i32
      %lt3A_352 = arith.cmpi slt, %add3A_350, %lt3A_351 : i32
      %ge3A_353 = arith.constant 4 : i32
      %ge3A_354 = arith.cmpi sge, %add3A_336, %ge3A_353 : i32
      %and3A_355 = arith.andi %lt3A_352, %ge3A_354 : i1
      %convert_element_type3A_356 = arith.extui %and3A_355 : i1 to i32
      %cond3A_357 = arith.constant 0 : i32
      %cond3A_358 = arith.cmpi ne, %convert_element_type3A_356, %cond3A_357 : i32
      scf.if %cond3A_358 {
        %sub3A = arith.constant 4 : i32
        %sub3A_399 = arith.subi %add3A_336, %sub3A : i32
        %dma_wait3A_400 = arith.constant 0 : i32
        %dma_wait3A_401 = tpu.memref_slice %arg12[%sub3A_399, %dma_wait3A_400] : memref<40x128xi32, #tpu.memory_space<vmem>> -> memref<1x128xi32, #tpu.memory_space<vmem>>
        %dma_wait3A_402 = tpu.memref_squeeze %dma_wait3A_401 : memref<1x128xi32, #tpu.memory_space<vmem>> -> memref<128xi32, #tpu.memory_space<vmem>>
        %dma_wait3A_403 = arith.constant 0 : i32
        %dma_wait3A_404 = arith.constant 0 : i32
        %dma_wait3A_405 = tpu.memref_slice %arg7[%dma_wait3A_403, %dma_wait3A_404] : memref<40960x16xf32, #tpu.memory_space<vmem_shared>> -> memref<40960x16xf32, #tpu.memory_space<vmem_shared>>
        tpu.wait_indirect_dma semaphore(%arg31 : memref<!tpu.dma_semaphore, #tpu.memory_space<semaphore_mem>>) src(%arg15 : memref<128x16xf32, #tpu.memory_space<vmem>>) dst(%dma_wait3A_405 : memref<40960x16xf32, #tpu.memory_space<vmem_shared>>)
      } else {
      }
      %add3A_359 = arith.constant 4 : i32
      %add3A_360 = arith.addi %add3A_336, %add3A_359 : i32
      %lt3A_361 = arith.constant 40 : i32
      %lt3A_362 = arith.cmpi slt, %add3A_360, %lt3A_361 : i32
      %convert_element_type3A_363 = arith.extui %lt3A_362 : i1 to i32
      %cond3A_364 = arith.constant 0 : i32
      %cond3A_365 = arith.cmpi ne, %convert_element_type3A_363, %cond3A_364 : i32
      scf.if %cond3A_365 {
        %add3A_399 = arith.constant 4 : i32
        %add3A_400 = arith.addi %add3A_336, %add3A_399 : i32
        %dma_start3A_401 = arith.constant 0 : i32
        %dma_start3A_402 = tpu.memref_slice %arg11[%add3A_400, %dma_start3A_401] : memref<40x128xi32, #tpu.memory_space<vmem>> -> memref<1x128xi32, #tpu.memory_space<vmem>>
        %dma_start3A_403 = tpu.memref_squeeze %dma_start3A_402 : memref<1x128xi32, #tpu.memory_space<vmem>> -> memref<128xi32, #tpu.memory_space<vmem>>
        %dma_start3A_404 = arith.constant 0 : i32
        %dma_start3A_405 = arith.constant 0 : i32
        %dma_start3A_406 = tpu.memref_slice %arg2[%dma_start3A_404, %dma_start3A_405] : memref<10240x16xf32, #tpu.memory_space<hbm>> -> memref<10240x16xf32, #tpu.memory_space<hbm>>
        tpu.enqueue_indirect_dma source(%dma_start3A_406 : memref<10240x16xf32, #tpu.memory_space<hbm>>) target(%arg15 : memref<128x16xf32, #tpu.memory_space<vmem>>) offsets(%dma_start3A_403 : memref<128xi32, #tpu.memory_space<vmem>>) semaphore(%arg23 : memref<!tpu.dma_semaphore, #tpu.memory_space<semaphore_mem>>)
      } else {
      }
      %mul3A_366 = arith.constant 8 : i32
      %mul3A_367 = arith.muli %scan3A_139, %mul3A_366 : i32
      %add3A_368 = arith.constant 7 : i32
      %add3A_369 = arith.addi %mul3A_367, %add3A_368 : i32
      %dma_wait3A_370 = arith.constant 0 : i32
      %dma_wait3A_371 = tpu.memref_slice %arg11[%add3A_369, %dma_wait3A_370] : memref<40x128xi32, #tpu.memory_space<vmem>> -> memref<1x128xi32, #tpu.memory_space<vmem>>
      %dma_wait3A_372 = tpu.memref_squeeze %dma_wait3A_371 : memref<1x128xi32, #tpu.memory_space<vmem>> -> memref<128xi32, #tpu.memory_space<vmem>>
      %dma_wait3A_373 = arith.constant 0 : i32
      %dma_wait3A_374 = arith.constant 0 : i32
      %dma_wait3A_375 = tpu.memref_slice %arg2[%dma_wait3A_373, %dma_wait3A_374] : memref<10240x16xf32, #tpu.memory_space<hbm>> -> memref<10240x16xf32, #tpu.memory_space<hbm>>
      tpu.wait_indirect_dma semaphore(%arg28 : memref<!tpu.dma_semaphore, #tpu.memory_space<semaphore_mem>>) src(%dma_wait3A_375 : memref<10240x16xf32, #tpu.memory_space<hbm>>) dst(%arg20 : memref<128x16xf32, #tpu.memory_space<vmem>>)
      %dma_start3A_376 = arith.constant 0 : i32
      %dma_start3A_377 = tpu.memref_slice %arg12[%add3A_369, %dma_start3A_376] : memref<40x128xi32, #tpu.memory_space<vmem>> -> memref<1x128xi32, #tpu.memory_space<vmem>>
      %dma_start3A_378 = tpu.memref_squeeze %dma_start3A_377 : memref<1x128xi32, #tpu.memory_space<vmem>> -> memref<128xi32, #tpu.memory_space<vmem>>
      %dma_start3A_379 = arith.constant 0 : i32
      %dma_start3A_380 = arith.constant 0 : i32
      %dma_start3A_381 = tpu.memref_slice %arg7[%dma_start3A_379, %dma_start3A_380] : memref<40960x16xf32, #tpu.memory_space<vmem_shared>> -> memref<40960x16xf32, #tpu.memory_space<vmem_shared>>
      tpu.enqueue_indirect_dma source(%arg20 : memref<128x16xf32, #tpu.memory_space<vmem>>) target(%dma_start3A_381 : memref<40960x16xf32, #tpu.memory_space<vmem_shared>>) offsets(%dma_start3A_378 : memref<128xi32, #tpu.memory_space<vmem>>) semaphore(%arg36 : memref<!tpu.dma_semaphore, #tpu.memory_space<semaphore_mem>>) {add = true}
      %add3A_382 = arith.constant 4 : i32
      %add3A_383 = arith.addi %add3A_369, %add3A_382 : i32
      %lt3A_384 = arith.constant 40 : i32
      %lt3A_385 = arith.cmpi slt, %add3A_383, %lt3A_384 : i32
      %ge3A_386 = arith.constant 4 : i32
      %ge3A_387 = arith.cmpi sge, %add3A_369, %ge3A_386 : i32
      %and3A_388 = arith.andi %lt3A_385, %ge3A_387 : i1
      %convert_element_type3A_389 = arith.extui %and3A_388 : i1 to i32
      %cond3A_390 = arith.constant 0 : i32
      %cond3A_391 = arith.cmpi ne, %convert_element_type3A_389, %cond3A_390 : i32
      scf.if %cond3A_391 {
        %sub3A = arith.constant 4 : i32
        %sub3A_399 = arith.subi %add3A_369, %sub3A : i32
        %dma_wait3A_400 = arith.constant 0 : i32
        %dma_wait3A_401 = tpu.memref_slice %arg12[%sub3A_399, %dma_wait3A_400] : memref<40x128xi32, #tpu.memory_space<vmem>> -> memref<1x128xi32, #tpu.memory_space<vmem>>
        %dma_wait3A_402 = tpu.memref_squeeze %dma_wait3A_401 : memref<1x128xi32, #tpu.memory_space<vmem>> -> memref<128xi32, #tpu.memory_space<vmem>>
        %dma_wait3A_403 = arith.constant 0 : i32
        %dma_wait3A_404 = arith.constant 0 : i32
        %dma_wait3A_405 = tpu.memref_slice %arg7[%dma_wait3A_403, %dma_wait3A_404] : memref<40960x16xf32, #tpu.memory_space<vmem_shared>> -> memref<40960x16xf32, #tpu.memory_space<vmem_shared>>
        tpu.wait_indirect_dma semaphore(%arg32 : memref<!tpu.dma_semaphore, #tpu.memory_space<semaphore_mem>>) src(%arg16 : memref<128x16xf32, #tpu.memory_space<vmem>>) dst(%dma_wait3A_405 : memref<40960x16xf32, #tpu.memory_space<vmem_shared>>)
      } else {
      }
      %add3A_392 = arith.constant 4 : i32
      %add3A_393 = arith.addi %add3A_369, %add3A_392 : i32
      %lt3A_394 = arith.constant 40 : i32
      %lt3A_395 = arith.cmpi slt, %add3A_393, %lt3A_394 : i32
      %convert_element_type3A_396 = arith.extui %lt3A_395 : i1 to i32
      %cond3A_397 = arith.constant 0 : i32
      %cond3A_398 = arith.cmpi ne, %convert_element_type3A_396, %cond3A_397 : i32
      scf.if %cond3A_398 {
        %add3A_399 = arith.constant 4 : i32
        %add3A_400 = arith.addi %add3A_369, %add3A_399 : i32
        %dma_start3A_401 = arith.constant 0 : i32
        %dma_start3A_402 = tpu.memref_slice %arg11[%add3A_400, %dma_start3A_401] : memref<40x128xi32, #tpu.memory_space<vmem>> -> memref<1x128xi32, #tpu.memory_space<vmem>>
        %dma_start3A_403 = tpu.memref_squeeze %dma_start3A_402 : memref<1x128xi32, #tpu.memory_space<vmem>> -> memref<128xi32, #tpu.memory_space<vmem>>
        %dma_start3A_404 = arith.constant 0 : i32
        %dma_start3A_405 = arith.constant 0 : i32
        %dma_start3A_406 = tpu.memref_slice %arg2[%dma_start3A_404, %dma_start3A_405] : memref<10240x16xf32, #tpu.memory_space<hbm>> -> memref<10240x16xf32, #tpu.memory_space<hbm>>
        tpu.enqueue_indirect_dma source(%dma_start3A_406 : memref<10240x16xf32, #tpu.memory_space<hbm>>) target(%arg16 : memref<128x16xf32, #tpu.memory_space<vmem>>) offsets(%dma_start3A_403 : memref<128xi32, #tpu.memory_space<vmem>>) semaphore(%arg24 : memref<!tpu.dma_semaphore, #tpu.memory_space<semaphore_mem>>)
      } else {
      }
    }
    %scan3A_81 = arith.constant 5 : i32
    %dma_wait3A_82 = arith.constant 32 : i32
    %dma_wait3A_83 = arith.constant 0 : i32
    %dma_wait3A_84 = tpu.memref_slice %arg12[%dma_wait3A_82, %dma_wait3A_83] : memref<40x128xi32, #tpu.memory_space<vmem>> -> memref<1x128xi32, #tpu.memory_space<vmem>>
    %dma_wait3A_85 = tpu.memref_squeeze %dma_wait3A_84 : memref<1x128xi32, #tpu.memory_space<vmem>> -> memref<128xi32, #tpu.memory_space<vmem>>
    %dma_wait3A_86 = arith.constant 0 : i32
    %dma_wait3A_87 = arith.constant 0 : i32
    %dma_wait3A_88 = tpu.memref_slice %arg7[%dma_wait3A_86, %dma_wait3A_87] : memref<40960x16xf32, #tpu.memory_space<vmem_shared>> -> memref<40960x16xf32, #tpu.memory_space<vmem_shared>>
    tpu.wait_indirect_dma semaphore(%arg29 : memref<!tpu.dma_semaphore, #tpu.memory_space<semaphore_mem>>) src(%arg13 : memref<128x16xf32, #tpu.memory_space<vmem>>) dst(%dma_wait3A_88 : memref<40960x16xf32, #tpu.memory_space<vmem_shared>>)
    %dma_wait3A_89 = arith.constant 33 : i32
    %dma_wait3A_90 = arith.constant 0 : i32
    %dma_wait3A_91 = tpu.memref_slice %arg12[%dma_wait3A_89, %dma_wait3A_90] : memref<40x128xi32, #tpu.memory_space<vmem>> -> memref<1x128xi32, #tpu.memory_space<vmem>>
    %dma_wait3A_92 = tpu.memref_squeeze %dma_wait3A_91 : memref<1x128xi32, #tpu.memory_space<vmem>> -> memref<128xi32, #tpu.memory_space<vmem>>
    %dma_wait3A_93 = arith.constant 0 : i32
    %dma_wait3A_94 = arith.constant 0 : i32
    %dma_wait3A_95 = tpu.memref_slice %arg7[%dma_wait3A_93, %dma_wait3A_94] : memref<40960x16xf32, #tpu.memory_space<vmem_shared>> -> memref<40960x16xf32, #tpu.memory_space<vmem_shared>>
    tpu.wait_indirect_dma semaphore(%arg30 : memref<!tpu.dma_semaphore, #tpu.memory_space<semaphore_mem>>) src(%arg14 : memref<128x16xf32, #tpu.memory_space<vmem>>) dst(%dma_wait3A_95 : memref<40960x16xf32, #tpu.memory_space<vmem_shared>>)
    %dma_wait3A_96 = arith.constant 34 : i32
    %dma_wait3A_97 = arith.constant 0 : i32
    %dma_wait3A_98 = tpu.memref_slice %arg12[%dma_wait3A_96, %dma_wait3A_97] : memref<40x128xi32, #tpu.memory_space<vmem>> -> memref<1x128xi32, #tpu.memory_space<vmem>>
    %dma_wait3A_99 = tpu.memref_squeeze %dma_wait3A_98 : memref<1x128xi32, #tpu.memory_space<vmem>> -> memref<128xi32, #tpu.memory_space<vmem>>
    %dma_wait3A_100 = arith.constant 0 : i32
    %dma_wait3A_101 = arith.constant 0 : i32
    %dma_wait3A_102 = tpu.memref_slice %arg7[%dma_wait3A_100, %dma_wait3A_101] : memref<40960x16xf32, #tpu.memory_space<vmem_shared>> -> memref<40960x16xf32, #tpu.memory_space<vmem_shared>>
    tpu.wait_indirect_dma semaphore(%arg31 : memref<!tpu.dma_semaphore, #tpu.memory_space<semaphore_mem>>) src(%arg15 : memref<128x16xf32, #tpu.memory_space<vmem>>) dst(%dma_wait3A_102 : memref<40960x16xf32, #tpu.memory_space<vmem_shared>>)
    %dma_wait3A_103 = arith.constant 35 : i32
    %dma_wait3A_104 = arith.constant 0 : i32
    %dma_wait3A_105 = tpu.memref_slice %arg12[%dma_wait3A_103, %dma_wait3A_104] : memref<40x128xi32, #tpu.memory_space<vmem>> -> memref<1x128xi32, #tpu.memory_space<vmem>>
    %dma_wait3A_106 = tpu.memref_squeeze %dma_wait3A_105 : memref<1x128xi32, #tpu.memory_space<vmem>> -> memref<128xi32, #tpu.memory_space<vmem>>
    %dma_wait3A_107 = arith.constant 0 : i32
    %dma_wait3A_108 = arith.constant 0 : i32
    %dma_wait3A_109 = tpu.memref_slice %arg7[%dma_wait3A_107, %dma_wait3A_108] : memref<40960x16xf32, #tpu.memory_space<vmem_shared>> -> memref<40960x16xf32, #tpu.memory_space<vmem_shared>>
    tpu.wait_indirect_dma semaphore(%arg32 : memref<!tpu.dma_semaphore, #tpu.memory_space<semaphore_mem>>) src(%arg16 : memref<128x16xf32, #tpu.memory_space<vmem>>) dst(%dma_wait3A_109 : memref<40960x16xf32, #tpu.memory_space<vmem_shared>>)
    %dma_wait3A_110 = arith.constant 36 : i32
    %dma_wait3A_111 = arith.constant 0 : i32
    %dma_wait3A_112 = tpu.memref_slice %arg12[%dma_wait3A_110, %dma_wait3A_111] : memref<40x128xi32, #tpu.memory_space<vmem>> -> memref<1x128xi32, #tpu.memory_space<vmem>>
    %dma_wait3A_113 = tpu.memref_squeeze %dma_wait3A_112 : memref<1x128xi32, #tpu.memory_space<vmem>> -> memref<128xi32, #tpu.memory_space<vmem>>
    %dma_wait3A_114 = arith.constant 0 : i32
    %dma_wait3A_115 = arith.constant 0 : i32
    %dma_wait3A_116 = tpu.memref_slice %arg7[%dma_wait3A_114, %dma_wait3A_115] : memref<40960x16xf32, #tpu.memory_space<vmem_shared>> -> memref<40960x16xf32, #tpu.memory_space<vmem_shared>>
    tpu.wait_indirect_dma semaphore(%arg33 : memref<!tpu.dma_semaphore, #tpu.memory_space<semaphore_mem>>) src(%arg17 : memref<128x16xf32, #tpu.memory_space<vmem>>) dst(%dma_wait3A_116 : memref<40960x16xf32, #tpu.memory_space<vmem_shared>>)
    %dma_wait3A_117 = arith.constant 37 : i32
    %dma_wait3A_118 = arith.constant 0 : i32
    %dma_wait3A_119 = tpu.memref_slice %arg12[%dma_wait3A_117, %dma_wait3A_118] : memref<40x128xi32, #tpu.memory_space<vmem>> -> memref<1x128xi32, #tpu.memory_space<vmem>>
    %dma_wait3A_120 = tpu.memref_squeeze %dma_wait3A_119 : memref<1x128xi32, #tpu.memory_space<vmem>> -> memref<128xi32, #tpu.memory_space<vmem>>
    %dma_wait3A_121 = arith.constant 0 : i32
    %dma_wait3A_122 = arith.constant 0 : i32
    %dma_wait3A_123 = tpu.memref_slice %arg7[%dma_wait3A_121, %dma_wait3A_122] : memref<40960x16xf32, #tpu.memory_space<vmem_shared>> -> memref<40960x16xf32, #tpu.memory_space<vmem_shared>>
    tpu.wait_indirect_dma semaphore(%arg34 : memref<!tpu.dma_semaphore, #tpu.memory_space<semaphore_mem>>) src(%arg18 : memref<128x16xf32, #tpu.memory_space<vmem>>) dst(%dma_wait3A_123 : memref<40960x16xf32, #tpu.memory_space<vmem_shared>>)
    %dma_wait3A_124 = arith.constant 38 : i32
    %dma_wait3A_125 = arith.constant 0 : i32
    %dma_wait3A_126 = tpu.memref_slice %arg12[%dma_wait3A_124, %dma_wait3A_125] : memref<40x128xi32, #tpu.memory_space<vmem>> -> memref<1x128xi32, #tpu.memory_space<vmem>>
    %dma_wait3A_127 = tpu.memref_squeeze %dma_wait3A_126 : memref<1x128xi32, #tpu.memory_space<vmem>> -> memref<128xi32, #tpu.memory_space<vmem>>
    %dma_wait3A_128 = arith.constant 0 : i32
    %dma_wait3A_129 = arith.constant 0 : i32
    %dma_wait3A_130 = tpu.memref_slice %arg7[%dma_wait3A_128, %dma_wait3A_129] : memref<40960x16xf32, #tpu.memory_space<vmem_shared>> -> memref<40960x16xf32, #tpu.memory_space<vmem_shared>>
    tpu.wait_indirect_dma semaphore(%arg35 : memref<!tpu.dma_semaphore, #tpu.memory_space<semaphore_mem>>) src(%arg19 : memref<128x16xf32, #tpu.memory_space<vmem>>) dst(%dma_wait3A_130 : memref<40960x16xf32, #tpu.memory_space<vmem_shared>>)
    %dma_wait3A_131 = arith.constant 39 : i32
    %dma_wait3A_132 = arith.constant 0 : i32
    %dma_wait3A_133 = tpu.memref_slice %arg12[%dma_wait3A_131, %dma_wait3A_132] : memref<40x128xi32, #tpu.memory_space<vmem>> -> memref<1x128xi32, #tpu.memory_space<vmem>>
    %dma_wait3A_134 = tpu.memref_squeeze %dma_wait3A_133 : memref<1x128xi32, #tpu.memory_space<vmem>> -> memref<128xi32, #tpu.memory_space<vmem>>
    %dma_wait3A_135 = arith.constant 0 : i32
    %dma_wait3A_136 = arith.constant 0 : i32
    %dma_wait3A_137 = tpu.memref_slice %arg7[%dma_wait3A_135, %dma_wait3A_136] : memref<40960x16xf32, #tpu.memory_space<vmem_shared>> -> memref<40960x16xf32, #tpu.memory_space<vmem_shared>>
    tpu.wait_indirect_dma semaphore(%arg36 : memref<!tpu.dma_semaphore, #tpu.memory_space<semaphore_mem>>) src(%arg20 : memref<128x16xf32, #tpu.memory_space<vmem>>) dst(%dma_wait3A_137 : memref<40960x16xf32, #tpu.memory_space<vmem_shared>>)
    %barrier3A_138 = arith.constant 0 : index
    tpu.barrier barrier_id(%barrier3A_138)
    "tpu.region"() ({
      %run_scoped3A = tpu.sem_alloc : memref<!tpu.dma_semaphore, #tpu.memory_space<semaphore_mem>>
      %dma_start3A_139 = arith.constant 0 : i32
      %dma_start3A_140 = tpu.memref_slice %arg6[%arg0, %mul3A_4, %dma_start3A_139] : memref<2x40960x16xf32, #tpu.memory_space<hbm>> -> memref<1x2560x16xf32, #tpu.memory_space<hbm>>
      %dma_start3A_141 = tpu.memref_squeeze %dma_start3A_140 : memref<1x2560x16xf32, #tpu.memory_space<hbm>> -> memref<2560x16xf32, #tpu.memory_space<hbm>>
      %dma_start3A_142 = arith.constant 0 : i32
      %dma_start3A_143 = tpu.memref_slice %arg7[%mul3A_4, %dma_start3A_142] : memref<40960x16xf32, #tpu.memory_space<vmem_shared>> -> memref<2560x16xf32, #tpu.memory_space<vmem_shared>>
      tpu.enqueue_dma source(%dma_start3A_143 : memref<2560x16xf32, #tpu.memory_space<vmem_shared>>) target(%dma_start3A_141 : memref<2560x16xf32, #tpu.memory_space<hbm>>) target_semaphore(%run_scoped3A : memref<!tpu.dma_semaphore, #tpu.memory_space<semaphore_mem>>)
      %dma_wait3A_144 = arith.constant 0 : i32
      %dma_wait3A_145 = tpu.memref_slice %arg6[%arg0, %mul3A_4, %dma_wait3A_144] : memref<2x40960x16xf32, #tpu.memory_space<hbm>> -> memref<1x2560x16xf32, #tpu.memory_space<hbm>>
      %dma_wait3A_146 = tpu.memref_squeeze %dma_wait3A_145 : memref<1x2560x16xf32, #tpu.memory_space<hbm>> -> memref<2560x16xf32, #tpu.memory_space<hbm>>
      %dma_wait3A_147 = arith.constant 0 : i32
      %dma_wait3A_148 = tpu.memref_slice %arg7[%mul3A_4, %dma_wait3A_147] : memref<40960x16xf32, #tpu.memory_space<vmem_shared>> -> memref<2560x16xf32, #tpu.memory_space<vmem_shared>>
      tpu.wait_dma2 semaphore(%run_scoped3A : memref<!tpu.dma_semaphore, #tpu.memory_space<semaphore_mem>>) src(%dma_wait3A_148 : memref<2560x16xf32, #tpu.memory_space<vmem_shared>>) dst(%dma_wait3A_146 : memref<2560x16xf32, #tpu.memory_space<hbm>>)
      tpu.yield
    }) : () -> ()
    return
  }
}

#map = affine_map<(d0, d1) -> (0, 0)>
#map1 = affine_map<(d0, d1) -> (0)>
#map2 = affine_map<(d0, d1) -> (0, 0, 0)>
module attributes {stable_mosaic.version = 14 : i64} {
  func.func @_sc1(%arg0: i32, %arg1: i32, %arg2: memref<40960x16xf32, #tpu.memory_space<hbm>>, %arg3: memref<2x160000xi32, #tpu.memory_space<hbm>>, %arg4: memref<160000xi32, #tpu.memory_space<hbm>>, %arg5: memref<2560x16xf32, #tpu.memory_space<hbm>>, %arg6: memref<128x16xf32, #tpu.memory_space<hbm>>, %arg7: memref<2x40960x16xf32, #tpu.memory_space<hbm>>, %arg8: memref<2x40960x16xf32, #tpu.memory_space<hbm>>, %arg9: memref<40960x16xf32, #tpu.memory_space<vmem_shared>>, %arg10: memref<40960x16xf32, #tpu.memory_space<vmem_shared>>, %arg11: memref<5120xi32, #tpu.memory_space<vmem>>, %arg12: memref<5120xi32, #tpu.memory_space<vmem>>, %arg13: memref<5120xi32, #tpu.memory_space<vmem>>, %arg14: memref<40x128xi32, #tpu.memory_space<vmem>>, %arg15: memref<40x128xi32, #tpu.memory_space<vmem>>, %arg16: memref<128x16xf32, #tpu.memory_space<vmem>>, %arg17: memref<128x16xf32, #tpu.memory_space<vmem>>, %arg18: memref<128x16xf32, #tpu.memory_space<vmem>>, %arg19: memref<128x16xf32, #tpu.memory_space<vmem>>, %arg20: memref<128x16xf32, #tpu.memory_space<vmem>>, %arg21: memref<128x16xf32, #tpu.memory_space<vmem>>, %arg22: memref<128x16xf32, #tpu.memory_space<vmem>>, %arg23: memref<128x16xf32, #tpu.memory_space<vmem>>, %arg24: memref<128x16xf32, #tpu.memory_space<vmem>>, %arg25: memref<!tpu.dma_semaphore, #tpu.memory_space<semaphore_mem>>, %arg26: memref<!tpu.dma_semaphore, #tpu.memory_space<semaphore_mem>>, %arg27: memref<!tpu.dma_semaphore, #tpu.memory_space<semaphore_mem>>, %arg28: memref<!tpu.dma_semaphore, #tpu.memory_space<semaphore_mem>>, %arg29: memref<!tpu.dma_semaphore, #tpu.memory_space<semaphore_mem>>, %arg30: memref<!tpu.dma_semaphore, #tpu.memory_space<semaphore_mem>>, %arg31: memref<!tpu.dma_semaphore, #tpu.memory_space<semaphore_mem>>, %arg32: memref<!tpu.dma_semaphore, #tpu.memory_space<semaphore_mem>>, %arg33: memref<!tpu.dma_semaphore, #tpu.memory_space<semaphore_mem>>, %arg34: memref<!tpu.dma_semaphore, #tpu.memory_space<semaphore_mem>>, %arg35: memref<!tpu.dma_semaphore, #tpu.memory_space<semaphore_mem>>, %arg36: memref<!tpu.dma_semaphore, #tpu.memory_space<semaphore_mem>>, %arg37: memref<!tpu.dma_semaphore, #tpu.memory_space<semaphore_mem>>, %arg38: memref<!tpu.dma_semaphore, #tpu.memory_space<semaphore_mem>>, %arg39: memref<!tpu.dma_semaphore, #tpu.memory_space<semaphore_mem>>, %arg40: memref<!tpu.dma_semaphore, #tpu.memory_space<semaphore_mem>>, %arg41: memref<!tpu.dma_semaphore, #tpu.memory_space<semaphore_mem>>, %arg42: memref<!tpu.dma_semaphore, #tpu.memory_space<semaphore_mem>>, %arg43: memref<!tpu.dma_semaphore, #tpu.memory_space<semaphore_mem>>, %arg44: memref<!tpu.dma_semaphore, #tpu.memory_space<semaphore_mem>>, %arg45: memref<!tpu.dma_semaphore, #tpu.memory_space<semaphore_mem>>, %arg46: memref<!tpu.dma_semaphore, #tpu.memory_space<semaphore_mem>>, %arg47: memref<!tpu.dma_semaphore, #tpu.memory_space<semaphore_mem>>, %arg48: memref<!tpu.dma_semaphore, #tpu.memory_space<semaphore_mem>>) attributes {dimension_semantics = [#tpu.dimension_semantics<core_parallel>, #tpu.dimension_semantics<subcore_parallel>], iteration_bounds = array<i64: 2, 16>, scalar_prefetch = 0 : i64, scratch_operands = 40 : i64, tpu.core_type = #tpu.core_type<sc_vector_subcore>, window_params = [{transform_indices = #map}, {transform_indices = #map}, {transform_indices = #map1}, {transform_indices = #map}, {transform_indices = #map}, {transform_indices = #map2}, {transform_indices = #map2}]} {
    %mul3A = arith.constant 16 : i32
    %mul3A_0 = arith.muli %arg0, %mul3A : i32
    %add3A = arith.addi %mul3A_0, %arg1 : i32
    %mul3A_1 = arith.constant 5000 : i32
    %mul3A_2 = arith.muli %add3A, %mul3A_1 : i32
    %mul3A_3 = arith.constant 2560 : i32
    %mul3A_4 = arith.muli %arg1, %mul3A_3 : i32
    %dma_start3A = arith.constant 0 : i32
    %dma_start3A_5 = tpu.memref_slice %arg9[%mul3A_4, %dma_start3A] : memref<40960x16xf32, #tpu.memory_space<vmem_shared>> -> memref<2560x16xf32, #tpu.memory_space<vmem_shared>>
    tpu.enqueue_dma source(%arg5 : memref<2560x16xf32, #tpu.memory_space<hbm>>) target(%dma_start3A_5 : memref<2560x16xf32, #tpu.memory_space<vmem_shared>>) target_semaphore(%arg25 : memref<!tpu.dma_semaphore, #tpu.memory_space<semaphore_mem>>)
    %dma_start3A_6 = arith.constant 0 : i32
    %dma_start3A_7 = tpu.memref_slice %arg10[%mul3A_4, %dma_start3A_6] : memref<40960x16xf32, #tpu.memory_space<vmem_shared>> -> memref<2560x16xf32, #tpu.memory_space<vmem_shared>>
    tpu.enqueue_dma source(%arg5 : memref<2560x16xf32, #tpu.memory_space<hbm>>) target(%dma_start3A_7 : memref<2560x16xf32, #tpu.memory_space<vmem_shared>>) target_semaphore(%arg26 : memref<!tpu.dma_semaphore, #tpu.memory_space<semaphore_mem>>)
    %dma_start3A_8 = arith.constant 0 : i32
    %dma_start3A_9 = arith.constant 0 : i32
    %dma_start3A_10 = tpu.memref_slice %arg11[%dma_start3A_9] : memref<5120xi32, #tpu.memory_space<vmem>> -> memref<5000xi32, #tpu.memory_space<vmem>>
    %dma_start3A_11 = tpu.memref_slice %arg3[%dma_start3A_8, %mul3A_2] : memref<2x160000xi32, #tpu.memory_space<hbm>> -> memref<1x5000xi32, #tpu.memory_space<hbm>>
    %dma_start3A_12 = tpu.memref_squeeze %dma_start3A_11 : memref<1x5000xi32, #tpu.memory_space<hbm>> -> memref<5000xi32, #tpu.memory_space<hbm>>
    %dma_start3A_13 = arith.constant 0 : i32
    %dma_start3A_14 = tpu.memref_slice %arg11[%dma_start3A_13] : memref<5120xi32, #tpu.memory_space<vmem>> -> memref<5000xi32, #tpu.memory_space<vmem>>
    %dma_start3A_15 = tpu.memref_slice %arg3[%dma_start3A_8, %mul3A_2] : memref<2x160000xi32, #tpu.memory_space<hbm>> -> memref<1x5000xi32, #tpu.memory_space<hbm>>
    %dma_start3A_16 = tpu.memref_squeeze %dma_start3A_15 : memref<1x5000xi32, #tpu.memory_space<hbm>> -> memref<5000xi32, #tpu.memory_space<hbm>>
    tpu.enqueue_dma source(%dma_start3A_16 : memref<5000xi32, #tpu.memory_space<hbm>>) target(%dma_start3A_14 : memref<5000xi32, #tpu.memory_space<vmem>>) target_semaphore(%arg27 : memref<!tpu.dma_semaphore, #tpu.memory_space<semaphore_mem>>)
    %dma_start3A_17 = arith.constant 1 : i32
    %dma_start3A_18 = arith.constant 0 : i32
    %dma_start3A_19 = tpu.memref_slice %arg12[%dma_start3A_18] : memref<5120xi32, #tpu.memory_space<vmem>> -> memref<5000xi32, #tpu.memory_space<vmem>>
    %dma_start3A_20 = tpu.memref_slice %arg3[%dma_start3A_17, %mul3A_2] : memref<2x160000xi32, #tpu.memory_space<hbm>> -> memref<1x5000xi32, #tpu.memory_space<hbm>>
    %dma_start3A_21 = tpu.memref_squeeze %dma_start3A_20 : memref<1x5000xi32, #tpu.memory_space<hbm>> -> memref<5000xi32, #tpu.memory_space<hbm>>
    %dma_start3A_22 = arith.constant 0 : i32
    %dma_start3A_23 = tpu.memref_slice %arg12[%dma_start3A_22] : memref<5120xi32, #tpu.memory_space<vmem>> -> memref<5000xi32, #tpu.memory_space<vmem>>
    %dma_start3A_24 = tpu.memref_slice %arg3[%dma_start3A_17, %mul3A_2] : memref<2x160000xi32, #tpu.memory_space<hbm>> -> memref<1x5000xi32, #tpu.memory_space<hbm>>
    %dma_start3A_25 = tpu.memref_squeeze %dma_start3A_24 : memref<1x5000xi32, #tpu.memory_space<hbm>> -> memref<5000xi32, #tpu.memory_space<hbm>>
    tpu.enqueue_dma source(%dma_start3A_25 : memref<5000xi32, #tpu.memory_space<hbm>>) target(%dma_start3A_23 : memref<5000xi32, #tpu.memory_space<vmem>>) target_semaphore(%arg28 : memref<!tpu.dma_semaphore, #tpu.memory_space<semaphore_mem>>)
    "tpu.region"() ({
      %run_scoped3A = tpu.sem_alloc : memref<!tpu.dma_semaphore, #tpu.memory_space<semaphore_mem>>
      %dma_start3A_199 = arith.constant 0 : i32
      %dma_start3A_200 = tpu.memref_slice %arg13[%dma_start3A_199] : memref<5120xi32, #tpu.memory_space<vmem>> -> memref<5000xi32, #tpu.memory_space<vmem>>
      %dma_start3A_201 = tpu.memref_slice %arg4[%mul3A_2] : memref<160000xi32, #tpu.memory_space<hbm>> -> memref<5000xi32, #tpu.memory_space<hbm>>
      %dma_start3A_202 = arith.constant 0 : i32
      %dma_start3A_203 = tpu.memref_slice %arg13[%dma_start3A_202] : memref<5120xi32, #tpu.memory_space<vmem>> -> memref<5000xi32, #tpu.memory_space<vmem>>
      %dma_start3A_204 = tpu.memref_slice %arg4[%mul3A_2] : memref<160000xi32, #tpu.memory_space<hbm>> -> memref<5000xi32, #tpu.memory_space<hbm>>
      tpu.enqueue_dma source(%dma_start3A_204 : memref<5000xi32, #tpu.memory_space<hbm>>) target(%dma_start3A_203 : memref<5000xi32, #tpu.memory_space<vmem>>) target_semaphore(%run_scoped3A : memref<!tpu.dma_semaphore, #tpu.memory_space<semaphore_mem>>)
      %dma_wait3A_205 = arith.constant 0 : i32
      %dma_wait3A_206 = tpu.memref_slice %arg13[%dma_wait3A_205] : memref<5120xi32, #tpu.memory_space<vmem>> -> memref<5000xi32, #tpu.memory_space<vmem>>
      %dma_wait3A_207 = tpu.memref_slice %arg4[%mul3A_2] : memref<160000xi32, #tpu.memory_space<hbm>> -> memref<5000xi32, #tpu.memory_space<hbm>>
      %dma_wait3A_208 = arith.constant 0 : i32
      %dma_wait3A_209 = tpu.memref_slice %arg13[%dma_wait3A_208] : memref<5120xi32, #tpu.memory_space<vmem>> -> memref<5000xi32, #tpu.memory_space<vmem>>
      %dma_wait3A_210 = tpu.memref_slice %arg4[%mul3A_2] : memref<160000xi32, #tpu.memory_space<hbm>> -> memref<5000xi32, #tpu.memory_space<hbm>>
      tpu.wait_dma2 semaphore(%run_scoped3A : memref<!tpu.dma_semaphore, #tpu.memory_space<semaphore_mem>>) src(%dma_wait3A_210 : memref<5000xi32, #tpu.memory_space<hbm>>) dst(%dma_wait3A_209 : memref<5000xi32, #tpu.memory_space<vmem>>)
      tpu.yield
    }) : () -> ()
    "tpu.region"() ({
      %run_scoped3A = tpu.sem_alloc : memref<!tpu.dma_semaphore, #tpu.memory_space<semaphore_mem>>
      tpu.enqueue_dma source(%arg6 : memref<128x16xf32, #tpu.memory_space<hbm>>) target(%arg24 : memref<128x16xf32, #tpu.memory_space<vmem>>) target_semaphore(%run_scoped3A : memref<!tpu.dma_semaphore, #tpu.memory_space<semaphore_mem>>)
      tpu.wait_dma2 semaphore(%run_scoped3A : memref<!tpu.dma_semaphore, #tpu.memory_space<semaphore_mem>>) src(%arg6 : memref<128x16xf32, #tpu.memory_space<hbm>>) dst(%arg24 : memref<128x16xf32, #tpu.memory_space<vmem>>)
      tpu.yield
    }) : () -> ()
    %dma_wait3A = arith.constant 0 : i32
    %dma_wait3A_26 = arith.constant 0 : i32
    %dma_wait3A_27 = tpu.memref_slice %arg11[%dma_wait3A_26] : memref<5120xi32, #tpu.memory_space<vmem>> -> memref<5000xi32, #tpu.memory_space<vmem>>
    %dma_wait3A_28 = tpu.memref_slice %arg3[%dma_wait3A, %mul3A_2] : memref<2x160000xi32, #tpu.memory_space<hbm>> -> memref<1x5000xi32, #tpu.memory_space<hbm>>
    %dma_wait3A_29 = tpu.memref_squeeze %dma_wait3A_28 : memref<1x5000xi32, #tpu.memory_space<hbm>> -> memref<5000xi32, #tpu.memory_space<hbm>>
    %dma_wait3A_30 = arith.constant 0 : i32
    %dma_wait3A_31 = tpu.memref_slice %arg11[%dma_wait3A_30] : memref<5120xi32, #tpu.memory_space<vmem>> -> memref<5000xi32, #tpu.memory_space<vmem>>
    %dma_wait3A_32 = tpu.memref_slice %arg3[%dma_wait3A, %mul3A_2] : memref<2x160000xi32, #tpu.memory_space<hbm>> -> memref<1x5000xi32, #tpu.memory_space<hbm>>
    %dma_wait3A_33 = tpu.memref_squeeze %dma_wait3A_32 : memref<1x5000xi32, #tpu.memory_space<hbm>> -> memref<5000xi32, #tpu.memory_space<hbm>>
    tpu.wait_dma2 semaphore(%arg27 : memref<!tpu.dma_semaphore, #tpu.memory_space<semaphore_mem>>) src(%dma_wait3A_33 : memref<5000xi32, #tpu.memory_space<hbm>>) dst(%dma_wait3A_31 : memref<5000xi32, #tpu.memory_space<vmem>>)
    %dma_wait3A_34 = arith.constant 1 : i32
    %dma_wait3A_35 = arith.constant 0 : i32
    %dma_wait3A_36 = tpu.memref_slice %arg12[%dma_wait3A_35] : memref<5120xi32, #tpu.memory_space<vmem>> -> memref<5000xi32, #tpu.memory_space<vmem>>
    %dma_wait3A_37 = tpu.memref_slice %arg3[%dma_wait3A_34, %mul3A_2] : memref<2x160000xi32, #tpu.memory_space<hbm>> -> memref<1x5000xi32, #tpu.memory_space<hbm>>
    %dma_wait3A_38 = tpu.memref_squeeze %dma_wait3A_37 : memref<1x5000xi32, #tpu.memory_space<hbm>> -> memref<5000xi32, #tpu.memory_space<hbm>>
    %dma_wait3A_39 = arith.constant 0 : i32
    %dma_wait3A_40 = tpu.memref_slice %arg12[%dma_wait3A_39] : memref<5120xi32, #tpu.memory_space<vmem>> -> memref<5000xi32, #tpu.memory_space<vmem>>
    %dma_wait3A_41 = tpu.memref_slice %arg3[%dma_wait3A_34, %mul3A_2] : memref<2x160000xi32, #tpu.memory_space<hbm>> -> memref<1x5000xi32, #tpu.memory_space<hbm>>
    %dma_wait3A_42 = tpu.memref_squeeze %dma_wait3A_41 : memref<1x5000xi32, #tpu.memory_space<hbm>> -> memref<5000xi32, #tpu.memory_space<hbm>>
    tpu.wait_dma2 semaphore(%arg28 : memref<!tpu.dma_semaphore, #tpu.memory_space<semaphore_mem>>) src(%dma_wait3A_42 : memref<5000xi32, #tpu.memory_space<hbm>>) dst(%dma_wait3A_40 : memref<5000xi32, #tpu.memory_space<vmem>>)
    %iota3A = tpu.iota {dimensions = array<i32: 0>} : vector<16xi32>
    %scan3A = arith.constant 0 : i32
    %scan3A_43 = arith.constant 0 : i32
    %scan3A_44 = arith.constant 40 : i32
    %scan3A_45 = arith.addi %scan3A_43, %scan3A_44 : i32
    %scan3A_46 = arith.constant 1 : i32
    scf.for %scan3A_199 = %scan3A_43 to %scan3A_45 step %scan3A_46  : i32 {
      %mul3A_200 = arith.constant 128 : i32
      %mul3A_201 = arith.muli %scan3A_199, %mul3A_200 : i32
      %add3A_202 = arith.constant 0 : i32
      %add3A_203 = arith.addi %mul3A_201, %add3A_202 : i32
      %add3A_204 = vector.broadcast %add3A_203 : i32 to vector<16xi32>
      %add3A_205 = arith.addi %iota3A, %add3A_204 : vector<16xi32>
      %lt3A = arith.constant 5000 : i32
      %lt3A_206 = vector.broadcast %lt3A : i32 to vector<16xi32>
      %lt3A_207 = arith.cmpi slt, %add3A_205, %lt3A_206 : vector<16xi32>
      %get3A = arith.index_cast %add3A_203 : i32 to index
      %get3A_208 = tpu.vector_load %arg11[%get3A] {strides = array<i32>} : memref<5120xi32, #tpu.memory_space<vmem>>, vector<16xi32>,
      %get3A_209 = vector.shape_cast %get3A_208 : vector<16xi32> to vector<16xi32>
      %get3A_210 = arith.index_cast %add3A_203 : i32 to index
      %get3A_211 = tpu.vector_load %arg12[%get3A_210] {strides = array<i32>} : memref<5120xi32, #tpu.memory_space<vmem>>, vector<16xi32>,
      %get3A_212 = vector.shape_cast %get3A_211 : vector<16xi32> to vector<16xi32>
      %get3A_213 = arith.index_cast %add3A_203 : i32 to index
      %get3A_214 = tpu.vector_load %arg13[%get3A_213] {strides = array<i32>} : memref<5120xi32, #tpu.memory_space<vmem>>, vector<16xi32>,
      %get3A_215 = vector.shape_cast %get3A_214 : vector<16xi32> to vector<16xi32>
      %mul3A_216 = arith.constant 10240 : i32
      %mul3A_217 = vector.broadcast %mul3A_216 : i32 to vector<16xi32>
      %mul3A_218 = arith.muli %get3A_215, %mul3A_217 : vector<16xi32>
      %add3A_219 = arith.addi %mul3A_218, %get3A_209 : vector<16xi32>
      %jit3A = arith.constant 0 : i32
      %broadcast_in_dim3A = vector.broadcast %jit3A : i32 to vector<16xi32>
      %select_n3A = arith.select %lt3A_207, %add3A_219, %broadcast_in_dim3A : vector<16xi1>, vector<16xi32>
      %swap3A = arith.index_cast %scan3A_199 : i32 to index
      %swap3A_220 = arith.constant 0 : index
      %swap3A_221 = tpu.vector_load %arg14[%swap3A, %swap3A_220] {strides = array<i32>} : memref<40x128xi32, #tpu.memory_space<vmem>>, vector<1x16xi32>,
      %swap3A_222 = vector.shape_cast %swap3A_221 : vector<1x16xi32> to vector<16xi32>
      %swap3A_223 = vector.shape_cast %select_n3A : vector<16xi32> to vector<1x16xi32>
      tpu.vector_store %arg14[%swap3A, %swap3A_220], %swap3A_223 {strides = array<i32>} : memref<40x128xi32, #tpu.memory_space<vmem>>, vector<1x16xi32>,
      %add3A_224 = arith.addi %mul3A_218, %get3A_212 : vector<16xi32>
      %jit3A_225 = arith.constant 40952 : i32
      %broadcast_in_dim3A_226 = vector.broadcast %jit3A_225 : i32 to vector<16xi32>
      %select_n3A_227 = arith.select %lt3A_207, %add3A_224, %broadcast_in_dim3A_226 : vector<16xi1>, vector<16xi32>
      %swap3A_228 = arith.index_cast %scan3A_199 : i32 to index
      %swap3A_229 = arith.constant 0 : index
      %swap3A_230 = tpu.vector_load %arg15[%swap3A_228, %swap3A_229] {strides = array<i32>} : memref<40x128xi32, #tpu.memory_space<vmem>>, vector<1x16xi32>,
      %swap3A_231 = vector.shape_cast %swap3A_230 : vector<1x16xi32> to vector<16xi32>
      %swap3A_232 = vector.shape_cast %select_n3A_227 : vector<16xi32> to vector<1x16xi32>
      tpu.vector_store %arg15[%swap3A_228, %swap3A_229], %swap3A_232 {strides = array<i32>} : memref<40x128xi32, #tpu.memory_space<vmem>>, vector<1x16xi32>,
      %add3A_233 = arith.constant 16 : i32
      %add3A_234 = arith.addi %mul3A_201, %add3A_233 : i32
      %add3A_235 = vector.broadcast %add3A_234 : i32 to vector<16xi32>
      %add3A_236 = arith.addi %iota3A, %add3A_235 : vector<16xi32>
      %lt3A_237 = arith.constant 5000 : i32
      %lt3A_238 = vector.broadcast %lt3A_237 : i32 to vector<16xi32>
      %lt3A_239 = arith.cmpi slt, %add3A_236, %lt3A_238 : vector<16xi32>
      %get3A_240 = arith.index_cast %add3A_234 : i32 to index
      %get3A_241 = tpu.vector_load %arg11[%get3A_240] {strides = array<i32>} : memref<5120xi32, #tpu.memory_space<vmem>>, vector<16xi32>,
      %get3A_242 = vector.shape_cast %get3A_241 : vector<16xi32> to vector<16xi32>
      %get3A_243 = arith.index_cast %add3A_234 : i32 to index
      %get3A_244 = tpu.vector_load %arg12[%get3A_243] {strides = array<i32>} : memref<5120xi32, #tpu.memory_space<vmem>>, vector<16xi32>,
      %get3A_245 = vector.shape_cast %get3A_244 : vector<16xi32> to vector<16xi32>
      %get3A_246 = arith.index_cast %add3A_234 : i32 to index
      %get3A_247 = tpu.vector_load %arg13[%get3A_246] {strides = array<i32>} : memref<5120xi32, #tpu.memory_space<vmem>>, vector<16xi32>,
      %get3A_248 = vector.shape_cast %get3A_247 : vector<16xi32> to vector<16xi32>
      %mul3A_249 = arith.constant 10240 : i32
      %mul3A_250 = vector.broadcast %mul3A_249 : i32 to vector<16xi32>
      %mul3A_251 = arith.muli %get3A_248, %mul3A_250 : vector<16xi32>
      %add3A_252 = arith.addi %mul3A_251, %get3A_242 : vector<16xi32>
      %jit3A_253 = arith.constant 0 : i32
      %broadcast_in_dim3A_254 = vector.broadcast %jit3A_253 : i32 to vector<16xi32>
      %select_n3A_255 = arith.select %lt3A_239, %add3A_252, %broadcast_in_dim3A_254 : vector<16xi1>, vector<16xi32>
      %swap3A_256 = arith.index_cast %scan3A_199 : i32 to index
      %swap3A_257 = arith.constant 16 : index
      %swap3A_258 = tpu.vector_load %arg14[%swap3A_256, %swap3A_257] {strides = array<i32>} : memref<40x128xi32, #tpu.memory_space<vmem>>, vector<1x16xi32>,
      %swap3A_259 = vector.shape_cast %swap3A_258 : vector<1x16xi32> to vector<16xi32>
      %swap3A_260 = vector.shape_cast %select_n3A_255 : vector<16xi32> to vector<1x16xi32>
      tpu.vector_store %arg14[%swap3A_256, %swap3A_257], %swap3A_260 {strides = array<i32>} : memref<40x128xi32, #tpu.memory_space<vmem>>, vector<1x16xi32>,
      %add3A_261 = arith.addi %mul3A_251, %get3A_245 : vector<16xi32>
      %jit3A_262 = arith.constant 40952 : i32
      %broadcast_in_dim3A_263 = vector.broadcast %jit3A_262 : i32 to vector<16xi32>
      %select_n3A_264 = arith.select %lt3A_239, %add3A_261, %broadcast_in_dim3A_263 : vector<16xi1>, vector<16xi32>
      %swap3A_265 = arith.index_cast %scan3A_199 : i32 to index
      %swap3A_266 = arith.constant 16 : index
      %swap3A_267 = tpu.vector_load %arg15[%swap3A_265, %swap3A_266] {strides = array<i32>} : memref<40x128xi32, #tpu.memory_space<vmem>>, vector<1x16xi32>,
      %swap3A_268 = vector.shape_cast %swap3A_267 : vector<1x16xi32> to vector<16xi32>
      %swap3A_269 = vector.shape_cast %select_n3A_264 : vector<16xi32> to vector<1x16xi32>
      tpu.vector_store %arg15[%swap3A_265, %swap3A_266], %swap3A_269 {strides = array<i32>} : memref<40x128xi32, #tpu.memory_space<vmem>>, vector<1x16xi32>,
      %add3A_270 = arith.constant 32 : i32
      %add3A_271 = arith.addi %mul3A_201, %add3A_270 : i32
      %add3A_272 = vector.broadcast %add3A_271 : i32 to vector<16xi32>
      %add3A_273 = arith.addi %iota3A, %add3A_272 : vector<16xi32>
      %lt3A_274 = arith.constant 5000 : i32
      %lt3A_275 = vector.broadcast %lt3A_274 : i32 to vector<16xi32>
      %lt3A_276 = arith.cmpi slt, %add3A_273, %lt3A_275 : vector<16xi32>
      %get3A_277 = arith.index_cast %add3A_271 : i32 to index
      %get3A_278 = tpu.vector_load %arg11[%get3A_277] {strides = array<i32>} : memref<5120xi32, #tpu.memory_space<vmem>>, vector<16xi32>,
      %get3A_279 = vector.shape_cast %get3A_278 : vector<16xi32> to vector<16xi32>
      %get3A_280 = arith.index_cast %add3A_271 : i32 to index
      %get3A_281 = tpu.vector_load %arg12[%get3A_280] {strides = array<i32>} : memref<5120xi32, #tpu.memory_space<vmem>>, vector<16xi32>,
      %get3A_282 = vector.shape_cast %get3A_281 : vector<16xi32> to vector<16xi32>
      %get3A_283 = arith.index_cast %add3A_271 : i32 to index
      %get3A_284 = tpu.vector_load %arg13[%get3A_283] {strides = array<i32>} : memref<5120xi32, #tpu.memory_space<vmem>>, vector<16xi32>,
      %get3A_285 = vector.shape_cast %get3A_284 : vector<16xi32> to vector<16xi32>
      %mul3A_286 = arith.constant 10240 : i32
      %mul3A_287 = vector.broadcast %mul3A_286 : i32 to vector<16xi32>
      %mul3A_288 = arith.muli %get3A_285, %mul3A_287 : vector<16xi32>
      %add3A_289 = arith.addi %mul3A_288, %get3A_279 : vector<16xi32>
      %jit3A_290 = arith.constant 0 : i32
      %broadcast_in_dim3A_291 = vector.broadcast %jit3A_290 : i32 to vector<16xi32>
      %select_n3A_292 = arith.select %lt3A_276, %add3A_289, %broadcast_in_dim3A_291 : vector<16xi1>, vector<16xi32>
      %swap3A_293 = arith.index_cast %scan3A_199 : i32 to index
      %swap3A_294 = arith.constant 32 : index
      %swap3A_295 = tpu.vector_load %arg14[%swap3A_293, %swap3A_294] {strides = array<i32>} : memref<40x128xi32, #tpu.memory_space<vmem>>, vector<1x16xi32>,
      %swap3A_296 = vector.shape_cast %swap3A_295 : vector<1x16xi32> to vector<16xi32>
      %swap3A_297 = vector.shape_cast %select_n3A_292 : vector<16xi32> to vector<1x16xi32>
      tpu.vector_store %arg14[%swap3A_293, %swap3A_294], %swap3A_297 {strides = array<i32>} : memref<40x128xi32, #tpu.memory_space<vmem>>, vector<1x16xi32>,
      %add3A_298 = arith.addi %mul3A_288, %get3A_282 : vector<16xi32>
      %jit3A_299 = arith.constant 40952 : i32
      %broadcast_in_dim3A_300 = vector.broadcast %jit3A_299 : i32 to vector<16xi32>
      %select_n3A_301 = arith.select %lt3A_276, %add3A_298, %broadcast_in_dim3A_300 : vector<16xi1>, vector<16xi32>
      %swap3A_302 = arith.index_cast %scan3A_199 : i32 to index
      %swap3A_303 = arith.constant 32 : index
      %swap3A_304 = tpu.vector_load %arg15[%swap3A_302, %swap3A_303] {strides = array<i32>} : memref<40x128xi32, #tpu.memory_space<vmem>>, vector<1x16xi32>,
      %swap3A_305 = vector.shape_cast %swap3A_304 : vector<1x16xi32> to vector<16xi32>
      %swap3A_306 = vector.shape_cast %select_n3A_301 : vector<16xi32> to vector<1x16xi32>
      tpu.vector_store %arg15[%swap3A_302, %swap3A_303], %swap3A_306 {strides = array<i32>} : memref<40x128xi32, #tpu.memory_space<vmem>>, vector<1x16xi32>,
      %add3A_307 = arith.constant 48 : i32
      %add3A_308 = arith.addi %mul3A_201, %add3A_307 : i32
      %add3A_309 = vector.broadcast %add3A_308 : i32 to vector<16xi32>
      %add3A_310 = arith.addi %iota3A, %add3A_309 : vector<16xi32>
      %lt3A_311 = arith.constant 5000 : i32
      %lt3A_312 = vector.broadcast %lt3A_311 : i32 to vector<16xi32>
      %lt3A_313 = arith.cmpi slt, %add3A_310, %lt3A_312 : vector<16xi32>
      %get3A_314 = arith.index_cast %add3A_308 : i32 to index
      %get3A_315 = tpu.vector_load %arg11[%get3A_314] {strides = array<i32>} : memref<5120xi32, #tpu.memory_space<vmem>>, vector<16xi32>,
      %get3A_316 = vector.shape_cast %get3A_315 : vector<16xi32> to vector<16xi32>
      %get3A_317 = arith.index_cast %add3A_308 : i32 to index
      %get3A_318 = tpu.vector_load %arg12[%get3A_317] {strides = array<i32>} : memref<5120xi32, #tpu.memory_space<vmem>>, vector<16xi32>,
      %get3A_319 = vector.shape_cast %get3A_318 : vector<16xi32> to vector<16xi32>
      %get3A_320 = arith.index_cast %add3A_308 : i32 to index
      %get3A_321 = tpu.vector_load %arg13[%get3A_320] {strides = array<i32>} : memref<5120xi32, #tpu.memory_space<vmem>>, vector<16xi32>,
      %get3A_322 = vector.shape_cast %get3A_321 : vector<16xi32> to vector<16xi32>
      %mul3A_323 = arith.constant 10240 : i32
      %mul3A_324 = vector.broadcast %mul3A_323 : i32 to vector<16xi32>
      %mul3A_325 = arith.muli %get3A_322, %mul3A_324 : vector<16xi32>
      %add3A_326 = arith.addi %mul3A_325, %get3A_316 : vector<16xi32>
      %jit3A_327 = arith.constant 0 : i32
      %broadcast_in_dim3A_328 = vector.broadcast %jit3A_327 : i32 to vector<16xi32>
      %select_n3A_329 = arith.select %lt3A_313, %add3A_326, %broadcast_in_dim3A_328 : vector<16xi1>, vector<16xi32>
      %swap3A_330 = arith.index_cast %scan3A_199 : i32 to index
      %swap3A_331 = arith.constant 48 : index
      %swap3A_332 = tpu.vector_load %arg14[%swap3A_330, %swap3A_331] {strides = array<i32>} : memref<40x128xi32, #tpu.memory_space<vmem>>, vector<1x16xi32>,
      %swap3A_333 = vector.shape_cast %swap3A_332 : vector<1x16xi32> to vector<16xi32>
      %swap3A_334 = vector.shape_cast %select_n3A_329 : vector<16xi32> to vector<1x16xi32>
      tpu.vector_store %arg14[%swap3A_330, %swap3A_331], %swap3A_334 {strides = array<i32>} : memref<40x128xi32, #tpu.memory_space<vmem>>, vector<1x16xi32>,
      %add3A_335 = arith.addi %mul3A_325, %get3A_319 : vector<16xi32>
      %jit3A_336 = arith.constant 40952 : i32
      %broadcast_in_dim3A_337 = vector.broadcast %jit3A_336 : i32 to vector<16xi32>
      %select_n3A_338 = arith.select %lt3A_313, %add3A_335, %broadcast_in_dim3A_337 : vector<16xi1>, vector<16xi32>
      %swap3A_339 = arith.index_cast %scan3A_199 : i32 to index
      %swap3A_340 = arith.constant 48 : index
      %swap3A_341 = tpu.vector_load %arg15[%swap3A_339, %swap3A_340] {strides = array<i32>} : memref<40x128xi32, #tpu.memory_space<vmem>>, vector<1x16xi32>,
      %swap3A_342 = vector.shape_cast %swap3A_341 : vector<1x16xi32> to vector<16xi32>
      %swap3A_343 = vector.shape_cast %select_n3A_338 : vector<16xi32> to vector<1x16xi32>
      tpu.vector_store %arg15[%swap3A_339, %swap3A_340], %swap3A_343 {strides = array<i32>} : memref<40x128xi32, #tpu.memory_space<vmem>>, vector<1x16xi32>,
      %add3A_344 = arith.constant 64 : i32
      %add3A_345 = arith.addi %mul3A_201, %add3A_344 : i32
      %add3A_346 = vector.broadcast %add3A_345 : i32 to vector<16xi32>
      %add3A_347 = arith.addi %iota3A, %add3A_346 : vector<16xi32>
      %lt3A_348 = arith.constant 5000 : i32
      %lt3A_349 = vector.broadcast %lt3A_348 : i32 to vector<16xi32>
      %lt3A_350 = arith.cmpi slt, %add3A_347, %lt3A_349 : vector<16xi32>
      %get3A_351 = arith.index_cast %add3A_345 : i32 to index
      %get3A_352 = tpu.vector_load %arg11[%get3A_351] {strides = array<i32>} : memref<5120xi32, #tpu.memory_space<vmem>>, vector<16xi32>,
      %get3A_353 = vector.shape_cast %get3A_352 : vector<16xi32> to vector<16xi32>
      %get3A_354 = arith.index_cast %add3A_345 : i32 to index
      %get3A_355 = tpu.vector_load %arg12[%get3A_354] {strides = array<i32>} : memref<5120xi32, #tpu.memory_space<vmem>>, vector<16xi32>,
      %get3A_356 = vector.shape_cast %get3A_355 : vector<16xi32> to vector<16xi32>
      %get3A_357 = arith.index_cast %add3A_345 : i32 to index
      %get3A_358 = tpu.vector_load %arg13[%get3A_357] {strides = array<i32>} : memref<5120xi32, #tpu.memory_space<vmem>>, vector<16xi32>,
      %get3A_359 = vector.shape_cast %get3A_358 : vector<16xi32> to vector<16xi32>
      %mul3A_360 = arith.constant 10240 : i32
      %mul3A_361 = vector.broadcast %mul3A_360 : i32 to vector<16xi32>
      %mul3A_362 = arith.muli %get3A_359, %mul3A_361 : vector<16xi32>
      %add3A_363 = arith.addi %mul3A_362, %get3A_353 : vector<16xi32>
      %jit3A_364 = arith.constant 0 : i32
      %broadcast_in_dim3A_365 = vector.broadcast %jit3A_364 : i32 to vector<16xi32>
      %select_n3A_366 = arith.select %lt3A_350, %add3A_363, %broadcast_in_dim3A_365 : vector<16xi1>, vector<16xi32>
      %swap3A_367 = arith.index_cast %scan3A_199 : i32 to index
      %swap3A_368 = arith.constant 64 : index
      %swap3A_369 = tpu.vector_load %arg14[%swap3A_367, %swap3A_368] {strides = array<i32>} : memref<40x128xi32, #tpu.memory_space<vmem>>, vector<1x16xi32>,
      %swap3A_370 = vector.shape_cast %swap3A_369 : vector<1x16xi32> to vector<16xi32>
      %swap3A_371 = vector.shape_cast %select_n3A_366 : vector<16xi32> to vector<1x16xi32>
      tpu.vector_store %arg14[%swap3A_367, %swap3A_368], %swap3A_371 {strides = array<i32>} : memref<40x128xi32, #tpu.memory_space<vmem>>, vector<1x16xi32>,
      %add3A_372 = arith.addi %mul3A_362, %get3A_356 : vector<16xi32>
      %jit3A_373 = arith.constant 40952 : i32
      %broadcast_in_dim3A_374 = vector.broadcast %jit3A_373 : i32 to vector<16xi32>
      %select_n3A_375 = arith.select %lt3A_350, %add3A_372, %broadcast_in_dim3A_374 : vector<16xi1>, vector<16xi32>
      %swap3A_376 = arith.index_cast %scan3A_199 : i32 to index
      %swap3A_377 = arith.constant 64 : index
      %swap3A_378 = tpu.vector_load %arg15[%swap3A_376, %swap3A_377] {strides = array<i32>} : memref<40x128xi32, #tpu.memory_space<vmem>>, vector<1x16xi32>,
      %swap3A_379 = vector.shape_cast %swap3A_378 : vector<1x16xi32> to vector<16xi32>
      %swap3A_380 = vector.shape_cast %select_n3A_375 : vector<16xi32> to vector<1x16xi32>
      tpu.vector_store %arg15[%swap3A_376, %swap3A_377], %swap3A_380 {strides = array<i32>} : memref<40x128xi32, #tpu.memory_space<vmem>>, vector<1x16xi32>,
      %add3A_381 = arith.constant 80 : i32
      %add3A_382 = arith.addi %mul3A_201, %add3A_381 : i32
      %add3A_383 = vector.broadcast %add3A_382 : i32 to vector<16xi32>
      %add3A_384 = arith.addi %iota3A, %add3A_383 : vector<16xi32>
      %lt3A_385 = arith.constant 5000 : i32
      %lt3A_386 = vector.broadcast %lt3A_385 : i32 to vector<16xi32>
      %lt3A_387 = arith.cmpi slt, %add3A_384, %lt3A_386 : vector<16xi32>
      %get3A_388 = arith.index_cast %add3A_382 : i32 to index
      %get3A_389 = tpu.vector_load %arg11[%get3A_388] {strides = array<i32>} : memref<5120xi32, #tpu.memory_space<vmem>>, vector<16xi32>,
      %get3A_390 = vector.shape_cast %get3A_389 : vector<16xi32> to vector<16xi32>
      %get3A_391 = arith.index_cast %add3A_382 : i32 to index
      %get3A_392 = tpu.vector_load %arg12[%get3A_391] {strides = array<i32>} : memref<5120xi32, #tpu.memory_space<vmem>>, vector<16xi32>,
      %get3A_393 = vector.shape_cast %get3A_392 : vector<16xi32> to vector<16xi32>
      %get3A_394 = arith.index_cast %add3A_382 : i32 to index
      %get3A_395 = tpu.vector_load %arg13[%get3A_394] {strides = array<i32>} : memref<5120xi32, #tpu.memory_space<vmem>>, vector<16xi32>,
      %get3A_396 = vector.shape_cast %get3A_395 : vector<16xi32> to vector<16xi32>
      %mul3A_397 = arith.constant 10240 : i32
      %mul3A_398 = vector.broadcast %mul3A_397 : i32 to vector<16xi32>
      %mul3A_399 = arith.muli %get3A_396, %mul3A_398 : vector<16xi32>
      %add3A_400 = arith.addi %mul3A_399, %get3A_390 : vector<16xi32>
      %jit3A_401 = arith.constant 0 : i32
      %broadcast_in_dim3A_402 = vector.broadcast %jit3A_401 : i32 to vector<16xi32>
      %select_n3A_403 = arith.select %lt3A_387, %add3A_400, %broadcast_in_dim3A_402 : vector<16xi1>, vector<16xi32>
      %swap3A_404 = arith.index_cast %scan3A_199 : i32 to index
      %swap3A_405 = arith.constant 80 : index
      %swap3A_406 = tpu.vector_load %arg14[%swap3A_404, %swap3A_405] {strides = array<i32>} : memref<40x128xi32, #tpu.memory_space<vmem>>, vector<1x16xi32>,
      %swap3A_407 = vector.shape_cast %swap3A_406 : vector<1x16xi32> to vector<16xi32>
      %swap3A_408 = vector.shape_cast %select_n3A_403 : vector<16xi32> to vector<1x16xi32>
      tpu.vector_store %arg14[%swap3A_404, %swap3A_405], %swap3A_408 {strides = array<i32>} : memref<40x128xi32, #tpu.memory_space<vmem>>, vector<1x16xi32>,
      %add3A_409 = arith.addi %mul3A_399, %get3A_393 : vector<16xi32>
      %jit3A_410 = arith.constant 40952 : i32
      %broadcast_in_dim3A_411 = vector.broadcast %jit3A_410 : i32 to vector<16xi32>
      %select_n3A_412 = arith.select %lt3A_387, %add3A_409, %broadcast_in_dim3A_411 : vector<16xi1>, vector<16xi32>
      %swap3A_413 = arith.index_cast %scan3A_199 : i32 to index
      %swap3A_414 = arith.constant 80 : index
      %swap3A_415 = tpu.vector_load %arg15[%swap3A_413, %swap3A_414] {strides = array<i32>} : memref<40x128xi32, #tpu.memory_space<vmem>>, vector<1x16xi32>,
      %swap3A_416 = vector.shape_cast %swap3A_415 : vector<1x16xi32> to vector<16xi32>
      %swap3A_417 = vector.shape_cast %select_n3A_412 : vector<16xi32> to vector<1x16xi32>
      tpu.vector_store %arg15[%swap3A_413, %swap3A_414], %swap3A_417 {strides = array<i32>} : memref<40x128xi32, #tpu.memory_space<vmem>>, vector<1x16xi32>,
      %add3A_418 = arith.constant 96 : i32
      %add3A_419 = arith.addi %mul3A_201, %add3A_418 : i32
      %add3A_420 = vector.broadcast %add3A_419 : i32 to vector<16xi32>
      %add3A_421 = arith.addi %iota3A, %add3A_420 : vector<16xi32>
      %lt3A_422 = arith.constant 5000 : i32
      %lt3A_423 = vector.broadcast %lt3A_422 : i32 to vector<16xi32>
      %lt3A_424 = arith.cmpi slt, %add3A_421, %lt3A_423 : vector<16xi32>
      %get3A_425 = arith.index_cast %add3A_419 : i32 to index
      %get3A_426 = tpu.vector_load %arg11[%get3A_425] {strides = array<i32>} : memref<5120xi32, #tpu.memory_space<vmem>>, vector<16xi32>,
      %get3A_427 = vector.shape_cast %get3A_426 : vector<16xi32> to vector<16xi32>
      %get3A_428 = arith.index_cast %add3A_419 : i32 to index
      %get3A_429 = tpu.vector_load %arg12[%get3A_428] {strides = array<i32>} : memref<5120xi32, #tpu.memory_space<vmem>>, vector<16xi32>,
      %get3A_430 = vector.shape_cast %get3A_429 : vector<16xi32> to vector<16xi32>
      %get3A_431 = arith.index_cast %add3A_419 : i32 to index
      %get3A_432 = tpu.vector_load %arg13[%get3A_431] {strides = array<i32>} : memref<5120xi32, #tpu.memory_space<vmem>>, vector<16xi32>,
      %get3A_433 = vector.shape_cast %get3A_432 : vector<16xi32> to vector<16xi32>
      %mul3A_434 = arith.constant 10240 : i32
      %mul3A_435 = vector.broadcast %mul3A_434 : i32 to vector<16xi32>
      %mul3A_436 = arith.muli %get3A_433, %mul3A_435 : vector<16xi32>
      %add3A_437 = arith.addi %mul3A_436, %get3A_427 : vector<16xi32>
      %jit3A_438 = arith.constant 0 : i32
      %broadcast_in_dim3A_439 = vector.broadcast %jit3A_438 : i32 to vector<16xi32>
      %select_n3A_440 = arith.select %lt3A_424, %add3A_437, %broadcast_in_dim3A_439 : vector<16xi1>, vector<16xi32>
      %swap3A_441 = arith.index_cast %scan3A_199 : i32 to index
      %swap3A_442 = arith.constant 96 : index
      %swap3A_443 = tpu.vector_load %arg14[%swap3A_441, %swap3A_442] {strides = array<i32>} : memref<40x128xi32, #tpu.memory_space<vmem>>, vector<1x16xi32>,
      %swap3A_444 = vector.shape_cast %swap3A_443 : vector<1x16xi32> to vector<16xi32>
      %swap3A_445 = vector.shape_cast %select_n3A_440 : vector<16xi32> to vector<1x16xi32>
      tpu.vector_store %arg14[%swap3A_441, %swap3A_442], %swap3A_445 {strides = array<i32>} : memref<40x128xi32, #tpu.memory_space<vmem>>, vector<1x16xi32>,
      %add3A_446 = arith.addi %mul3A_436, %get3A_430 : vector<16xi32>
      %jit3A_447 = arith.constant 40952 : i32
      %broadcast_in_dim3A_448 = vector.broadcast %jit3A_447 : i32 to vector<16xi32>
      %select_n3A_449 = arith.select %lt3A_424, %add3A_446, %broadcast_in_dim3A_448 : vector<16xi1>, vector<16xi32>
      %swap3A_450 = arith.index_cast %scan3A_199 : i32 to index
      %swap3A_451 = arith.constant 96 : index
      %swap3A_452 = tpu.vector_load %arg15[%swap3A_450, %swap3A_451] {strides = array<i32>} : memref<40x128xi32, #tpu.memory_space<vmem>>, vector<1x16xi32>,
      %swap3A_453 = vector.shape_cast %swap3A_452 : vector<1x16xi32> to vector<16xi32>
      %swap3A_454 = vector.shape_cast %select_n3A_449 : vector<16xi32> to vector<1x16xi32>
      tpu.vector_store %arg15[%swap3A_450, %swap3A_451], %swap3A_454 {strides = array<i32>} : memref<40x128xi32, #tpu.memory_space<vmem>>, vector<1x16xi32>,
      %add3A_455 = arith.constant 112 : i32
      %add3A_456 = arith.addi %mul3A_201, %add3A_455 : i32
      %add3A_457 = vector.broadcast %add3A_456 : i32 to vector<16xi32>
      %add3A_458 = arith.addi %iota3A, %add3A_457 : vector<16xi32>
      %lt3A_459 = arith.constant 5000 : i32
      %lt3A_460 = vector.broadcast %lt3A_459 : i32 to vector<16xi32>
      %lt3A_461 = arith.cmpi slt, %add3A_458, %lt3A_460 : vector<16xi32>
      %get3A_462 = arith.index_cast %add3A_456 : i32 to index
      %get3A_463 = tpu.vector_load %arg11[%get3A_462] {strides = array<i32>} : memref<5120xi32, #tpu.memory_space<vmem>>, vector<16xi32>,
      %get3A_464 = vector.shape_cast %get3A_463 : vector<16xi32> to vector<16xi32>
      %get3A_465 = arith.index_cast %add3A_456 : i32 to index
      %get3A_466 = tpu.vector_load %arg12[%get3A_465] {strides = array<i32>} : memref<5120xi32, #tpu.memory_space<vmem>>, vector<16xi32>,
      %get3A_467 = vector.shape_cast %get3A_466 : vector<16xi32> to vector<16xi32>
      %get3A_468 = arith.index_cast %add3A_456 : i32 to index
      %get3A_469 = tpu.vector_load %arg13[%get3A_468] {strides = array<i32>} : memref<5120xi32, #tpu.memory_space<vmem>>, vector<16xi32>,
      %get3A_470 = vector.shape_cast %get3A_469 : vector<16xi32> to vector<16xi32>
      %mul3A_471 = arith.constant 10240 : i32
      %mul3A_472 = vector.broadcast %mul3A_471 : i32 to vector<16xi32>
      %mul3A_473 = arith.muli %get3A_470, %mul3A_472 : vector<16xi32>
      %add3A_474 = arith.addi %mul3A_473, %get3A_464 : vector<16xi32>
      %jit3A_475 = arith.constant 0 : i32
      %broadcast_in_dim3A_476 = vector.broadcast %jit3A_475 : i32 to vector<16xi32>
      %select_n3A_477 = arith.select %lt3A_461, %add3A_474, %broadcast_in_dim3A_476 : vector<16xi1>, vector<16xi32>
      %swap3A_478 = arith.index_cast %scan3A_199 : i32 to index
      %swap3A_479 = arith.constant 112 : index
      %swap3A_480 = tpu.vector_load %arg14[%swap3A_478, %swap3A_479] {strides = array<i32>} : memref<40x128xi32, #tpu.memory_space<vmem>>, vector<1x16xi32>,
      %swap3A_481 = vector.shape_cast %swap3A_480 : vector<1x16xi32> to vector<16xi32>
      %swap3A_482 = vector.shape_cast %select_n3A_477 : vector<16xi32> to vector<1x16xi32>
      tpu.vector_store %arg14[%swap3A_478, %swap3A_479], %swap3A_482 {strides = array<i32>} : memref<40x128xi32, #tpu.memory_space<vmem>>, vector<1x16xi32>,
      %add3A_483 = arith.addi %mul3A_473, %get3A_467 : vector<16xi32>
      %jit3A_484 = arith.constant 40952 : i32
      %broadcast_in_dim3A_485 = vector.broadcast %jit3A_484 : i32 to vector<16xi32>
      %select_n3A_486 = arith.select %lt3A_461, %add3A_483, %broadcast_in_dim3A_485 : vector<16xi1>, vector<16xi32>
      %swap3A_487 = arith.index_cast %scan3A_199 : i32 to index
      %swap3A_488 = arith.constant 112 : index
      %swap3A_489 = tpu.vector_load %arg15[%swap3A_487, %swap3A_488] {strides = array<i32>} : memref<40x128xi32, #tpu.memory_space<vmem>>, vector<1x16xi32>,
      %swap3A_490 = vector.shape_cast %swap3A_489 : vector<1x16xi32> to vector<16xi32>
      %swap3A_491 = vector.shape_cast %select_n3A_486 : vector<16xi32> to vector<1x16xi32>
      tpu.vector_store %arg15[%swap3A_487, %swap3A_488], %swap3A_491 {strides = array<i32>} : memref<40x128xi32, #tpu.memory_space<vmem>>, vector<1x16xi32>,
    }
    %scan3A_47 = arith.constant 40 : i32
    %dma_wait3A_48 = arith.constant 0 : i32
    %dma_wait3A_49 = tpu.memref_slice %arg9[%mul3A_4, %dma_wait3A_48] : memref<40960x16xf32, #tpu.memory_space<vmem_shared>> -> memref<2560x16xf32, #tpu.memory_space<vmem_shared>>
    tpu.wait_dma2 semaphore(%arg25 : memref<!tpu.dma_semaphore, #tpu.memory_space<semaphore_mem>>) src(%arg5 : memref<2560x16xf32, #tpu.memory_space<hbm>>) dst(%dma_wait3A_49 : memref<2560x16xf32, #tpu.memory_space<vmem_shared>>)
    %dma_wait3A_50 = arith.constant 0 : i32
    %dma_wait3A_51 = tpu.memref_slice %arg10[%mul3A_4, %dma_wait3A_50] : memref<40960x16xf32, #tpu.memory_space<vmem_shared>> -> memref<2560x16xf32, #tpu.memory_space<vmem_shared>>
    tpu.wait_dma2 semaphore(%arg26 : memref<!tpu.dma_semaphore, #tpu.memory_space<semaphore_mem>>) src(%arg5 : memref<2560x16xf32, #tpu.memory_space<hbm>>) dst(%dma_wait3A_51 : memref<2560x16xf32, #tpu.memory_space<vmem_shared>>)
    %barrier3A = arith.constant 0 : index
    tpu.barrier barrier_id(%barrier3A)
    %dma_start3A_52 = arith.constant 0 : i32
    %dma_start3A_53 = arith.constant 0 : i32
    %dma_start3A_54 = tpu.memref_slice %arg14[%dma_start3A_52, %dma_start3A_53] : memref<40x128xi32, #tpu.memory_space<vmem>> -> memref<1x128xi32, #tpu.memory_space<vmem>>
    %dma_start3A_55 = tpu.memref_squeeze %dma_start3A_54 : memref<1x128xi32, #tpu.memory_space<vmem>> -> memref<128xi32, #tpu.memory_space<vmem>>
    %dma_start3A_56 = arith.constant 0 : i32
    %dma_start3A_57 = arith.constant 0 : i32
    %dma_start3A_58 = tpu.memref_slice %arg2[%dma_start3A_56, %dma_start3A_57] : memref<40960x16xf32, #tpu.memory_space<hbm>> -> memref<40960x16xf32, #tpu.memory_space<hbm>>
    tpu.enqueue_indirect_dma source(%dma_start3A_58 : memref<40960x16xf32, #tpu.memory_space<hbm>>) target(%arg16 : memref<128x16xf32, #tpu.memory_space<vmem>>) offsets(%dma_start3A_55 : memref<128xi32, #tpu.memory_space<vmem>>) semaphore(%arg25 : memref<!tpu.dma_semaphore, #tpu.memory_space<semaphore_mem>>)
    %dma_start3A_59 = arith.constant 1 : i32
    %dma_start3A_60 = arith.constant 0 : i32
    %dma_start3A_61 = tpu.memref_slice %arg14[%dma_start3A_59, %dma_start3A_60] : memref<40x128xi32, #tpu.memory_space<vmem>> -> memref<1x128xi32, #tpu.memory_space<vmem>>
    %dma_start3A_62 = tpu.memref_squeeze %dma_start3A_61 : memref<1x128xi32, #tpu.memory_space<vmem>> -> memref<128xi32, #tpu.memory_space<vmem>>
    %dma_start3A_63 = arith.constant 0 : i32
    %dma_start3A_64 = arith.constant 0 : i32
    %dma_start3A_65 = tpu.memref_slice %arg2[%dma_start3A_63, %dma_start3A_64] : memref<40960x16xf32, #tpu.memory_space<hbm>> -> memref<40960x16xf32, #tpu.memory_space<hbm>>
    tpu.enqueue_indirect_dma source(%dma_start3A_65 : memref<40960x16xf32, #tpu.memory_space<hbm>>) target(%arg17 : memref<128x16xf32, #tpu.memory_space<vmem>>) offsets(%dma_start3A_62 : memref<128xi32, #tpu.memory_space<vmem>>) semaphore(%arg26 : memref<!tpu.dma_semaphore, #tpu.memory_space<semaphore_mem>>)
    %dma_start3A_66 = arith.constant 2 : i32
    %dma_start3A_67 = arith.constant 0 : i32
    %dma_start3A_68 = tpu.memref_slice %arg14[%dma_start3A_66, %dma_start3A_67] : memref<40x128xi32, #tpu.memory_space<vmem>> -> memref<1x128xi32, #tpu.memory_space<vmem>>
    %dma_start3A_69 = tpu.memref_squeeze %dma_start3A_68 : memref<1x128xi32, #tpu.memory_space<vmem>> -> memref<128xi32, #tpu.memory_space<vmem>>
    %dma_start3A_70 = arith.constant 0 : i32
    %dma_start3A_71 = arith.constant 0 : i32
    %dma_start3A_72 = tpu.memref_slice %arg2[%dma_start3A_70, %dma_start3A_71] : memref<40960x16xf32, #tpu.memory_space<hbm>> -> memref<40960x16xf32, #tpu.memory_space<hbm>>
    tpu.enqueue_indirect_dma source(%dma_start3A_72 : memref<40960x16xf32, #tpu.memory_space<hbm>>) target(%arg18 : memref<128x16xf32, #tpu.memory_space<vmem>>) offsets(%dma_start3A_69 : memref<128xi32, #tpu.memory_space<vmem>>) semaphore(%arg27 : memref<!tpu.dma_semaphore, #tpu.memory_space<semaphore_mem>>)
    %dma_start3A_73 = arith.constant 3 : i32
    %dma_start3A_74 = arith.constant 0 : i32
    %dma_start3A_75 = tpu.memref_slice %arg14[%dma_start3A_73, %dma_start3A_74] : memref<40x128xi32, #tpu.memory_space<vmem>> -> memref<1x128xi32, #tpu.memory_space<vmem>>
    %dma_start3A_76 = tpu.memref_squeeze %dma_start3A_75 : memref<1x128xi32, #tpu.memory_space<vmem>> -> memref<128xi32, #tpu.memory_space<vmem>>
    %dma_start3A_77 = arith.constant 0 : i32
    %dma_start3A_78 = arith.constant 0 : i32
    %dma_start3A_79 = tpu.memref_slice %arg2[%dma_start3A_77, %dma_start3A_78] : memref<40960x16xf32, #tpu.memory_space<hbm>> -> memref<40960x16xf32, #tpu.memory_space<hbm>>
    tpu.enqueue_indirect_dma source(%dma_start3A_79 : memref<40960x16xf32, #tpu.memory_space<hbm>>) target(%arg19 : memref<128x16xf32, #tpu.memory_space<vmem>>) offsets(%dma_start3A_76 : memref<128xi32, #tpu.memory_space<vmem>>) semaphore(%arg28 : memref<!tpu.dma_semaphore, #tpu.memory_space<semaphore_mem>>)
    %scan3A_80 = arith.constant 0 : i32
    %scan3A_81 = arith.constant 0 : i32
    %scan3A_82 = arith.constant 5 : i32
    %scan3A_83 = arith.addi %scan3A_81, %scan3A_82 : i32
    %scan3A_84 = arith.constant 1 : i32
    scf.for %scan3A_199 = %scan3A_81 to %scan3A_83 step %scan3A_84  : i32 {
      %mul3A_200 = arith.constant 8 : i32
      %mul3A_201 = arith.muli %scan3A_199, %mul3A_200 : i32
      %add3A_202 = arith.constant 0 : i32
      %add3A_203 = arith.addi %mul3A_201, %add3A_202 : i32
      %dma_wait3A_204 = arith.constant 0 : i32
      %dma_wait3A_205 = tpu.memref_slice %arg14[%add3A_203, %dma_wait3A_204] : memref<40x128xi32, #tpu.memory_space<vmem>> -> memref<1x128xi32, #tpu.memory_space<vmem>>
      %dma_wait3A_206 = tpu.memref_squeeze %dma_wait3A_205 : memref<1x128xi32, #tpu.memory_space<vmem>> -> memref<128xi32, #tpu.memory_space<vmem>>
      %dma_wait3A_207 = arith.constant 0 : i32
      %dma_wait3A_208 = arith.constant 0 : i32
      %dma_wait3A_209 = tpu.memref_slice %arg2[%dma_wait3A_207, %dma_wait3A_208] : memref<40960x16xf32, #tpu.memory_space<hbm>> -> memref<40960x16xf32, #tpu.memory_space<hbm>>
      tpu.wait_indirect_dma semaphore(%arg25 : memref<!tpu.dma_semaphore, #tpu.memory_space<semaphore_mem>>) src(%dma_wait3A_209 : memref<40960x16xf32, #tpu.memory_space<hbm>>) dst(%arg16 : memref<128x16xf32, #tpu.memory_space<vmem>>)
      %ge3A = arith.constant 8 : i32
      %ge3A_210 = arith.cmpi sge, %add3A_203, %ge3A : i32
      %convert_element_type3A = arith.extui %ge3A_210 : i1 to i32
      %cond3A = arith.constant 0 : i32
      %cond3A_211 = arith.cmpi ne, %convert_element_type3A, %cond3A : i32
      scf.if %cond3A_211 {
        %sub3A = arith.constant 8 : i32
        %sub3A_547 = arith.subi %add3A_203, %sub3A : i32
        %dma_wait3A_548 = arith.constant 0 : i32
        %dma_wait3A_549 = tpu.memref_slice %arg15[%sub3A_547, %dma_wait3A_548] : memref<40x128xi32, #tpu.memory_space<vmem>> -> memref<1x128xi32, #tpu.memory_space<vmem>>
        %dma_wait3A_550 = tpu.memref_squeeze %dma_wait3A_549 : memref<1x128xi32, #tpu.memory_space<vmem>> -> memref<128xi32, #tpu.memory_space<vmem>>
        %dma_wait3A_551 = arith.constant 0 : i32
        %dma_wait3A_552 = arith.constant 0 : i32
        %dma_wait3A_553 = tpu.memref_slice %arg10[%dma_wait3A_551, %dma_wait3A_552] : memref<40960x16xf32, #tpu.memory_space<vmem_shared>> -> memref<40960x16xf32, #tpu.memory_space<vmem_shared>>
        tpu.wait_indirect_dma semaphore(%arg41 : memref<!tpu.dma_semaphore, #tpu.memory_space<semaphore_mem>>) src(%arg24 : memref<128x16xf32, #tpu.memory_space<vmem>>) dst(%dma_wait3A_553 : memref<40960x16xf32, #tpu.memory_space<vmem_shared>>)
      } else {
      }
      %dma_start3A_212 = arith.constant 0 : i32
      %dma_start3A_213 = tpu.memref_slice %arg15[%add3A_203, %dma_start3A_212] : memref<40x128xi32, #tpu.memory_space<vmem>> -> memref<1x128xi32, #tpu.memory_space<vmem>>
      %dma_start3A_214 = tpu.memref_squeeze %dma_start3A_213 : memref<1x128xi32, #tpu.memory_space<vmem>> -> memref<128xi32, #tpu.memory_space<vmem>>
      %dma_start3A_215 = arith.constant 0 : i32
      %dma_start3A_216 = arith.constant 0 : i32
      %dma_start3A_217 = tpu.memref_slice %arg10[%dma_start3A_215, %dma_start3A_216] : memref<40960x16xf32, #tpu.memory_space<vmem_shared>> -> memref<40960x16xf32, #tpu.memory_space<vmem_shared>>
      tpu.enqueue_indirect_dma source(%arg24 : memref<128x16xf32, #tpu.memory_space<vmem>>) target(%dma_start3A_217 : memref<40960x16xf32, #tpu.memory_space<vmem_shared>>) offsets(%dma_start3A_214 : memref<128xi32, #tpu.memory_space<vmem>>) semaphore(%arg41 : memref<!tpu.dma_semaphore, #tpu.memory_space<semaphore_mem>>) {add = true}
      %dma_start3A_218 = arith.constant 0 : i32
      %dma_start3A_219 = tpu.memref_slice %arg15[%add3A_203, %dma_start3A_218] : memref<40x128xi32, #tpu.memory_space<vmem>> -> memref<1x128xi32, #tpu.memory_space<vmem>>
      %dma_start3A_220 = tpu.memref_squeeze %dma_start3A_219 : memref<1x128xi32, #tpu.memory_space<vmem>> -> memref<128xi32, #tpu.memory_space<vmem>>
      %dma_start3A_221 = arith.constant 0 : i32
      %dma_start3A_222 = arith.constant 0 : i32
      %dma_start3A_223 = tpu.memref_slice %arg9[%dma_start3A_221, %dma_start3A_222] : memref<40960x16xf32, #tpu.memory_space<vmem_shared>> -> memref<40960x16xf32, #tpu.memory_space<vmem_shared>>
      tpu.enqueue_indirect_dma source(%arg16 : memref<128x16xf32, #tpu.memory_space<vmem>>) target(%dma_start3A_223 : memref<40960x16xf32, #tpu.memory_space<vmem_shared>>) offsets(%dma_start3A_220 : memref<128xi32, #tpu.memory_space<vmem>>) semaphore(%arg33 : memref<!tpu.dma_semaphore, #tpu.memory_space<semaphore_mem>>) {add = true}
      %add3A_224 = arith.constant 4 : i32
      %add3A_225 = arith.addi %add3A_203, %add3A_224 : i32
      %lt3A = arith.constant 40 : i32
      %lt3A_226 = arith.cmpi slt, %add3A_225, %lt3A : i32
      %ge3A_227 = arith.constant 4 : i32
      %ge3A_228 = arith.cmpi sge, %add3A_203, %ge3A_227 : i32
      %and3A = arith.andi %lt3A_226, %ge3A_228 : i1
      %convert_element_type3A_229 = arith.extui %and3A : i1 to i32
      %cond3A_230 = arith.constant 0 : i32
      %cond3A_231 = arith.cmpi ne, %convert_element_type3A_229, %cond3A_230 : i32
      scf.if %cond3A_231 {
        %sub3A = arith.constant 4 : i32
        %sub3A_547 = arith.subi %add3A_203, %sub3A : i32
        %dma_wait3A_548 = arith.constant 0 : i32
        %dma_wait3A_549 = tpu.memref_slice %arg15[%sub3A_547, %dma_wait3A_548] : memref<40x128xi32, #tpu.memory_space<vmem>> -> memref<1x128xi32, #tpu.memory_space<vmem>>
        %dma_wait3A_550 = tpu.memref_squeeze %dma_wait3A_549 : memref<1x128xi32, #tpu.memory_space<vmem>> -> memref<128xi32, #tpu.memory_space<vmem>>
        %dma_wait3A_551 = arith.constant 0 : i32
        %dma_wait3A_552 = arith.constant 0 : i32
        %dma_wait3A_553 = tpu.memref_slice %arg9[%dma_wait3A_551, %dma_wait3A_552] : memref<40960x16xf32, #tpu.memory_space<vmem_shared>> -> memref<40960x16xf32, #tpu.memory_space<vmem_shared>>
        tpu.wait_indirect_dma semaphore(%arg37 : memref<!tpu.dma_semaphore, #tpu.memory_space<semaphore_mem>>) src(%arg20 : memref<128x16xf32, #tpu.memory_space<vmem>>) dst(%dma_wait3A_553 : memref<40960x16xf32, #tpu.memory_space<vmem_shared>>)
      } else {
      }
      %add3A_232 = arith.constant 4 : i32
      %add3A_233 = arith.addi %add3A_203, %add3A_232 : i32
      %lt3A_234 = arith.constant 40 : i32
      %lt3A_235 = arith.cmpi slt, %add3A_233, %lt3A_234 : i32
      %convert_element_type3A_236 = arith.extui %lt3A_235 : i1 to i32
      %cond3A_237 = arith.constant 0 : i32
      %cond3A_238 = arith.cmpi ne, %convert_element_type3A_236, %cond3A_237 : i32
      scf.if %cond3A_238 {
        %add3A_547 = arith.constant 4 : i32
        %add3A_548 = arith.addi %add3A_203, %add3A_547 : i32
        %dma_start3A_549 = arith.constant 0 : i32
        %dma_start3A_550 = tpu.memref_slice %arg14[%add3A_548, %dma_start3A_549] : memref<40x128xi32, #tpu.memory_space<vmem>> -> memref<1x128xi32, #tpu.memory_space<vmem>>
        %dma_start3A_551 = tpu.memref_squeeze %dma_start3A_550 : memref<1x128xi32, #tpu.memory_space<vmem>> -> memref<128xi32, #tpu.memory_space<vmem>>
        %dma_start3A_552 = arith.constant 0 : i32
        %dma_start3A_553 = arith.constant 0 : i32
        %dma_start3A_554 = tpu.memref_slice %arg2[%dma_start3A_552, %dma_start3A_553] : memref<40960x16xf32, #tpu.memory_space<hbm>> -> memref<40960x16xf32, #tpu.memory_space<hbm>>
        tpu.enqueue_indirect_dma source(%dma_start3A_554 : memref<40960x16xf32, #tpu.memory_space<hbm>>) target(%arg20 : memref<128x16xf32, #tpu.memory_space<vmem>>) offsets(%dma_start3A_551 : memref<128xi32, #tpu.memory_space<vmem>>) semaphore(%arg29 : memref<!tpu.dma_semaphore, #tpu.memory_space<semaphore_mem>>)
      } else {
      }
      %mul3A_239 = arith.constant 8 : i32
      %mul3A_240 = arith.muli %scan3A_199, %mul3A_239 : i32
      %add3A_241 = arith.constant 1 : i32
      %add3A_242 = arith.addi %mul3A_240, %add3A_241 : i32
      %dma_wait3A_243 = arith.constant 0 : i32
      %dma_wait3A_244 = tpu.memref_slice %arg14[%add3A_242, %dma_wait3A_243] : memref<40x128xi32, #tpu.memory_space<vmem>> -> memref<1x128xi32, #tpu.memory_space<vmem>>
      %dma_wait3A_245 = tpu.memref_squeeze %dma_wait3A_244 : memref<1x128xi32, #tpu.memory_space<vmem>> -> memref<128xi32, #tpu.memory_space<vmem>>
      %dma_wait3A_246 = arith.constant 0 : i32
      %dma_wait3A_247 = arith.constant 0 : i32
      %dma_wait3A_248 = tpu.memref_slice %arg2[%dma_wait3A_246, %dma_wait3A_247] : memref<40960x16xf32, #tpu.memory_space<hbm>> -> memref<40960x16xf32, #tpu.memory_space<hbm>>
      tpu.wait_indirect_dma semaphore(%arg26 : memref<!tpu.dma_semaphore, #tpu.memory_space<semaphore_mem>>) src(%dma_wait3A_248 : memref<40960x16xf32, #tpu.memory_space<hbm>>) dst(%arg17 : memref<128x16xf32, #tpu.memory_space<vmem>>)
      %ge3A_249 = arith.constant 8 : i32
      %ge3A_250 = arith.cmpi sge, %add3A_242, %ge3A_249 : i32
      %convert_element_type3A_251 = arith.extui %ge3A_250 : i1 to i32
      %cond3A_252 = arith.constant 0 : i32
      %cond3A_253 = arith.cmpi ne, %convert_element_type3A_251, %cond3A_252 : i32
      scf.if %cond3A_253 {
        %sub3A = arith.constant 8 : i32
        %sub3A_547 = arith.subi %add3A_242, %sub3A : i32
        %dma_wait3A_548 = arith.constant 0 : i32
        %dma_wait3A_549 = tpu.memref_slice %arg15[%sub3A_547, %dma_wait3A_548] : memref<40x128xi32, #tpu.memory_space<vmem>> -> memref<1x128xi32, #tpu.memory_space<vmem>>
        %dma_wait3A_550 = tpu.memref_squeeze %dma_wait3A_549 : memref<1x128xi32, #tpu.memory_space<vmem>> -> memref<128xi32, #tpu.memory_space<vmem>>
        %dma_wait3A_551 = arith.constant 0 : i32
        %dma_wait3A_552 = arith.constant 0 : i32
        %dma_wait3A_553 = tpu.memref_slice %arg10[%dma_wait3A_551, %dma_wait3A_552] : memref<40960x16xf32, #tpu.memory_space<vmem_shared>> -> memref<40960x16xf32, #tpu.memory_space<vmem_shared>>
        tpu.wait_indirect_dma semaphore(%arg42 : memref<!tpu.dma_semaphore, #tpu.memory_space<semaphore_mem>>) src(%arg24 : memref<128x16xf32, #tpu.memory_space<vmem>>) dst(%dma_wait3A_553 : memref<40960x16xf32, #tpu.memory_space<vmem_shared>>)
      } else {
      }
      %dma_start3A_254 = arith.constant 0 : i32
      %dma_start3A_255 = tpu.memref_slice %arg15[%add3A_242, %dma_start3A_254] : memref<40x128xi32, #tpu.memory_space<vmem>> -> memref<1x128xi32, #tpu.memory_space<vmem>>
      %dma_start3A_256 = tpu.memref_squeeze %dma_start3A_255 : memref<1x128xi32, #tpu.memory_space<vmem>> -> memref<128xi32, #tpu.memory_space<vmem>>
      %dma_start3A_257 = arith.constant 0 : i32
      %dma_start3A_258 = arith.constant 0 : i32
      %dma_start3A_259 = tpu.memref_slice %arg10[%dma_start3A_257, %dma_start3A_258] : memref<40960x16xf32, #tpu.memory_space<vmem_shared>> -> memref<40960x16xf32, #tpu.memory_space<vmem_shared>>
      tpu.enqueue_indirect_dma source(%arg24 : memref<128x16xf32, #tpu.memory_space<vmem>>) target(%dma_start3A_259 : memref<40960x16xf32, #tpu.memory_space<vmem_shared>>) offsets(%dma_start3A_256 : memref<128xi32, #tpu.memory_space<vmem>>) semaphore(%arg42 : memref<!tpu.dma_semaphore, #tpu.memory_space<semaphore_mem>>) {add = true}
      %dma_start3A_260 = arith.constant 0 : i32
      %dma_start3A_261 = tpu.memref_slice %arg15[%add3A_242, %dma_start3A_260] : memref<40x128xi32, #tpu.memory_space<vmem>> -> memref<1x128xi32, #tpu.memory_space<vmem>>
      %dma_start3A_262 = tpu.memref_squeeze %dma_start3A_261 : memref<1x128xi32, #tpu.memory_space<vmem>> -> memref<128xi32, #tpu.memory_space<vmem>>
      %dma_start3A_263 = arith.constant 0 : i32
      %dma_start3A_264 = arith.constant 0 : i32
      %dma_start3A_265 = tpu.memref_slice %arg9[%dma_start3A_263, %dma_start3A_264] : memref<40960x16xf32, #tpu.memory_space<vmem_shared>> -> memref<40960x16xf32, #tpu.memory_space<vmem_shared>>
      tpu.enqueue_indirect_dma source(%arg17 : memref<128x16xf32, #tpu.memory_space<vmem>>) target(%dma_start3A_265 : memref<40960x16xf32, #tpu.memory_space<vmem_shared>>) offsets(%dma_start3A_262 : memref<128xi32, #tpu.memory_space<vmem>>) semaphore(%arg34 : memref<!tpu.dma_semaphore, #tpu.memory_space<semaphore_mem>>) {add = true}
      %add3A_266 = arith.constant 4 : i32
      %add3A_267 = arith.addi %add3A_242, %add3A_266 : i32
      %lt3A_268 = arith.constant 40 : i32
      %lt3A_269 = arith.cmpi slt, %add3A_267, %lt3A_268 : i32
      %ge3A_270 = arith.constant 4 : i32
      %ge3A_271 = arith.cmpi sge, %add3A_242, %ge3A_270 : i32
      %and3A_272 = arith.andi %lt3A_269, %ge3A_271 : i1
      %convert_element_type3A_273 = arith.extui %and3A_272 : i1 to i32
      %cond3A_274 = arith.constant 0 : i32
      %cond3A_275 = arith.cmpi ne, %convert_element_type3A_273, %cond3A_274 : i32
      scf.if %cond3A_275 {
        %sub3A = arith.constant 4 : i32
        %sub3A_547 = arith.subi %add3A_242, %sub3A : i32
        %dma_wait3A_548 = arith.constant 0 : i32
        %dma_wait3A_549 = tpu.memref_slice %arg15[%sub3A_547, %dma_wait3A_548] : memref<40x128xi32, #tpu.memory_space<vmem>> -> memref<1x128xi32, #tpu.memory_space<vmem>>
        %dma_wait3A_550 = tpu.memref_squeeze %dma_wait3A_549 : memref<1x128xi32, #tpu.memory_space<vmem>> -> memref<128xi32, #tpu.memory_space<vmem>>
        %dma_wait3A_551 = arith.constant 0 : i32
        %dma_wait3A_552 = arith.constant 0 : i32
        %dma_wait3A_553 = tpu.memref_slice %arg9[%dma_wait3A_551, %dma_wait3A_552] : memref<40960x16xf32, #tpu.memory_space<vmem_shared>> -> memref<40960x16xf32, #tpu.memory_space<vmem_shared>>
        tpu.wait_indirect_dma semaphore(%arg38 : memref<!tpu.dma_semaphore, #tpu.memory_space<semaphore_mem>>) src(%arg21 : memref<128x16xf32, #tpu.memory_space<vmem>>) dst(%dma_wait3A_553 : memref<40960x16xf32, #tpu.memory_space<vmem_shared>>)
      } else {
      }
      %add3A_276 = arith.constant 4 : i32
      %add3A_277 = arith.addi %add3A_242, %add3A_276 : i32
      %lt3A_278 = arith.constant 40 : i32
      %lt3A_279 = arith.cmpi slt, %add3A_277, %lt3A_278 : i32
      %convert_element_type3A_280 = arith.extui %lt3A_279 : i1 to i32
      %cond3A_281 = arith.constant 0 : i32
      %cond3A_282 = arith.cmpi ne, %convert_element_type3A_280, %cond3A_281 : i32
      scf.if %cond3A_282 {
        %add3A_547 = arith.constant 4 : i32
        %add3A_548 = arith.addi %add3A_242, %add3A_547 : i32
        %dma_start3A_549 = arith.constant 0 : i32
        %dma_start3A_550 = tpu.memref_slice %arg14[%add3A_548, %dma_start3A_549] : memref<40x128xi32, #tpu.memory_space<vmem>> -> memref<1x128xi32, #tpu.memory_space<vmem>>
        %dma_start3A_551 = tpu.memref_squeeze %dma_start3A_550 : memref<1x128xi32, #tpu.memory_space<vmem>> -> memref<128xi32, #tpu.memory_space<vmem>>
        %dma_start3A_552 = arith.constant 0 : i32
        %dma_start3A_553 = arith.constant 0 : i32
        %dma_start3A_554 = tpu.memref_slice %arg2[%dma_start3A_552, %dma_start3A_553] : memref<40960x16xf32, #tpu.memory_space<hbm>> -> memref<40960x16xf32, #tpu.memory_space<hbm>>
        tpu.enqueue_indirect_dma source(%dma_start3A_554 : memref<40960x16xf32, #tpu.memory_space<hbm>>) target(%arg21 : memref<128x16xf32, #tpu.memory_space<vmem>>) offsets(%dma_start3A_551 : memref<128xi32, #tpu.memory_space<vmem>>) semaphore(%arg30 : memref<!tpu.dma_semaphore, #tpu.memory_space<semaphore_mem>>)
      } else {
      }
      %mul3A_283 = arith.constant 8 : i32
      %mul3A_284 = arith.muli %scan3A_199, %mul3A_283 : i32
      %add3A_285 = arith.constant 2 : i32
      %add3A_286 = arith.addi %mul3A_284, %add3A_285 : i32
      %dma_wait3A_287 = arith.constant 0 : i32
      %dma_wait3A_288 = tpu.memref_slice %arg14[%add3A_286, %dma_wait3A_287] : memref<40x128xi32, #tpu.memory_space<vmem>> -> memref<1x128xi32, #tpu.memory_space<vmem>>
      %dma_wait3A_289 = tpu.memref_squeeze %dma_wait3A_288 : memref<1x128xi32, #tpu.memory_space<vmem>> -> memref<128xi32, #tpu.memory_space<vmem>>
      %dma_wait3A_290 = arith.constant 0 : i32
      %dma_wait3A_291 = arith.constant 0 : i32
      %dma_wait3A_292 = tpu.memref_slice %arg2[%dma_wait3A_290, %dma_wait3A_291] : memref<40960x16xf32, #tpu.memory_space<hbm>> -> memref<40960x16xf32, #tpu.memory_space<hbm>>
      tpu.wait_indirect_dma semaphore(%arg27 : memref<!tpu.dma_semaphore, #tpu.memory_space<semaphore_mem>>) src(%dma_wait3A_292 : memref<40960x16xf32, #tpu.memory_space<hbm>>) dst(%arg18 : memref<128x16xf32, #tpu.memory_space<vmem>>)
      %ge3A_293 = arith.constant 8 : i32
      %ge3A_294 = arith.cmpi sge, %add3A_286, %ge3A_293 : i32
      %convert_element_type3A_295 = arith.extui %ge3A_294 : i1 to i32
      %cond3A_296 = arith.constant 0 : i32
      %cond3A_297 = arith.cmpi ne, %convert_element_type3A_295, %cond3A_296 : i32
      scf.if %cond3A_297 {
        %sub3A = arith.constant 8 : i32
        %sub3A_547 = arith.subi %add3A_286, %sub3A : i32
        %dma_wait3A_548 = arith.constant 0 : i32
        %dma_wait3A_549 = tpu.memref_slice %arg15[%sub3A_547, %dma_wait3A_548] : memref<40x128xi32, #tpu.memory_space<vmem>> -> memref<1x128xi32, #tpu.memory_space<vmem>>
        %dma_wait3A_550 = tpu.memref_squeeze %dma_wait3A_549 : memref<1x128xi32, #tpu.memory_space<vmem>> -> memref<128xi32, #tpu.memory_space<vmem>>
        %dma_wait3A_551 = arith.constant 0 : i32
        %dma_wait3A_552 = arith.constant 0 : i32
        %dma_wait3A_553 = tpu.memref_slice %arg10[%dma_wait3A_551, %dma_wait3A_552] : memref<40960x16xf32, #tpu.memory_space<vmem_shared>> -> memref<40960x16xf32, #tpu.memory_space<vmem_shared>>
        tpu.wait_indirect_dma semaphore(%arg43 : memref<!tpu.dma_semaphore, #tpu.memory_space<semaphore_mem>>) src(%arg24 : memref<128x16xf32, #tpu.memory_space<vmem>>) dst(%dma_wait3A_553 : memref<40960x16xf32, #tpu.memory_space<vmem_shared>>)
      } else {
      }
      %dma_start3A_298 = arith.constant 0 : i32
      %dma_start3A_299 = tpu.memref_slice %arg15[%add3A_286, %dma_start3A_298] : memref<40x128xi32, #tpu.memory_space<vmem>> -> memref<1x128xi32, #tpu.memory_space<vmem>>
      %dma_start3A_300 = tpu.memref_squeeze %dma_start3A_299 : memref<1x128xi32, #tpu.memory_space<vmem>> -> memref<128xi32, #tpu.memory_space<vmem>>
      %dma_start3A_301 = arith.constant 0 : i32
      %dma_start3A_302 = arith.constant 0 : i32
      %dma_start3A_303 = tpu.memref_slice %arg10[%dma_start3A_301, %dma_start3A_302] : memref<40960x16xf32, #tpu.memory_space<vmem_shared>> -> memref<40960x16xf32, #tpu.memory_space<vmem_shared>>
      tpu.enqueue_indirect_dma source(%arg24 : memref<128x16xf32, #tpu.memory_space<vmem>>) target(%dma_start3A_303 : memref<40960x16xf32, #tpu.memory_space<vmem_shared>>) offsets(%dma_start3A_300 : memref<128xi32, #tpu.memory_space<vmem>>) semaphore(%arg43 : memref<!tpu.dma_semaphore, #tpu.memory_space<semaphore_mem>>) {add = true}
      %dma_start3A_304 = arith.constant 0 : i32
      %dma_start3A_305 = tpu.memref_slice %arg15[%add3A_286, %dma_start3A_304] : memref<40x128xi32, #tpu.memory_space<vmem>> -> memref<1x128xi32, #tpu.memory_space<vmem>>
      %dma_start3A_306 = tpu.memref_squeeze %dma_start3A_305 : memref<1x128xi32, #tpu.memory_space<vmem>> -> memref<128xi32, #tpu.memory_space<vmem>>
      %dma_start3A_307 = arith.constant 0 : i32
      %dma_start3A_308 = arith.constant 0 : i32
      %dma_start3A_309 = tpu.memref_slice %arg9[%dma_start3A_307, %dma_start3A_308] : memref<40960x16xf32, #tpu.memory_space<vmem_shared>> -> memref<40960x16xf32, #tpu.memory_space<vmem_shared>>
      tpu.enqueue_indirect_dma source(%arg18 : memref<128x16xf32, #tpu.memory_space<vmem>>) target(%dma_start3A_309 : memref<40960x16xf32, #tpu.memory_space<vmem_shared>>) offsets(%dma_start3A_306 : memref<128xi32, #tpu.memory_space<vmem>>) semaphore(%arg35 : memref<!tpu.dma_semaphore, #tpu.memory_space<semaphore_mem>>) {add = true}
      %add3A_310 = arith.constant 4 : i32
      %add3A_311 = arith.addi %add3A_286, %add3A_310 : i32
      %lt3A_312 = arith.constant 40 : i32
      %lt3A_313 = arith.cmpi slt, %add3A_311, %lt3A_312 : i32
      %ge3A_314 = arith.constant 4 : i32
      %ge3A_315 = arith.cmpi sge, %add3A_286, %ge3A_314 : i32
      %and3A_316 = arith.andi %lt3A_313, %ge3A_315 : i1
      %convert_element_type3A_317 = arith.extui %and3A_316 : i1 to i32
      %cond3A_318 = arith.constant 0 : i32
      %cond3A_319 = arith.cmpi ne, %convert_element_type3A_317, %cond3A_318 : i32
      scf.if %cond3A_319 {
        %sub3A = arith.constant 4 : i32
        %sub3A_547 = arith.subi %add3A_286, %sub3A : i32
        %dma_wait3A_548 = arith.constant 0 : i32
        %dma_wait3A_549 = tpu.memref_slice %arg15[%sub3A_547, %dma_wait3A_548] : memref<40x128xi32, #tpu.memory_space<vmem>> -> memref<1x128xi32, #tpu.memory_space<vmem>>
        %dma_wait3A_550 = tpu.memref_squeeze %dma_wait3A_549 : memref<1x128xi32, #tpu.memory_space<vmem>> -> memref<128xi32, #tpu.memory_space<vmem>>
        %dma_wait3A_551 = arith.constant 0 : i32
        %dma_wait3A_552 = arith.constant 0 : i32
        %dma_wait3A_553 = tpu.memref_slice %arg9[%dma_wait3A_551, %dma_wait3A_552] : memref<40960x16xf32, #tpu.memory_space<vmem_shared>> -> memref<40960x16xf32, #tpu.memory_space<vmem_shared>>
        tpu.wait_indirect_dma semaphore(%arg39 : memref<!tpu.dma_semaphore, #tpu.memory_space<semaphore_mem>>) src(%arg22 : memref<128x16xf32, #tpu.memory_space<vmem>>) dst(%dma_wait3A_553 : memref<40960x16xf32, #tpu.memory_space<vmem_shared>>)
      } else {
      }
      %add3A_320 = arith.constant 4 : i32
      %add3A_321 = arith.addi %add3A_286, %add3A_320 : i32
      %lt3A_322 = arith.constant 40 : i32
      %lt3A_323 = arith.cmpi slt, %add3A_321, %lt3A_322 : i32
      %convert_element_type3A_324 = arith.extui %lt3A_323 : i1 to i32
      %cond3A_325 = arith.constant 0 : i32
      %cond3A_326 = arith.cmpi ne, %convert_element_type3A_324, %cond3A_325 : i32
      scf.if %cond3A_326 {
        %add3A_547 = arith.constant 4 : i32
        %add3A_548 = arith.addi %add3A_286, %add3A_547 : i32
        %dma_start3A_549 = arith.constant 0 : i32
        %dma_start3A_550 = tpu.memref_slice %arg14[%add3A_548, %dma_start3A_549] : memref<40x128xi32, #tpu.memory_space<vmem>> -> memref<1x128xi32, #tpu.memory_space<vmem>>
        %dma_start3A_551 = tpu.memref_squeeze %dma_start3A_550 : memref<1x128xi32, #tpu.memory_space<vmem>> -> memref<128xi32, #tpu.memory_space<vmem>>
        %dma_start3A_552 = arith.constant 0 : i32
        %dma_start3A_553 = arith.constant 0 : i32
        %dma_start3A_554 = tpu.memref_slice %arg2[%dma_start3A_552, %dma_start3A_553] : memref<40960x16xf32, #tpu.memory_space<hbm>> -> memref<40960x16xf32, #tpu.memory_space<hbm>>
        tpu.enqueue_indirect_dma source(%dma_start3A_554 : memref<40960x16xf32, #tpu.memory_space<hbm>>) target(%arg22 : memref<128x16xf32, #tpu.memory_space<vmem>>) offsets(%dma_start3A_551 : memref<128xi32, #tpu.memory_space<vmem>>) semaphore(%arg31 : memref<!tpu.dma_semaphore, #tpu.memory_space<semaphore_mem>>)
      } else {
      }
      %mul3A_327 = arith.constant 8 : i32
      %mul3A_328 = arith.muli %scan3A_199, %mul3A_327 : i32
      %add3A_329 = arith.constant 3 : i32
      %add3A_330 = arith.addi %mul3A_328, %add3A_329 : i32
      %dma_wait3A_331 = arith.constant 0 : i32
      %dma_wait3A_332 = tpu.memref_slice %arg14[%add3A_330, %dma_wait3A_331] : memref<40x128xi32, #tpu.memory_space<vmem>> -> memref<1x128xi32, #tpu.memory_space<vmem>>
      %dma_wait3A_333 = tpu.memref_squeeze %dma_wait3A_332 : memref<1x128xi32, #tpu.memory_space<vmem>> -> memref<128xi32, #tpu.memory_space<vmem>>
      %dma_wait3A_334 = arith.constant 0 : i32
      %dma_wait3A_335 = arith.constant 0 : i32
      %dma_wait3A_336 = tpu.memref_slice %arg2[%dma_wait3A_334, %dma_wait3A_335] : memref<40960x16xf32, #tpu.memory_space<hbm>> -> memref<40960x16xf32, #tpu.memory_space<hbm>>
      tpu.wait_indirect_dma semaphore(%arg28 : memref<!tpu.dma_semaphore, #tpu.memory_space<semaphore_mem>>) src(%dma_wait3A_336 : memref<40960x16xf32, #tpu.memory_space<hbm>>) dst(%arg19 : memref<128x16xf32, #tpu.memory_space<vmem>>)
      %ge3A_337 = arith.constant 8 : i32
      %ge3A_338 = arith.cmpi sge, %add3A_330, %ge3A_337 : i32
      %convert_element_type3A_339 = arith.extui %ge3A_338 : i1 to i32
      %cond3A_340 = arith.constant 0 : i32
      %cond3A_341 = arith.cmpi ne, %convert_element_type3A_339, %cond3A_340 : i32
      scf.if %cond3A_341 {
        %sub3A = arith.constant 8 : i32
        %sub3A_547 = arith.subi %add3A_330, %sub3A : i32
        %dma_wait3A_548 = arith.constant 0 : i32
        %dma_wait3A_549 = tpu.memref_slice %arg15[%sub3A_547, %dma_wait3A_548] : memref<40x128xi32, #tpu.memory_space<vmem>> -> memref<1x128xi32, #tpu.memory_space<vmem>>
        %dma_wait3A_550 = tpu.memref_squeeze %dma_wait3A_549 : memref<1x128xi32, #tpu.memory_space<vmem>> -> memref<128xi32, #tpu.memory_space<vmem>>
        %dma_wait3A_551 = arith.constant 0 : i32
        %dma_wait3A_552 = arith.constant 0 : i32
        %dma_wait3A_553 = tpu.memref_slice %arg10[%dma_wait3A_551, %dma_wait3A_552] : memref<40960x16xf32, #tpu.memory_space<vmem_shared>> -> memref<40960x16xf32, #tpu.memory_space<vmem_shared>>
        tpu.wait_indirect_dma semaphore(%arg44 : memref<!tpu.dma_semaphore, #tpu.memory_space<semaphore_mem>>) src(%arg24 : memref<128x16xf32, #tpu.memory_space<vmem>>) dst(%dma_wait3A_553 : memref<40960x16xf32, #tpu.memory_space<vmem_shared>>)
      } else {
      }
      %dma_start3A_342 = arith.constant 0 : i32
      %dma_start3A_343 = tpu.memref_slice %arg15[%add3A_330, %dma_start3A_342] : memref<40x128xi32, #tpu.memory_space<vmem>> -> memref<1x128xi32, #tpu.memory_space<vmem>>
      %dma_start3A_344 = tpu.memref_squeeze %dma_start3A_343 : memref<1x128xi32, #tpu.memory_space<vmem>> -> memref<128xi32, #tpu.memory_space<vmem>>
      %dma_start3A_345 = arith.constant 0 : i32
      %dma_start3A_346 = arith.constant 0 : i32
      %dma_start3A_347 = tpu.memref_slice %arg10[%dma_start3A_345, %dma_start3A_346] : memref<40960x16xf32, #tpu.memory_space<vmem_shared>> -> memref<40960x16xf32, #tpu.memory_space<vmem_shared>>
      tpu.enqueue_indirect_dma source(%arg24 : memref<128x16xf32, #tpu.memory_space<vmem>>) target(%dma_start3A_347 : memref<40960x16xf32, #tpu.memory_space<vmem_shared>>) offsets(%dma_start3A_344 : memref<128xi32, #tpu.memory_space<vmem>>) semaphore(%arg44 : memref<!tpu.dma_semaphore, #tpu.memory_space<semaphore_mem>>) {add = true}
      %dma_start3A_348 = arith.constant 0 : i32
      %dma_start3A_349 = tpu.memref_slice %arg15[%add3A_330, %dma_start3A_348] : memref<40x128xi32, #tpu.memory_space<vmem>> -> memref<1x128xi32, #tpu.memory_space<vmem>>
      %dma_start3A_350 = tpu.memref_squeeze %dma_start3A_349 : memref<1x128xi32, #tpu.memory_space<vmem>> -> memref<128xi32, #tpu.memory_space<vmem>>
      %dma_start3A_351 = arith.constant 0 : i32
      %dma_start3A_352 = arith.constant 0 : i32
      %dma_start3A_353 = tpu.memref_slice %arg9[%dma_start3A_351, %dma_start3A_352] : memref<40960x16xf32, #tpu.memory_space<vmem_shared>> -> memref<40960x16xf32, #tpu.memory_space<vmem_shared>>
      tpu.enqueue_indirect_dma source(%arg19 : memref<128x16xf32, #tpu.memory_space<vmem>>) target(%dma_start3A_353 : memref<40960x16xf32, #tpu.memory_space<vmem_shared>>) offsets(%dma_start3A_350 : memref<128xi32, #tpu.memory_space<vmem>>) semaphore(%arg36 : memref<!tpu.dma_semaphore, #tpu.memory_space<semaphore_mem>>) {add = true}
      %add3A_354 = arith.constant 4 : i32
      %add3A_355 = arith.addi %add3A_330, %add3A_354 : i32
      %lt3A_356 = arith.constant 40 : i32
      %lt3A_357 = arith.cmpi slt, %add3A_355, %lt3A_356 : i32
      %ge3A_358 = arith.constant 4 : i32
      %ge3A_359 = arith.cmpi sge, %add3A_330, %ge3A_358 : i32
      %and3A_360 = arith.andi %lt3A_357, %ge3A_359 : i1
      %convert_element_type3A_361 = arith.extui %and3A_360 : i1 to i32
      %cond3A_362 = arith.constant 0 : i32
      %cond3A_363 = arith.cmpi ne, %convert_element_type3A_361, %cond3A_362 : i32
      scf.if %cond3A_363 {
        %sub3A = arith.constant 4 : i32
        %sub3A_547 = arith.subi %add3A_330, %sub3A : i32
        %dma_wait3A_548 = arith.constant 0 : i32
        %dma_wait3A_549 = tpu.memref_slice %arg15[%sub3A_547, %dma_wait3A_548] : memref<40x128xi32, #tpu.memory_space<vmem>> -> memref<1x128xi32, #tpu.memory_space<vmem>>
        %dma_wait3A_550 = tpu.memref_squeeze %dma_wait3A_549 : memref<1x128xi32, #tpu.memory_space<vmem>> -> memref<128xi32, #tpu.memory_space<vmem>>
        %dma_wait3A_551 = arith.constant 0 : i32
        %dma_wait3A_552 = arith.constant 0 : i32
        %dma_wait3A_553 = tpu.memref_slice %arg9[%dma_wait3A_551, %dma_wait3A_552] : memref<40960x16xf32, #tpu.memory_space<vmem_shared>> -> memref<40960x16xf32, #tpu.memory_space<vmem_shared>>
        tpu.wait_indirect_dma semaphore(%arg40 : memref<!tpu.dma_semaphore, #tpu.memory_space<semaphore_mem>>) src(%arg23 : memref<128x16xf32, #tpu.memory_space<vmem>>) dst(%dma_wait3A_553 : memref<40960x16xf32, #tpu.memory_space<vmem_shared>>)
      } else {
      }
      %add3A_364 = arith.constant 4 : i32
      %add3A_365 = arith.addi %add3A_330, %add3A_364 : i32
      %lt3A_366 = arith.constant 40 : i32
      %lt3A_367 = arith.cmpi slt, %add3A_365, %lt3A_366 : i32
      %convert_element_type3A_368 = arith.extui %lt3A_367 : i1 to i32
      %cond3A_369 = arith.constant 0 : i32
      %cond3A_370 = arith.cmpi ne, %convert_element_type3A_368, %cond3A_369 : i32
      scf.if %cond3A_370 {
        %add3A_547 = arith.constant 4 : i32
        %add3A_548 = arith.addi %add3A_330, %add3A_547 : i32
        %dma_start3A_549 = arith.constant 0 : i32
        %dma_start3A_550 = tpu.memref_slice %arg14[%add3A_548, %dma_start3A_549] : memref<40x128xi32, #tpu.memory_space<vmem>> -> memref<1x128xi32, #tpu.memory_space<vmem>>
        %dma_start3A_551 = tpu.memref_squeeze %dma_start3A_550 : memref<1x128xi32, #tpu.memory_space<vmem>> -> memref<128xi32, #tpu.memory_space<vmem>>
        %dma_start3A_552 = arith.constant 0 : i32
        %dma_start3A_553 = arith.constant 0 : i32
        %dma_start3A_554 = tpu.memref_slice %arg2[%dma_start3A_552, %dma_start3A_553] : memref<40960x16xf32, #tpu.memory_space<hbm>> -> memref<40960x16xf32, #tpu.memory_space<hbm>>
        tpu.enqueue_indirect_dma source(%dma_start3A_554 : memref<40960x16xf32, #tpu.memory_space<hbm>>) target(%arg23 : memref<128x16xf32, #tpu.memory_space<vmem>>) offsets(%dma_start3A_551 : memref<128xi32, #tpu.memory_space<vmem>>) semaphore(%arg32 : memref<!tpu.dma_semaphore, #tpu.memory_space<semaphore_mem>>)
      } else {
      }
      %mul3A_371 = arith.constant 8 : i32
      %mul3A_372 = arith.muli %scan3A_199, %mul3A_371 : i32
      %add3A_373 = arith.constant 4 : i32
      %add3A_374 = arith.addi %mul3A_372, %add3A_373 : i32
      %dma_wait3A_375 = arith.constant 0 : i32
      %dma_wait3A_376 = tpu.memref_slice %arg14[%add3A_374, %dma_wait3A_375] : memref<40x128xi32, #tpu.memory_space<vmem>> -> memref<1x128xi32, #tpu.memory_space<vmem>>
      %dma_wait3A_377 = tpu.memref_squeeze %dma_wait3A_376 : memref<1x128xi32, #tpu.memory_space<vmem>> -> memref<128xi32, #tpu.memory_space<vmem>>
      %dma_wait3A_378 = arith.constant 0 : i32
      %dma_wait3A_379 = arith.constant 0 : i32
      %dma_wait3A_380 = tpu.memref_slice %arg2[%dma_wait3A_378, %dma_wait3A_379] : memref<40960x16xf32, #tpu.memory_space<hbm>> -> memref<40960x16xf32, #tpu.memory_space<hbm>>
      tpu.wait_indirect_dma semaphore(%arg29 : memref<!tpu.dma_semaphore, #tpu.memory_space<semaphore_mem>>) src(%dma_wait3A_380 : memref<40960x16xf32, #tpu.memory_space<hbm>>) dst(%arg20 : memref<128x16xf32, #tpu.memory_space<vmem>>)
      %ge3A_381 = arith.constant 8 : i32
      %ge3A_382 = arith.cmpi sge, %add3A_374, %ge3A_381 : i32
      %convert_element_type3A_383 = arith.extui %ge3A_382 : i1 to i32
      %cond3A_384 = arith.constant 0 : i32
      %cond3A_385 = arith.cmpi ne, %convert_element_type3A_383, %cond3A_384 : i32
      scf.if %cond3A_385 {
        %sub3A = arith.constant 8 : i32
        %sub3A_547 = arith.subi %add3A_374, %sub3A : i32
        %dma_wait3A_548 = arith.constant 0 : i32
        %dma_wait3A_549 = tpu.memref_slice %arg15[%sub3A_547, %dma_wait3A_548] : memref<40x128xi32, #tpu.memory_space<vmem>> -> memref<1x128xi32, #tpu.memory_space<vmem>>
        %dma_wait3A_550 = tpu.memref_squeeze %dma_wait3A_549 : memref<1x128xi32, #tpu.memory_space<vmem>> -> memref<128xi32, #tpu.memory_space<vmem>>
        %dma_wait3A_551 = arith.constant 0 : i32
        %dma_wait3A_552 = arith.constant 0 : i32
        %dma_wait3A_553 = tpu.memref_slice %arg10[%dma_wait3A_551, %dma_wait3A_552] : memref<40960x16xf32, #tpu.memory_space<vmem_shared>> -> memref<40960x16xf32, #tpu.memory_space<vmem_shared>>
        tpu.wait_indirect_dma semaphore(%arg45 : memref<!tpu.dma_semaphore, #tpu.memory_space<semaphore_mem>>) src(%arg24 : memref<128x16xf32, #tpu.memory_space<vmem>>) dst(%dma_wait3A_553 : memref<40960x16xf32, #tpu.memory_space<vmem_shared>>)
      } else {
      }
      %dma_start3A_386 = arith.constant 0 : i32
      %dma_start3A_387 = tpu.memref_slice %arg15[%add3A_374, %dma_start3A_386] : memref<40x128xi32, #tpu.memory_space<vmem>> -> memref<1x128xi32, #tpu.memory_space<vmem>>
      %dma_start3A_388 = tpu.memref_squeeze %dma_start3A_387 : memref<1x128xi32, #tpu.memory_space<vmem>> -> memref<128xi32, #tpu.memory_space<vmem>>
      %dma_start3A_389 = arith.constant 0 : i32
      %dma_start3A_390 = arith.constant 0 : i32
      %dma_start3A_391 = tpu.memref_slice %arg10[%dma_start3A_389, %dma_start3A_390] : memref<40960x16xf32, #tpu.memory_space<vmem_shared>> -> memref<40960x16xf32, #tpu.memory_space<vmem_shared>>
      tpu.enqueue_indirect_dma source(%arg24 : memref<128x16xf32, #tpu.memory_space<vmem>>) target(%dma_start3A_391 : memref<40960x16xf32, #tpu.memory_space<vmem_shared>>) offsets(%dma_start3A_388 : memref<128xi32, #tpu.memory_space<vmem>>) semaphore(%arg45 : memref<!tpu.dma_semaphore, #tpu.memory_space<semaphore_mem>>) {add = true}
      %dma_start3A_392 = arith.constant 0 : i32
      %dma_start3A_393 = tpu.memref_slice %arg15[%add3A_374, %dma_start3A_392] : memref<40x128xi32, #tpu.memory_space<vmem>> -> memref<1x128xi32, #tpu.memory_space<vmem>>
      %dma_start3A_394 = tpu.memref_squeeze %dma_start3A_393 : memref<1x128xi32, #tpu.memory_space<vmem>> -> memref<128xi32, #tpu.memory_space<vmem>>
      %dma_start3A_395 = arith.constant 0 : i32
      %dma_start3A_396 = arith.constant 0 : i32
      %dma_start3A_397 = tpu.memref_slice %arg9[%dma_start3A_395, %dma_start3A_396] : memref<40960x16xf32, #tpu.memory_space<vmem_shared>> -> memref<40960x16xf32, #tpu.memory_space<vmem_shared>>
      tpu.enqueue_indirect_dma source(%arg20 : memref<128x16xf32, #tpu.memory_space<vmem>>) target(%dma_start3A_397 : memref<40960x16xf32, #tpu.memory_space<vmem_shared>>) offsets(%dma_start3A_394 : memref<128xi32, #tpu.memory_space<vmem>>) semaphore(%arg37 : memref<!tpu.dma_semaphore, #tpu.memory_space<semaphore_mem>>) {add = true}
      %add3A_398 = arith.constant 4 : i32
      %add3A_399 = arith.addi %add3A_374, %add3A_398 : i32
      %lt3A_400 = arith.constant 40 : i32
      %lt3A_401 = arith.cmpi slt, %add3A_399, %lt3A_400 : i32
      %ge3A_402 = arith.constant 4 : i32
      %ge3A_403 = arith.cmpi sge, %add3A_374, %ge3A_402 : i32
      %and3A_404 = arith.andi %lt3A_401, %ge3A_403 : i1
      %convert_element_type3A_405 = arith.extui %and3A_404 : i1 to i32
      %cond3A_406 = arith.constant 0 : i32
      %cond3A_407 = arith.cmpi ne, %convert_element_type3A_405, %cond3A_406 : i32
      scf.if %cond3A_407 {
        %sub3A = arith.constant 4 : i32
        %sub3A_547 = arith.subi %add3A_374, %sub3A : i32
        %dma_wait3A_548 = arith.constant 0 : i32
        %dma_wait3A_549 = tpu.memref_slice %arg15[%sub3A_547, %dma_wait3A_548] : memref<40x128xi32, #tpu.memory_space<vmem>> -> memref<1x128xi32, #tpu.memory_space<vmem>>
        %dma_wait3A_550 = tpu.memref_squeeze %dma_wait3A_549 : memref<1x128xi32, #tpu.memory_space<vmem>> -> memref<128xi32, #tpu.memory_space<vmem>>
        %dma_wait3A_551 = arith.constant 0 : i32
        %dma_wait3A_552 = arith.constant 0 : i32
        %dma_wait3A_553 = tpu.memref_slice %arg9[%dma_wait3A_551, %dma_wait3A_552] : memref<40960x16xf32, #tpu.memory_space<vmem_shared>> -> memref<40960x16xf32, #tpu.memory_space<vmem_shared>>
        tpu.wait_indirect_dma semaphore(%arg33 : memref<!tpu.dma_semaphore, #tpu.memory_space<semaphore_mem>>) src(%arg16 : memref<128x16xf32, #tpu.memory_space<vmem>>) dst(%dma_wait3A_553 : memref<40960x16xf32, #tpu.memory_space<vmem_shared>>)
      } else {
      }
      %add3A_408 = arith.constant 4 : i32
      %add3A_409 = arith.addi %add3A_374, %add3A_408 : i32
      %lt3A_410 = arith.constant 40 : i32
      %lt3A_411 = arith.cmpi slt, %add3A_409, %lt3A_410 : i32
      %convert_element_type3A_412 = arith.extui %lt3A_411 : i1 to i32
      %cond3A_413 = arith.constant 0 : i32
      %cond3A_414 = arith.cmpi ne, %convert_element_type3A_412, %cond3A_413 : i32
      scf.if %cond3A_414 {
        %add3A_547 = arith.constant 4 : i32
        %add3A_548 = arith.addi %add3A_374, %add3A_547 : i32
        %dma_start3A_549 = arith.constant 0 : i32
        %dma_start3A_550 = tpu.memref_slice %arg14[%add3A_548, %dma_start3A_549] : memref<40x128xi32, #tpu.memory_space<vmem>> -> memref<1x128xi32, #tpu.memory_space<vmem>>
        %dma_start3A_551 = tpu.memref_squeeze %dma_start3A_550 : memref<1x128xi32, #tpu.memory_space<vmem>> -> memref<128xi32, #tpu.memory_space<vmem>>
        %dma_start3A_552 = arith.constant 0 : i32
        %dma_start3A_553 = arith.constant 0 : i32
        %dma_start3A_554 = tpu.memref_slice %arg2[%dma_start3A_552, %dma_start3A_553] : memref<40960x16xf32, #tpu.memory_space<hbm>> -> memref<40960x16xf32, #tpu.memory_space<hbm>>
        tpu.enqueue_indirect_dma source(%dma_start3A_554 : memref<40960x16xf32, #tpu.memory_space<hbm>>) target(%arg16 : memref<128x16xf32, #tpu.memory_space<vmem>>) offsets(%dma_start3A_551 : memref<128xi32, #tpu.memory_space<vmem>>) semaphore(%arg25 : memref<!tpu.dma_semaphore, #tpu.memory_space<semaphore_mem>>)
      } else {
      }
      %mul3A_415 = arith.constant 8 : i32
      %mul3A_416 = arith.muli %scan3A_199, %mul3A_415 : i32
      %add3A_417 = arith.constant 5 : i32
      %add3A_418 = arith.addi %mul3A_416, %add3A_417 : i32
      %dma_wait3A_419 = arith.constant 0 : i32
      %dma_wait3A_420 = tpu.memref_slice %arg14[%add3A_418, %dma_wait3A_419] : memref<40x128xi32, #tpu.memory_space<vmem>> -> memref<1x128xi32, #tpu.memory_space<vmem>>
      %dma_wait3A_421 = tpu.memref_squeeze %dma_wait3A_420 : memref<1x128xi32, #tpu.memory_space<vmem>> -> memref<128xi32, #tpu.memory_space<vmem>>
      %dma_wait3A_422 = arith.constant 0 : i32
      %dma_wait3A_423 = arith.constant 0 : i32
      %dma_wait3A_424 = tpu.memref_slice %arg2[%dma_wait3A_422, %dma_wait3A_423] : memref<40960x16xf32, #tpu.memory_space<hbm>> -> memref<40960x16xf32, #tpu.memory_space<hbm>>
      tpu.wait_indirect_dma semaphore(%arg30 : memref<!tpu.dma_semaphore, #tpu.memory_space<semaphore_mem>>) src(%dma_wait3A_424 : memref<40960x16xf32, #tpu.memory_space<hbm>>) dst(%arg21 : memref<128x16xf32, #tpu.memory_space<vmem>>)
      %ge3A_425 = arith.constant 8 : i32
      %ge3A_426 = arith.cmpi sge, %add3A_418, %ge3A_425 : i32
      %convert_element_type3A_427 = arith.extui %ge3A_426 : i1 to i32
      %cond3A_428 = arith.constant 0 : i32
      %cond3A_429 = arith.cmpi ne, %convert_element_type3A_427, %cond3A_428 : i32
      scf.if %cond3A_429 {
        %sub3A = arith.constant 8 : i32
        %sub3A_547 = arith.subi %add3A_418, %sub3A : i32
        %dma_wait3A_548 = arith.constant 0 : i32
        %dma_wait3A_549 = tpu.memref_slice %arg15[%sub3A_547, %dma_wait3A_548] : memref<40x128xi32, #tpu.memory_space<vmem>> -> memref<1x128xi32, #tpu.memory_space<vmem>>
        %dma_wait3A_550 = tpu.memref_squeeze %dma_wait3A_549 : memref<1x128xi32, #tpu.memory_space<vmem>> -> memref<128xi32, #tpu.memory_space<vmem>>
        %dma_wait3A_551 = arith.constant 0 : i32
        %dma_wait3A_552 = arith.constant 0 : i32
        %dma_wait3A_553 = tpu.memref_slice %arg10[%dma_wait3A_551, %dma_wait3A_552] : memref<40960x16xf32, #tpu.memory_space<vmem_shared>> -> memref<40960x16xf32, #tpu.memory_space<vmem_shared>>
        tpu.wait_indirect_dma semaphore(%arg46 : memref<!tpu.dma_semaphore, #tpu.memory_space<semaphore_mem>>) src(%arg24 : memref<128x16xf32, #tpu.memory_space<vmem>>) dst(%dma_wait3A_553 : memref<40960x16xf32, #tpu.memory_space<vmem_shared>>)
      } else {
      }
      %dma_start3A_430 = arith.constant 0 : i32
      %dma_start3A_431 = tpu.memref_slice %arg15[%add3A_418, %dma_start3A_430] : memref<40x128xi32, #tpu.memory_space<vmem>> -> memref<1x128xi32, #tpu.memory_space<vmem>>
      %dma_start3A_432 = tpu.memref_squeeze %dma_start3A_431 : memref<1x128xi32, #tpu.memory_space<vmem>> -> memref<128xi32, #tpu.memory_space<vmem>>
      %dma_start3A_433 = arith.constant 0 : i32
      %dma_start3A_434 = arith.constant 0 : i32
      %dma_start3A_435 = tpu.memref_slice %arg10[%dma_start3A_433, %dma_start3A_434] : memref<40960x16xf32, #tpu.memory_space<vmem_shared>> -> memref<40960x16xf32, #tpu.memory_space<vmem_shared>>
      tpu.enqueue_indirect_dma source(%arg24 : memref<128x16xf32, #tpu.memory_space<vmem>>) target(%dma_start3A_435 : memref<40960x16xf32, #tpu.memory_space<vmem_shared>>) offsets(%dma_start3A_432 : memref<128xi32, #tpu.memory_space<vmem>>) semaphore(%arg46 : memref<!tpu.dma_semaphore, #tpu.memory_space<semaphore_mem>>) {add = true}
      %dma_start3A_436 = arith.constant 0 : i32
      %dma_start3A_437 = tpu.memref_slice %arg15[%add3A_418, %dma_start3A_436] : memref<40x128xi32, #tpu.memory_space<vmem>> -> memref<1x128xi32, #tpu.memory_space<vmem>>
      %dma_start3A_438 = tpu.memref_squeeze %dma_start3A_437 : memref<1x128xi32, #tpu.memory_space<vmem>> -> memref<128xi32, #tpu.memory_space<vmem>>
      %dma_start3A_439 = arith.constant 0 : i32
      %dma_start3A_440 = arith.constant 0 : i32
      %dma_start3A_441 = tpu.memref_slice %arg9[%dma_start3A_439, %dma_start3A_440] : memref<40960x16xf32, #tpu.memory_space<vmem_shared>> -> memref<40960x16xf32, #tpu.memory_space<vmem_shared>>
      tpu.enqueue_indirect_dma source(%arg21 : memref<128x16xf32, #tpu.memory_space<vmem>>) target(%dma_start3A_441 : memref<40960x16xf32, #tpu.memory_space<vmem_shared>>) offsets(%dma_start3A_438 : memref<128xi32, #tpu.memory_space<vmem>>) semaphore(%arg38 : memref<!tpu.dma_semaphore, #tpu.memory_space<semaphore_mem>>) {add = true}
      %add3A_442 = arith.constant 4 : i32
      %add3A_443 = arith.addi %add3A_418, %add3A_442 : i32
      %lt3A_444 = arith.constant 40 : i32
      %lt3A_445 = arith.cmpi slt, %add3A_443, %lt3A_444 : i32
      %ge3A_446 = arith.constant 4 : i32
      %ge3A_447 = arith.cmpi sge, %add3A_418, %ge3A_446 : i32
      %and3A_448 = arith.andi %lt3A_445, %ge3A_447 : i1
      %convert_element_type3A_449 = arith.extui %and3A_448 : i1 to i32
      %cond3A_450 = arith.constant 0 : i32
      %cond3A_451 = arith.cmpi ne, %convert_element_type3A_449, %cond3A_450 : i32
      scf.if %cond3A_451 {
        %sub3A = arith.constant 4 : i32
        %sub3A_547 = arith.subi %add3A_418, %sub3A : i32
        %dma_wait3A_548 = arith.constant 0 : i32
        %dma_wait3A_549 = tpu.memref_slice %arg15[%sub3A_547, %dma_wait3A_548] : memref<40x128xi32, #tpu.memory_space<vmem>> -> memref<1x128xi32, #tpu.memory_space<vmem>>
        %dma_wait3A_550 = tpu.memref_squeeze %dma_wait3A_549 : memref<1x128xi32, #tpu.memory_space<vmem>> -> memref<128xi32, #tpu.memory_space<vmem>>
        %dma_wait3A_551 = arith.constant 0 : i32
        %dma_wait3A_552 = arith.constant 0 : i32
        %dma_wait3A_553 = tpu.memref_slice %arg9[%dma_wait3A_551, %dma_wait3A_552] : memref<40960x16xf32, #tpu.memory_space<vmem_shared>> -> memref<40960x16xf32, #tpu.memory_space<vmem_shared>>
        tpu.wait_indirect_dma semaphore(%arg34 : memref<!tpu.dma_semaphore, #tpu.memory_space<semaphore_mem>>) src(%arg17 : memref<128x16xf32, #tpu.memory_space<vmem>>) dst(%dma_wait3A_553 : memref<40960x16xf32, #tpu.memory_space<vmem_shared>>)
      } else {
      }
      %add3A_452 = arith.constant 4 : i32
      %add3A_453 = arith.addi %add3A_418, %add3A_452 : i32
      %lt3A_454 = arith.constant 40 : i32
      %lt3A_455 = arith.cmpi slt, %add3A_453, %lt3A_454 : i32
      %convert_element_type3A_456 = arith.extui %lt3A_455 : i1 to i32
      %cond3A_457 = arith.constant 0 : i32
      %cond3A_458 = arith.cmpi ne, %convert_element_type3A_456, %cond3A_457 : i32
      scf.if %cond3A_458 {
        %add3A_547 = arith.constant 4 : i32
        %add3A_548 = arith.addi %add3A_418, %add3A_547 : i32
        %dma_start3A_549 = arith.constant 0 : i32
        %dma_start3A_550 = tpu.memref_slice %arg14[%add3A_548, %dma_start3A_549] : memref<40x128xi32, #tpu.memory_space<vmem>> -> memref<1x128xi32, #tpu.memory_space<vmem>>
        %dma_start3A_551 = tpu.memref_squeeze %dma_start3A_550 : memref<1x128xi32, #tpu.memory_space<vmem>> -> memref<128xi32, #tpu.memory_space<vmem>>
        %dma_start3A_552 = arith.constant 0 : i32
        %dma_start3A_553 = arith.constant 0 : i32
        %dma_start3A_554 = tpu.memref_slice %arg2[%dma_start3A_552, %dma_start3A_553] : memref<40960x16xf32, #tpu.memory_space<hbm>> -> memref<40960x16xf32, #tpu.memory_space<hbm>>
        tpu.enqueue_indirect_dma source(%dma_start3A_554 : memref<40960x16xf32, #tpu.memory_space<hbm>>) target(%arg17 : memref<128x16xf32, #tpu.memory_space<vmem>>) offsets(%dma_start3A_551 : memref<128xi32, #tpu.memory_space<vmem>>) semaphore(%arg26 : memref<!tpu.dma_semaphore, #tpu.memory_space<semaphore_mem>>)
      } else {
      }
      %mul3A_459 = arith.constant 8 : i32
      %mul3A_460 = arith.muli %scan3A_199, %mul3A_459 : i32
      %add3A_461 = arith.constant 6 : i32
      %add3A_462 = arith.addi %mul3A_460, %add3A_461 : i32
      %dma_wait3A_463 = arith.constant 0 : i32
      %dma_wait3A_464 = tpu.memref_slice %arg14[%add3A_462, %dma_wait3A_463] : memref<40x128xi32, #tpu.memory_space<vmem>> -> memref<1x128xi32, #tpu.memory_space<vmem>>
      %dma_wait3A_465 = tpu.memref_squeeze %dma_wait3A_464 : memref<1x128xi32, #tpu.memory_space<vmem>> -> memref<128xi32, #tpu.memory_space<vmem>>
      %dma_wait3A_466 = arith.constant 0 : i32
      %dma_wait3A_467 = arith.constant 0 : i32
      %dma_wait3A_468 = tpu.memref_slice %arg2[%dma_wait3A_466, %dma_wait3A_467] : memref<40960x16xf32, #tpu.memory_space<hbm>> -> memref<40960x16xf32, #tpu.memory_space<hbm>>
      tpu.wait_indirect_dma semaphore(%arg31 : memref<!tpu.dma_semaphore, #tpu.memory_space<semaphore_mem>>) src(%dma_wait3A_468 : memref<40960x16xf32, #tpu.memory_space<hbm>>) dst(%arg22 : memref<128x16xf32, #tpu.memory_space<vmem>>)
      %ge3A_469 = arith.constant 8 : i32
      %ge3A_470 = arith.cmpi sge, %add3A_462, %ge3A_469 : i32
      %convert_element_type3A_471 = arith.extui %ge3A_470 : i1 to i32
      %cond3A_472 = arith.constant 0 : i32
      %cond3A_473 = arith.cmpi ne, %convert_element_type3A_471, %cond3A_472 : i32
      scf.if %cond3A_473 {
        %sub3A = arith.constant 8 : i32
        %sub3A_547 = arith.subi %add3A_462, %sub3A : i32
        %dma_wait3A_548 = arith.constant 0 : i32
        %dma_wait3A_549 = tpu.memref_slice %arg15[%sub3A_547, %dma_wait3A_548] : memref<40x128xi32, #tpu.memory_space<vmem>> -> memref<1x128xi32, #tpu.memory_space<vmem>>
        %dma_wait3A_550 = tpu.memref_squeeze %dma_wait3A_549 : memref<1x128xi32, #tpu.memory_space<vmem>> -> memref<128xi32, #tpu.memory_space<vmem>>
        %dma_wait3A_551 = arith.constant 0 : i32
        %dma_wait3A_552 = arith.constant 0 : i32
        %dma_wait3A_553 = tpu.memref_slice %arg10[%dma_wait3A_551, %dma_wait3A_552] : memref<40960x16xf32, #tpu.memory_space<vmem_shared>> -> memref<40960x16xf32, #tpu.memory_space<vmem_shared>>
        tpu.wait_indirect_dma semaphore(%arg47 : memref<!tpu.dma_semaphore, #tpu.memory_space<semaphore_mem>>) src(%arg24 : memref<128x16xf32, #tpu.memory_space<vmem>>) dst(%dma_wait3A_553 : memref<40960x16xf32, #tpu.memory_space<vmem_shared>>)
      } else {
      }
      %dma_start3A_474 = arith.constant 0 : i32
      %dma_start3A_475 = tpu.memref_slice %arg15[%add3A_462, %dma_start3A_474] : memref<40x128xi32, #tpu.memory_space<vmem>> -> memref<1x128xi32, #tpu.memory_space<vmem>>
      %dma_start3A_476 = tpu.memref_squeeze %dma_start3A_475 : memref<1x128xi32, #tpu.memory_space<vmem>> -> memref<128xi32, #tpu.memory_space<vmem>>
      %dma_start3A_477 = arith.constant 0 : i32
      %dma_start3A_478 = arith.constant 0 : i32
      %dma_start3A_479 = tpu.memref_slice %arg10[%dma_start3A_477, %dma_start3A_478] : memref<40960x16xf32, #tpu.memory_space<vmem_shared>> -> memref<40960x16xf32, #tpu.memory_space<vmem_shared>>
      tpu.enqueue_indirect_dma source(%arg24 : memref<128x16xf32, #tpu.memory_space<vmem>>) target(%dma_start3A_479 : memref<40960x16xf32, #tpu.memory_space<vmem_shared>>) offsets(%dma_start3A_476 : memref<128xi32, #tpu.memory_space<vmem>>) semaphore(%arg47 : memref<!tpu.dma_semaphore, #tpu.memory_space<semaphore_mem>>) {add = true}
      %dma_start3A_480 = arith.constant 0 : i32
      %dma_start3A_481 = tpu.memref_slice %arg15[%add3A_462, %dma_start3A_480] : memref<40x128xi32, #tpu.memory_space<vmem>> -> memref<1x128xi32, #tpu.memory_space<vmem>>
      %dma_start3A_482 = tpu.memref_squeeze %dma_start3A_481 : memref<1x128xi32, #tpu.memory_space<vmem>> -> memref<128xi32, #tpu.memory_space<vmem>>
      %dma_start3A_483 = arith.constant 0 : i32
      %dma_start3A_484 = arith.constant 0 : i32
      %dma_start3A_485 = tpu.memref_slice %arg9[%dma_start3A_483, %dma_start3A_484] : memref<40960x16xf32, #tpu.memory_space<vmem_shared>> -> memref<40960x16xf32, #tpu.memory_space<vmem_shared>>
      tpu.enqueue_indirect_dma source(%arg22 : memref<128x16xf32, #tpu.memory_space<vmem>>) target(%dma_start3A_485 : memref<40960x16xf32, #tpu.memory_space<vmem_shared>>) offsets(%dma_start3A_482 : memref<128xi32, #tpu.memory_space<vmem>>) semaphore(%arg39 : memref<!tpu.dma_semaphore, #tpu.memory_space<semaphore_mem>>) {add = true}
      %add3A_486 = arith.constant 4 : i32
      %add3A_487 = arith.addi %add3A_462, %add3A_486 : i32
      %lt3A_488 = arith.constant 40 : i32
      %lt3A_489 = arith.cmpi slt, %add3A_487, %lt3A_488 : i32
      %ge3A_490 = arith.constant 4 : i32
      %ge3A_491 = arith.cmpi sge, %add3A_462, %ge3A_490 : i32
      %and3A_492 = arith.andi %lt3A_489, %ge3A_491 : i1
      %convert_element_type3A_493 = arith.extui %and3A_492 : i1 to i32
      %cond3A_494 = arith.constant 0 : i32
      %cond3A_495 = arith.cmpi ne, %convert_element_type3A_493, %cond3A_494 : i32
      scf.if %cond3A_495 {
        %sub3A = arith.constant 4 : i32
        %sub3A_547 = arith.subi %add3A_462, %sub3A : i32
        %dma_wait3A_548 = arith.constant 0 : i32
        %dma_wait3A_549 = tpu.memref_slice %arg15[%sub3A_547, %dma_wait3A_548] : memref<40x128xi32, #tpu.memory_space<vmem>> -> memref<1x128xi32, #tpu.memory_space<vmem>>
        %dma_wait3A_550 = tpu.memref_squeeze %dma_wait3A_549 : memref<1x128xi32, #tpu.memory_space<vmem>> -> memref<128xi32, #tpu.memory_space<vmem>>
        %dma_wait3A_551 = arith.constant 0 : i32
        %dma_wait3A_552 = arith.constant 0 : i32
        %dma_wait3A_553 = tpu.memref_slice %arg9[%dma_wait3A_551, %dma_wait3A_552] : memref<40960x16xf32, #tpu.memory_space<vmem_shared>> -> memref<40960x16xf32, #tpu.memory_space<vmem_shared>>
        tpu.wait_indirect_dma semaphore(%arg35 : memref<!tpu.dma_semaphore, #tpu.memory_space<semaphore_mem>>) src(%arg18 : memref<128x16xf32, #tpu.memory_space<vmem>>) dst(%dma_wait3A_553 : memref<40960x16xf32, #tpu.memory_space<vmem_shared>>)
      } else {
      }
      %add3A_496 = arith.constant 4 : i32
      %add3A_497 = arith.addi %add3A_462, %add3A_496 : i32
      %lt3A_498 = arith.constant 40 : i32
      %lt3A_499 = arith.cmpi slt, %add3A_497, %lt3A_498 : i32
      %convert_element_type3A_500 = arith.extui %lt3A_499 : i1 to i32
      %cond3A_501 = arith.constant 0 : i32
      %cond3A_502 = arith.cmpi ne, %convert_element_type3A_500, %cond3A_501 : i32
      scf.if %cond3A_502 {
        %add3A_547 = arith.constant 4 : i32
        %add3A_548 = arith.addi %add3A_462, %add3A_547 : i32
        %dma_start3A_549 = arith.constant 0 : i32
        %dma_start3A_550 = tpu.memref_slice %arg14[%add3A_548, %dma_start3A_549] : memref<40x128xi32, #tpu.memory_space<vmem>> -> memref<1x128xi32, #tpu.memory_space<vmem>>
        %dma_start3A_551 = tpu.memref_squeeze %dma_start3A_550 : memref<1x128xi32, #tpu.memory_space<vmem>> -> memref<128xi32, #tpu.memory_space<vmem>>
        %dma_start3A_552 = arith.constant 0 : i32
        %dma_start3A_553 = arith.constant 0 : i32
        %dma_start3A_554 = tpu.memref_slice %arg2[%dma_start3A_552, %dma_start3A_553] : memref<40960x16xf32, #tpu.memory_space<hbm>> -> memref<40960x16xf32, #tpu.memory_space<hbm>>
        tpu.enqueue_indirect_dma source(%dma_start3A_554 : memref<40960x16xf32, #tpu.memory_space<hbm>>) target(%arg18 : memref<128x16xf32, #tpu.memory_space<vmem>>) offsets(%dma_start3A_551 : memref<128xi32, #tpu.memory_space<vmem>>) semaphore(%arg27 : memref<!tpu.dma_semaphore, #tpu.memory_space<semaphore_mem>>)
      } else {
      }
      %mul3A_503 = arith.constant 8 : i32
      %mul3A_504 = arith.muli %scan3A_199, %mul3A_503 : i32
      %add3A_505 = arith.constant 7 : i32
      %add3A_506 = arith.addi %mul3A_504, %add3A_505 : i32
      %dma_wait3A_507 = arith.constant 0 : i32
      %dma_wait3A_508 = tpu.memref_slice %arg14[%add3A_506, %dma_wait3A_507] : memref<40x128xi32, #tpu.memory_space<vmem>> -> memref<1x128xi32, #tpu.memory_space<vmem>>
      %dma_wait3A_509 = tpu.memref_squeeze %dma_wait3A_508 : memref<1x128xi32, #tpu.memory_space<vmem>> -> memref<128xi32, #tpu.memory_space<vmem>>
      %dma_wait3A_510 = arith.constant 0 : i32
      %dma_wait3A_511 = arith.constant 0 : i32
      %dma_wait3A_512 = tpu.memref_slice %arg2[%dma_wait3A_510, %dma_wait3A_511] : memref<40960x16xf32, #tpu.memory_space<hbm>> -> memref<40960x16xf32, #tpu.memory_space<hbm>>
      tpu.wait_indirect_dma semaphore(%arg32 : memref<!tpu.dma_semaphore, #tpu.memory_space<semaphore_mem>>) src(%dma_wait3A_512 : memref<40960x16xf32, #tpu.memory_space<hbm>>) dst(%arg23 : memref<128x16xf32, #tpu.memory_space<vmem>>)
      %ge3A_513 = arith.constant 8 : i32
      %ge3A_514 = arith.cmpi sge, %add3A_506, %ge3A_513 : i32
      %convert_element_type3A_515 = arith.extui %ge3A_514 : i1 to i32
      %cond3A_516 = arith.constant 0 : i32
      %cond3A_517 = arith.cmpi ne, %convert_element_type3A_515, %cond3A_516 : i32
      scf.if %cond3A_517 {
        %sub3A = arith.constant 8 : i32
        %sub3A_547 = arith.subi %add3A_506, %sub3A : i32
        %dma_wait3A_548 = arith.constant 0 : i32
        %dma_wait3A_549 = tpu.memref_slice %arg15[%sub3A_547, %dma_wait3A_548] : memref<40x128xi32, #tpu.memory_space<vmem>> -> memref<1x128xi32, #tpu.memory_space<vmem>>
        %dma_wait3A_550 = tpu.memref_squeeze %dma_wait3A_549 : memref<1x128xi32, #tpu.memory_space<vmem>> -> memref<128xi32, #tpu.memory_space<vmem>>
        %dma_wait3A_551 = arith.constant 0 : i32
        %dma_wait3A_552 = arith.constant 0 : i32
        %dma_wait3A_553 = tpu.memref_slice %arg10[%dma_wait3A_551, %dma_wait3A_552] : memref<40960x16xf32, #tpu.memory_space<vmem_shared>> -> memref<40960x16xf32, #tpu.memory_space<vmem_shared>>
        tpu.wait_indirect_dma semaphore(%arg48 : memref<!tpu.dma_semaphore, #tpu.memory_space<semaphore_mem>>) src(%arg24 : memref<128x16xf32, #tpu.memory_space<vmem>>) dst(%dma_wait3A_553 : memref<40960x16xf32, #tpu.memory_space<vmem_shared>>)
      } else {
      }
      %dma_start3A_518 = arith.constant 0 : i32
      %dma_start3A_519 = tpu.memref_slice %arg15[%add3A_506, %dma_start3A_518] : memref<40x128xi32, #tpu.memory_space<vmem>> -> memref<1x128xi32, #tpu.memory_space<vmem>>
      %dma_start3A_520 = tpu.memref_squeeze %dma_start3A_519 : memref<1x128xi32, #tpu.memory_space<vmem>> -> memref<128xi32, #tpu.memory_space<vmem>>
      %dma_start3A_521 = arith.constant 0 : i32
      %dma_start3A_522 = arith.constant 0 : i32
      %dma_start3A_523 = tpu.memref_slice %arg10[%dma_start3A_521, %dma_start3A_522] : memref<40960x16xf32, #tpu.memory_space<vmem_shared>> -> memref<40960x16xf32, #tpu.memory_space<vmem_shared>>
      tpu.enqueue_indirect_dma source(%arg24 : memref<128x16xf32, #tpu.memory_space<vmem>>) target(%dma_start3A_523 : memref<40960x16xf32, #tpu.memory_space<vmem_shared>>) offsets(%dma_start3A_520 : memref<128xi32, #tpu.memory_space<vmem>>) semaphore(%arg48 : memref<!tpu.dma_semaphore, #tpu.memory_space<semaphore_mem>>) {add = true}
      %dma_start3A_524 = arith.constant 0 : i32
      %dma_start3A_525 = tpu.memref_slice %arg15[%add3A_506, %dma_start3A_524] : memref<40x128xi32, #tpu.memory_space<vmem>> -> memref<1x128xi32, #tpu.memory_space<vmem>>
      %dma_start3A_526 = tpu.memref_squeeze %dma_start3A_525 : memref<1x128xi32, #tpu.memory_space<vmem>> -> memref<128xi32, #tpu.memory_space<vmem>>
      %dma_start3A_527 = arith.constant 0 : i32
      %dma_start3A_528 = arith.constant 0 : i32
      %dma_start3A_529 = tpu.memref_slice %arg9[%dma_start3A_527, %dma_start3A_528] : memref<40960x16xf32, #tpu.memory_space<vmem_shared>> -> memref<40960x16xf32, #tpu.memory_space<vmem_shared>>
      tpu.enqueue_indirect_dma source(%arg23 : memref<128x16xf32, #tpu.memory_space<vmem>>) target(%dma_start3A_529 : memref<40960x16xf32, #tpu.memory_space<vmem_shared>>) offsets(%dma_start3A_526 : memref<128xi32, #tpu.memory_space<vmem>>) semaphore(%arg40 : memref<!tpu.dma_semaphore, #tpu.memory_space<semaphore_mem>>) {add = true}
      %add3A_530 = arith.constant 4 : i32
      %add3A_531 = arith.addi %add3A_506, %add3A_530 : i32
      %lt3A_532 = arith.constant 40 : i32
      %lt3A_533 = arith.cmpi slt, %add3A_531, %lt3A_532 : i32
      %ge3A_534 = arith.constant 4 : i32
      %ge3A_535 = arith.cmpi sge, %add3A_506, %ge3A_534 : i32
      %and3A_536 = arith.andi %lt3A_533, %ge3A_535 : i1
      %convert_element_type3A_537 = arith.extui %and3A_536 : i1 to i32
      %cond3A_538 = arith.constant 0 : i32
      %cond3A_539 = arith.cmpi ne, %convert_element_type3A_537, %cond3A_538 : i32
      scf.if %cond3A_539 {
        %sub3A = arith.constant 4 : i32
        %sub3A_547 = arith.subi %add3A_506, %sub3A : i32
        %dma_wait3A_548 = arith.constant 0 : i32
        %dma_wait3A_549 = tpu.memref_slice %arg15[%sub3A_547, %dma_wait3A_548] : memref<40x128xi32, #tpu.memory_space<vmem>> -> memref<1x128xi32, #tpu.memory_space<vmem>>
        %dma_wait3A_550 = tpu.memref_squeeze %dma_wait3A_549 : memref<1x128xi32, #tpu.memory_space<vmem>> -> memref<128xi32, #tpu.memory_space<vmem>>
        %dma_wait3A_551 = arith.constant 0 : i32
        %dma_wait3A_552 = arith.constant 0 : i32
        %dma_wait3A_553 = tpu.memref_slice %arg9[%dma_wait3A_551, %dma_wait3A_552] : memref<40960x16xf32, #tpu.memory_space<vmem_shared>> -> memref<40960x16xf32, #tpu.memory_space<vmem_shared>>
        tpu.wait_indirect_dma semaphore(%arg36 : memref<!tpu.dma_semaphore, #tpu.memory_space<semaphore_mem>>) src(%arg19 : memref<128x16xf32, #tpu.memory_space<vmem>>) dst(%dma_wait3A_553 : memref<40960x16xf32, #tpu.memory_space<vmem_shared>>)
      } else {
      }
      %add3A_540 = arith.constant 4 : i32
      %add3A_541 = arith.addi %add3A_506, %add3A_540 : i32
      %lt3A_542 = arith.constant 40 : i32
      %lt3A_543 = arith.cmpi slt, %add3A_541, %lt3A_542 : i32
      %convert_element_type3A_544 = arith.extui %lt3A_543 : i1 to i32
      %cond3A_545 = arith.constant 0 : i32
      %cond3A_546 = arith.cmpi ne, %convert_element_type3A_544, %cond3A_545 : i32
      scf.if %cond3A_546 {
        %add3A_547 = arith.constant 4 : i32
        %add3A_548 = arith.addi %add3A_506, %add3A_547 : i32
        %dma_start3A_549 = arith.constant 0 : i32
        %dma_start3A_550 = tpu.memref_slice %arg14[%add3A_548, %dma_start3A_549] : memref<40x128xi32, #tpu.memory_space<vmem>> -> memref<1x128xi32, #tpu.memory_space<vmem>>
        %dma_start3A_551 = tpu.memref_squeeze %dma_start3A_550 : memref<1x128xi32, #tpu.memory_space<vmem>> -> memref<128xi32, #tpu.memory_space<vmem>>
        %dma_start3A_552 = arith.constant 0 : i32
        %dma_start3A_553 = arith.constant 0 : i32
        %dma_start3A_554 = tpu.memref_slice %arg2[%dma_start3A_552, %dma_start3A_553] : memref<40960x16xf32, #tpu.memory_space<hbm>> -> memref<40960x16xf32, #tpu.memory_space<hbm>>
        tpu.enqueue_indirect_dma source(%dma_start3A_554 : memref<40960x16xf32, #tpu.memory_space<hbm>>) target(%arg19 : memref<128x16xf32, #tpu.memory_space<vmem>>) offsets(%dma_start3A_551 : memref<128xi32, #tpu.memory_space<vmem>>) semaphore(%arg28 : memref<!tpu.dma_semaphore, #tpu.memory_space<semaphore_mem>>)
      } else {
      }
    }
    %scan3A_85 = arith.constant 5 : i32
    %dma_wait3A_86 = arith.constant 32 : i32
    %dma_wait3A_87 = arith.constant 0 : i32
    %dma_wait3A_88 = tpu.memref_slice %arg15[%dma_wait3A_86, %dma_wait3A_87] : memref<40x128xi32, #tpu.memory_space<vmem>> -> memref<1x128xi32, #tpu.memory_space<vmem>>
    %dma_wait3A_89 = tpu.memref_squeeze %dma_wait3A_88 : memref<1x128xi32, #tpu.memory_space<vmem>> -> memref<128xi32, #tpu.memory_space<vmem>>
    %dma_wait3A_90 = arith.constant 0 : i32
    %dma_wait3A_91 = arith.constant 0 : i32
    %dma_wait3A_92 = tpu.memref_slice %arg9[%dma_wait3A_90, %dma_wait3A_91] : memref<40960x16xf32, #tpu.memory_space<vmem_shared>> -> memref<40960x16xf32, #tpu.memory_space<vmem_shared>>
    tpu.wait_indirect_dma semaphore(%arg33 : memref<!tpu.dma_semaphore, #tpu.memory_space<semaphore_mem>>) src(%arg16 : memref<128x16xf32, #tpu.memory_space<vmem>>) dst(%dma_wait3A_92 : memref<40960x16xf32, #tpu.memory_space<vmem_shared>>)
    %dma_wait3A_93 = arith.constant 32 : i32
    %dma_wait3A_94 = arith.constant 0 : i32
    %dma_wait3A_95 = tpu.memref_slice %arg15[%dma_wait3A_93, %dma_wait3A_94] : memref<40x128xi32, #tpu.memory_space<vmem>> -> memref<1x128xi32, #tpu.memory_space<vmem>>
    %dma_wait3A_96 = tpu.memref_squeeze %dma_wait3A_95 : memref<1x128xi32, #tpu.memory_space<vmem>> -> memref<128xi32, #tpu.memory_space<vmem>>
    %dma_wait3A_97 = arith.constant 0 : i32
    %dma_wait3A_98 = arith.constant 0 : i32
    %dma_wait3A_99 = tpu.memref_slice %arg10[%dma_wait3A_97, %dma_wait3A_98] : memref<40960x16xf32, #tpu.memory_space<vmem_shared>> -> memref<40960x16xf32, #tpu.memory_space<vmem_shared>>
    tpu.wait_indirect_dma semaphore(%arg41 : memref<!tpu.dma_semaphore, #tpu.memory_space<semaphore_mem>>) src(%arg24 : memref<128x16xf32, #tpu.memory_space<vmem>>) dst(%dma_wait3A_99 : memref<40960x16xf32, #tpu.memory_space<vmem_shared>>)
    %dma_wait3A_100 = arith.constant 33 : i32
    %dma_wait3A_101 = arith.constant 0 : i32
    %dma_wait3A_102 = tpu.memref_slice %arg15[%dma_wait3A_100, %dma_wait3A_101] : memref<40x128xi32, #tpu.memory_space<vmem>> -> memref<1x128xi32, #tpu.memory_space<vmem>>
    %dma_wait3A_103 = tpu.memref_squeeze %dma_wait3A_102 : memref<1x128xi32, #tpu.memory_space<vmem>> -> memref<128xi32, #tpu.memory_space<vmem>>
    %dma_wait3A_104 = arith.constant 0 : i32
    %dma_wait3A_105 = arith.constant 0 : i32
    %dma_wait3A_106 = tpu.memref_slice %arg9[%dma_wait3A_104, %dma_wait3A_105] : memref<40960x16xf32, #tpu.memory_space<vmem_shared>> -> memref<40960x16xf32, #tpu.memory_space<vmem_shared>>
    tpu.wait_indirect_dma semaphore(%arg34 : memref<!tpu.dma_semaphore, #tpu.memory_space<semaphore_mem>>) src(%arg17 : memref<128x16xf32, #tpu.memory_space<vmem>>) dst(%dma_wait3A_106 : memref<40960x16xf32, #tpu.memory_space<vmem_shared>>)
    %dma_wait3A_107 = arith.constant 33 : i32
    %dma_wait3A_108 = arith.constant 0 : i32
    %dma_wait3A_109 = tpu.memref_slice %arg15[%dma_wait3A_107, %dma_wait3A_108] : memref<40x128xi32, #tpu.memory_space<vmem>> -> memref<1x128xi32, #tpu.memory_space<vmem>>
    %dma_wait3A_110 = tpu.memref_squeeze %dma_wait3A_109 : memref<1x128xi32, #tpu.memory_space<vmem>> -> memref<128xi32, #tpu.memory_space<vmem>>
    %dma_wait3A_111 = arith.constant 0 : i32
    %dma_wait3A_112 = arith.constant 0 : i32
    %dma_wait3A_113 = tpu.memref_slice %arg10[%dma_wait3A_111, %dma_wait3A_112] : memref<40960x16xf32, #tpu.memory_space<vmem_shared>> -> memref<40960x16xf32, #tpu.memory_space<vmem_shared>>
    tpu.wait_indirect_dma semaphore(%arg42 : memref<!tpu.dma_semaphore, #tpu.memory_space<semaphore_mem>>) src(%arg24 : memref<128x16xf32, #tpu.memory_space<vmem>>) dst(%dma_wait3A_113 : memref<40960x16xf32, #tpu.memory_space<vmem_shared>>)
    %dma_wait3A_114 = arith.constant 34 : i32
    %dma_wait3A_115 = arith.constant 0 : i32
    %dma_wait3A_116 = tpu.memref_slice %arg15[%dma_wait3A_114, %dma_wait3A_115] : memref<40x128xi32, #tpu.memory_space<vmem>> -> memref<1x128xi32, #tpu.memory_space<vmem>>
    %dma_wait3A_117 = tpu.memref_squeeze %dma_wait3A_116 : memref<1x128xi32, #tpu.memory_space<vmem>> -> memref<128xi32, #tpu.memory_space<vmem>>
    %dma_wait3A_118 = arith.constant 0 : i32
    %dma_wait3A_119 = arith.constant 0 : i32
    %dma_wait3A_120 = tpu.memref_slice %arg9[%dma_wait3A_118, %dma_wait3A_119] : memref<40960x16xf32, #tpu.memory_space<vmem_shared>> -> memref<40960x16xf32, #tpu.memory_space<vmem_shared>>
    tpu.wait_indirect_dma semaphore(%arg35 : memref<!tpu.dma_semaphore, #tpu.memory_space<semaphore_mem>>) src(%arg18 : memref<128x16xf32, #tpu.memory_space<vmem>>) dst(%dma_wait3A_120 : memref<40960x16xf32, #tpu.memory_space<vmem_shared>>)
    %dma_wait3A_121 = arith.constant 34 : i32
    %dma_wait3A_122 = arith.constant 0 : i32
    %dma_wait3A_123 = tpu.memref_slice %arg15[%dma_wait3A_121, %dma_wait3A_122] : memref<40x128xi32, #tpu.memory_space<vmem>> -> memref<1x128xi32, #tpu.memory_space<vmem>>
    %dma_wait3A_124 = tpu.memref_squeeze %dma_wait3A_123 : memref<1x128xi32, #tpu.memory_space<vmem>> -> memref<128xi32, #tpu.memory_space<vmem>>
    %dma_wait3A_125 = arith.constant 0 : i32
    %dma_wait3A_126 = arith.constant 0 : i32
    %dma_wait3A_127 = tpu.memref_slice %arg10[%dma_wait3A_125, %dma_wait3A_126] : memref<40960x16xf32, #tpu.memory_space<vmem_shared>> -> memref<40960x16xf32, #tpu.memory_space<vmem_shared>>
    tpu.wait_indirect_dma semaphore(%arg43 : memref<!tpu.dma_semaphore, #tpu.memory_space<semaphore_mem>>) src(%arg24 : memref<128x16xf32, #tpu.memory_space<vmem>>) dst(%dma_wait3A_127 : memref<40960x16xf32, #tpu.memory_space<vmem_shared>>)
    %dma_wait3A_128 = arith.constant 35 : i32
    %dma_wait3A_129 = arith.constant 0 : i32
    %dma_wait3A_130 = tpu.memref_slice %arg15[%dma_wait3A_128, %dma_wait3A_129] : memref<40x128xi32, #tpu.memory_space<vmem>> -> memref<1x128xi32, #tpu.memory_space<vmem>>
    %dma_wait3A_131 = tpu.memref_squeeze %dma_wait3A_130 : memref<1x128xi32, #tpu.memory_space<vmem>> -> memref<128xi32, #tpu.memory_space<vmem>>
    %dma_wait3A_132 = arith.constant 0 : i32
    %dma_wait3A_133 = arith.constant 0 : i32
    %dma_wait3A_134 = tpu.memref_slice %arg9[%dma_wait3A_132, %dma_wait3A_133] : memref<40960x16xf32, #tpu.memory_space<vmem_shared>> -> memref<40960x16xf32, #tpu.memory_space<vmem_shared>>
    tpu.wait_indirect_dma semaphore(%arg36 : memref<!tpu.dma_semaphore, #tpu.memory_space<semaphore_mem>>) src(%arg19 : memref<128x16xf32, #tpu.memory_space<vmem>>) dst(%dma_wait3A_134 : memref<40960x16xf32, #tpu.memory_space<vmem_shared>>)
    %dma_wait3A_135 = arith.constant 35 : i32
    %dma_wait3A_136 = arith.constant 0 : i32
    %dma_wait3A_137 = tpu.memref_slice %arg15[%dma_wait3A_135, %dma_wait3A_136] : memref<40x128xi32, #tpu.memory_space<vmem>> -> memref<1x128xi32, #tpu.memory_space<vmem>>
    %dma_wait3A_138 = tpu.memref_squeeze %dma_wait3A_137 : memref<1x128xi32, #tpu.memory_space<vmem>> -> memref<128xi32, #tpu.memory_space<vmem>>
    %dma_wait3A_139 = arith.constant 0 : i32
    %dma_wait3A_140 = arith.constant 0 : i32
    %dma_wait3A_141 = tpu.memref_slice %arg10[%dma_wait3A_139, %dma_wait3A_140] : memref<40960x16xf32, #tpu.memory_space<vmem_shared>> -> memref<40960x16xf32, #tpu.memory_space<vmem_shared>>
    tpu.wait_indirect_dma semaphore(%arg44 : memref<!tpu.dma_semaphore, #tpu.memory_space<semaphore_mem>>) src(%arg24 : memref<128x16xf32, #tpu.memory_space<vmem>>) dst(%dma_wait3A_141 : memref<40960x16xf32, #tpu.memory_space<vmem_shared>>)
    %dma_wait3A_142 = arith.constant 36 : i32
    %dma_wait3A_143 = arith.constant 0 : i32
    %dma_wait3A_144 = tpu.memref_slice %arg15[%dma_wait3A_142, %dma_wait3A_143] : memref<40x128xi32, #tpu.memory_space<vmem>> -> memref<1x128xi32, #tpu.memory_space<vmem>>
    %dma_wait3A_145 = tpu.memref_squeeze %dma_wait3A_144 : memref<1x128xi32, #tpu.memory_space<vmem>> -> memref<128xi32, #tpu.memory_space<vmem>>
    %dma_wait3A_146 = arith.constant 0 : i32
    %dma_wait3A_147 = arith.constant 0 : i32
    %dma_wait3A_148 = tpu.memref_slice %arg9[%dma_wait3A_146, %dma_wait3A_147] : memref<40960x16xf32, #tpu.memory_space<vmem_shared>> -> memref<40960x16xf32, #tpu.memory_space<vmem_shared>>
    tpu.wait_indirect_dma semaphore(%arg37 : memref<!tpu.dma_semaphore, #tpu.memory_space<semaphore_mem>>) src(%arg20 : memref<128x16xf32, #tpu.memory_space<vmem>>) dst(%dma_wait3A_148 : memref<40960x16xf32, #tpu.memory_space<vmem_shared>>)
    %dma_wait3A_149 = arith.constant 36 : i32
    %dma_wait3A_150 = arith.constant 0 : i32
    %dma_wait3A_151 = tpu.memref_slice %arg15[%dma_wait3A_149, %dma_wait3A_150] : memref<40x128xi32, #tpu.memory_space<vmem>> -> memref<1x128xi32, #tpu.memory_space<vmem>>
    %dma_wait3A_152 = tpu.memref_squeeze %dma_wait3A_151 : memref<1x128xi32, #tpu.memory_space<vmem>> -> memref<128xi32, #tpu.memory_space<vmem>>
    %dma_wait3A_153 = arith.constant 0 : i32
    %dma_wait3A_154 = arith.constant 0 : i32
    %dma_wait3A_155 = tpu.memref_slice %arg10[%dma_wait3A_153, %dma_wait3A_154] : memref<40960x16xf32, #tpu.memory_space<vmem_shared>> -> memref<40960x16xf32, #tpu.memory_space<vmem_shared>>
    tpu.wait_indirect_dma semaphore(%arg45 : memref<!tpu.dma_semaphore, #tpu.memory_space<semaphore_mem>>) src(%arg24 : memref<128x16xf32, #tpu.memory_space<vmem>>) dst(%dma_wait3A_155 : memref<40960x16xf32, #tpu.memory_space<vmem_shared>>)
    %dma_wait3A_156 = arith.constant 37 : i32
    %dma_wait3A_157 = arith.constant 0 : i32
    %dma_wait3A_158 = tpu.memref_slice %arg15[%dma_wait3A_156, %dma_wait3A_157] : memref<40x128xi32, #tpu.memory_space<vmem>> -> memref<1x128xi32, #tpu.memory_space<vmem>>
    %dma_wait3A_159 = tpu.memref_squeeze %dma_wait3A_158 : memref<1x128xi32, #tpu.memory_space<vmem>> -> memref<128xi32, #tpu.memory_space<vmem>>
    %dma_wait3A_160 = arith.constant 0 : i32
    %dma_wait3A_161 = arith.constant 0 : i32
    %dma_wait3A_162 = tpu.memref_slice %arg9[%dma_wait3A_160, %dma_wait3A_161] : memref<40960x16xf32, #tpu.memory_space<vmem_shared>> -> memref<40960x16xf32, #tpu.memory_space<vmem_shared>>
    tpu.wait_indirect_dma semaphore(%arg38 : memref<!tpu.dma_semaphore, #tpu.memory_space<semaphore_mem>>) src(%arg21 : memref<128x16xf32, #tpu.memory_space<vmem>>) dst(%dma_wait3A_162 : memref<40960x16xf32, #tpu.memory_space<vmem_shared>>)
    %dma_wait3A_163 = arith.constant 37 : i32
    %dma_wait3A_164 = arith.constant 0 : i32
    %dma_wait3A_165 = tpu.memref_slice %arg15[%dma_wait3A_163, %dma_wait3A_164] : memref<40x128xi32, #tpu.memory_space<vmem>> -> memref<1x128xi32, #tpu.memory_space<vmem>>
    %dma_wait3A_166 = tpu.memref_squeeze %dma_wait3A_165 : memref<1x128xi32, #tpu.memory_space<vmem>> -> memref<128xi32, #tpu.memory_space<vmem>>
    %dma_wait3A_167 = arith.constant 0 : i32
    %dma_wait3A_168 = arith.constant 0 : i32
    %dma_wait3A_169 = tpu.memref_slice %arg10[%dma_wait3A_167, %dma_wait3A_168] : memref<40960x16xf32, #tpu.memory_space<vmem_shared>> -> memref<40960x16xf32, #tpu.memory_space<vmem_shared>>
    tpu.wait_indirect_dma semaphore(%arg46 : memref<!tpu.dma_semaphore, #tpu.memory_space<semaphore_mem>>) src(%arg24 : memref<128x16xf32, #tpu.memory_space<vmem>>) dst(%dma_wait3A_169 : memref<40960x16xf32, #tpu.memory_space<vmem_shared>>)
    %dma_wait3A_170 = arith.constant 38 : i32
    %dma_wait3A_171 = arith.constant 0 : i32
    %dma_wait3A_172 = tpu.memref_slice %arg15[%dma_wait3A_170, %dma_wait3A_171] : memref<40x128xi32, #tpu.memory_space<vmem>> -> memref<1x128xi32, #tpu.memory_space<vmem>>
    %dma_wait3A_173 = tpu.memref_squeeze %dma_wait3A_172 : memref<1x128xi32, #tpu.memory_space<vmem>> -> memref<128xi32, #tpu.memory_space<vmem>>
    %dma_wait3A_174 = arith.constant 0 : i32
    %dma_wait3A_175 = arith.constant 0 : i32
    %dma_wait3A_176 = tpu.memref_slice %arg9[%dma_wait3A_174, %dma_wait3A_175] : memref<40960x16xf32, #tpu.memory_space<vmem_shared>> -> memref<40960x16xf32, #tpu.memory_space<vmem_shared>>
    tpu.wait_indirect_dma semaphore(%arg39 : memref<!tpu.dma_semaphore, #tpu.memory_space<semaphore_mem>>) src(%arg22 : memref<128x16xf32, #tpu.memory_space<vmem>>) dst(%dma_wait3A_176 : memref<40960x16xf32, #tpu.memory_space<vmem_shared>>)
    %dma_wait3A_177 = arith.constant 38 : i32
    %dma_wait3A_178 = arith.constant 0 : i32
    %dma_wait3A_179 = tpu.memref_slice %arg15[%dma_wait3A_177, %dma_wait3A_178] : memref<40x128xi32, #tpu.memory_space<vmem>> -> memref<1x128xi32, #tpu.memory_space<vmem>>
    %dma_wait3A_180 = tpu.memref_squeeze %dma_wait3A_179 : memref<1x128xi32, #tpu.memory_space<vmem>> -> memref<128xi32, #tpu.memory_space<vmem>>
    %dma_wait3A_181 = arith.constant 0 : i32
    %dma_wait3A_182 = arith.constant 0 : i32
    %dma_wait3A_183 = tpu.memref_slice %arg10[%dma_wait3A_181, %dma_wait3A_182] : memref<40960x16xf32, #tpu.memory_space<vmem_shared>> -> memref<40960x16xf32, #tpu.memory_space<vmem_shared>>
    tpu.wait_indirect_dma semaphore(%arg47 : memref<!tpu.dma_semaphore, #tpu.memory_space<semaphore_mem>>) src(%arg24 : memref<128x16xf32, #tpu.memory_space<vmem>>) dst(%dma_wait3A_183 : memref<40960x16xf32, #tpu.memory_space<vmem_shared>>)
    %dma_wait3A_184 = arith.constant 39 : i32
    %dma_wait3A_185 = arith.constant 0 : i32
    %dma_wait3A_186 = tpu.memref_slice %arg15[%dma_wait3A_184, %dma_wait3A_185] : memref<40x128xi32, #tpu.memory_space<vmem>> -> memref<1x128xi32, #tpu.memory_space<vmem>>
    %dma_wait3A_187 = tpu.memref_squeeze %dma_wait3A_186 : memref<1x128xi32, #tpu.memory_space<vmem>> -> memref<128xi32, #tpu.memory_space<vmem>>
    %dma_wait3A_188 = arith.constant 0 : i32
    %dma_wait3A_189 = arith.constant 0 : i32
    %dma_wait3A_190 = tpu.memref_slice %arg9[%dma_wait3A_188, %dma_wait3A_189] : memref<40960x16xf32, #tpu.memory_space<vmem_shared>> -> memref<40960x16xf32, #tpu.memory_space<vmem_shared>>
    tpu.wait_indirect_dma semaphore(%arg40 : memref<!tpu.dma_semaphore, #tpu.memory_space<semaphore_mem>>) src(%arg23 : memref<128x16xf32, #tpu.memory_space<vmem>>) dst(%dma_wait3A_190 : memref<40960x16xf32, #tpu.memory_space<vmem_shared>>)
    %dma_wait3A_191 = arith.constant 39 : i32
    %dma_wait3A_192 = arith.constant 0 : i32
    %dma_wait3A_193 = tpu.memref_slice %arg15[%dma_wait3A_191, %dma_wait3A_192] : memref<40x128xi32, #tpu.memory_space<vmem>> -> memref<1x128xi32, #tpu.memory_space<vmem>>
    %dma_wait3A_194 = tpu.memref_squeeze %dma_wait3A_193 : memref<1x128xi32, #tpu.memory_space<vmem>> -> memref<128xi32, #tpu.memory_space<vmem>>
    %dma_wait3A_195 = arith.constant 0 : i32
    %dma_wait3A_196 = arith.constant 0 : i32
    %dma_wait3A_197 = tpu.memref_slice %arg10[%dma_wait3A_195, %dma_wait3A_196] : memref<40960x16xf32, #tpu.memory_space<vmem_shared>> -> memref<40960x16xf32, #tpu.memory_space<vmem_shared>>
    tpu.wait_indirect_dma semaphore(%arg48 : memref<!tpu.dma_semaphore, #tpu.memory_space<semaphore_mem>>) src(%arg24 : memref<128x16xf32, #tpu.memory_space<vmem>>) dst(%dma_wait3A_197 : memref<40960x16xf32, #tpu.memory_space<vmem_shared>>)
    %barrier3A_198 = arith.constant 0 : index
    tpu.barrier barrier_id(%barrier3A_198)
    "tpu.region"() ({
      %run_scoped3A = tpu.sem_alloc : memref<!tpu.dma_semaphore, #tpu.memory_space<semaphore_mem>>
      %dma_start3A_199 = arith.constant 0 : i32
      %dma_start3A_200 = tpu.memref_slice %arg7[%arg0, %mul3A_4, %dma_start3A_199] : memref<2x40960x16xf32, #tpu.memory_space<hbm>> -> memref<1x2560x16xf32, #tpu.memory_space<hbm>>
      %dma_start3A_201 = tpu.memref_squeeze %dma_start3A_200 : memref<1x2560x16xf32, #tpu.memory_space<hbm>> -> memref<2560x16xf32, #tpu.memory_space<hbm>>
      %dma_start3A_202 = arith.constant 0 : i32
      %dma_start3A_203 = tpu.memref_slice %arg9[%mul3A_4, %dma_start3A_202] : memref<40960x16xf32, #tpu.memory_space<vmem_shared>> -> memref<2560x16xf32, #tpu.memory_space<vmem_shared>>
      tpu.enqueue_dma source(%dma_start3A_203 : memref<2560x16xf32, #tpu.memory_space<vmem_shared>>) target(%dma_start3A_201 : memref<2560x16xf32, #tpu.memory_space<hbm>>) target_semaphore(%run_scoped3A : memref<!tpu.dma_semaphore, #tpu.memory_space<semaphore_mem>>)
      %dma_wait3A_204 = arith.constant 0 : i32
      %dma_wait3A_205 = tpu.memref_slice %arg7[%arg0, %mul3A_4, %dma_wait3A_204] : memref<2x40960x16xf32, #tpu.memory_space<hbm>> -> memref<1x2560x16xf32, #tpu.memory_space<hbm>>
      %dma_wait3A_206 = tpu.memref_squeeze %dma_wait3A_205 : memref<1x2560x16xf32, #tpu.memory_space<hbm>> -> memref<2560x16xf32, #tpu.memory_space<hbm>>
      %dma_wait3A_207 = arith.constant 0 : i32
      %dma_wait3A_208 = tpu.memref_slice %arg9[%mul3A_4, %dma_wait3A_207] : memref<40960x16xf32, #tpu.memory_space<vmem_shared>> -> memref<2560x16xf32, #tpu.memory_space<vmem_shared>>
      tpu.wait_dma2 semaphore(%run_scoped3A : memref<!tpu.dma_semaphore, #tpu.memory_space<semaphore_mem>>) src(%dma_wait3A_208 : memref<2560x16xf32, #tpu.memory_space<vmem_shared>>) dst(%dma_wait3A_206 : memref<2560x16xf32, #tpu.memory_space<hbm>>)
      tpu.yield
    }) : () -> ()
    "tpu.region"() ({
      %run_scoped3A = tpu.sem_alloc : memref<!tpu.dma_semaphore, #tpu.memory_space<semaphore_mem>>
      %dma_start3A_199 = arith.constant 0 : i32
      %dma_start3A_200 = tpu.memref_slice %arg8[%arg0, %mul3A_4, %dma_start3A_199] : memref<2x40960x16xf32, #tpu.memory_space<hbm>> -> memref<1x2560x16xf32, #tpu.memory_space<hbm>>
      %dma_start3A_201 = tpu.memref_squeeze %dma_start3A_200 : memref<1x2560x16xf32, #tpu.memory_space<hbm>> -> memref<2560x16xf32, #tpu.memory_space<hbm>>
      %dma_start3A_202 = arith.constant 0 : i32
      %dma_start3A_203 = tpu.memref_slice %arg10[%mul3A_4, %dma_start3A_202] : memref<40960x16xf32, #tpu.memory_space<vmem_shared>> -> memref<2560x16xf32, #tpu.memory_space<vmem_shared>>
      tpu.enqueue_dma source(%dma_start3A_203 : memref<2560x16xf32, #tpu.memory_space<vmem_shared>>) target(%dma_start3A_201 : memref<2560x16xf32, #tpu.memory_space<hbm>>) target_semaphore(%run_scoped3A : memref<!tpu.dma_semaphore, #tpu.memory_space<semaphore_mem>>)
      %dma_wait3A_204 = arith.constant 0 : i32
      %dma_wait3A_205 = tpu.memref_slice %arg8[%arg0, %mul3A_4, %dma_wait3A_204] : memref<2x40960x16xf32, #tpu.memory_space<hbm>> -> memref<1x2560x16xf32, #tpu.memory_space<hbm>>
      %dma_wait3A_206 = tpu.memref_squeeze %dma_wait3A_205 : memref<1x2560x16xf32, #tpu.memory_space<hbm>> -> memref<2560x16xf32, #tpu.memory_space<hbm>>
      %dma_wait3A_207 = arith.constant 0 : i32
      %dma_wait3A_208 = tpu.memref_slice %arg10[%mul3A_4, %dma_wait3A_207] : memref<40960x16xf32, #tpu.memory_space<vmem_shared>> -> memref<2560x16xf32, #tpu.memory_space<vmem_shared>>
      tpu.wait_dma2 semaphore(%run_scoped3A : memref<!tpu.dma_semaphore, #tpu.memory_space<semaphore_mem>>) src(%dma_wait3A_208 : memref<2560x16xf32, #tpu.memory_space<vmem_shared>>) dst(%dma_wait3A_206 : memref<2560x16xf32, #tpu.memory_space<hbm>>)
      tpu.yield
    }) : () -> ()
    return
  }
}

module attributes {stable_mosaic.version = 14 : i64} {
  func.func @_tca_body(%arg0: i32, %arg1: memref<1024x256xf32, #tpu.memory_space<vmem>>, %arg2: memref<256x80xf32, #tpu.memory_space<vmem>>, %arg3: memref<1x16xf32, #tpu.memory_space<vmem>>, %arg4: memref<4x128x128xf32, #tpu.memory_space<vmem>>, %arg5: memref<128x128xf32, #tpu.memory_space<vmem>>) attributes {dimension_semantics = [#tpu.dimension_semantics<arbitrary>], iteration_bounds = array<i64: 10>, scalar_prefetch = 0 : i64, scratch_operands = 0 : i64, tpu.core_type = #tpu.core_type<tc>, window_params = [{transform_indices = @transform_0, window_bounds = array<i64: 1024, 256>}, {pipeline_mode = #tpu.pipeline_mode<synchronous>, transform_indices = @transform_1, window_bounds = array<i64: 256, 80>}, {pipeline_mode = #tpu.pipeline_mode<synchronous>, transform_indices = @transform_2, window_bounds = array<i64: 1, 16>}, {transform_indices = @transform_3, window_bounds = array<i64: 4, 128, 128>}, {transform_indices = @transform_4, window_bounds = array<i64: 128, 128>}]} {
    %get3A = arith.constant 0 : index
    %get3A_0 = arith.constant 0 : index
    %get3A_1 = vector.load %arg1[%get3A, %get3A_0] : memref<1024x256xf32, #tpu.memory_space<vmem>>, vector<1024x256xf32>
    %get3A_2 = arith.constant 0 : index
    %get3A_3 = arith.constant 0 : index
    %get3A_4 = vector.load %arg2[%get3A_2, %get3A_3] : memref<256x80xf32, #tpu.memory_space<vmem>>, vector<256x80xf32>
    %dot_general3A = arith.constant dense<0.000000e+00> : vector<1024x80xf32>
    %dot_general3A_5 = tpu.matmul %get3A_1, %get3A_4, %dot_general3A {dimension_numbers = #tpu.dot_dimension_numbers<[1], [0], [0], [1], [0, 0, 1, 1], [], []>, transpose_lhs_hint = false} : vector<1024x256xf32>, vector<256x80xf32>, vector<1024x80xf32> -> vector<1024x80xf32>
    %slice3A = vector.extract_strided_slice %dot_general3A_5 {offsets = [0, 0], sizes = [1024, 16], strides = [1, 1]} : vector<1024x80xf32> to vector<1024x16xf32>
    %reshape3A = vector.shape_cast %slice3A : vector<1024x16xf32> to vector<128x8x16xf32>
    %slice3A_6 = vector.extract_strided_slice %reshape3A {offsets = [0, 0, 0], sizes = [128, 1, 16], strides = [1, 1, 1]} : vector<128x8x16xf32> to vector<128x1x16xf32>
    %squeeze3A = vector.shape_cast %slice3A_6 : vector<128x1x16xf32> to vector<128x16xf32>
    %slice3A_7 = vector.extract_strided_slice %reshape3A {offsets = [0, 1, 0], sizes = [128, 1, 16], strides = [1, 1, 1]} : vector<128x8x16xf32> to vector<128x1x16xf32>
    %squeeze3A_8 = vector.shape_cast %slice3A_7 : vector<128x1x16xf32> to vector<128x16xf32>
    %slice3A_9 = vector.extract_strided_slice %reshape3A {offsets = [0, 2, 0], sizes = [128, 1, 16], strides = [1, 1, 1]} : vector<128x8x16xf32> to vector<128x1x16xf32>
    %squeeze3A_10 = vector.shape_cast %slice3A_9 : vector<128x1x16xf32> to vector<128x16xf32>
    %slice3A_11 = vector.extract_strided_slice %reshape3A {offsets = [0, 3, 0], sizes = [128, 1, 16], strides = [1, 1, 1]} : vector<128x8x16xf32> to vector<128x1x16xf32>
    %squeeze3A_12 = vector.shape_cast %slice3A_11 : vector<128x1x16xf32> to vector<128x16xf32>
    %slice3A_13 = vector.extract_strided_slice %reshape3A {offsets = [0, 4, 0], sizes = [128, 1, 16], strides = [1, 1, 1]} : vector<128x8x16xf32> to vector<128x1x16xf32>
    %squeeze3A_14 = vector.shape_cast %slice3A_13 : vector<128x1x16xf32> to vector<128x16xf32>
    %slice3A_15 = vector.extract_strided_slice %reshape3A {offsets = [0, 5, 0], sizes = [128, 1, 16], strides = [1, 1, 1]} : vector<128x8x16xf32> to vector<128x1x16xf32>
    %squeeze3A_16 = vector.shape_cast %slice3A_15 : vector<128x1x16xf32> to vector<128x16xf32>
    %slice3A_17 = vector.extract_strided_slice %reshape3A {offsets = [0, 6, 0], sizes = [128, 1, 16], strides = [1, 1, 1]} : vector<128x8x16xf32> to vector<128x1x16xf32>
    %squeeze3A_18 = vector.shape_cast %slice3A_17 : vector<128x1x16xf32> to vector<128x16xf32>
    %slice3A_19 = vector.extract_strided_slice %reshape3A {offsets = [0, 7, 0], sizes = [128, 1, 16], strides = [1, 1, 1]} : vector<128x8x16xf32> to vector<128x1x16xf32>
    %squeeze3A_20 = vector.shape_cast %slice3A_19 : vector<128x1x16xf32> to vector<128x16xf32>
    %concatenate3A = tpu.concatenate %squeeze3A, %squeeze3A_8, %squeeze3A_10, %squeeze3A_12, %squeeze3A_14, %squeeze3A_16, %squeeze3A_18, %squeeze3A_20 in 1 : vector<128x16xf32>, vector<128x16xf32>, vector<128x16xf32>, vector<128x16xf32>, vector<128x16xf32>, vector<128x16xf32>, vector<128x16xf32>, vector<128x16xf32> -> vector<128x128xf32>
    %swap3A = arith.constant 0 : index
    %swap3A_21 = arith.constant 0 : index
    %swap3A_22 = arith.constant 0 : index
    %swap3A_23 = vector.load %arg4[%swap3A, %swap3A_21, %swap3A_22] : memref<4x128x128xf32, #tpu.memory_space<vmem>>, vector<1x128x128xf32>
    %swap3A_24 = vector.shape_cast %swap3A_23 : vector<1x128x128xf32> to vector<128x128xf32>
    %swap3A_25 = vector.shape_cast %concatenate3A : vector<128x128xf32> to vector<1x128x128xf32>
    tpu.vector_store %arg4[%swap3A, %swap3A_21, %swap3A_22], %swap3A_25 {strides = array<i32>} : memref<4x128x128xf32, #tpu.memory_space<vmem>>, vector<1x128x128xf32>,
    %slice3A_26 = vector.extract_strided_slice %dot_general3A_5 {offsets = [0, 16], sizes = [1024, 16], strides = [1, 1]} : vector<1024x80xf32> to vector<1024x16xf32>
    %reshape3A_27 = vector.shape_cast %slice3A_26 : vector<1024x16xf32> to vector<128x8x16xf32>
    %slice3A_28 = vector.extract_strided_slice %reshape3A_27 {offsets = [0, 0, 0], sizes = [128, 1, 16], strides = [1, 1, 1]} : vector<128x8x16xf32> to vector<128x1x16xf32>
    %squeeze3A_29 = vector.shape_cast %slice3A_28 : vector<128x1x16xf32> to vector<128x16xf32>
    %slice3A_30 = vector.extract_strided_slice %reshape3A_27 {offsets = [0, 1, 0], sizes = [128, 1, 16], strides = [1, 1, 1]} : vector<128x8x16xf32> to vector<128x1x16xf32>
    %squeeze3A_31 = vector.shape_cast %slice3A_30 : vector<128x1x16xf32> to vector<128x16xf32>
    %slice3A_32 = vector.extract_strided_slice %reshape3A_27 {offsets = [0, 2, 0], sizes = [128, 1, 16], strides = [1, 1, 1]} : vector<128x8x16xf32> to vector<128x1x16xf32>
    %squeeze3A_33 = vector.shape_cast %slice3A_32 : vector<128x1x16xf32> to vector<128x16xf32>
    %slice3A_34 = vector.extract_strided_slice %reshape3A_27 {offsets = [0, 3, 0], sizes = [128, 1, 16], strides = [1, 1, 1]} : vector<128x8x16xf32> to vector<128x1x16xf32>
    %squeeze3A_35 = vector.shape_cast %slice3A_34 : vector<128x1x16xf32> to vector<128x16xf32>
    %slice3A_36 = vector.extract_strided_slice %reshape3A_27 {offsets = [0, 4, 0], sizes = [128, 1, 16], strides = [1, 1, 1]} : vector<128x8x16xf32> to vector<128x1x16xf32>
    %squeeze3A_37 = vector.shape_cast %slice3A_36 : vector<128x1x16xf32> to vector<128x16xf32>
    %slice3A_38 = vector.extract_strided_slice %reshape3A_27 {offsets = [0, 5, 0], sizes = [128, 1, 16], strides = [1, 1, 1]} : vector<128x8x16xf32> to vector<128x1x16xf32>
    %squeeze3A_39 = vector.shape_cast %slice3A_38 : vector<128x1x16xf32> to vector<128x16xf32>
    %slice3A_40 = vector.extract_strided_slice %reshape3A_27 {offsets = [0, 6, 0], sizes = [128, 1, 16], strides = [1, 1, 1]} : vector<128x8x16xf32> to vector<128x1x16xf32>
    %squeeze3A_41 = vector.shape_cast %slice3A_40 : vector<128x1x16xf32> to vector<128x16xf32>
    %slice3A_42 = vector.extract_strided_slice %reshape3A_27 {offsets = [0, 7, 0], sizes = [128, 1, 16], strides = [1, 1, 1]} : vector<128x8x16xf32> to vector<128x1x16xf32>
    %squeeze3A_43 = vector.shape_cast %slice3A_42 : vector<128x1x16xf32> to vector<128x16xf32>
    %concatenate3A_44 = tpu.concatenate %squeeze3A_29, %squeeze3A_31, %squeeze3A_33, %squeeze3A_35, %squeeze3A_37, %squeeze3A_39, %squeeze3A_41, %squeeze3A_43 in 1 : vector<128x16xf32>, vector<128x16xf32>, vector<128x16xf32>, vector<128x16xf32>, vector<128x16xf32>, vector<128x16xf32>, vector<128x16xf32>, vector<128x16xf32> -> vector<128x128xf32>
    %swap3A_45 = arith.constant 1 : index
    %swap3A_46 = arith.constant 0 : index
    %swap3A_47 = arith.constant 0 : index
    %swap3A_48 = vector.load %arg4[%swap3A_45, %swap3A_46, %swap3A_47] : memref<4x128x128xf32, #tpu.memory_space<vmem>>, vector<1x128x128xf32>
    %swap3A_49 = vector.shape_cast %swap3A_48 : vector<1x128x128xf32> to vector<128x128xf32>
    %swap3A_50 = vector.shape_cast %concatenate3A_44 : vector<128x128xf32> to vector<1x128x128xf32>
    tpu.vector_store %arg4[%swap3A_45, %swap3A_46, %swap3A_47], %swap3A_50 {strides = array<i32>} : memref<4x128x128xf32, #tpu.memory_space<vmem>>, vector<1x128x128xf32>,
    %slice3A_51 = vector.extract_strided_slice %dot_general3A_5 {offsets = [0, 32], sizes = [1024, 16], strides = [1, 1]} : vector<1024x80xf32> to vector<1024x16xf32>
    %reshape3A_52 = vector.shape_cast %slice3A_51 : vector<1024x16xf32> to vector<128x8x16xf32>
    %slice3A_53 = vector.extract_strided_slice %reshape3A_52 {offsets = [0, 0, 0], sizes = [128, 1, 16], strides = [1, 1, 1]} : vector<128x8x16xf32> to vector<128x1x16xf32>
    %squeeze3A_54 = vector.shape_cast %slice3A_53 : vector<128x1x16xf32> to vector<128x16xf32>
    %slice3A_55 = vector.extract_strided_slice %reshape3A_52 {offsets = [0, 1, 0], sizes = [128, 1, 16], strides = [1, 1, 1]} : vector<128x8x16xf32> to vector<128x1x16xf32>
    %squeeze3A_56 = vector.shape_cast %slice3A_55 : vector<128x1x16xf32> to vector<128x16xf32>
    %slice3A_57 = vector.extract_strided_slice %reshape3A_52 {offsets = [0, 2, 0], sizes = [128, 1, 16], strides = [1, 1, 1]} : vector<128x8x16xf32> to vector<128x1x16xf32>
    %squeeze3A_58 = vector.shape_cast %slice3A_57 : vector<128x1x16xf32> to vector<128x16xf32>
    %slice3A_59 = vector.extract_strided_slice %reshape3A_52 {offsets = [0, 3, 0], sizes = [128, 1, 16], strides = [1, 1, 1]} : vector<128x8x16xf32> to vector<128x1x16xf32>
    %squeeze3A_60 = vector.shape_cast %slice3A_59 : vector<128x1x16xf32> to vector<128x16xf32>
    %slice3A_61 = vector.extract_strided_slice %reshape3A_52 {offsets = [0, 4, 0], sizes = [128, 1, 16], strides = [1, 1, 1]} : vector<128x8x16xf32> to vector<128x1x16xf32>
    %squeeze3A_62 = vector.shape_cast %slice3A_61 : vector<128x1x16xf32> to vector<128x16xf32>
    %slice3A_63 = vector.extract_strided_slice %reshape3A_52 {offsets = [0, 5, 0], sizes = [128, 1, 16], strides = [1, 1, 1]} : vector<128x8x16xf32> to vector<128x1x16xf32>
    %squeeze3A_64 = vector.shape_cast %slice3A_63 : vector<128x1x16xf32> to vector<128x16xf32>
    %slice3A_65 = vector.extract_strided_slice %reshape3A_52 {offsets = [0, 6, 0], sizes = [128, 1, 16], strides = [1, 1, 1]} : vector<128x8x16xf32> to vector<128x1x16xf32>
    %squeeze3A_66 = vector.shape_cast %slice3A_65 : vector<128x1x16xf32> to vector<128x16xf32>
    %slice3A_67 = vector.extract_strided_slice %reshape3A_52 {offsets = [0, 7, 0], sizes = [128, 1, 16], strides = [1, 1, 1]} : vector<128x8x16xf32> to vector<128x1x16xf32>
    %squeeze3A_68 = vector.shape_cast %slice3A_67 : vector<128x1x16xf32> to vector<128x16xf32>
    %concatenate3A_69 = tpu.concatenate %squeeze3A_54, %squeeze3A_56, %squeeze3A_58, %squeeze3A_60, %squeeze3A_62, %squeeze3A_64, %squeeze3A_66, %squeeze3A_68 in 1 : vector<128x16xf32>, vector<128x16xf32>, vector<128x16xf32>, vector<128x16xf32>, vector<128x16xf32>, vector<128x16xf32>, vector<128x16xf32>, vector<128x16xf32> -> vector<128x128xf32>
    %swap3A_70 = arith.constant 2 : index
    %swap3A_71 = arith.constant 0 : index
    %swap3A_72 = arith.constant 0 : index
    %swap3A_73 = vector.load %arg4[%swap3A_70, %swap3A_71, %swap3A_72] : memref<4x128x128xf32, #tpu.memory_space<vmem>>, vector<1x128x128xf32>
    %swap3A_74 = vector.shape_cast %swap3A_73 : vector<1x128x128xf32> to vector<128x128xf32>
    %swap3A_75 = vector.shape_cast %concatenate3A_69 : vector<128x128xf32> to vector<1x128x128xf32>
    tpu.vector_store %arg4[%swap3A_70, %swap3A_71, %swap3A_72], %swap3A_75 {strides = array<i32>} : memref<4x128x128xf32, #tpu.memory_space<vmem>>, vector<1x128x128xf32>,
    %slice3A_76 = vector.extract_strided_slice %dot_general3A_5 {offsets = [0, 48], sizes = [1024, 16], strides = [1, 1]} : vector<1024x80xf32> to vector<1024x16xf32>
    %reshape3A_77 = vector.shape_cast %slice3A_76 : vector<1024x16xf32> to vector<128x8x16xf32>
    %slice3A_78 = vector.extract_strided_slice %reshape3A_77 {offsets = [0, 0, 0], sizes = [128, 1, 16], strides = [1, 1, 1]} : vector<128x8x16xf32> to vector<128x1x16xf32>
    %squeeze3A_79 = vector.shape_cast %slice3A_78 : vector<128x1x16xf32> to vector<128x16xf32>
    %slice3A_80 = vector.extract_strided_slice %reshape3A_77 {offsets = [0, 1, 0], sizes = [128, 1, 16], strides = [1, 1, 1]} : vector<128x8x16xf32> to vector<128x1x16xf32>
    %squeeze3A_81 = vector.shape_cast %slice3A_80 : vector<128x1x16xf32> to vector<128x16xf32>
    %slice3A_82 = vector.extract_strided_slice %reshape3A_77 {offsets = [0, 2, 0], sizes = [128, 1, 16], strides = [1, 1, 1]} : vector<128x8x16xf32> to vector<128x1x16xf32>
    %squeeze3A_83 = vector.shape_cast %slice3A_82 : vector<128x1x16xf32> to vector<128x16xf32>
    %slice3A_84 = vector.extract_strided_slice %reshape3A_77 {offsets = [0, 3, 0], sizes = [128, 1, 16], strides = [1, 1, 1]} : vector<128x8x16xf32> to vector<128x1x16xf32>
    %squeeze3A_85 = vector.shape_cast %slice3A_84 : vector<128x1x16xf32> to vector<128x16xf32>
    %slice3A_86 = vector.extract_strided_slice %reshape3A_77 {offsets = [0, 4, 0], sizes = [128, 1, 16], strides = [1, 1, 1]} : vector<128x8x16xf32> to vector<128x1x16xf32>
    %squeeze3A_87 = vector.shape_cast %slice3A_86 : vector<128x1x16xf32> to vector<128x16xf32>
    %slice3A_88 = vector.extract_strided_slice %reshape3A_77 {offsets = [0, 5, 0], sizes = [128, 1, 16], strides = [1, 1, 1]} : vector<128x8x16xf32> to vector<128x1x16xf32>
    %squeeze3A_89 = vector.shape_cast %slice3A_88 : vector<128x1x16xf32> to vector<128x16xf32>
    %slice3A_90 = vector.extract_strided_slice %reshape3A_77 {offsets = [0, 6, 0], sizes = [128, 1, 16], strides = [1, 1, 1]} : vector<128x8x16xf32> to vector<128x1x16xf32>
    %squeeze3A_91 = vector.shape_cast %slice3A_90 : vector<128x1x16xf32> to vector<128x16xf32>
    %slice3A_92 = vector.extract_strided_slice %reshape3A_77 {offsets = [0, 7, 0], sizes = [128, 1, 16], strides = [1, 1, 1]} : vector<128x8x16xf32> to vector<128x1x16xf32>
    %squeeze3A_93 = vector.shape_cast %slice3A_92 : vector<128x1x16xf32> to vector<128x16xf32>
    %concatenate3A_94 = tpu.concatenate %squeeze3A_79, %squeeze3A_81, %squeeze3A_83, %squeeze3A_85, %squeeze3A_87, %squeeze3A_89, %squeeze3A_91, %squeeze3A_93 in 1 : vector<128x16xf32>, vector<128x16xf32>, vector<128x16xf32>, vector<128x16xf32>, vector<128x16xf32>, vector<128x16xf32>, vector<128x16xf32>, vector<128x16xf32> -> vector<128x128xf32>
    %swap3A_95 = arith.constant 3 : index
    %swap3A_96 = arith.constant 0 : index
    %swap3A_97 = arith.constant 0 : index
    %swap3A_98 = vector.load %arg4[%swap3A_95, %swap3A_96, %swap3A_97] : memref<4x128x128xf32, #tpu.memory_space<vmem>>, vector<1x128x128xf32>
    %swap3A_99 = vector.shape_cast %swap3A_98 : vector<1x128x128xf32> to vector<128x128xf32>
    %swap3A_100 = vector.shape_cast %concatenate3A_94 : vector<128x128xf32> to vector<1x128x128xf32>
    tpu.vector_store %arg4[%swap3A_95, %swap3A_96, %swap3A_97], %swap3A_100 {strides = array<i32>} : memref<4x128x128xf32, #tpu.memory_space<vmem>>, vector<1x128x128xf32>,
    %slice3A_101 = vector.extract_strided_slice %dot_general3A_5 {offsets = [0, 64], sizes = [1024, 16], strides = [1, 1]} : vector<1024x80xf32> to vector<1024x16xf32>
    %get3A_102 = arith.constant 0 : index
    %get3A_103 = arith.constant 0 : index
    %get3A_104 = vector.load %arg3[%get3A_102, %get3A_103] : memref<1x16xf32, #tpu.memory_space<vmem>>, vector<1x16xf32>
    %add3A = vector.broadcast %get3A_104 : vector<1x16xf32> to vector<1024x16xf32>
    %add3A_105 = arith.addf %slice3A_101, %add3A : vector<1024x16xf32>
    %reshape3A_106 = vector.shape_cast %add3A_105 : vector<1024x16xf32> to vector<128x8x16xf32>
    %slice3A_107 = vector.extract_strided_slice %reshape3A_106 {offsets = [0, 0, 0], sizes = [128, 1, 16], strides = [1, 1, 1]} : vector<128x8x16xf32> to vector<128x1x16xf32>
    %squeeze3A_108 = vector.shape_cast %slice3A_107 : vector<128x1x16xf32> to vector<128x16xf32>
    %slice3A_109 = vector.extract_strided_slice %reshape3A_106 {offsets = [0, 1, 0], sizes = [128, 1, 16], strides = [1, 1, 1]} : vector<128x8x16xf32> to vector<128x1x16xf32>
    %squeeze3A_110 = vector.shape_cast %slice3A_109 : vector<128x1x16xf32> to vector<128x16xf32>
    %slice3A_111 = vector.extract_strided_slice %reshape3A_106 {offsets = [0, 2, 0], sizes = [128, 1, 16], strides = [1, 1, 1]} : vector<128x8x16xf32> to vector<128x1x16xf32>
    %squeeze3A_112 = vector.shape_cast %slice3A_111 : vector<128x1x16xf32> to vector<128x16xf32>
    %slice3A_113 = vector.extract_strided_slice %reshape3A_106 {offsets = [0, 3, 0], sizes = [128, 1, 16], strides = [1, 1, 1]} : vector<128x8x16xf32> to vector<128x1x16xf32>
    %squeeze3A_114 = vector.shape_cast %slice3A_113 : vector<128x1x16xf32> to vector<128x16xf32>
    %slice3A_115 = vector.extract_strided_slice %reshape3A_106 {offsets = [0, 4, 0], sizes = [128, 1, 16], strides = [1, 1, 1]} : vector<128x8x16xf32> to vector<128x1x16xf32>
    %squeeze3A_116 = vector.shape_cast %slice3A_115 : vector<128x1x16xf32> to vector<128x16xf32>
    %slice3A_117 = vector.extract_strided_slice %reshape3A_106 {offsets = [0, 5, 0], sizes = [128, 1, 16], strides = [1, 1, 1]} : vector<128x8x16xf32> to vector<128x1x16xf32>
    %squeeze3A_118 = vector.shape_cast %slice3A_117 : vector<128x1x16xf32> to vector<128x16xf32>
    %slice3A_119 = vector.extract_strided_slice %reshape3A_106 {offsets = [0, 6, 0], sizes = [128, 1, 16], strides = [1, 1, 1]} : vector<128x8x16xf32> to vector<128x1x16xf32>
    %squeeze3A_120 = vector.shape_cast %slice3A_119 : vector<128x1x16xf32> to vector<128x16xf32>
    %slice3A_121 = vector.extract_strided_slice %reshape3A_106 {offsets = [0, 7, 0], sizes = [128, 1, 16], strides = [1, 1, 1]} : vector<128x8x16xf32> to vector<128x1x16xf32>
    %squeeze3A_122 = vector.shape_cast %slice3A_121 : vector<128x1x16xf32> to vector<128x16xf32>
    %concatenate3A_123 = tpu.concatenate %squeeze3A_108, %squeeze3A_110, %squeeze3A_112, %squeeze3A_114, %squeeze3A_116, %squeeze3A_118, %squeeze3A_120, %squeeze3A_122 in 1 : vector<128x16xf32>, vector<128x16xf32>, vector<128x16xf32>, vector<128x16xf32>, vector<128x16xf32>, vector<128x16xf32>, vector<128x16xf32>, vector<128x16xf32> -> vector<128x128xf32>
    %swap3A_124 = arith.constant 0 : index
    %swap3A_125 = arith.constant 0 : index
    %swap3A_126 = vector.load %arg5[%swap3A_124, %swap3A_125] : memref<128x128xf32, #tpu.memory_space<vmem>>, vector<128x128xf32>
    tpu.vector_store %arg5[%swap3A_124, %swap3A_125], %concatenate3A_123 {strides = array<i32>} : memref<128x128xf32, #tpu.memory_space<vmem>>, vector<128x128xf32>,
    return
  }
  func.func @transform_0(%arg0: i32) -> (i32, i32) {
    %c0_i32 = arith.constant 0 : i32
    %c0_i32_0 = arith.constant 0 : i32
    return %arg0, %c0_i32 : i32, i32
  }
  func.func @transform_1(%arg0: i32) -> (i32, i32) {
    %c0_i32 = arith.constant 0 : i32
    %c0_i32_0 = arith.constant 0 : i32
    %c0_i32_1 = arith.constant 0 : i32
    return %c0_i32, %c0_i32_0 : i32, i32
  }
  func.func @transform_2(%arg0: i32) -> (i32, i32) {
    %c0_i32 = arith.constant 0 : i32
    %c0_i32_0 = arith.constant 0 : i32
    %c0_i32_1 = arith.constant 0 : i32
    return %c0_i32, %c0_i32_0 : i32, i32
  }
  func.func @transform_3(%arg0: i32) -> (i32, i32, i32) {
    %c0_i32 = arith.constant 0 : i32
    %c0_i32_0 = arith.constant 0 : i32
    %c0_i32_1 = arith.constant 0 : i32
    return %c0_i32, %arg0, %c0_i32_0 : i32, i32, i32
  }
  func.func @transform_4(%arg0: i32) -> (i32, i32) {
    %c0_i32 = arith.constant 0 : i32
    %c0_i32_0 = arith.constant 0 : i32
    return %arg0, %c0_i32 : i32, i32
  }
}

module attributes {stable_mosaic.version = 14 : i64} {
  func.func @_tcb_body(%arg0: i32, %arg1: memref<2x4x128x128xf32, #tpu.memory_space<vmem>>, %arg2: memref<2x4x128x128xf32, #tpu.memory_space<vmem>>, %arg3: memref<128x128xf32, #tpu.memory_space<vmem>>, %arg4: memref<128x128xf32, #tpu.memory_space<vmem>>, %arg5: memref<4x128x128xf32, #tpu.memory_space<vmem>>) attributes {dimension_semantics = [#tpu.dimension_semantics<arbitrary>], iteration_bounds = array<i64: 10>, scalar_prefetch = 0 : i64, scratch_operands = 0 : i64, tpu.core_type = #tpu.core_type<tc>, window_params = [{transform_indices = @transform_0, window_bounds = array<i64: 2, 4, 128, 128>}, {transform_indices = @transform_1, window_bounds = array<i64: 2, 4, 128, 128>}, {transform_indices = @transform_2, window_bounds = array<i64: 128, 128>}, {transform_indices = @transform_3, window_bounds = array<i64: 128, 128>}, {transform_indices = @transform_4, window_bounds = array<i64: 4, 128, 128>}]} {
    %get3A = arith.constant 0 : index
    %get3A_0 = arith.constant 0 : index
    %get3A_1 = arith.constant 0 : index
    %get3A_2 = arith.constant 0 : index
    %get3A_3 = vector.load %arg2[%get3A, %get3A_0, %get3A_1, %get3A_2] : memref<2x4x128x128xf32, #tpu.memory_space<vmem>>, vector<1x4x128x128xf32>
    %get3A_4 = vector.shape_cast %get3A_3 : vector<1x4x128x128xf32> to vector<4x128x128xf32>
    %get3A_5 = arith.constant 1 : index
    %get3A_6 = arith.constant 0 : index
    %get3A_7 = arith.constant 0 : index
    %get3A_8 = arith.constant 0 : index
    %get3A_9 = vector.load %arg2[%get3A_5, %get3A_6, %get3A_7, %get3A_8] : memref<2x4x128x128xf32, #tpu.memory_space<vmem>>, vector<1x4x128x128xf32>
    %get3A_10 = vector.shape_cast %get3A_9 : vector<1x4x128x128xf32> to vector<4x128x128xf32>
    %add3A = arith.addf %get3A_4, %get3A_10 : vector<4x128x128xf32>
    %max3A = arith.constant 1.000000e+00 : f32
    %max3A_11 = vector.broadcast %max3A : f32 to vector<4x128x128xf32>
    %max3A_12 = arith.maximumf %add3A, %max3A_11 : vector<4x128x128xf32>
    %div3A = arith.constant 1.000000e+00 : f32
    %div3A_13 = vector.broadcast %div3A : f32 to vector<4x128x128xf32>
    %div3A_14 = arith.divf %div3A_13, %max3A_12 : vector<4x128x128xf32>
    %get3A_15 = arith.constant 0 : index
    %get3A_16 = arith.constant 0 : index
    %get3A_17 = arith.constant 0 : index
    %get3A_18 = arith.constant 0 : index
    %get3A_19 = vector.load %arg1[%get3A_15, %get3A_16, %get3A_17, %get3A_18] : memref<2x4x128x128xf32, #tpu.memory_space<vmem>>, vector<1x4x128x128xf32>
    %get3A_20 = vector.shape_cast %get3A_19 : vector<1x4x128x128xf32> to vector<4x128x128xf32>
    %get3A_21 = arith.constant 1 : index
    %get3A_22 = arith.constant 0 : index
    %get3A_23 = arith.constant 0 : index
    %get3A_24 = arith.constant 0 : index
    %get3A_25 = vector.load %arg1[%get3A_21, %get3A_22, %get3A_23, %get3A_24] : memref<2x4x128x128xf32, #tpu.memory_space<vmem>>, vector<1x4x128x128xf32>
    %get3A_26 = vector.shape_cast %get3A_25 : vector<1x4x128x128xf32> to vector<4x128x128xf32>
    %add3A_27 = arith.addf %get3A_20, %get3A_26 : vector<4x128x128xf32>
    %mul3A = arith.mulf %div3A_14, %add3A_27 : vector<4x128x128xf32>
    %reduce_sum3A = arith.constant dense<0.000000e+00> : vector<128x128xf32>
    %reduce_sum3A_28 = vector.multi_reduction <add>, %mul3A, %reduce_sum3A [0] : vector<4x128x128xf32> to vector<128x128xf32>
    %get3A_29 = arith.constant 0 : index
    %get3A_30 = arith.constant 0 : index
    %get3A_31 = vector.load %arg3[%get3A_29, %get3A_30] : memref<128x128xf32, #tpu.memory_space<vmem>>, vector<128x128xf32>
    %add3A_32 = arith.addf %reduce_sum3A_28, %get3A_31 : vector<128x128xf32>
    %max3A_33 = arith.constant 0.000000e+00 : f32
    %max3A_34 = vector.broadcast %max3A_33 : f32 to vector<128x128xf32>
    %max3A_35 = arith.maximumf %add3A_32, %max3A_34 : vector<128x128xf32>
    %swap3A = arith.constant 0 : index
    %swap3A_36 = arith.constant 0 : index
    %swap3A_37 = vector.load %arg4[%swap3A, %swap3A_36] : memref<128x128xf32, #tpu.memory_space<vmem>>, vector<128x128xf32>
    tpu.vector_store %arg4[%swap3A, %swap3A_36], %max3A_35 {strides = array<i32>} : memref<128x128xf32, #tpu.memory_space<vmem>>, vector<128x128xf32>,
    %swap3A_38 = arith.constant 0 : index
    %swap3A_39 = arith.constant 0 : index
    %swap3A_40 = arith.constant 0 : index
    %swap3A_41 = vector.load %arg5[%swap3A_38, %swap3A_39, %swap3A_40] : memref<4x128x128xf32, #tpu.memory_space<vmem>>, vector<4x128x128xf32>
    tpu.vector_store %arg5[%swap3A_38, %swap3A_39, %swap3A_40], %div3A_14 {strides = array<i32>} : memref<4x128x128xf32, #tpu.memory_space<vmem>>, vector<4x128x128xf32>,
    return
  }
  func.func @transform_0(%arg0: i32) -> (i32, i32, i32, i32) {
    %c0_i32 = arith.constant 0 : i32
    %c0_i32_0 = arith.constant 0 : i32
    %c0_i32_1 = arith.constant 0 : i32
    %c0_i32_2 = arith.constant 0 : i32
    return %c0_i32, %c0_i32_0, %arg0, %c0_i32_1 : i32, i32, i32, i32
  }
  func.func @transform_1(%arg0: i32) -> (i32, i32, i32, i32) {
    %c0_i32 = arith.constant 0 : i32
    %c0_i32_0 = arith.constant 0 : i32
    %c0_i32_1 = arith.constant 0 : i32
    %c0_i32_2 = arith.constant 0 : i32
    return %c0_i32, %c0_i32_0, %arg0, %c0_i32_1 : i32, i32, i32, i32
  }
  func.func @transform_2(%arg0: i32) -> (i32, i32) {
    %c0_i32 = arith.constant 0 : i32
    %c0_i32_0 = arith.constant 0 : i32
    return %arg0, %c0_i32 : i32, i32
  }
  func.func @transform_3(%arg0: i32) -> (i32, i32) {
    %c0_i32 = arith.constant 0 : i32
    %c0_i32_0 = arith.constant 0 : i32
    return %arg0, %c0_i32 : i32, i32
  }
  func.func @transform_4(%arg0: i32) -> (i32, i32, i32) {
    %c0_i32 = arith.constant 0 : i32
    %c0_i32_0 = arith.constant 0 : i32
    %c0_i32_1 = arith.constant 0 : i32
    return %c0_i32, %arg0, %c0_i32_0 : i32, i32, i32
  }
}

module attributes {stable_mosaic.version = 14 : i64} {
  func.func @_tcc_body(%arg0: i32, %arg1: memref<2x4x128x128xf32, #tpu.memory_space<vmem>>, %arg2: memref<4x128x128xf32, #tpu.memory_space<vmem>>, %arg3: memref<128x128xf32, #tpu.memory_space<vmem>>, %arg4: memref<640x128xf32, #tpu.memory_space<vmem>>, %arg5: memref<1x128xf32, #tpu.memory_space<vmem>>, %arg6: memref<1024x2xf32, #tpu.memory_space<vmem>>) attributes {dimension_semantics = [#tpu.dimension_semantics<arbitrary>], iteration_bounds = array<i64: 10>, scalar_prefetch = 0 : i64, scratch_operands = 0 : i64, tpu.core_type = #tpu.core_type<tc>, window_params = [{transform_indices = @transform_0, window_bounds = array<i64: 2, 4, 128, 128>}, {transform_indices = @transform_1, window_bounds = array<i64: 4, 128, 128>}, {transform_indices = @transform_2, window_bounds = array<i64: 128, 128>}, {pipeline_mode = #tpu.pipeline_mode<synchronous>, transform_indices = @transform_3, window_bounds = array<i64: 640, 128>}, {pipeline_mode = #tpu.pipeline_mode<synchronous>, transform_indices = @transform_4, window_bounds = array<i64: 1, 128>}, {transform_indices = @transform_5, window_bounds = array<i64: 1024, 2>}]} {
    %get3A = arith.constant 0 : index
    %get3A_0 = arith.constant 0 : index
    %get3A_1 = arith.constant 0 : index
    %get3A_2 = vector.load %arg2[%get3A, %get3A_0, %get3A_1] : memref<4x128x128xf32, #tpu.memory_space<vmem>>, vector<4x128x128xf32>
    %get3A_3 = arith.constant 0 : index
    %get3A_4 = arith.constant 0 : index
    %get3A_5 = arith.constant 0 : index
    %get3A_6 = arith.constant 0 : index
    %get3A_7 = vector.load %arg1[%get3A_3, %get3A_4, %get3A_5, %get3A_6] : memref<2x4x128x128xf32, #tpu.memory_space<vmem>>, vector<1x4x128x128xf32>
    %get3A_8 = vector.shape_cast %get3A_7 : vector<1x4x128x128xf32> to vector<4x128x128xf32>
    %get3A_9 = arith.constant 1 : index
    %get3A_10 = arith.constant 0 : index
    %get3A_11 = arith.constant 0 : index
    %get3A_12 = arith.constant 0 : index
    %get3A_13 = vector.load %arg1[%get3A_9, %get3A_10, %get3A_11, %get3A_12] : memref<2x4x128x128xf32, #tpu.memory_space<vmem>>, vector<1x4x128x128xf32>
    %get3A_14 = vector.shape_cast %get3A_13 : vector<1x4x128x128xf32> to vector<4x128x128xf32>
    %add3A = arith.addf %get3A_8, %get3A_14 : vector<4x128x128xf32>
    %mul3A = arith.mulf %get3A_2, %add3A : vector<4x128x128xf32>
    %slice3A = vector.extract_strided_slice %mul3A {offsets = [0, 0, 0], sizes = [1, 128, 128], strides = [1, 1, 1]} : vector<4x128x128xf32> to vector<1x128x128xf32>
    %squeeze3A = vector.shape_cast %slice3A : vector<1x128x128xf32> to vector<128x128xf32>
    %slice3A_15 = vector.extract_strided_slice %mul3A {offsets = [1, 0, 0], sizes = [1, 128, 128], strides = [1, 1, 1]} : vector<4x128x128xf32> to vector<1x128x128xf32>
    %squeeze3A_16 = vector.shape_cast %slice3A_15 : vector<1x128x128xf32> to vector<128x128xf32>
    %slice3A_17 = vector.extract_strided_slice %mul3A {offsets = [2, 0, 0], sizes = [1, 128, 128], strides = [1, 1, 1]} : vector<4x128x128xf32> to vector<1x128x128xf32>
    %squeeze3A_18 = vector.shape_cast %slice3A_17 : vector<1x128x128xf32> to vector<128x128xf32>
    %slice3A_19 = vector.extract_strided_slice %mul3A {offsets = [3, 0, 0], sizes = [1, 128, 128], strides = [1, 1, 1]} : vector<4x128x128xf32> to vector<1x128x128xf32>
    %squeeze3A_20 = vector.shape_cast %slice3A_19 : vector<1x128x128xf32> to vector<128x128xf32>
    %get3A_21 = arith.constant 0 : index
    %get3A_22 = arith.constant 0 : index
    %get3A_23 = vector.load %arg3[%get3A_21, %get3A_22] : memref<128x128xf32, #tpu.memory_space<vmem>>, vector<128x128xf32>
    %concatenate3A = tpu.concatenate %squeeze3A, %squeeze3A_16, %squeeze3A_18, %squeeze3A_20, %get3A_23 in 1 : vector<128x128xf32>, vector<128x128xf32>, vector<128x128xf32>, vector<128x128xf32>, vector<128x128xf32> -> vector<128x640xf32>
    %get3A_24 = arith.constant 0 : index
    %get3A_25 = arith.constant 0 : index
    %get3A_26 = vector.load %arg4[%get3A_24, %get3A_25] : memref<640x128xf32, #tpu.memory_space<vmem>>, vector<640x128xf32>
    %dot_general3A = arith.constant dense<0.000000e+00> : vector<128x128xf32>
    %dot_general3A_27 = tpu.matmul %concatenate3A, %get3A_26, %dot_general3A {dimension_numbers = #tpu.dot_dimension_numbers<[1], [0], [0], [1], [0, 0, 1, 1], [], []>, transpose_lhs_hint = false} : vector<128x640xf32>, vector<640x128xf32>, vector<128x128xf32> -> vector<128x128xf32>
    %get3A_28 = arith.constant 0 : index
    %get3A_29 = arith.constant 0 : index
    %get3A_30 = vector.load %arg5[%get3A_28, %get3A_29] : memref<1x128xf32, #tpu.memory_space<vmem>>, vector<1x128xf32>
    %add3A_31 = vector.broadcast %get3A_30 : vector<1x128xf32> to vector<128x128xf32>
    %add3A_32 = arith.addf %dot_general3A_27, %add3A_31 : vector<128x128xf32>
    %iota3A = tpu.iota {dimensions = array<i32: 1>} : vector<128x128xi32>
    %jit3A = arith.constant 16 : i32
    %eq3A = arith.constant 0 : i32
    %eq3A_33 = arith.cmpi eq, %jit3A, %eq3A : i32
    %jit3A_34 = arith.constant 1 : i32
    %select_n3A = arith.select %eq3A_33, %jit3A_34, %jit3A : i32
    %rem3A = vector.broadcast %select_n3A : i32 to vector<128x128xi32>
    %rem3A_35 = arith.remsi %iota3A, %rem3A : vector<128x128xi32>
    %ne3A = arith.constant 0 : i32
    %ne3A_36 = vector.broadcast %ne3A : i32 to vector<128x128xi32>
    %ne3A_37 = arith.cmpi ne, %rem3A_35, %ne3A_36 : vector<128x128xi32>
    %lt3A = arith.constant 0 : i32
    %lt3A_38 = vector.broadcast %lt3A : i32 to vector<128x128xi32>
    %lt3A_39 = arith.cmpi slt, %rem3A_35, %lt3A_38 : vector<128x128xi32>
    %lt3A_40 = arith.constant 0 : i32
    %lt3A_41 = arith.cmpi slt, %select_n3A, %lt3A_40 : i32
    %ne3A_42 = vector.broadcast %lt3A_41 : i1 to vector<128x128xi1>
    %ne3A_43 = vector.broadcast %ne3A_42 : vector<128x128xi1> to vector<128x128xi1>
    %ne3A_44 = arith.xori %lt3A_39, %ne3A_43 : vector<128x128xi1>
    %and3A = arith.andi %ne3A_44, %ne3A_37 : vector<128x128xi1>
    %add3A_45 = vector.broadcast %select_n3A : i32 to vector<128x128xi32>
    %add3A_46 = arith.addi %rem3A_35, %add3A_45 : vector<128x128xi32>
    %select_n3A_47 = arith.select %and3A, %add3A_46, %rem3A_35 : vector<128x128xi1>, vector<128x128xi32>
    %roll3A = arith.constant 127 : i32
    %roll3A_48 = tpu.dynamic_rotate %add3A_32 by %roll3A dim 1 : vector<128x128xf32>, i32 -> vector<128x128xf32>
    %max3A = arith.maximumf %add3A_32, %roll3A_48 : vector<128x128xf32>
    %sub3A = arith.subf %add3A_32, %max3A : vector<128x128xf32>
    %exp3A = math.exp %sub3A : vector<128x128xf32>
    %sub3A_49 = arith.subf %roll3A_48, %max3A : vector<128x128xf32>
    %exp3A_50 = math.exp %sub3A_49 : vector<128x128xf32>
    %add3A_51 = arith.addf %exp3A, %exp3A_50 : vector<128x128xf32>
    %log3A = math.log %add3A_51 : vector<128x128xf32>
    %add3A_52 = arith.addf %max3A, %log3A : vector<128x128xf32>
    %eq3A_53 = arith.constant 0 : i32
    %eq3A_54 = vector.broadcast %eq3A_53 : i32 to vector<128x128xi32>
    %eq3A_55 = arith.cmpi eq, %select_n3A_47, %eq3A_54 : vector<128x128xi32>
    %roll3A_56 = arith.constant 1 : i32
    %roll3A_57 = tpu.dynamic_rotate %add3A_52 by %roll3A_56 dim 1 : vector<128x128xf32>, i32 -> vector<128x128xf32>
    %select_n3A_58 = arith.select %eq3A_55, %add3A_52, %roll3A_57 : vector<128x128xi1>, vector<128x128xf32>
    %sub3A_59 = arith.subf %add3A_32, %select_n3A_58 : vector<128x128xf32>
    %slice3A_60 = vector.extract_strided_slice %sub3A_59 {offsets = [0, 0], sizes = [128, 2], strides = [1, 1]} : vector<128x128xf32> to vector<128x2xf32>
    %slice3A_61 = vector.extract_strided_slice %sub3A_59 {offsets = [0, 16], sizes = [128, 2], strides = [1, 1]} : vector<128x128xf32> to vector<128x2xf32>
    %slice3A_62 = vector.extract_strided_slice %sub3A_59 {offsets = [0, 32], sizes = [128, 2], strides = [1, 1]} : vector<128x128xf32> to vector<128x2xf32>
    %slice3A_63 = vector.extract_strided_slice %sub3A_59 {offsets = [0, 48], sizes = [128, 2], strides = [1, 1]} : vector<128x128xf32> to vector<128x2xf32>
    %slice3A_64 = vector.extract_strided_slice %sub3A_59 {offsets = [0, 64], sizes = [128, 2], strides = [1, 1]} : vector<128x128xf32> to vector<128x2xf32>
    %slice3A_65 = vector.extract_strided_slice %sub3A_59 {offsets = [0, 80], sizes = [128, 2], strides = [1, 1]} : vector<128x128xf32> to vector<128x2xf32>
    %slice3A_66 = vector.extract_strided_slice %sub3A_59 {offsets = [0, 96], sizes = [128, 2], strides = [1, 1]} : vector<128x128xf32> to vector<128x2xf32>
    %slice3A_67 = vector.extract_strided_slice %sub3A_59 {offsets = [0, 112], sizes = [128, 2], strides = [1, 1]} : vector<128x128xf32> to vector<128x2xf32>
    %stack3A = vector.shape_cast %slice3A_60 : vector<128x2xf32> to vector<128x1x2xf32>
    %stack3A_68 = vector.shape_cast %slice3A_61 : vector<128x2xf32> to vector<128x1x2xf32>
    %stack3A_69 = vector.shape_cast %slice3A_62 : vector<128x2xf32> to vector<128x1x2xf32>
    %stack3A_70 = vector.shape_cast %slice3A_63 : vector<128x2xf32> to vector<128x1x2xf32>
    %stack3A_71 = vector.shape_cast %slice3A_64 : vector<128x2xf32> to vector<128x1x2xf32>
    %stack3A_72 = vector.shape_cast %slice3A_65 : vector<128x2xf32> to vector<128x1x2xf32>
    %stack3A_73 = vector.shape_cast %slice3A_66 : vector<128x2xf32> to vector<128x1x2xf32>
    %stack3A_74 = vector.shape_cast %slice3A_67 : vector<128x2xf32> to vector<128x1x2xf32>
    %stack3A_75 = tpu.concatenate %stack3A, %stack3A_68, %stack3A_69, %stack3A_70, %stack3A_71, %stack3A_72, %stack3A_73, %stack3A_74 in 1 : vector<128x1x2xf32>, vector<128x1x2xf32>, vector<128x1x2xf32>, vector<128x1x2xf32>, vector<128x1x2xf32>, vector<128x1x2xf32>, vector<128x1x2xf32>, vector<128x1x2xf32> -> vector<128x8x2xf32>
    %reshape3A = vector.shape_cast %stack3A_75 : vector<128x8x2xf32> to vector<1024x2xf32>
    %swap3A = arith.constant 0 : index
    %swap3A_76 = arith.constant 0 : index
    %swap3A_77 = vector.load %arg6[%swap3A, %swap3A_76] : memref<1024x2xf32, #tpu.memory_space<vmem>>, vector<1024x2xf32>
    tpu.vector_store %arg6[%swap3A, %swap3A_76], %reshape3A {strides = array<i32>} : memref<1024x2xf32, #tpu.memory_space<vmem>>, vector<1024x2xf32>,
    return
  }
  func.func @transform_0(%arg0: i32) -> (i32, i32, i32, i32) {
    %c0_i32 = arith.constant 0 : i32
    %c0_i32_0 = arith.constant 0 : i32
    %c0_i32_1 = arith.constant 0 : i32
    %c0_i32_2 = arith.constant 0 : i32
    return %c0_i32, %c0_i32_0, %arg0, %c0_i32_1 : i32, i32, i32, i32
  }
  func.func @transform_1(%arg0: i32) -> (i32, i32, i32) {
    %c0_i32 = arith.constant 0 : i32
    %c0_i32_0 = arith.constant 0 : i32
    %c0_i32_1 = arith.constant 0 : i32
    return %c0_i32, %arg0, %c0_i32_0 : i32, i32, i32
  }
  func.func @transform_2(%arg0: i32) -> (i32, i32) {
    %c0_i32 = arith.constant 0 : i32
    %c0_i32_0 = arith.constant 0 : i32
    return %arg0, %c0_i32 : i32, i32
  }
  func.func @transform_3(%arg0: i32) -> (i32, i32) {
    %c0_i32 = arith.constant 0 : i32
    %c0_i32_0 = arith.constant 0 : i32
    %c0_i32_1 = arith.constant 0 : i32
    return %c0_i32, %c0_i32_0 : i32, i32
  }
  func.func @transform_4(%arg0: i32) -> (i32, i32) {
    %c0_i32 = arith.constant 0 : i32
    %c0_i32_0 = arith.constant 0 : i32
    %c0_i32_1 = arith.constant 0 : i32
    return %c0_i32, %c0_i32_0 : i32, i32
  }
  func.func @transform_5(%arg0: i32) -> (i32, i32) {
    %c0_i32 = arith.constant 0 : i32
    %c0_i32_0 = arith.constant 0 : i32
    return %arg0, %c0_i32 : i32, i32
  }
}

</mosaic_0001>

<sc_bundles>
// kernel: kernel.10.cloned.1.call-start
scs
__scs_entry_jumppad:
0x0: {  	(pc) =	sbr.rel $0x88, $3  }
0x1: {  	(tag) =	ssettag $0x0;
	lr =	simm.s32 $0x1  }
0x2: {  	[smem:$0x3F98] =	sst lr;
	_ =	strace $0xD0000000  }
0x3: {  	_ = 	snop  }
0x4: {  	_ = 	snop  }
0x5: {  	_ = 	snop  }
0x6: {  	_ = 	snop  }
0x7: {  	_ = 	snop  }
__scs_overlays_trampoline_lowered:
0x8: {  	[smem:$0x3FA7] =	sst s0  }
0x9: {  	[smem:$0x3FA8] =	sst s1  }
0xa: {  	[smem:$0x3FA9] =	sst s2  }
0xb: {  	[smem:$0x3FAA] =	sst s3  }
0xc: {  	[smem:$0x3FAB] =	sst s4  }
0xd: {  	[smem:$0x3FAC] =	sst s5  }
0xe: {  	[smem:$0x3FAD] =	sst s6  }
0xf: {  	[smem:$0x3FAE] =	sst s7  }
0x10: {  	[smem:$0x3FAF] =	sst s8  }
0x11: {  	[smem:$0x3FB0] =	sst s9;
	s0 =	simm.s32 @!p0 $0x0  }
0x12: {  	s1 =	sld [smem:$0x3F96];
	s0 =	simm.s32 @p0 $0x1  }
0x13: {  	[smem:$0x3FB1] =	sst s0;
	s0 =	simm.s32 @!p1 $0x0  }
0x14: {  	s2 =	sld [smem:$0x3F95];
	s0 =	simm.s32 @p1 $0x1  }
0x15: {  	[smem:$0x3FB2] =	sst s0;
	s0 =	simm.s32 @!p2 $0x0  }
0x16: {  	s3 =	sld [smem:$0x3FDB];
	s0 =	simm.s32 @p2 $0x1  }
0x17: {  	s4 =	simm.s32 $0x1BF5;
	[smem:$0x3FB4] =	sst s0  }
0x18: {  	s0 =	sld [smem:$0x3F97];
	_ =	swait.ge [sflag:s4], $0x0  }
0x19: {  	s7 =	sld [smem:$0x3F98]  }
0x1a: {  	s8 =	sadd.s32 $0xFFFFE003, lr  }
0x1b: {  	s9 =	sadd.s32 $0xFFFFFEF7, lr;
	s5 =	simm.s32 $0xFFFFFFFF;
	p2 =	slt.u32 s8, $0xFFFFF086  }
0x1c: {  	p1 =	slt.u32 s9, $0xF7A;
	s5 =	simm.s32 @!p2 $0x0  }
0x1d: {  	s5 =	simm.s32 @p1 $0x1;
	p0 =	seq.s32 s7, s2  }
0x1e: {  	s7 =	smul.u32 @!p0 $0xF7A, s2;
	p2 =	seq.s32 @!p0 s5, $0x0  }
0x1f: {  	s9 =	smul.u32 $0xF7A, s1;
	s8 =	simm.s32 @!p0 $0x1BF5;
	p2 =	por !p2, p0  }
0x20: {  	[sflag:s8] =	ssyncset.s32 @!p0 $0xFFFFF086;
	s6 =	sadd.s32 @!p0 s3, s7;
	s7 =	simm.s32 @!p0 $0x108  }
0x21: {  	s3 =	sadd.s32 s3, s9;
	s6 =	sadd.s32 @!p0 $0x88, s6;
	s7 =	simm.s32 @p2 $0x1082  }
0x22: {  	[simem:s7], [sflag:s8] =	dma.local @!p0 [hbm:s6], $0xF7A  }
0x23: {  	s9 =	sor.u32 $0xD0000000, s2;
	s6 =	simm.s32 $0x108;
	_ =	swait.ge @!p0 [sflag:s8], $0x0  }
0x24: {  	s3 =	sadd.s32 $0x88, s3;
	s6 =	simm.s32 @!p1 $0x1082;
	[sflag:s4] =	ssyncset.s32 $0xFFFFF086  }
0x25: {  	[simem:s6], [sflag:s4] =	dma.local [hbm:s3], $0xF7A  }
0x26: {  	[smem:$0x3F98] =	sst s1;
	(tag) =	ssettag s2;
	_ =	strace s9  }
0x27: {  	s1 =	sld [smem:$0x3FA8]  }
0x28: {  	s2 =	sld [smem:$0x3FA9]  }
0x29: {  	s4 =	sld [smem:$0x3FAB]  }
0x2a: {  	p0 =	seq.s32 s5, $0x0;
	s5 =	sld [smem:$0x3FAC]  }
0x2b: {  	s6 =	sld [smem:$0x3FAD]  }
0x2c: {  	s7 =	sld [smem:$0x3FAE]  }
0x2d: {  	s3 =	simm.s32 $0x108;
	s8 =	sld [smem:$0x3FAF]  }
0x2e: {  	s3 =	simm.s32 @!p0 $0x1082;
	s9 =	sld [smem:$0x3FB0]  }
0x2f: {  	lr =	sadd.s32 s0, s3;
	s0 =	sld [smem:$0x3FA7]  }
0x30: {  	s3 =	sld [smem:$0x3FAA]  }
0x31: {  	[smem:$0x3FB3] =	sst s10  }
0x32: {  	s10 =	sld [smem:$0x3FB1];
	_ =	sdelay $0x3  }
0x33: {  	p0 =	seq.s32 s10, $0x1;
	s10 =	sld [smem:$0x3FB3];
	_ =	sdelay $0x3  }
0x34: {  	[smem:$0x3FB3] =	sst s10  }
0x35: {  	s10 =	sld [smem:$0x3FB2];
	_ =	sdelay $0x3  }
0x36: {  	p1 =	seq.s32 s10, $0x1;
	s10 =	sld [smem:$0x3FB3];
	_ =	sdelay $0x3  }
0x37: {  	[smem:$0x3FB3] =	sst s10  }
0x38: {  	s10 =	sld [smem:$0x3FB4]  }
0x39: {  	_ = 	snop;
	(pc) =	sbr.ind lr, $3  }
0x3a: {  	_ = 	snop  }
0x3b: {  	_ = 	snop  }
0x3c: {  	p2 =	seq.s32 s10, $0x1;
	s10 =	sld [smem:$0x3FB3]  }
0x3d: {  	_ =	shalt  }
0x3e: {  	_ =	shalt  }
0x3f: {  	_ =	shalt  }
0x40: {  	_ =	shalt  }
0x41: {  	_ =	shalt  }
0x42: {  	_ =	shalt  }
0x43: {  	_ =	shalt  }
0x44: {  	_ =	shalt  }
0x45: {  	_ =	shalt  }
0x46: {  	_ =	shalt  }
0x47: {  	_ =	shalt  }
0x48: {  	_ =	shalt  }
0x49: {  	_ =	shalt  }
0x4a: {  	_ =	shalt  }
0x4b: {  	_ =	shalt  }
0x4c: {  	_ =	shalt  }
0x4d: {  	_ =	shalt  }
0x4e: {  	_ =	shalt  }
0x4f: {  	_ =	shalt  }
0x50: {  	_ =	shalt  }
0x51: {  	_ =	shalt  }
0x52: {  	_ =	shalt  }
0x53: {  	_ =	shalt  }
0x54: {  	_ =	shalt  }
0x55: {  	_ =	shalt  }
0x56: {  	_ =	shalt  }
0x57: {  	_ =	shalt  }
0x58: {  	_ =	shalt  }
0x59: {  	_ =	shalt  }
0x5a: {  	_ =	shalt  }
0x5b: {  	_ =	shalt  }
0x5c: {  	_ =	shalt  }
0x5d: {  	_ =	shalt  }
0x5e: {  	_ =	shalt  }
0x5f: {  	_ =	shalt  }
0x60: {  	_ =	shalt  }
0x61: {  	_ =	shalt  }
0x62: {  	_ =	shalt  }
0x63: {  	_ =	shalt  }
0x64: {  	_ =	shalt  }
0x65: {  	_ =	shalt  }
0x66: {  	_ =	shalt  }
0x67: {  	_ =	shalt  }
0x68: {  	_ =	shalt  }
0x69: {  	_ =	shalt  }
0x6a: {  	_ =	shalt  }
0x6b: {  	_ =	shalt  }
0x6c: {  	_ =	shalt  }
0x6d: {  	_ =	shalt  }
0x6e: {  	_ =	shalt  }
0x6f: {  	_ =	shalt  }
0x70: {  	_ =	shalt  }
0x71: {  	_ =	shalt  }
0x72: {  	_ =	shalt  }
0x73: {  	_ =	shalt  }
0x74: {  	_ =	shalt  }
0x75: {  	_ =	shalt  }
0x76: {  	_ =	shalt  }
0x77: {  	_ =	shalt  }
0x78: {  	_ =	shalt  }
0x79: {  	_ =	shalt  }
0x7a: {  	_ =	shalt  }
0x7b: {  	_ =	shalt  }
0x7c: {  	_ =	shalt  }
0x7d: {  	_ =	shalt  }
0x7e: {  	_ =	shalt  }
0x7f: {  	_ =	shalt  }
0x80: {  	_ =	shalt  }
0x81: {  	_ =	shalt  }
0x82: {  	_ =	shalt  }
0x83: {  	_ =	shalt  }
0x84: {  	_ =	shalt  }
0x85: {  	_ =	shalt  }
0x86: {  	_ =	shalt  }
0x87: {  	_ =	shalt  }
.Lfunc_end0:
.L_simem_size_0:
called_computation.1_lowered:
.L_overlay_start_0:
0x88: {  	s2 =	sld [smem:$0x3FD9]  }
0x89: {  	s3 =	sld [smem:$0x3FFE];
	_ =	sdelay $0x1  }
0x8a: {  	s1 =	srdreg.scid  }
0x8b: {  	s0 =	sand.u32 $0x1, s1  }
0x8c: {  	s17 =	sshll.u32 s0, $0xA;
	s2 =	sadd.s32 s3, s2  }
0x8d: {  	s2 =	sadd.s32 s2, s17  }
0x8e: {  	[smem:$0x3FBF] =	sst s2  }
0x8f: {  	_ = 	snop  }
0x90: {  	s2 =	sld [smem:$0x3FC7];
	(tm) =	ssettm $0x1  }
0x91: {  	s18 =	sld [smem:$0x3FFB];
	_ =	sdelay $0x3  }
0x92: {  	_ =	strace s18  }
0x93: {  	s3 =	sld [smem:$0x3FFC];
	_ =	sdelay $0x3  }
0x94: {  	_ =	strace s3  }
0x95: {  	s3 =	sld [smem:$0x3FFD];
	_ =	sdelay $0x3  }
0x96: {  	_ =	strace s3  }
0x97: {  	_ =	strace $0x8FFFFFFF  }
0x98: {  	s19 =	sld [smem:$0x3FDB];
	_ =	sdelay $0x1  }
0x99: {  	s4 =	simm.s32 $_scs_section_size  }
0x9a: {  	s5 =	simm.s32 $_size__tile_overlayer_lowered;
	s6 =	simm.s32 $_tile_overlayer_lowered  }
0x9b: {  	s22 =	simm.s32 $0x1BFF;
	s21 =	sshll.u32 s6, $0x1;
	s3 =	sadd.s32 s4, s19  }
0x9c: {  	s7 =	simm.s32 $0x0;
	s20 =	sshll.u32 s5, $0x1;
	s5 =	sadd.s32 s21, s3  }
0x9d: {  	[timem:s7], [sflag:s22] =	dma.local [hbm:s5], s20  }
0x9e: {  	_ =	swait.ge [sflag:s22], s20  }
0x9f: {  	s4 =	ssub.s32 $0x0, s20;
	[sflag:s22] =	ssyncset.done $0x0  }
0xa0: {  	[sflag:s22] =	ssyncadd.s32 s4;
	_ =	sdelay $0x1  }
0xa1: {  	s23 =	simm.s32 $0x1B8B  }
0xa2: {  	_ =	swait.ge [sflag:s23], $0x1  }
0xa3: {  	[sflag:s23] =	ssyncset.done $0x0  }
0xa4: {  	s25 =	simm.s32 $0x1B8E;
	s24 =	sld [smem:$0x3FFE];
	[sflag:s23] =	ssyncadd.s32 $0xFFFFFFFF  }
0xa5: {  	s26 =	simm.s32 $execute0_lowered;
	[smem:$0x3FD2] =	sst s25  }
0xa6: {  	s5 =	sshll.u32 s26, $0x1;
	_ =	strace $0x80000049;
	[dreg:$0x1] =	wrdreg $0xFFFFFFFF  }
0xa7: {  	s28 =	simm.s32 $_size_execute0_lowered;
	s3 =	sadd.s32 s3, s5;
	[dreg:$0x0] =	wrdreg $0x0  }
0xa8: {  	s5 =	sshll.u32 s28, $0x1;
	[dreg:$0x2] =	wrdreg s3  }
0xa9: {  	[dreg:$0x3] =	wrdreg s5  }
0xaa: {  	[dreg:$0x4] =	wrdreg $0xC0  }
0xab: {  	_ =	task [dreg:s7], $0x5FFFF  }
0xac: {  	[dreg:$0x1] =	wrdreg $0xFFFFFFFF  }
0xad: {  	[dreg:$0x0] =	wrdreg $0x60  }
0xae: {  	[dreg:$0x2] =	wrdreg s24  }
0xaf: {  	[dreg:$0x3] =	wrdreg s2  }
0xb0: {  	[dreg:$0x4] =	wrdreg $0x0  }
0xb1: {  	[dreg:$0x5] =	wrdreg $0x9  }
0xb2: {  	_ =	task.clear_ibuf [dreg:s7], $0x6FFFF;
	_ =	strace $0x90000049  }
0xb3: {  	s29 =	simm.s32 $0x9;
	_ =	strace $0x8000004B  }
0xb4: {  	_ =	swait.ge [sflag:s29], $0x1  }
0xb5: {  	[sflag:s29] =	ssyncadd.s32 $0xFFFFFFFF  }
0xb6: {  	_ =	strace $0x9000004B  }
0xb7: {  	_ =	sfence  }
0xb8: {  	s30 =	sld [smem:$0x0];
	_ =	sdelay $0x2  }
0xb9: {  	s31 =	sshll.u32 s1, $0xD;
	s1 =	sshrl.u32 s1, $0x2  }
0xba: {  	s3 =	sand.u32 $0x4000, s31;
	s1 =	sadd.s32 s1, s30  }
0xbb: {  	s0 =	sor.u32 s3, s0;
	s1 =	sshll.u32 s1, $0x11  }
0xbc: {  	s0 =	sor.u32 s1, s0  }
0xbd: {  	s0 =	sadd.s32 $0x8F2B, s0  }
0xbe: {  	[sflag:s0] =	ssyncadd.remote.s32 $0x1  }
0xbf: {  	_ =	sfence.sel $0xFFFF  }
0xc0: {  	[dreg:$0x0] =	wrdreg $0xFFFFFFFF;
	(pc) =	sbr.abs _section_cstart, $3  }
0xc1: {  	[dreg:$0x1] =	wrdreg $0xFFFFFFFF  }
0xc2: {  	_ =	task.clear_ibuf [dreg:s7], $0x2FFFF;
	_ =	strace $0x9FFFFFFF  }
0xc3: {  	(tm) =	ssettm $0x7FFFFFFF  }
tec
execute0_lowered:
.L_overlay_start_1:
0x0: {  	(tag) =	ssettag $0x1  }
0x1: {  	s0 =	srdreg.scid;
	s1 =	rddreg [dreg:$0x0]  }
0x2: {  	s9 =	stileid.u32;
	s3 =	rddreg [dreg:$0x1];
	s6 =	simm.s32 $0x0  }
0x3: {  	s17 =	simm.s32 $0x11;
	s18 =	simm.s32 $0x2;
	s19 =	simm.s32 $0x3  }
0x4: {  	s20 =	simm.s32 $0x1;
	s21 =	simm.s32 $0x80;
	s28 =	simm.s32 $0x11400  }
0x5: {  	s30 =	simm.s32 $0x11C00;
	s31 =	simm.s32 $0x12400;
	s14 =	simm.s32 $0x4  }
0x6: {  	s15 =	simm.s32 $0x13C00;
	s16 =	simm.s32 $0x5;
	s22 =	simm.s32 $0x7  }
0x7: {  	s12 =	simm.s32 $0x0;
	s0 =	sand.u32 $0x1, s0;
	s5 =	smul.u32 $0xA000, s9  }
0x8: {  	[smem:$0x7FF] =	sst s6;
	s10 =	sadd.s32 $0x20A00, s1;
	s2 =	sshll.u32 s0, $0x4  }
0x9: {  	s23 =	smul.u32 $0xA0000, s0;
	s4 =	sor.u32 s9, s2;
	s2 =	rddreg [dreg:$0x2]  }
0xa: {  	s0 =	ssub.s32 $0x2, s0;
	_ =	strace $0x8000004A;
	[dreg:$0x4] =	wrdreg s10  }
0xb: {  	s24 =	sshrl.u32 s0, $0x1;
	s9 =	sshll.u32 s9, $0x6;
	s4 =	smul.u32 $0x1388, s4  }
0xc: {  	s6 =	sadd.s32 s5, s23;
	s0 =	ssub.s32 s0, s24;
	s5 =	sadd.s32 s5, s2  }
0xd: {  	[dreg:$0x5] =	wrdreg s9;
	s25 =	sor.u32 $0x1C01, s9;
	s23 =	simm.s32 $0x10400  }
0xe: {  	s24 =	simm.s32 $0x8;
	s6 =	sshrl.u32 s6, $0x3;
	[dreg:$0x6] =	wrdreg s25  }
0xf: {  	s0 =	smax.u32 s0, $0x1;
	s13 =	sshrl.u32 s5, $0x3;
	s25 =	simm.s32 $0x10C00  }
0x10: {  	s5 =	simm.s32 $0xB;
	s7 =	sshrl.u32 s4, $0x3;
	[dreg:$0xb] =	wrdreg s0  }
.Ltmp0:
0x11: {  	s8 =	sadd.s32 s7, s1;
	s3 =	sadd.s32 s3, s7;
	(pc) =	sbr.rel .LBB2_1-.Ltmp0, $4  }
0x12: {  	v0 =	vlaneseq.u32;
	s4 =	sadd.s32 $0xCA00, s1;
	s26 =	sadd.s32 $0x2C00, s8;
	[dreg:$0x9] =	wrdreg s3  }
0x13: {  	v0 =	vmul.u32 $0xFFFFFFFF, v0;
	s1 =	sadd.s32 s6, s1;
	s29 =	sadd.s32 $0x7A20, s8;
	[dreg:$0x7] =	wrdreg s26  }
0x14: {  	s0 =	simm.s32 $0x13400;
	s1 =	sadd.s32 $0x21E00, s1;
	[dreg:$0x8] =	wrdreg s29  }
0x15: {  	v0 =	vadd.s32 $0x1388, v0;
	s7 =	simm.s32 $0xC;
	[dreg:$0xa] =	wrdreg s1;
	s1 =	simm.s32 $0x12C00  }
.LBB2_6:
0x16: {  	_ =	swait.ge [sflag:s24], $0x800  }
0x17: {  	[sflag:s24] =	ssyncset.done $0x0  }
0x18: {  	s3 =	simm.s32 $0x9;
	[sflag:s24] =	ssyncadd.s32 $0xFFFFF800  }
0x19: {  	[spmem:s2] =	stream.indirect.scatter.add.f32 [tilespmem:s15], [sflag:$0x10], $0x10, s8, s21, $0xb8;
	[tilespmem:$0x14400] =	vst v63  }
0x1a: {  	_ =	swait.ge [sflag:s3], $0x800  }
0x1b: {  	[sflag:s3] =	ssyncset.done $0x0  }
0x1c: {  	s6 =	simm.s32 $0xA;
	[sflag:s3] =	ssyncadd.s32 $0xFFFFF800  }
0x1d: {  	_ =	swait.ge [sflag:s6], $0x800  }
0x1e: {  	[sflag:s6] =	ssyncset.done $0x0  }
0x1f: {  	[sflag:s6] =	ssyncadd.s32 $0xFFFFF800  }
0x20: {  	_ =	swait.ge [sflag:s5], $0x800  }
0x21: {  	[sflag:s5] =	ssyncset.done $0x0  }
0x22: {  	[sflag:s5] =	ssyncadd.s32 $0xFFFFF800  }
0x23: {  	_ =	swait.ge [sflag:s7], $0x800  }
0x24: {  	[sflag:s7] =	ssyncset.done $0x0  }
0x25: {  	s8 =	simm.s32 $0xD;
	[sflag:s7] =	ssyncadd.s32 $0xFFFFF800  }
0x26: {  	_ =	swait.ge [sflag:s8], $0x800  }
0x27: {  	[sflag:s8] =	ssyncset.done $0x0  }
0x28: {  	s9 =	simm.s32 $0xE;
	[sflag:s8] =	ssyncadd.s32 $0xFFFFF800  }
0x29: {  	_ =	swait.ge [sflag:s9], $0x800  }
0x2a: {  	[sflag:s9] =	ssyncset.done $0x0  }
0x2b: {  	s10 =	simm.s32 $0xF;
	[sflag:s9] =	ssyncadd.s32 $0xFFFFF800  }
0x2c: {  	_ =	swait.ge [sflag:s10], $0x800  }
0x2d: {  	[sflag:s10] =	ssyncset.done $0x0  }
0x2e: {  	s11 =	simm.s32 $0x10;
	[sflag:s10] =	ssyncadd.s32 $0xFFFFF800  }
0x2f: {  	_ =	swait.ge [sflag:s11], $0x800  }
0x30: {  	[sflag:s11] =	ssyncset.done $0x0  }
0x31: {  	[sflag:s11] =	ssyncadd.s32 $0xFFFFF800  }
0x32: {  	[bflag:$0x0] =	sbarrier.arrive $0xFFFF  }
0x33: {  	s26 =	rddreg [dreg:$0x5]  }
0x34: {  	s6 =	rddreg [dreg:$0xa];
	s3 =	sor.u32 $0x1C11, s26  }
0x35: {  	[hbm:s6], [sflag:s3] =	dma.local [spmem:s13], $0x1400  }
0x36: {  	_ =	swait.ge [sflag:s17], $0x1400  }
0x37: {  	s12 =	sadd.s32 $0x1, s12;
	s29 =	rddreg [dreg:$0xb]  }
0x38: {  	p0 =	sne.s32 s12, s29  }
.Ltmp1:
0x39: {  	_ = 	snop;
	(pc) =	sbr.rel @!p0 .LBB2_7-.Ltmp1, $3  }
0x3a: {  	_ =	sdelay $0x1  }
0x3b: {  	[sflag:s17] =	ssyncset.done $0x0  }
0x3c: {  	[sflag:s17] =	ssyncadd.s32 $0xFFFFEC00  }
.LBB2_1:
0x3d: {  	s3 =	rddreg [dreg:$0x4]  }
0x3e: {  	s6 =	rddreg [dreg:$0x6]  }
0x3f: {  	[spmem:s13], [sflag:s6] =	dma.local [hbm:s3], $0x1400  }
0x40: {  	s10 =	simm.s32 $0x0;
	s8 =	simm.s32 $0xA000;
	s6 =	rddreg [dreg:$0x7]  }
0x41: {  	[tilespmem:s8], [sflag:$0x2] =	stream.linear.gather [hbm4b:s6+s10], $0x1388, $0x38;
	[tilespmem:$0x14400] =	vst v63  }
0x42: {  	s26 =	simm.s32 $0xB400;
	s11 =	rddreg [dreg:$0x8]  }
0x43: {  	[tilespmem:s26], [sflag:$0x3] =	stream.linear.gather [hbm4b:s11+s10], $0x1388, $0x38;
	[tilespmem:$0x14400] =	vst v63  }
0x44: {  	s9 =	simm.s32 $0xC800;
	s8 =	rddreg [dreg:$0x9]  }
0x45: {  	[tilespmem:s9], [sflag:$0x11] =	stream.linear.gather [hbm4b:s8+s10], $0x1388, $0x38;
	[tilespmem:$0x14400] =	vst v63  }
0x46: {  	_ =	swait.ge [sflag:s17], $0x1388  }
0x47: {  	[sflag:s17] =	ssyncset.done $0x0  }
0x48: {  	[sflag:s17] =	ssyncadd.s32 $0xFFFFEC78  }
0x49: {  	_ =	swait.ge [sflag:s18], $0x1388  }
0x4a: {  	[sflag:s18] =	ssyncset.done $0x0  }
0x4b: {  	[sflag:s18] =	ssyncadd.s32 $0xFFFFEC78  }
0x4c: {  	_ =	swait.ge [sflag:s19], $0x1388  }
0x4d: {  	[sflag:s19] =	ssyncset.done $0x0  }
0x4e: {  	s6 =	simm.s32 $0xC840;
	[sflag:s19] =	ssyncadd.s32 $0xFFFFEC78  }
0x4f: {  	s8 =	simm.s32 $0xB440;
	v1 =	vld [tilespmem:s6+$0xFFFFFFC0]  }
0x50: {  	s9 =	simm.s32 $0xA040;
	v2 =	vld [tilespmem:s8+$0xFFFFFFC0]  }
0x51: {  	v3 =	vld [tilespmem:s9+$0xFFFFFFC0];
	_ =	sdelay $0x1  }
0x52: {  	s10 =	simm.s32 $0x0  }
0x53: {  	v4 =	vmov s10;
	v1 =	vmul.u32 $0x2800, v1  }
0x54: {  	vm0 =	vlt.u32 v4, v0  }
0x55: {  	s3 =	simm.s32 $0xDC40;
	v3 =	vnsel vm0, $0x0, v3;
	v1 =	vadd.s32 v2, v1  }
0x56: {  	s26 =	simm.s32 $0xF040;
	[tilespmem:s3+$0xFFFFFFC0] =	vst v3;
	v1 =	vnsel vm0, $0x9FF8, v1  }
0x57: {  	[tilespmem:s26+$0xFFFFFFC0] =	vst v1  }
0x58: {  	v1 =	vld [tilespmem:s6+$0xFFFFFFD0]  }
0x59: {  	v2 =	vld [tilespmem:s8+$0xFFFFFFD0]  }
0x5a: {  	v3 =	vld [tilespmem:s9+$0xFFFFFFD0];
	_ =	sdelay $0x1  }
0x5b: {  	s10 =	simm.s32 $0x10  }
0x5c: {  	v57 =	vmov s10;
	v1 =	vmul.u32 $0x2800, v1  }
0x5d: {  	vm9 =	vlt.u32 v57, v0  }
0x5e: {  	v3 =	vnsel vm9, $0x0, v3;
	v1 =	vadd.s32 v2, v1  }
0x5f: {  	[tilespmem:s3+$0xFFFFFFD0] =	vst v3;
	v1 =	vnsel vm9, $0x9FF8, v1  }
0x60: {  	[tilespmem:s26+$0xFFFFFFD0] =	vst v1  }
0x61: {  	v1 =	vld [tilespmem:s6+$0xFFFFFFE0]  }
0x62: {  	v2 =	vld [tilespmem:s8+$0xFFFFFFE0]  }
0x63: {  	v3 =	vld [tilespmem:s9+$0xFFFFFFE0];
	_ =	sdelay $0x1  }
0x64: {  	s11 =	simm.s32 $0x20  }
0x65: {  	v58 =	vmov s11;
	v1 =	vmul.u32 $0x2800, v1  }
0x66: {  	vm10 =	vlt.u32 v58, v0  }
0x67: {  	v3 =	vnsel vm10, $0x0, v3;
	v1 =	vadd.s32 v2, v1  }
0x68: {  	[tilespmem:s3+$0xFFFFFFE0] =	vst v3;
	v1 =	vnsel vm10, $0x9FF8, v1  }
0x69: {  	[tilespmem:s26+$0xFFFFFFE0] =	vst v1  }
0x6a: {  	v1 =	vld [tilespmem:s6+$0xFFFFFFF0]  }
0x6b: {  	v2 =	vld [tilespmem:s9+$0xFFFFFFF0]  }
0x6c: {  	v3 =	vld [tilespmem:s8+$0xFFFFFFF0];
	_ =	sdelay $0x1  }
0x6d: {  	s11 =	simm.s32 $0x30  }
0x6e: {  	v59 =	vmov s11;
	v1 =	vmul.u32 $0x2800, v1  }
0x6f: {  	vm11 =	vlt.u32 v59, v0  }
0x70: {  	v2 =	vnsel vm11, $0x0, v2;
	v1 =	vadd.s32 v3, v1  }
0x71: {  	[tilespmem:s3+$0xFFFFFFF0] =	vst v2;
	v1 =	vnsel vm11, $0x9FF8, v1  }
0x72: {  	[tilespmem:s26+$0xFFFFFFF0] =	vst v1  }
0x73: {  	v1 =	vld [tilespmem:s6+$0x0]  }
0x74: {  	v2 =	vld [tilespmem:s9+$0x0]  }
0x75: {  	v3 =	vld [tilespmem:s8+$0x0];
	_ =	sdelay $0x1  }
0x76: {  	s11 =	simm.s32 $0x40  }
0x77: {  	v60 =	vmov s11;
	v1 =	vmul.u32 $0x2800, v1  }
0x78: {  	vm12 =	vlt.u32 v60, v0  }
0x79: {  	v2 =	vnsel vm12, $0x0, v2;
	v1 =	vadd.s32 v3, v1  }
0x7a: {  	[tilespmem:s3+$0x0] =	vst v2;
	v1 =	vnsel vm12, $0x9FF8, v1  }
0x7b: {  	[tilespmem:s26+$0x0] =	vst v1  }
0x7c: {  	v1 =	vld [tilespmem:s6+$0x10]  }
0x7d: {  	v2 =	vld [tilespmem:s9+$0x10]  }
0x7e: {  	v3 =	vld [tilespmem:s8+$0x10];
	_ =	sdelay $0x1  }
0x7f: {  	s11 =	simm.s32 $0x50  }
0x80: {  	v61 =	vmov s11;
	v1 =	vmul.u32 $0x2800, v1  }
0x81: {  	vm13 =	vlt.u32 v61, v0  }
0x82: {  	v2 =	vnsel vm13, $0x0, v2;
	v1 =	vadd.s32 v3, v1  }
0x83: {  	[tilespmem:s3+$0x10] =	vst v2;
	v1 =	vnsel vm13, $0x9FF8, v1  }
0x84: {  	[tilespmem:s26+$0x10] =	vst v1  }
0x85: {  	v1 =	vld [tilespmem:s6+$0x20]  }
0x86: {  	v2 =	vld [tilespmem:s9+$0x20]  }
0x87: {  	v3 =	vld [tilespmem:s8+$0x20];
	_ =	sdelay $0x1  }
0x88: {  	s11 =	simm.s32 $0x60  }
0x89: {  	v62 =	vmov s11;
	v1 =	vmul.u32 $0x2800, v1  }
0x8a: {  	vm14 =	vlt.u32 v62, v0  }
0x8b: {  	v2 =	vnsel vm14, $0x0, v2;
	v1 =	vadd.s32 v3, v1  }
0x8c: {  	[tilespmem:s3+$0x20] =	vst v2;
	v1 =	vnsel vm14, $0x9FF8, v1  }
0x8d: {  	[tilespmem:s26+$0x20] =	vst v1  }
0x8e: {  	v1 =	vld [tilespmem:s6+$0x30]  }
0x8f: {  	v2 =	vld [tilespmem:s9+$0x30]  }
0x90: {  	v3 =	vld [tilespmem:s8+$0x30];
	_ =	sdelay $0x1  }
0x91: {  	s11 =	simm.s32 $0x70  }
0x92: {  	v63 =	vmov s11;
	v1 =	vmul.u32 $0x2800, v1  }
0x93: {  	vm15 =	vlt.u32 v63, v0  }
0x94: {  	v2 =	vnsel vm15, $0x0, v2;
	v1 =	vadd.s32 v3, v1  }
0x95: {  	s29 =	simm.s32 $0xF0;
	s8 =	simm.s32 $0xB4C0;
	s9 =	simm.s32 $0xA0C0;
	[tilespmem:s3+$0x30] =	vst v2;
	v1 =	vnsel vm15, $0x9FF8, v1  }
.LBB2_2:
0x96: {  	[tilespmem:s26+$0x30] =	vst v1;
	s26 =	sadd.s32 $0x80, s26;
	s3 =	sadd.s32 $0x80, s3;
	s6 =	sadd.s32 $0x80, s6  }
0x97: {  	p0 =	sne.s32 s29, $0x13F0;
	s10 =	smov.u32 s29;
	s29 =	sadd.s32 $0x80, s29;
	v1 =	vld [tilespmem:s6+$0xFFFFFFC0]  }
0x98: {  	v2 =	vld [tilespmem:s8+$0xFFFFFFC0]  }
0x99: {  	v3 =	vld [tilespmem:s9+$0xFFFFFFC0];
	_ =	sdelay $0x1  }
0x9a: {  	s11 =	sadd.s32 $0xFFFFFF90, s10  }
0x9b: {  	v4 =	vmov s11;
	v1 =	vmul.u32 $0x2800, v1  }
0x9c: {  	vm0 =	vlt.u32 v4, v0  }
0x9d: {  	v3 =	vnsel vm0, $0x0, v3;
	v1 =	vadd.s32 v2, v1  }
0x9e: {  	[tilespmem:s3+$0xFFFFFFC0] =	vst v3;
	v1 =	vnsel vm0, $0x9FF8, v1  }
0x9f: {  	[tilespmem:s26+$0xFFFFFFC0] =	vst v1  }
0xa0: {  	v1 =	vld [tilespmem:s6+$0xFFFFFFD0]  }
0xa1: {  	v2 =	vld [tilespmem:s8+$0xFFFFFFD0]  }
0xa2: {  	v3 =	vld [tilespmem:s9+$0xFFFFFFD0];
	_ =	sdelay $0x1  }
0xa3: {  	s11 =	sadd.s32 $0xFFFFFFA0, s10  }
0xa4: {  	v4 =	vmov s11;
	v1 =	vmul.u32 $0x2800, v1  }
0xa5: {  	vm0 =	vlt.u32 v4, v0  }
0xa6: {  	v3 =	vnsel vm0, $0x0, v3;
	v1 =	vadd.s32 v2, v1  }
0xa7: {  	[tilespmem:s3+$0xFFFFFFD0] =	vst v3;
	v1 =	vnsel vm0, $0x9FF8, v1  }
0xa8: {  	[tilespmem:s26+$0xFFFFFFD0] =	vst v1  }
0xa9: {  	v1 =	vld [tilespmem:s6+$0xFFFFFFE0]  }
0xaa: {  	v2 =	vld [tilespmem:s8+$0xFFFFFFE0]  }
0xab: {  	v3 =	vld [tilespmem:s9+$0xFFFFFFE0];
	_ =	sdelay $0x1  }
0xac: {  	s11 =	sadd.s32 $0xFFFFFFB0, s10  }
0xad: {  	v4 =	vmov s11;
	v1 =	vmul.u32 $0x2800, v1  }
0xae: {  	vm0 =	vlt.u32 v4, v0  }
0xaf: {  	v3 =	vnsel vm0, $0x0, v3;
	v1 =	vadd.s32 v2, v1  }
0xb0: {  	[tilespmem:s3+$0xFFFFFFE0] =	vst v3;
	v1 =	vnsel vm0, $0x9FF8, v1  }
0xb1: {  	[tilespmem:s26+$0xFFFFFFE0] =	vst v1  }
0xb2: {  	v1 =	vld [tilespmem:s6+$0xFFFFFFF0]  }
0xb3: {  	v2 =	vld [tilespmem:s9+$0xFFFFFFF0]  }
0xb4: {  	v3 =	vld [tilespmem:s8+$0xFFFFFFF0]  }
0xb5: {  	s11 =	sadd.s32 $0xFFFFFFC0, s10  }
0xb6: {  	v4 =	vmov s11  }
0xb7: {  	vm0 =	vlt.u32 v4, v0;
	v1 =	vmul.u32 $0x2800, v1  }
0xb8: {  	v2 =	vnsel vm0, $0x0, v2  }
0xb9: {  	[tilespmem:s3+$0xFFFFFFF0] =	vst v2;
	v1 =	vadd.s32 v3, v1  }
0xba: {  	v1 =	vnsel vm0, $0x9FF8, v1  }
0xbb: {  	[tilespmem:s26+$0xFFFFFFF0] =	vst v1  }
0xbc: {  	v1 =	vld [tilespmem:s6+$0x0]  }
0xbd: {  	v2 =	vld [tilespmem:s9+$0x0]  }
0xbe: {  	v3 =	vld [tilespmem:s8+$0x0]  }
0xbf: {  	s11 =	sadd.s32 $0xFFFFFFD0, s10  }
0xc0: {  	v4 =	vmov s11  }
0xc1: {  	vm0 =	vlt.u32 v4, v0;
	v1 =	vmul.u32 $0x2800, v1  }
0xc2: {  	v2 =	vnsel vm0, $0x0, v2  }
0xc3: {  	[tilespmem:s3+$0x0] =	vst v2;
	v1 =	vadd.s32 v3, v1  }
0xc4: {  	v1 =	vnsel vm0, $0x9FF8, v1  }
0xc5: {  	[tilespmem:s26+$0x0] =	vst v1  }
0xc6: {  	v1 =	vld [tilespmem:s6+$0x10]  }
0xc7: {  	v2 =	vld [tilespmem:s9+$0x10]  }
0xc8: {  	v3 =	vld [tilespmem:s8+$0x10]  }
0xc9: {  	s11 =	sadd.s32 $0xFFFFFFE0, s10  }
0xca: {  	v4 =	vmov s11  }
0xcb: {  	vm0 =	vlt.u32 v4, v0;
	v1 =	vmul.u32 $0x2800, v1  }
0xcc: {  	v2 =	vnsel vm0, $0x0, v2  }
0xcd: {  	[tilespmem:s3+$0x10] =	vst v2;
	v1 =	vadd.s32 v3, v1  }
0xce: {  	v1 =	vnsel vm0, $0x9FF8, v1  }
0xcf: {  	[tilespmem:s26+$0x10] =	vst v1  }
0xd0: {  	v1 =	vld [tilespmem:s6+$0x20]  }
0xd1: {  	v2 =	vld [tilespmem:s9+$0x20]  }
0xd2: {  	v3 =	vld [tilespmem:s8+$0x20]  }
0xd3: {  	s11 =	sadd.s32 $0xFFFFFFF0, s10  }
0xd4: {  	v4 =	vmov s11  }
0xd5: {  	vm0 =	vlt.u32 v4, v0;
	v1 =	vmul.u32 $0x2800, v1  }
0xd6: {  	v2 =	vnsel vm0, $0x0, v2  }
0xd7: {  	[tilespmem:s3+$0x20] =	vst v2;
	v1 =	vadd.s32 v3, v1  }
0xd8: {  	v1 =	vnsel vm0, $0x9FF8, v1  }
0xd9: {  	[tilespmem:s26+$0x20] =	vst v1  }
0xda: {  	v1 =	vld [tilespmem:s6+$0x30]  }
0xdb: {  	v2 =	vld [tilespmem:s9+$0x30]  }
0xdc: {  	v3 =	vld [tilespmem:s8+$0x30];
	_ =	sdelay $0x1  }
.Ltmp2:
0xdd: {  	v4 =	vmov s10;
	(pc) =	sbr.rel @p0 .LBB2_2-.Ltmp2, $4  }
0xde: {  	vm0 =	vlt.u32 v4, v0;
	v1 =	vmul.u32 $0x2800, v1  }
0xdf: {  	v2 =	vnsel vm0, $0x0, v2  }
0xe0: {  	[tilespmem:s3+$0x30] =	vst v2;
	v1 =	vadd.s32 v3, v1  }
0xe1: {  	s9 =	sadd.s32 $0x80, s9;
	s8 =	sadd.s32 $0x80, s8;
	v1 =	vnsel vm0, $0x9FF8, v1  }
0xe2: {  	[tilespmem:s26+$0x30] =	vst v1  }
0xe3: {  	_ =	swait.ge [sflag:s20], $0x1400  }
0xe4: {  	[sflag:s20] =	ssyncset.done $0x0  }
0xe5: {  	[sflag:s20] =	ssyncadd.s32 $0xFFFFEC00  }
0xe6: {  	s3 =	simm.s32 $0xDC00;
	[bflag:$0x0] =	sbarrier.arrive $0xFFFF  }
0xe7: {  	[tilespmem:s23], [sflag:$0x1] =	stream.indirect.gather [hbm4b:s4+s21], $0x10, s3, s21, $0xb8;
	[tilespmem:$0x14400] =	vst v63  }
0xe8: {  	s11 =	simm.s32 $0xDC80  }
0xe9: {  	[tilespmem:s25], [sflag:$0x2] =	stream.indirect.gather [hbm4b:s4+s21], $0x10, s11, s21, $0xb8;
	[tilespmem:$0x14400] =	vst v63  }
0xea: {  	s26 =	simm.s32 $0xDD00  }
0xeb: {  	[tilespmem:s28], [sflag:$0x3] =	stream.indirect.gather [hbm4b:s4+s21], $0x10, s26, s21, $0xb8;
	[tilespmem:$0x14400] =	vst v63  }
0xec: {  	s29 =	simm.s32 $0xDD80;
	s3 =	simm.s32 $0x0  }
0xed: {  	[tilespmem:s30], [sflag:$0x4] =	stream.indirect.gather [hbm4b:s4+s21], $0x10, s29, s21, $0xb8;
	[tilespmem:$0x14400] =	vst v63  }
.LBB2_4:
0xee: {  	_ =	swait.ge [sflag:s20], $0x800  }
0xef: {  	s6 =	sshra.s32 s3, $0x2;
	[sflag:s20] =	ssyncset.done $0x0  }
0xf0: {  	p0 =	seq.s32 s3, $0x0;
	s8 =	sadd.s32 $0xF000, s6;
	[sflag:s20] =	ssyncadd.s32 $0xFFFFF800  }
0xf1: {  	[spmem:s2] =	stream.indirect.scatter.add.f32 [tilespmem:s23], [sflag:$0x9], $0x10, s8, s21, $0xb8;
	[tilespmem:$0x14400] =	vst v63  }
0xf2: {  	s8 =	simm.s32 @!p0 $0xD  }
0xf3: {  	_ =	swait.ge @!p0 [sflag:s8], $0x800  }
0xf4: {  	[sflag:s8] =	ssyncset.done @!p0 $0x0  }
0xf5: {  	s10 =	sadd.s32 $0xDE00, s6;
	[sflag:s8] =	ssyncadd.s32 @!p0 $0xFFFFF800  }
0xf6: {  	[tilespmem:s31], [sflag:$0x5] =	stream.indirect.gather [hbm4b:s4+s21], $0x10, s10, s21, $0xb8;
	[tilespmem:$0x14400] =	vst v63  }
0xf7: {  	_ =	swait.ge [sflag:s18], $0x800  }
0xf8: {  	[sflag:s18] =	ssyncset.done $0x0  }
0xf9: {  	s11 =	sadd.s32 $0xF080, s6;
	s8 =	simm.s32 @!p0 $0xE;
	[sflag:s18] =	ssyncadd.s32 $0xFFFFF800  }
0xfa: {  	[spmem:s2] =	stream.indirect.scatter.add.f32 [tilespmem:s25], [sflag:$0xA], $0x10, s11, s21, $0xb8;
	[tilespmem:$0x14400] =	vst v63  }
0xfb: {  	_ =	swait.ge @!p0 [sflag:s8], $0x800  }
0xfc: {  	[sflag:s8] =	ssyncset.done @!p0 $0x0  }
0xfd: {  	s26 =	sadd.s32 $0xDE80, s6;
	[sflag:s8] =	ssyncadd.s32 @!p0 $0xFFFFF800  }
0xfe: {  	[tilespmem:s1], [sflag:$0x6] =	stream.indirect.gather [hbm4b:s4+s21], $0x10, s26, s21, $0xb8;
	[tilespmem:$0x14400] =	vst v63  }
0xff: {  	_ =	swait.ge [sflag:s19], $0x800  }
0x100: {  	[sflag:s19] =	ssyncset.done $0x0  }
0x101: {  	s29 =	sadd.s32 $0xF100, s6;
	s8 =	simm.s32 @!p0 $0xF;
	[sflag:s19] =	ssyncadd.s32 $0xFFFFF800  }
0x102: {  	[spmem:s2] =	stream.indirect.scatter.add.f32 [tilespmem:s28], [sflag:$0xB], $0x10, s29, s21, $0xb8;
	[tilespmem:$0x14400] =	vst v63  }
0x103: {  	_ =	swait.ge @!p0 [sflag:s8], $0x800  }
0x104: {  	[sflag:s8] =	ssyncset.done @!p0 $0x0  }
0x105: {  	s9 =	sadd.s32 $0xDF00, s6;
	[sflag:s8] =	ssyncadd.s32 @!p0 $0xFFFFF800  }
0x106: {  	[tilespmem:s0], [sflag:$0x7] =	stream.indirect.gather [hbm4b:s4+s21], $0x10, s9, s21, $0xb8;
	[tilespmem:$0x14400] =	vst v63  }
0x107: {  	_ =	swait.ge [sflag:s14], $0x800  }
0x108: {  	[sflag:s14] =	ssyncset.done $0x0  }
0x109: {  	s10 =	sadd.s32 $0xF180, s6;
	s8 =	simm.s32 @!p0 $0x10;
	[sflag:s14] =	ssyncadd.s32 $0xFFFFF800  }
0x10a: {  	[spmem:s2] =	stream.indirect.scatter.add.f32 [tilespmem:s30], [sflag:$0xC], $0x10, s10, s21, $0xb8;
	[tilespmem:$0x14400] =	vst v63  }
0x10b: {  	_ =	swait.ge @!p0 [sflag:s8], $0x800  }
0x10c: {  	[sflag:s8] =	ssyncset.done @!p0 $0x0  }
0x10d: {  	s11 =	sadd.s32 $0xDF80, s6;
	[sflag:s8] =	ssyncadd.s32 @!p0 $0xFFFFF800  }
0x10e: {  	[tilespmem:s15], [sflag:$0x8] =	stream.indirect.gather [hbm4b:s4+s21], $0x10, s11, s21, $0xb8;
	[tilespmem:$0x14400] =	vst v63  }
0x10f: {  	_ =	swait.ge [sflag:s16], $0x800  }
0x110: {  	p0 =	seq.s32 s3, $0x4000;
	[sflag:s16] =	ssyncset.done $0x0  }
0x111: {  	s26 =	sadd.s32 $0xF200, s6;
	s8 =	simm.s32 @p0 $0x6;
	[sflag:s16] =	ssyncadd.s32 $0xFFFFF800  }
0x112: {  	[spmem:s2] =	stream.indirect.scatter.add.f32 [tilespmem:s31], [sflag:$0xD], $0x10, s26, s21, $0xb8;
	[tilespmem:$0x14400] =	vst v63  }
0x113: {  	_ =	swait.ge @p0 [sflag:s8], $0x800  }
0x114: {  	[sflag:s8] =	ssyncset.done @p0 $0x0  }
0x115: {  	[sflag:s8] =	ssyncadd.s32 @p0 $0xFFFFF800;
	s8 =	sshra.s32 @p0 s3, $0x2  }
0x116: {  	s9 =	simm.s32 @p0 $0x80;
	s10 =	simm.s32 @p0 $0x12C00;
	s8 =	sadd.s32 @p0 $0xF280, s8  }
0x117: {  	[spmem:s2] =	stream.indirect.scatter.add.f32 @p0 [tilespmem:s10], [sflag:$0xE], $0x10, s8, s9, $0xb8;
	[tilespmem:$0x14400] =	vst v63  }
0x118: {  	s8 =	simm.s32 @!p0 $0x9  }
0x119: {  	_ =	swait.ge @!p0 [sflag:s8], $0x800  }
0x11a: {  	[sflag:s8] =	ssyncset.done @!p0 $0x0  }
0x11b: {  	[sflag:s8] =	ssyncadd.s32 @!p0 $0xFFFFF800;
	s8 =	sshra.s32 @!p0 s3, $0x2  }
0x11c: {  	s11 =	simm.s32 @!p0 $0x10400;
	s10 =	simm.s32 @!p0 $0x80;
	s9 =	sadd.s32 @!p0 $0xE000, s8  }
0x11d: {  	[tilespmem:s11], [sflag:$0x1] =	stream.indirect.gather @!p0 [hbm4b:s4+s10], $0x10, s9, s10, $0xb8;
	[tilespmem:$0x14400] =	vst v63  }
0x11e: {  	s9 =	simm.s32 @!p0 $0x6  }
0x11f: {  	_ =	swait.ge @!p0 [sflag:s9], $0x800  }
0x120: {  	[sflag:s9] =	ssyncset.done @!p0 $0x0  }
0x121: {  	s11 =	simm.s32 @!p0 $0x12C00;
	[sflag:s9] =	ssyncadd.s32 @!p0 $0xFFFFF800;
	s9 =	sadd.s32 @!p0 $0xF280, s8  }
0x122: {  	[spmem:s2] =	stream.indirect.scatter.add.f32 @!p0 [tilespmem:s11], [sflag:$0xE], $0x10, s9, s10, $0xb8;
	[tilespmem:$0x14400] =	vst v63  }
0x123: {  	s9 =	simm.s32 @!p0 $0xA  }
0x124: {  	_ =	swait.ge @!p0 [sflag:s9], $0x800  }
0x125: {  	[sflag:s9] =	ssyncset.done @!p0 $0x0  }
0x126: {  	s8 =	sadd.s32 @!p0 $0xE080, s8;
	[sflag:s9] =	ssyncadd.s32 @!p0 $0xFFFFF800;
	s9 =	simm.s32 @!p0 $0x10C00  }
0x127: {  	[tilespmem:s9], [sflag:$0x2] =	stream.indirect.gather @!p0 [hbm4b:s4+s10], $0x10, s8, s10, $0xb8;
	[tilespmem:$0x14400] =	vst v63  }
.Ltmp3:
0x128: {  	_ = 	snop;
	(pc) =	sbr.rel @p0 .LBB2_6-.Ltmp3, $4  }
0x129: {  	_ =	swait.ge [sflag:s22], $0x800  }
0x12a: {  	[sflag:s22] =	ssyncset.done $0x0  }
0x12b: {  	s29 =	sadd.s32 $0xF300, s6;
	s8 =	sadd.s32 $0xF380, s6;
	[sflag:s22] =	ssyncadd.s32 $0xFFFFF800  }
0x12c: {  	[spmem:s2] =	stream.indirect.scatter.add.f32 [tilespmem:s0], [sflag:$0xF], $0x10, s29, s21, $0xb8;
	[tilespmem:$0x14400] =	vst v63  }
0x12d: {  	_ =	swait.ge [sflag:s5], $0x800  }
0x12e: {  	[sflag:s5] =	ssyncset.done $0x0  }
0x12f: {  	s9 =	sadd.s32 $0xE100, s6;
	[sflag:s5] =	ssyncadd.s32 $0xFFFFF800  }
0x130: {  	[tilespmem:s28], [sflag:$0x3] =	stream.indirect.gather [hbm4b:s4+s21], $0x10, s9, s21, $0xb8;
	[tilespmem:$0x14400] =	vst v63  }
0x131: {  	_ =	swait.ge [sflag:s24], $0x800  }
0x132: {  	[sflag:s24] =	ssyncset.done $0x0  }
0x133: {  	[sflag:s24] =	ssyncadd.s32 $0xFFFFF800  }
0x134: {  	[spmem:s2] =	stream.indirect.scatter.add.f32 [tilespmem:s15], [sflag:$0x10], $0x10, s8, s21, $0xb8;
	[tilespmem:$0x14400] =	vst v63  }
.Ltmp4:
0x135: {  	_ = 	snop;
	(pc) =	sbr.rel .LBB2_4-.Ltmp4, $4  }
0x136: {  	_ =	swait.ge [sflag:s7], $0x800  }
0x137: {  	[sflag:s7] =	ssyncset.done $0x0  }
0x138: {  	s29 =	sadd.s32 $0xE180, s6;
	s3 =	sadd.s32 $0x1000, s3;
	[sflag:s7] =	ssyncadd.s32 $0xFFFFF800  }
0x139: {  	[tilespmem:s30], [sflag:$0x4] =	stream.indirect.gather [hbm4b:s4+s21], $0x10, s29, s21, $0xb8;
	[tilespmem:$0x14400] =	vst v63  }
.LBB2_7:
0x13a: {  	_ =	sfence.sel $0x180000  }
0x13b: {  	[bflag:$0x0] =	sbarrier.arrive $0xFFFF  }
0x13c: {  	_ =	strace $0x9000004A  }
0x13d: {  	s0 =	stileid.u32;
	[bflag:$0x2] =	sbarrier.arrive $0xFFFF  }
0x13e: {  	p0 =	sne.s32 s0, $0x0;
	s0 =	rddreg [dreg:$0x3]  }
0x13f: {  	s0 =	sadd.s32 @!p0 $0x100000, s0  }
0x140: {  	[sflag:s0] =	ssyncadd.tile.s32 @!p0 $0x1;
	_ =	shalt  }
.Lfunc_end2:
_tile_overlayer_lowered:
.L_overlay_start_2:
0x141: {  	(tag) =	ssettag $0x2  }
0x142: {  	s0 =	rddreg [dreg:$0x0];
	s2 =	stileid.u32  }
0x143: {  	s1 =	rddreg [dreg:$0x1];
	p0 =	sne.s32 s2, $0x0  }
0x144: {  	s3 =	rddreg [dreg:$0x2];
	[bflag:$0x3] =	sbarrier.arrive $0xFFFF;
	s2 =	simm.s32 @!p0 $0x1C11  }
0x145: {  	[timem:s3], [sflag:s2] =	dma.local @!p0 [hbm:s0], s1  }
0x146: {  	s0 =	simm.s32 @!p0 $0x11  }
0x147: {  	_ =	swait.ge @!p0 [sflag:s0], s1  }
0x148: {  	s1 =	ssub.s32 @!p0 $0x0, s1;
	[sflag:s0] =	ssyncset.done @!p0 $0x0  }
0x149: {  	[sflag:s0] =	ssyncadd.s32 @!p0 s1  }
0x14a: {  	[bflag:$0x3] =	sbarrier.arrive $0xFFFF  }
0x14b: {  	_ =	shalt  }

// kernel: kernel.7.cloned.1.call-start
scs
__scs_entry_jumppad:
0x0: {  	(pc) =	sbr.rel $0x88, $3  }
0x1: {  	(tag) =	ssettag $0x0;
	lr =	simm.s32 $0x1  }
0x2: {  	[smem:$0x3F98] =	sst lr;
	_ =	strace $0xD0000000  }
0x3: {  	_ = 	snop  }
0x4: {  	_ = 	snop  }
0x5: {  	_ = 	snop  }
0x6: {  	_ = 	snop  }
0x7: {  	_ = 	snop  }
__scs_overlays_trampoline_lowered:
0x8: {  	[smem:$0x3FA7] =	sst s0  }
0x9: {  	[smem:$0x3FA8] =	sst s1  }
0xa: {  	[smem:$0x3FA9] =	sst s2  }
0xb: {  	[smem:$0x3FAA] =	sst s3  }
0xc: {  	[smem:$0x3FAB] =	sst s4  }
0xd: {  	[smem:$0x3FAC] =	sst s5  }
0xe: {  	[smem:$0x3FAD] =	sst s6  }
0xf: {  	[smem:$0x3FAE] =	sst s7  }
0x10: {  	[smem:$0x3FAF] =	sst s8  }
0x11: {  	[smem:$0x3FB0] =	sst s9;
	s0 =	simm.s32 @!p0 $0x0  }
0x12: {  	s1 =	sld [smem:$0x3F96];
	s0 =	simm.s32 @p0 $0x1  }
0x13: {  	[smem:$0x3FB1] =	sst s0;
	s0 =	simm.s32 @!p1 $0x0  }
0x14: {  	s2 =	sld [smem:$0x3F95];
	s0 =	simm.s32 @p1 $0x1  }
0x15: {  	[smem:$0x3FB2] =	sst s0;
	s0 =	simm.s32 @!p2 $0x0  }
0x16: {  	s3 =	sld [smem:$0x3FDB];
	s0 =	simm.s32 @p2 $0x1  }
0x17: {  	s4 =	simm.s32 $0x1BF5;
	[smem:$0x3FB4] =	sst s0  }
0x18: {  	s0 =	sld [smem:$0x3F97];
	_ =	swait.ge [sflag:s4], $0x0  }
0x19: {  	s7 =	sld [smem:$0x3F98]  }
0x1a: {  	s8 =	sadd.s32 $0xFFFFE003, lr  }
0x1b: {  	s9 =	sadd.s32 $0xFFFFFEF7, lr;
	s5 =	simm.s32 $0xFFFFFFFF;
	p2 =	slt.u32 s8, $0xFFFFF086  }
0x1c: {  	p1 =	slt.u32 s9, $0xF7A;
	s5 =	simm.s32 @!p2 $0x0  }
0x1d: {  	s5 =	simm.s32 @p1 $0x1;
	p0 =	seq.s32 s7, s2  }
0x1e: {  	s7 =	smul.u32 @!p0 $0xF7A, s2;
	p2 =	seq.s32 @!p0 s5, $0x0  }
0x1f: {  	s9 =	smul.u32 $0xF7A, s1;
	s8 =	simm.s32 @!p0 $0x1BF5;
	p2 =	por !p2, p0  }
0x20: {  	[sflag:s8] =	ssyncset.s32 @!p0 $0xFFFFF086;
	s6 =	sadd.s32 @!p0 s3, s7;
	s7 =	simm.s32 @!p0 $0x108  }
0x21: {  	s3 =	sadd.s32 s3, s9;
	s6 =	sadd.s32 @!p0 $0x88, s6;
	s7 =	simm.s32 @p2 $0x1082  }
0x22: {  	[simem:s7], [sflag:s8] =	dma.local @!p0 [hbm:s6], $0xF7A  }
0x23: {  	s9 =	sor.u32 $0xD0000000, s2;
	s6 =	simm.s32 $0x108;
	_ =	swait.ge @!p0 [sflag:s8], $0x0  }
0x24: {  	s3 =	sadd.s32 $0x88, s3;
	s6 =	simm.s32 @!p1 $0x1082;
	[sflag:s4] =	ssyncset.s32 $0xFFFFF086  }
0x25: {  	[simem:s6], [sflag:s4] =	dma.local [hbm:s3], $0xF7A  }
0x26: {  	[smem:$0x3F98] =	sst s1;
	(tag) =	ssettag s2;
	_ =	strace s9  }
0x27: {  	s1 =	sld [smem:$0x3FA8]  }
0x28: {  	s2 =	sld [smem:$0x3FA9]  }
0x29: {  	s4 =	sld [smem:$0x3FAB]  }
0x2a: {  	p0 =	seq.s32 s5, $0x0;
	s5 =	sld [smem:$0x3FAC]  }
0x2b: {  	s6 =	sld [smem:$0x3FAD]  }
0x2c: {  	s7 =	sld [smem:$0x3FAE]  }
0x2d: {  	s3 =	simm.s32 $0x108;
	s8 =	sld [smem:$0x3FAF]  }
0x2e: {  	s3 =	simm.s32 @!p0 $0x1082;
	s9 =	sld [smem:$0x3FB0]  }
0x2f: {  	lr =	sadd.s32 s0, s3;
	s0 =	sld [smem:$0x3FA7]  }
0x30: {  	s3 =	sld [smem:$0x3FAA]  }
0x31: {  	[smem:$0x3FB3] =	sst s10  }
0x32: {  	s10 =	sld [smem:$0x3FB1];
	_ =	sdelay $0x3  }
0x33: {  	p0 =	seq.s32 s10, $0x1;
	s10 =	sld [smem:$0x3FB3];
	_ =	sdelay $0x3  }
0x34: {  	[smem:$0x3FB3] =	sst s10  }
0x35: {  	s10 =	sld [smem:$0x3FB2];
	_ =	sdelay $0x3  }
0x36: {  	p1 =	seq.s32 s10, $0x1;
	s10 =	sld [smem:$0x3FB3];
	_ =	sdelay $0x3  }
0x37: {  	[smem:$0x3FB3] =	sst s10  }
0x38: {  	s10 =	sld [smem:$0x3FB4]  }
0x39: {  	_ = 	snop;
	(pc) =	sbr.ind lr, $3  }
0x3a: {  	_ = 	snop  }
0x3b: {  	_ = 	snop  }
0x3c: {  	p2 =	seq.s32 s10, $0x1;
	s10 =	sld [smem:$0x3FB3]  }
0x3d: {  	_ =	shalt  }
0x3e: {  	_ =	shalt  }
0x3f: {  	_ =	shalt  }
0x40: {  	_ =	shalt  }
0x41: {  	_ =	shalt  }
0x42: {  	_ =	shalt  }
0x43: {  	_ =	shalt  }
0x44: {  	_ =	shalt  }
0x45: {  	_ =	shalt  }
0x46: {  	_ =	shalt  }
0x47: {  	_ =	shalt  }
0x48: {  	_ =	shalt  }
0x49: {  	_ =	shalt  }
0x4a: {  	_ =	shalt  }
0x4b: {  	_ =	shalt  }
0x4c: {  	_ =	shalt  }
0x4d: {  	_ =	shalt  }
0x4e: {  	_ =	shalt  }
0x4f: {  	_ =	shalt  }
0x50: {  	_ =	shalt  }
0x51: {  	_ =	shalt  }
0x52: {  	_ =	shalt  }
0x53: {  	_ =	shalt  }
0x54: {  	_ =	shalt  }
0x55: {  	_ =	shalt  }
0x56: {  	_ =	shalt  }
0x57: {  	_ =	shalt  }
0x58: {  	_ =	shalt  }
0x59: {  	_ =	shalt  }
0x5a: {  	_ =	shalt  }
0x5b: {  	_ =	shalt  }
0x5c: {  	_ =	shalt  }
0x5d: {  	_ =	shalt  }
0x5e: {  	_ =	shalt  }
0x5f: {  	_ =	shalt  }
0x60: {  	_ =	shalt  }
0x61: {  	_ =	shalt  }
0x62: {  	_ =	shalt  }
0x63: {  	_ =	shalt  }
0x64: {  	_ =	shalt  }
0x65: {  	_ =	shalt  }
0x66: {  	_ =	shalt  }
0x67: {  	_ =	shalt  }
0x68: {  	_ =	shalt  }
0x69: {  	_ =	shalt  }
0x6a: {  	_ =	shalt  }
0x6b: {  	_ =	shalt  }
0x6c: {  	_ =	shalt  }
0x6d: {  	_ =	shalt  }
0x6e: {  	_ =	shalt  }
0x6f: {  	_ =	shalt  }
0x70: {  	_ =	shalt  }
0x71: {  	_ =	shalt  }
0x72: {  	_ =	shalt  }
0x73: {  	_ =	shalt  }
0x74: {  	_ =	shalt  }
0x75: {  	_ =	shalt  }
0x76: {  	_ =	shalt  }
0x77: {  	_ =	shalt  }
0x78: {  	_ =	shalt  }
0x79: {  	_ =	shalt  }
0x7a: {  	_ =	shalt  }
0x7b: {  	_ =	shalt  }
0x7c: {  	_ =	shalt  }
0x7d: {  	_ =	shalt  }
0x7e: {  	_ =	shalt  }
0x7f: {  	_ =	shalt  }
0x80: {  	_ =	shalt  }
0x81: {  	_ =	shalt  }
0x82: {  	_ =	shalt  }
0x83: {  	_ =	shalt  }
0x84: {  	_ =	shalt  }
0x85: {  	_ =	shalt  }
0x86: {  	_ =	shalt  }
0x87: {  	_ =	shalt  }
.Lfunc_end0:
.L_simem_size_0:
called_computation_lowered:
.L_overlay_start_0:
0x88: {  	s2 =	sld [smem:$0x3FD9]  }
0x89: {  	s3 =	sld [smem:$0x3FFE];
	_ =	sdelay $0x1  }
0x8a: {  	s1 =	srdreg.scid  }
0x8b: {  	s0 =	sand.u32 $0x1, s1  }
0x8c: {  	s17 =	sshll.u32 s0, $0xA;
	s2 =	sadd.s32 s3, s2  }
0x8d: {  	s2 =	sadd.s32 s2, s17  }
0x8e: {  	[smem:$0x3FBF] =	sst s2  }
0x8f: {  	_ = 	snop  }
0x90: {  	s2 =	sld [smem:$0x3FC7]  }
0x91: {  	s18 =	sld [smem:$0x3FD0];
	(tm) =	ssettm $0x1  }
0x92: {  	s4 =	sld [smem:$0x3FFB];
	_ =	sdelay $0x3  }
0x93: {  	_ =	strace s4  }
0x94: {  	s4 =	sld [smem:$0x3FFC];
	_ =	sdelay $0x3  }
0x95: {  	_ =	strace s4  }
0x96: {  	s4 =	sld [smem:$0x3FFD];
	_ =	sdelay $0x3  }
0x97: {  	_ =	strace s4  }
0x98: {  	_ =	strace $0x8FFFFFFF  }
0x99: {  	s19 =	sld [smem:$0x3FDB];
	_ =	sdelay $0x1  }
0x9a: {  	s5 =	simm.s32 $_scs_section_size  }
0x9b: {  	s6 =	simm.s32 $_size__tile_overlayer_lowered;
	s7 =	simm.s32 $_tile_overlayer_lowered  }
0x9c: {  	s22 =	simm.s32 $0x1BFF;
	s21 =	sshll.u32 s7, $0x1;
	s4 =	sadd.s32 s5, s19  }
0x9d: {  	s8 =	simm.s32 $0x0;
	s20 =	sshll.u32 s6, $0x1;
	s6 =	sadd.s32 s21, s4  }
0x9e: {  	[timem:s8], [sflag:s22] =	dma.local [hbm:s6], s20  }
0x9f: {  	_ =	swait.ge [sflag:s22], s20  }
0xa0: {  	s5 =	ssub.s32 $0x0, s20;
	[sflag:s22] =	ssyncset.done $0x0  }
0xa1: {  	[sflag:s22] =	ssyncadd.s32 s5;
	_ =	sdelay $0x1  }
0xa2: {  	s23 =	simm.s32 $0x1B8B  }
0xa3: {  	_ =	swait.ge [sflag:s23], $0x1  }
0xa4: {  	[sflag:s23] =	ssyncset.done $0x0  }
0xa5: {  	s25 =	simm.s32 $0x1B8E;
	s24 =	sld [smem:$0x3FFE];
	[sflag:s23] =	ssyncadd.s32 $0xFFFFFFFF  }
0xa6: {  	s26 =	simm.s32 $execute0_lowered;
	[smem:$0x3FD2] =	sst s25  }
0xa7: {  	s6 =	sshll.u32 s26, $0x1;
	_ =	strace $0x80000046;
	[dreg:$0x1] =	wrdreg $0xFFFFFFFF  }
0xa8: {  	s28 =	simm.s32 $_size_execute0_lowered;
	s4 =	sadd.s32 s4, s6;
	[dreg:$0x0] =	wrdreg $0x0  }
0xa9: {  	s6 =	sshll.u32 s28, $0x1;
	[dreg:$0x2] =	wrdreg s4  }
0xaa: {  	[dreg:$0x3] =	wrdreg s6  }
0xab: {  	[dreg:$0x4] =	wrdreg $0xC0  }
0xac: {  	_ =	task [dreg:s8], $0x5FFFF  }
0xad: {  	[dreg:$0x1] =	wrdreg $0xFFFFFFFF  }
0xae: {  	[dreg:$0x0] =	wrdreg $0x60  }
0xaf: {  	[dreg:$0x2] =	wrdreg s24  }
0xb0: {  	[dreg:$0x3] =	wrdreg s2  }
0xb1: {  	[dreg:$0x4] =	wrdreg s18  }
0xb2: {  	[dreg:$0x5] =	wrdreg $0x0  }
0xb3: {  	[dreg:$0x6] =	wrdreg $0xA0000  }
0xb4: {  	[dreg:$0x7] =	wrdreg $0x9  }
0xb5: {  	_ =	task.clear_ibuf [dreg:s8], $0x8FFFF;
	_ =	strace $0x90000046  }
0xb6: {  	s29 =	simm.s32 $0x9;
	_ =	strace $0x80000048  }
0xb7: {  	_ =	swait.ge [sflag:s29], $0x1  }
0xb8: {  	[sflag:s29] =	ssyncadd.s32 $0xFFFFFFFF  }
0xb9: {  	_ =	strace $0x90000048  }
0xba: {  	_ =	sfence  }
0xbb: {  	s30 =	sld [smem:$0x0];
	_ =	sdelay $0x2  }
0xbc: {  	s31 =	sshll.u32 s1, $0xD;
	s1 =	sshrl.u32 s1, $0x2  }
0xbd: {  	s3 =	sand.u32 $0x4000, s31;
	s1 =	sadd.s32 s1, s30  }
0xbe: {  	s0 =	sor.u32 s3, s0;
	s1 =	sshll.u32 s1, $0x11  }
0xbf: {  	s0 =	sor.u32 s1, s0  }
0xc0: {  	s0 =	sadd.s32 $0x8F2B, s0  }
0xc1: {  	[sflag:s0] =	ssyncadd.remote.s32 $0x1  }
0xc2: {  	_ =	sfence.sel $0xFFFF  }
0xc3: {  	[dreg:$0x0] =	wrdreg $0xFFFFFFFF;
	(pc) =	sbr.abs _section_cstart, $3  }
0xc4: {  	[dreg:$0x1] =	wrdreg $0xFFFFFFFF  }
0xc5: {  	_ =	task.clear_ibuf [dreg:s8], $0x2FFFF;
	_ =	strace $0x9FFFFFFF  }
0xc6: {  	(tm) =	ssettm $0x7FFFFFFF  }
0xc7: {  	_ =	shalt  }
tec
execute0_lowered:
.L_overlay_start_1:
0x0: {  	(tag) =	ssettag $0x1  }
0x1: {  	s0 =	rddreg [dreg:$0x0]  }
0x2: {  	s1 =	srdreg.scid;
	s2 =	rddreg [dreg:$0x1]  }
0x3: {  	s10 =	stileid.u32;
	s3 =	rddreg [dreg:$0x3]  }
0x4: {  	s6 =	simm.s32 $0x0;
	s28 =	simm.s32 $0x2;
	s29 =	simm.s32 $0x80  }
0x5: {  	s30 =	simm.s32 $0x1C400;
	s12 =	simm.s32 $0xA;
	s13 =	simm.s32 $0x7  }
0x6: {  	s14 =	simm.s32 $0xB;
	s15 =	simm.s32 $0x8;
	s17 =	simm.s32 $0xC  }
0x7: {  	s1 =	sand.u32 $0x1, s1;
	s7 =	smul.u32 $0xA000, s10;
	[smem:$0x7FF] =	sst s6  }
0x8: {  	s6 =	sadd.s32 $0xCA00, s0;
	s11 =	sadd.s32 $0x20A00, s0;
	s4 =	sshll.u32 s1, $0x4  }
0x9: {  	s8 =	smul.u32 $0xA0000, s1;
	s5 =	sor.u32 s10, s4;
	s4 =	rddreg [dreg:$0x4]  }
0xa: {  	s1 =	ssub.s32 $0x2, s1;
	_ =	strace $0x80000047;
	[dreg:$0x6] =	wrdreg s11  }
0xb: {  	s21 =	sshrl.u32 s1, $0x1;
	s22 =	sadd.s32 s7, s3;
	s10 =	sshll.u32 s10, $0x6  }
0xc: {  	s11 =	simm.s32 $0x6;
	s5 =	smul.u32 $0x1388, s5;
	s8 =	sadd.s32 s7, s8  }
0xd: {  	s1 =	ssub.s32 s1, s21;
	s23 =	sor.u32 $0x1C01, s10;
	[dreg:$0x7] =	wrdreg s10  }
0xe: {  	s7 =	sadd.s32 s7, s4;
	s31 =	sor.u32 $0x1C02, s10;
	[dreg:$0x8] =	wrdreg s23  }
0xf: {  	s10 =	simm.s32 $0x9;
	s26 =	smax.u32 s1, $0x1;
	[dreg:$0x10] =	wrdreg s31  }
0x10: {  	s7 =	sshrl.u32 s7, $0x3;
	s5 =	sshrl.u32 s5, $0x3;
	[dreg:$0xe] =	wrdreg s26  }
0x11: {  	s8 =	sshrl.u32 s8, $0x3;
	[dreg:$0x11] =	wrdreg s7;
	s2 =	sadd.s32 s2, s5  }
0x12: {  	s9 =	sadd.s32 s5, s0;
	s5 =	sshrl.u32 s22, $0x3;
	[dreg:$0xb] =	wrdreg s2  }
0x13: {  	s23 =	simm.s32 $0x1E400;
	s24 =	sadd.s32 $0x2C00, s9;
	[dreg:$0xf] =	wrdreg s5  }
0x14: {  	v0 =	vlaneseq.u32;
	s0 =	sadd.s32 s8, s0;
	s9 =	sadd.s32 $0x7A20, s9;
	[dreg:$0x9] =	wrdreg s24  }
0x15: {  	v0 =	vmul.u32 $0xFFFFFFFF, v0;
	s1 =	simm.s32 $0x0;
	s25 =	sadd.s32 $0x21E00, s0;
	[dreg:$0xa] =	wrdreg s9  }
0x16: {  	s26 =	simm.s32 $0x1;
	s0 =	sadd.s32 $0x49E00, s0;
	[dreg:$0xc] =	wrdreg s25  }
0x17: {  	v0 =	vadd.s32 $0x1388, v0;
	s8 =	simm.s32 $0x19;
	[dreg:$0xd] =	wrdreg s0;
	s9 =	simm.s32 $0x5  }
.LBB2_1:
0x18: {  	[dreg:$0x12] =	wrdreg s1  }
0x19: {  	s0 =	rddreg [dreg:$0x6]  }
0x1a: {  	s2 =	rddreg [dreg:$0x8]  }
0x1b: {  	[spmem:s5], [sflag:s2] =	dma.local [hbm:s0], $0x1400  }
0x1c: {  	s2 =	rddreg [dreg:$0x10]  }
0x1d: {  	[spmem:s7], [sflag:s2] =	dma.local [hbm:s0], $0x1400  }
0x1e: {  	s1 =	simm.s32 $0x0;
	s7 =	simm.s32 $0x14000;
	s0 =	rddreg [dreg:$0x9]  }
0x1f: {  	[tilespmem:s7], [sflag:$0x3] =	stream.linear.gather [hbm4b:s0+s1], $0x1388, $0x38;
	[tilespmem:$0x1EC00] =	vst v63  }
0x20: {  	s18 =	simm.s32 $0x15400;
	s16 =	rddreg [dreg:$0xa]  }
0x21: {  	[tilespmem:s18], [sflag:$0x4] =	stream.linear.gather [hbm4b:s16+s1], $0x1388, $0x38;
	[tilespmem:$0x1EC00] =	vst v63  }
0x22: {  	s20 =	simm.s32 $0x16800;
	s19 =	rddreg [dreg:$0xb]  }
0x23: {  	[tilespmem:s20], [sflag:$0x19] =	stream.linear.gather [hbm4b:s19+s1], $0x1388, $0x38;
	[tilespmem:$0x1EC00] =	vst v63  }
0x24: {  	_ =	swait.ge [sflag:s8], $0x1388  }
0x25: {  	[sflag:s8] =	ssyncset.done $0x0  }
0x26: {  	[sflag:s8] =	ssyncadd.s32 $0xFFFFEC78  }
0x27: {  	s21 =	rddreg [dreg:$0x2]  }
0x28: {  	[tilespmem:s23], [sflag:$0x19] =	stream.linear.gather [hbm4b:s21+s1], $0x800, $0x38;
	[tilespmem:$0x1EC00] =	vst v63  }
0x29: {  	_ =	swait.ge [sflag:s8], $0x800  }
0x2a: {  	[sflag:s8] =	ssyncset.done $0x0  }
0x2b: {  	s22 =	simm.s32 $0x3;
	[sflag:s8] =	ssyncadd.s32 $0xFFFFF800  }
0x2c: {  	_ =	swait.ge [sflag:s22], $0x1388  }
0x2d: {  	[sflag:s22] =	ssyncset.done $0x0  }
0x2e: {  	s24 =	simm.s32 $0x4;
	[sflag:s22] =	ssyncadd.s32 $0xFFFFEC78  }
0x2f: {  	_ =	swait.ge [sflag:s24], $0x1388  }
0x30: {  	[sflag:s24] =	ssyncset.done $0x0  }
0x31: {  	s5 =	simm.s32 $0x16840;
	[sflag:s24] =	ssyncadd.s32 $0xFFFFEC78  }
0x32: {  	v1 =	vld [tilespmem:s5+$0xFFFFFFC0]  }
0x33: {  	s25 =	simm.s32 $0x14040  }
0x34: {  	s18 =	simm.s32 $0x15440;
	v2 =	vld [tilespmem:s25+$0xFFFFFFC0]  }
0x35: {  	v3 =	vld [tilespmem:s18+$0xFFFFFFC0];
	_ =	sdelay $0x1  }
0x36: {  	s1 =	simm.s32 $0x0;
	v1 =	vmul.u32 $0x2800, v1  }
0x37: {  	v4 =	vmov s1  }
0x38: {  	vm0 =	vlt.u32 v4, v0;
	v2 =	vadd.s32 v2, v1  }
0x39: {  	s7 =	simm.s32 $0x17C40;
	v1 =	vadd.s32 v3, v1;
	v2 =	vnsel vm0, $0x0, v2  }
0x3a: {  	s16 =	simm.s32 $0x19040;
	v1 =	vnsel vm0, $0x9FF8, v1;
	[tilespmem:s7+$0xFFFFFFC0] =	vst v2  }
0x3b: {  	[tilespmem:s16+$0xFFFFFFC0] =	vst v1  }
0x3c: {  	v1 =	vld [tilespmem:s5+$0xFFFFFFD0];
	_ =	sdelay $0x1  }
0x3d: {  	v2 =	vld [tilespmem:s25+$0xFFFFFFD0]  }
0x3e: {  	v3 =	vld [tilespmem:s18+$0xFFFFFFD0];
	_ =	sdelay $0x1  }
0x3f: {  	s2 =	simm.s32 $0x10;
	v1 =	vmul.u32 $0x2800, v1  }
0x40: {  	v57 =	vmov s2  }
0x41: {  	vm9 =	vlt.u32 v57, v0;
	v2 =	vadd.s32 v2, v1  }
0x42: {  	v1 =	vadd.s32 v3, v1;
	v2 =	vnsel vm9, $0x0, v2  }
0x43: {  	v1 =	vnsel vm9, $0x9FF8, v1;
	[tilespmem:s7+$0xFFFFFFD0] =	vst v2  }
0x44: {  	[tilespmem:s16+$0xFFFFFFD0] =	vst v1  }
0x45: {  	v1 =	vld [tilespmem:s5+$0xFFFFFFE0];
	_ =	sdelay $0x1  }
0x46: {  	v2 =	vld [tilespmem:s25+$0xFFFFFFE0]  }
0x47: {  	v3 =	vld [tilespmem:s18+$0xFFFFFFE0];
	_ =	sdelay $0x1  }
0x48: {  	s19 =	simm.s32 $0x20;
	v1 =	vmul.u32 $0x2800, v1  }
0x49: {  	v58 =	vmov s19  }
0x4a: {  	vm10 =	vlt.u32 v58, v0;
	v2 =	vadd.s32 v2, v1  }
0x4b: {  	v1 =	vadd.s32 v3, v1;
	v2 =	vnsel vm10, $0x0, v2  }
0x4c: {  	v1 =	vnsel vm10, $0x9FF8, v1;
	[tilespmem:s7+$0xFFFFFFE0] =	vst v2  }
0x4d: {  	[tilespmem:s16+$0xFFFFFFE0] =	vst v1  }
0x4e: {  	v1 =	vld [tilespmem:s5+$0xFFFFFFF0];
	_ =	sdelay $0x1  }
0x4f: {  	v2 =	vld [tilespmem:s25+$0xFFFFFFF0]  }
0x50: {  	v3 =	vld [tilespmem:s18+$0xFFFFFFF0];
	_ =	sdelay $0x1  }
0x51: {  	s20 =	simm.s32 $0x30;
	v1 =	vmul.u32 $0x2800, v1  }
0x52: {  	v59 =	vmov s20  }
0x53: {  	vm11 =	vlt.u32 v59, v0;
	v2 =	vadd.s32 v2, v1  }
0x54: {  	v1 =	vadd.s32 v3, v1;
	v2 =	vnsel vm11, $0x0, v2  }
0x55: {  	v1 =	vnsel vm11, $0x9FF8, v1;
	[tilespmem:s7+$0xFFFFFFF0] =	vst v2  }
0x56: {  	[tilespmem:s16+$0xFFFFFFF0] =	vst v1  }
0x57: {  	v1 =	vld [tilespmem:s5+$0x0];
	_ =	sdelay $0x1  }
0x58: {  	v2 =	vld [tilespmem:s25+$0x0]  }
0x59: {  	v3 =	vld [tilespmem:s18+$0x0];
	_ =	sdelay $0x1  }
0x5a: {  	s21 =	simm.s32 $0x40;
	v1 =	vmul.u32 $0x2800, v1  }
0x5b: {  	v60 =	vmov s21  }
0x5c: {  	vm12 =	vlt.u32 v60, v0;
	v2 =	vadd.s32 v2, v1  }
0x5d: {  	v1 =	vadd.s32 v3, v1;
	v2 =	vnsel vm12, $0x0, v2  }
0x5e: {  	v1 =	vnsel vm12, $0x9FF8, v1;
	[tilespmem:s7+$0x0] =	vst v2  }
0x5f: {  	[tilespmem:s16+$0x0] =	vst v1  }
0x60: {  	v1 =	vld [tilespmem:s5+$0x10];
	_ =	sdelay $0x1  }
0x61: {  	v2 =	vld [tilespmem:s25+$0x10]  }
0x62: {  	v3 =	vld [tilespmem:s18+$0x10];
	_ =	sdelay $0x1  }
0x63: {  	s22 =	simm.s32 $0x50;
	v1 =	vmul.u32 $0x2800, v1  }
0x64: {  	v61 =	vmov s22  }
0x65: {  	vm13 =	vlt.u32 v61, v0;
	v2 =	vadd.s32 v2, v1  }
0x66: {  	v1 =	vadd.s32 v3, v1;
	v2 =	vnsel vm13, $0x0, v2  }
0x67: {  	v1 =	vnsel vm13, $0x9FF8, v1;
	[tilespmem:s7+$0x10] =	vst v2  }
0x68: {  	[tilespmem:s16+$0x10] =	vst v1  }
0x69: {  	v1 =	vld [tilespmem:s5+$0x20];
	_ =	sdelay $0x1  }
0x6a: {  	v2 =	vld [tilespmem:s25+$0x20]  }
0x6b: {  	v3 =	vld [tilespmem:s18+$0x20];
	_ =	sdelay $0x1  }
0x6c: {  	s24 =	simm.s32 $0x60;
	v1 =	vmul.u32 $0x2800, v1  }
0x6d: {  	v62 =	vmov s24  }
0x6e: {  	vm14 =	vlt.u32 v62, v0;
	v2 =	vadd.s32 v2, v1  }
0x6f: {  	v1 =	vadd.s32 v3, v1;
	v2 =	vnsel vm14, $0x0, v2  }
0x70: {  	v1 =	vnsel vm14, $0x9FF8, v1;
	[tilespmem:s7+$0x20] =	vst v2  }
0x71: {  	[tilespmem:s16+$0x20] =	vst v1  }
0x72: {  	v1 =	vld [tilespmem:s5+$0x30];
	_ =	sdelay $0x1  }
0x73: {  	v2 =	vld [tilespmem:s25+$0x30]  }
0x74: {  	v3 =	vld [tilespmem:s18+$0x30];
	_ =	sdelay $0x1  }
0x75: {  	s25 =	simm.s32 $0x70;
	v1 =	vmul.u32 $0x2800, v1  }
0x76: {  	v63 =	vmov s25  }
0x77: {  	vm15 =	vlt.u32 v63, v0;
	v2 =	vadd.s32 v2, v1  }
0x78: {  	v1 =	vadd.s32 v3, v1;
	v2 =	vnsel vm15, $0x0, v2  }
0x79: {  	s31 =	simm.s32 $0x140C0;
	s22 =	simm.s32 $0xF0;
	s18 =	simm.s32 $0x154C0;
	v1 =	vnsel vm15, $0x9FF8, v1;
	[tilespmem:s7+$0x30] =	vst v2  }
.LBB2_2:
0x7a: {  	[tilespmem:s16+$0x30] =	vst v1;
	s16 =	sadd.s32 $0x80, s16;
	s7 =	sadd.s32 $0x80, s7;
	s5 =	sadd.s32 $0x80, s5  }
0x7b: {  	p0 =	sne.s32 s22, $0x13F0;
	s0 =	smov.u32 s22;
	s22 =	sadd.s32 $0x80, s22;
	v1 =	vld [tilespmem:s5+$0xFFFFFFC0]  }
0x7c: {  	v2 =	vld [tilespmem:s18+$0xFFFFFFC0]  }
0x7d: {  	v3 =	vld [tilespmem:s31+$0xFFFFFFC0];
	_ =	sdelay $0x2  }
0x7e: {  	s8 =	sadd.s32 $0xFFFFFF90, s0;
	v1 =	vmul.u32 $0x2800, v1  }
0x7f: {  	v4 =	vmov s8  }
0x80: {  	vm0 =	vlt.u32 v4, v0;
	v3 =	vadd.s32 v3, v1;
	v1 =	vadd.s32 v2, v1  }
0x81: {  	v2 =	vnsel vm0, $0x0, v3  }
0x82: {  	v1 =	vnsel vm0, $0x9FF8, v1;
	[tilespmem:s7+$0xFFFFFFC0] =	vst v2  }
0x83: {  	[tilespmem:s16+$0xFFFFFFC0] =	vst v1  }
0x84: {  	v1 =	vld [tilespmem:s5+$0xFFFFFFD0]  }
0x85: {  	v2 =	vld [tilespmem:s18+$0xFFFFFFD0]  }
0x86: {  	v3 =	vld [tilespmem:s31+$0xFFFFFFD0];
	_ =	sdelay $0x2  }
0x87: {  	s8 =	sadd.s32 $0xFFFFFFA0, s0;
	v1 =	vmul.u32 $0x2800, v1  }
0x88: {  	v4 =	vmov s8  }
0x89: {  	vm0 =	vlt.u32 v4, v0;
	v3 =	vadd.s32 v3, v1;
	v1 =	vadd.s32 v2, v1  }
0x8a: {  	v2 =	vnsel vm0, $0x0, v3  }
0x8b: {  	v1 =	vnsel vm0, $0x9FF8, v1;
	[tilespmem:s7+$0xFFFFFFD0] =	vst v2  }
0x8c: {  	[tilespmem:s16+$0xFFFFFFD0] =	vst v1  }
0x8d: {  	v1 =	vld [tilespmem:s5+$0xFFFFFFE0]  }
0x8e: {  	v2 =	vld [tilespmem:s18+$0xFFFFFFE0]  }
0x8f: {  	v3 =	vld [tilespmem:s31+$0xFFFFFFE0];
	_ =	sdelay $0x2  }
0x90: {  	s8 =	sadd.s32 $0xFFFFFFB0, s0;
	v1 =	vmul.u32 $0x2800, v1  }
0x91: {  	v4 =	vmov s8  }
0x92: {  	vm0 =	vlt.u32 v4, v0;
	v3 =	vadd.s32 v3, v1;
	v1 =	vadd.s32 v2, v1  }
0x93: {  	v2 =	vnsel vm0, $0x0, v3  }
0x94: {  	v1 =	vnsel vm0, $0x9FF8, v1;
	[tilespmem:s7+$0xFFFFFFE0] =	vst v2  }
0x95: {  	[tilespmem:s16+$0xFFFFFFE0] =	vst v1  }
0x96: {  	v1 =	vld [tilespmem:s5+$0xFFFFFFF0]  }
0x97: {  	v2 =	vld [tilespmem:s18+$0xFFFFFFF0]  }
0x98: {  	v3 =	vld [tilespmem:s31+$0xFFFFFFF0];
	_ =	sdelay $0x2  }
0x99: {  	s8 =	sadd.s32 $0xFFFFFFC0, s0;
	v1 =	vmul.u32 $0x2800, v1  }
0x9a: {  	v4 =	vmov s8  }
0x9b: {  	vm0 =	vlt.u32 v4, v0;
	v3 =	vadd.s32 v3, v1;
	v1 =	vadd.s32 v2, v1  }
0x9c: {  	v2 =	vnsel vm0, $0x0, v3  }
0x9d: {  	v1 =	vnsel vm0, $0x9FF8, v1;
	[tilespmem:s7+$0xFFFFFFF0] =	vst v2  }
0x9e: {  	[tilespmem:s16+$0xFFFFFFF0] =	vst v1  }
0x9f: {  	v1 =	vld [tilespmem:s5+$0x0]  }
0xa0: {  	v2 =	vld [tilespmem:s18+$0x0]  }
0xa1: {  	v3 =	vld [tilespmem:s31+$0x0];
	_ =	sdelay $0x2  }
0xa2: {  	s8 =	sadd.s32 $0xFFFFFFD0, s0;
	v1 =	vmul.u32 $0x2800, v1  }
0xa3: {  	v4 =	vmov s8  }
0xa4: {  	vm0 =	vlt.u32 v4, v0;
	v3 =	vadd.s32 v3, v1;
	v1 =	vadd.s32 v2, v1  }
0xa5: {  	v2 =	vnsel vm0, $0x0, v3  }
0xa6: {  	v1 =	vnsel vm0, $0x9FF8, v1;
	[tilespmem:s7+$0x0] =	vst v2  }
0xa7: {  	[tilespmem:s16+$0x0] =	vst v1  }
0xa8: {  	v1 =	vld [tilespmem:s5+$0x10]  }
0xa9: {  	v2 =	vld [tilespmem:s31+$0x10]  }
0xaa: {  	v3 =	vld [tilespmem:s18+$0x10];
	_ =	sdelay $0x2  }
0xab: {  	s8 =	sadd.s32 $0xFFFFFFE0, s0;
	v1 =	vmul.u32 $0x2800, v1  }
0xac: {  	v4 =	vmov s8  }
0xad: {  	vm0 =	vlt.u32 v4, v0;
	v2 =	vadd.s32 v2, v1;
	v1 =	vadd.s32 v3, v1  }
0xae: {  	v2 =	vnsel vm0, $0x0, v2  }
0xaf: {  	v1 =	vnsel vm0, $0x9FF8, v1;
	[tilespmem:s7+$0x10] =	vst v2  }
0xb0: {  	[tilespmem:s16+$0x10] =	vst v1  }
0xb1: {  	v1 =	vld [tilespmem:s5+$0x20]  }
0xb2: {  	v2 =	vld [tilespmem:s31+$0x20]  }
0xb3: {  	v3 =	vld [tilespmem:s18+$0x20];
	_ =	sdelay $0x2  }
0xb4: {  	s8 =	sadd.s32 $0xFFFFFFF0, s0;
	v1 =	vmul.u32 $0x2800, v1  }
0xb5: {  	v4 =	vmov s8  }
0xb6: {  	vm0 =	vlt.u32 v4, v0;
	v2 =	vadd.s32 v2, v1;
	v1 =	vadd.s32 v3, v1  }
0xb7: {  	v2 =	vnsel vm0, $0x0, v2  }
0xb8: {  	v1 =	vnsel vm0, $0x9FF8, v1;
	[tilespmem:s7+$0x20] =	vst v2  }
0xb9: {  	[tilespmem:s16+$0x20] =	vst v1  }
0xba: {  	v1 =	vld [tilespmem:s5+$0x30]  }
0xbb: {  	v2 =	vld [tilespmem:s31+$0x30]  }
0xbc: {  	v3 =	vld [tilespmem:s18+$0x30];
	_ =	sdelay $0x2  }
.Ltmp0:
0xbd: {  	v1 =	vmul.u32 $0x2800, v1;
	(pc) =	sbr.rel @p0 .LBB2_2-.Ltmp0, $4  }
0xbe: {  	v4 =	vmov s0  }
0xbf: {  	vm0 =	vlt.u32 v4, v0;
	v2 =	vadd.s32 v2, v1;
	v1 =	vadd.s32 v3, v1  }
0xc0: {  	v2 =	vnsel vm0, $0x0, v2  }
0xc1: {  	s31 =	sadd.s32 $0x80, s31;
	s18 =	sadd.s32 $0x80, s18;
	v1 =	vnsel vm0, $0x9FF8, v1;
	[tilespmem:s7+$0x30] =	vst v2  }
0xc2: {  	[tilespmem:s16+$0x30] =	vst v1  }
0xc3: {  	_ =	swait.ge [sflag:s26], $0x1400  }
0xc4: {  	[sflag:s26] =	ssyncset.done $0x0  }
0xc5: {  	[sflag:s26] =	ssyncadd.s32 $0xFFFFEC00  }
0xc6: {  	_ =	swait.ge [sflag:s28], $0x1400  }
0xc7: {  	[sflag:s28] =	ssyncset.done $0x0  }
0xc8: {  	[sflag:s28] =	ssyncadd.s32 $0xFFFFEC00  }
0xc9: {  	s0 =	simm.s32 $0x17C00;
	s2 =	simm.s32 $0x1A400;
	[bflag:$0x0] =	sbarrier.arrive $0xFFFF  }
0xca: {  	[tilespmem:s2], [sflag:$0x1] =	stream.indirect.gather [hbm4b:s6+s29], $0x10, s0, s29, $0xb8;
	[tilespmem:$0x1EC00] =	vst v63  }
0xcb: {  	s20 =	simm.s32 $0x17C80;
	s21 =	simm.s32 $0x1AC00;
	s22 =	simm.s32 $0x17D00  }
0xcc: {  	[tilespmem:s21], [sflag:$0x2] =	stream.indirect.gather [hbm4b:s6+s29], $0x10, s20, s29, $0xb8;
	[tilespmem:$0x1EC00] =	vst v63  }
.Ltmp1:
0xcd: {  	s24 =	simm.s32 $0x1B400;
	s25 =	simm.s32 $0x17D80;
	(pc) =	sbr.rel .LBB2_4-.Ltmp1, $4  }
0xce: {  	[tilespmem:s24], [sflag:$0x3] =	stream.indirect.gather [hbm4b:s6+s29], $0x10, s22, s29, $0xb8;
	[tilespmem:$0x1EC00] =	vst v63  }
0xcf: {  	s31 =	simm.s32 $0x1BC00;
	s5 =	simm.s32 $0x4;
	s7 =	simm.s32 $0x0  }
0xd0: {  	[tilespmem:s31], [sflag:$0x4] =	stream.indirect.gather [hbm4b:s6+s29], $0x10, s25, s29, $0xb8;
	[tilespmem:$0x1EC00] =	vst v63  }
0xd1: {  	s20 =	simm.s32 $0x1CC00;
	s24 =	simm.s32 $0x1D400;
	s25 =	simm.s32 $0x1DC00  }
.LBB2_5:
0xd2: {  	[spmem:s4] =	stream.indirect.scatter.add.f32 [tilespmem:s23], [sflag:$0x15], $0x10, s8, s29, $0xb8;
	[tilespmem:$0x1EC00] =	vst v63  }
0xd3: {  	s30 =	simm.s32 $0x1C400  }
0xd4: {  	[spmem:s3] =	stream.indirect.scatter.add.f32 [tilespmem:s1], [sflag:$0xD], $0x10, s8, s29, $0xb8;
	[tilespmem:$0x1EC00] =	vst v63  }
.LBB2_7:
0xd5: {  	s2 =	smov.u32 s7  }
0xd6: {  	_ =	swait.ge [sflag:s10], $0x800;
	s2 =	simm.s32 @!p0 $0x0  }
0xd7: {  	[sflag:s10] =	ssyncset.done $0x0;
	s2 =	sshra.s32 s2, $0x2  }
0xd8: {  	s19 =	simm.s32 $0x1A400;
	[sflag:s10] =	ssyncadd.s32 $0xFFFFF800;
	s8 =	sadd.s32 $0x18000, s2  }
0xd9: {  	[tilespmem:s19], [sflag:$0x1] =	stream.indirect.gather [hbm4b:s6+s29], $0x10, s8, s29, $0xb8;
	[tilespmem:$0x1EC00] =	vst v63  }
0xda: {  	_ =	swait.ge [sflag:s11], $0x800  }
0xdb: {  	p0 =	seq.s32 s5, $0x4;
	[sflag:s11] =	ssyncset.done $0x0  }
0xdc: {  	s8 =	simm.s32 @!p0 $0x16;
	[sflag:s11] =	ssyncadd.s32 $0xFFFFF800  }
0xdd: {  	_ =	swait.ge @!p0 [sflag:s8], $0x800  }
0xde: {  	[sflag:s8] =	ssyncset.done @!p0 $0x0  }
0xdf: {  	s0 =	sadd.s32 $0x19000, s0;
	[sflag:s8] =	ssyncadd.s32 @!p0 $0xFFFFF800  }
0xe0: {  	[spmem:s4] =	stream.indirect.scatter.add.f32 [tilespmem:s23], [sflag:$0x16], $0x10, s0, s29, $0xb8;
	[tilespmem:$0x1EC00] =	vst v63  }
0xe1: {  	s20 =	simm.s32 $0x1CC00  }
0xe2: {  	[spmem:s3] =	stream.indirect.scatter.add.f32 [tilespmem:s20], [sflag:$0xE], $0x10, s0, s29, $0xb8;
	[tilespmem:$0x1EC00] =	vst v63  }
0xe3: {  	_ =	swait.ge [sflag:s12], $0x800  }
0xe4: {  	[sflag:s12] =	ssyncset.done $0x0  }
0xe5: {  	s1 =	simm.s32 $0x1AC00;
	s31 =	sadd.s32 $0x18080, s2;
	[sflag:s12] =	ssyncadd.s32 $0xFFFFF800  }
0xe6: {  	[tilespmem:s1], [sflag:$0x2] =	stream.indirect.gather [hbm4b:s6+s29], $0x10, s31, s29, $0xb8;
	[tilespmem:$0x1EC00] =	vst v63  }
0xe7: {  	_ =	swait.ge [sflag:s13], $0x800  }
0xe8: {  	[sflag:s13] =	ssyncset.done $0x0  }
0xe9: {  	s0 =	simm.s32 @!p0 $0x17;
	[sflag:s13] =	ssyncadd.s32 $0xFFFFF800  }
0xea: {  	_ =	swait.ge @!p0 [sflag:s0], $0x800  }
0xeb: {  	[sflag:s0] =	ssyncset.done @!p0 $0x0  }
0xec: {  	s8 =	sadd.s32 $0x19000, s16;
	[sflag:s0] =	ssyncadd.s32 @!p0 $0xFFFFF800  }
0xed: {  	[spmem:s4] =	stream.indirect.scatter.add.f32 [tilespmem:s23], [sflag:$0x17], $0x10, s8, s29, $0xb8;
	[tilespmem:$0x1EC00] =	vst v63  }
0xee: {  	s24 =	simm.s32 $0x1D400  }
0xef: {  	[spmem:s3] =	stream.indirect.scatter.add.f32 [tilespmem:s24], [sflag:$0xF], $0x10, s8, s29, $0xb8;
	[tilespmem:$0x1EC00] =	vst v63  }
0xf0: {  	_ =	swait.ge [sflag:s14], $0x800  }
0xf1: {  	[sflag:s14] =	ssyncset.done $0x0  }
0xf2: {  	s19 =	simm.s32 $0x1B400;
	s16 =	sadd.s32 $0x18100, s2;
	[sflag:s14] =	ssyncadd.s32 $0xFFFFF800  }
0xf3: {  	[tilespmem:s19], [sflag:$0x3] =	stream.indirect.gather [hbm4b:s6+s29], $0x10, s16, s29, $0xb8;
	[tilespmem:$0x1EC00] =	vst v63  }
0xf4: {  	_ =	swait.ge [sflag:s15], $0x800  }
0xf5: {  	[sflag:s15] =	ssyncset.done $0x0  }
0xf6: {  	s0 =	simm.s32 @!p0 $0x18;
	[sflag:s15] =	ssyncadd.s32 $0xFFFFF800  }
0xf7: {  	_ =	swait.ge @!p0 [sflag:s0], $0x800  }
0xf8: {  	[sflag:s0] =	ssyncset.done @!p0 $0x0  }
0xf9: {  	s22 =	sadd.s32 $0x19000, s18;
	[sflag:s0] =	ssyncadd.s32 @!p0 $0xFFFFF800  }
0xfa: {  	[spmem:s4] =	stream.indirect.scatter.add.f32 [tilespmem:s23], [sflag:$0x18], $0x10, s22, s29, $0xb8;
	[tilespmem:$0x1EC00] =	vst v63  }
0xfb: {  	_ = 	snop  }
0xfc: {  	[spmem:s3] =	stream.indirect.scatter.add.f32 [tilespmem:s21], [sflag:$0x10], $0x10, s22, s29, $0xb8;
	[tilespmem:$0x1EC00] =	vst v63  }
0xfd: {  	_ =	swait.ge [sflag:s17], $0x800  }
0xfe: {  	[sflag:s17] =	ssyncset.done $0x0  }
0xff: {  	s25 =	sadd.s32 $0x18180, s2;
	s31 =	simm.s32 $0x1BC00;
	[sflag:s17] =	ssyncadd.s32 $0xFFFFF800  }
0x100: {  	[tilespmem:s31], [sflag:$0x4] =	stream.indirect.gather [hbm4b:s6+s29], $0x10, s25, s29, $0xb8;
	[tilespmem:$0x1EC00] =	vst v63  }
0x101: {  	s7 =	sadd.s32 $0x1000, s7;
	s5 =	sadd.s32 $0xFFFFFFFF, s5;
	s25 =	simm.s32 $0x1DC00  }
.LBB2_4:
0x102: {  	_ =	swait.ge [sflag:s26], $0x800  }
0x103: {  	p0 =	sne.s32 s5, $0x4;
	[sflag:s26] =	ssyncset.done $0x0  }
0x104: {  	s0 =	simm.s32 @p0 $0x11;
	[sflag:s26] =	ssyncadd.s32 $0xFFFFF800  }
0x105: {  	_ =	swait.ge @p0 [sflag:s0], $0x800  }
0x106: {  	[sflag:s0] =	ssyncset.done @p0 $0x0  }
0x107: {  	[sflag:s0] =	ssyncadd.s32 @p0 $0xFFFFF800;
	s0 =	sshra.s32 @p0 s7, $0x2  }
0x108: {  	s22 =	simm.s32 @p0 $0x80;
	s21 =	simm.s32 @p0 $0x1E400;
	s18 =	sadd.s32 @p0 $0x19000, s0  }
0x109: {  	[spmem:s4] =	stream.indirect.scatter.add.f32 @p0 [tilespmem:s21], [sflag:$0x11], $0x10, s18, s22, $0xb8;
	[tilespmem:$0x1EC00] =	vst v63  }
0x10a: {  	s0 =	simm.s32 @p0 $0x1A400  }
0x10b: {  	[spmem:s3] =	stream.indirect.scatter.add.f32 @p0 [tilespmem:s0], [sflag:$0x9], $0x10, s18, s22, $0xb8;
	[tilespmem:$0x1EC00] =	vst v63  }
0x10c: {  	s0 =	simm.s32 @p0 $0xD  }
0x10d: {  	_ =	swait.ge @p0 [sflag:s0], $0x800  }
0x10e: {  	s31 =	simm.s32 @!p0 $0x80;
	s8 =	simm.s32 @!p0 $0x1E400;
	[sflag:s0] =	ssyncset.done @p0 $0x0  }
0x10f: {  	s16 =	sadd.s32 @p0 $0x800, s7;
	[sflag:s0] =	ssyncadd.s32 @p0 $0xFFFFF800;
	s0 =	simm.s32 @!p0 $0x19000  }
0x110: {  	[spmem:s4] =	stream.indirect.scatter.add.f32 @!p0 [tilespmem:s8], [sflag:$0x11], $0x10, s0, s31, $0xb8;
	[tilespmem:$0x1EC00] =	vst v63  }
0x111: {  	s19 =	simm.s32 @!p0 $0x1A400;
	s16 =	simm.s32 @!p0 $0x800  }
0x112: {  	[spmem:s3] =	stream.indirect.scatter.add.f32 @!p0 [tilespmem:s19], [sflag:$0x9], $0x10, s0, s31, $0xb8;
	[tilespmem:$0x1EC00] =	vst v63  }
0x113: {  	s19 =	sshra.s32 s16, $0x2  }
0x114: {  	s16 =	sadd.s32 $0x17C00, s19  }
0x115: {  	[tilespmem:s30], [sflag:$0x5] =	stream.indirect.gather [hbm4b:s6+s29], $0x10, s16, s29, $0xb8;
	[tilespmem:$0x1EC00] =	vst v63  }
0x116: {  	_ =	swait.ge [sflag:s28], $0x800  }
0x117: {  	[sflag:s28] =	ssyncset.done $0x0  }
0x118: {  	s0 =	simm.s32 @p0 $0x12;
	[sflag:s28] =	ssyncadd.s32 $0xFFFFF800  }
0x119: {  	_ =	swait.ge @p0 [sflag:s0], $0x800  }
0x11a: {  	s18 =	simm.s32 @!p0 $0x19000;
	[sflag:s0] =	ssyncset.done @p0 $0x0  }
0x11b: {  	[sflag:s0] =	ssyncadd.s32 @p0 $0xFFFFF800;
	s0 =	sadd.s32 @p0 $0x80, s18  }
0x11c: {  	[spmem:s4] =	stream.indirect.scatter.add.f32 @p0 [tilespmem:s21], [sflag:$0x12], $0x10, s0, s22, $0xb8;
	[tilespmem:$0x1EC00] =	vst v63  }
0x11d: {  	s16 =	simm.s32 @p0 $0x1AC00  }
0x11e: {  	[spmem:s3] =	stream.indirect.scatter.add.f32 @p0 [tilespmem:s16], [sflag:$0xA], $0x10, s0, s22, $0xb8;
	[tilespmem:$0x1EC00] =	vst v63  }
0x11f: {  	s0 =	simm.s32 @p0 $0xE  }
0x120: {  	_ =	swait.ge @p0 [sflag:s0], $0x800  }
0x121: {  	[sflag:s0] =	ssyncset.done @p0 $0x0  }
0x122: {  	s16 =	sadd.s32 @p0 $0xA00, s7;
	[sflag:s0] =	ssyncadd.s32 @p0 $0xFFFFF800;
	s0 =	sadd.s32 @!p0 $0x80, s18  }
0x123: {  	[spmem:s4] =	stream.indirect.scatter.add.f32 @!p0 [tilespmem:s8], [sflag:$0x12], $0x10, s0, s31, $0xb8;
	[tilespmem:$0x1EC00] =	vst v63  }
0x124: {  	s30 =	simm.s32 @!p0 $0x1AC00;
	s16 =	simm.s32 @!p0 $0xA00  }
0x125: {  	[spmem:s3] =	stream.indirect.scatter.add.f32 @!p0 [tilespmem:s30], [sflag:$0xA], $0x10, s0, s31, $0xb8;
	[tilespmem:$0x1EC00] =	vst v63  }
0x126: {  	s0 =	sshra.s32 s16, $0x2  }
0x127: {  	s2 =	simm.s32 $0x3;
	s16 =	sadd.s32 $0x17C00, s0  }
0x128: {  	[tilespmem:s20], [sflag:$0x6] =	stream.indirect.gather [hbm4b:s6+s29], $0x10, s16, s29, $0xb8;
	[tilespmem:$0x1EC00] =	vst v63  }
0x129: {  	_ =	swait.ge [sflag:s2], $0x800  }
0x12a: {  	[sflag:s2] =	ssyncset.done $0x0  }
0x12b: {  	s16 =	simm.s32 @p0 $0x13;
	[sflag:s2] =	ssyncadd.s32 $0xFFFFF800  }
0x12c: {  	_ =	swait.ge @p0 [sflag:s16], $0x800  }
0x12d: {  	[sflag:s16] =	ssyncset.done @p0 $0x0  }
0x12e: {  	[sflag:s16] =	ssyncadd.s32 @p0 $0xFFFFF800;
	s16 =	sadd.s32 @p0 $0x100, s18  }
0x12f: {  	[spmem:s4] =	stream.indirect.scatter.add.f32 @p0 [tilespmem:s21], [sflag:$0x13], $0x10, s16, s22, $0xb8;
	[tilespmem:$0x1EC00] =	vst v63  }
0x130: {  	s30 =	simm.s32 @p0 $0x1B400  }
0x131: {  	[spmem:s3] =	stream.indirect.scatter.add.f32 @p0 [tilespmem:s30], [sflag:$0xB], $0x10, s16, s22, $0xb8;
	[tilespmem:$0x1EC00] =	vst v63  }
0x132: {  	s16 =	simm.s32 @p0 $0xF  }
0x133: {  	_ =	swait.ge @p0 [sflag:s16], $0x800  }
0x134: {  	[sflag:s16] =	ssyncset.done @p0 $0x0  }
0x135: {  	s30 =	sadd.s32 @p0 $0xC00, s7;
	[sflag:s16] =	ssyncadd.s32 @p0 $0xFFFFF800;
	s16 =	sadd.s32 @!p0 $0x100, s18  }
0x136: {  	[spmem:s4] =	stream.indirect.scatter.add.f32 @!p0 [tilespmem:s8], [sflag:$0x13], $0x10, s16, s31, $0xb8;
	[tilespmem:$0x1EC00] =	vst v63  }
0x137: {  	s2 =	simm.s32 @!p0 $0x1B400;
	s30 =	simm.s32 @!p0 $0xC00  }
0x138: {  	[spmem:s3] =	stream.indirect.scatter.add.f32 @!p0 [tilespmem:s2], [sflag:$0xB], $0x10, s16, s31, $0xb8;
	[tilespmem:$0x1EC00] =	vst v63  }
0x139: {  	s16 =	sshra.s32 s30, $0x2  }
0x13a: {  	s30 =	simm.s32 $0x4;
	s20 =	sadd.s32 $0x17C00, s16  }
0x13b: {  	[tilespmem:s24], [sflag:$0x7] =	stream.indirect.gather [hbm4b:s6+s29], $0x10, s20, s29, $0xb8;
	[tilespmem:$0x1EC00] =	vst v63  }
0x13c: {  	_ =	swait.ge [sflag:s30], $0x800  }
0x13d: {  	[sflag:s30] =	ssyncset.done $0x0  }
0x13e: {  	s2 =	simm.s32 @p0 $0x14;
	[sflag:s30] =	ssyncadd.s32 $0xFFFFF800  }
0x13f: {  	_ =	swait.ge @p0 [sflag:s2], $0x800  }
0x140: {  	[sflag:s2] =	ssyncset.done @p0 $0x0  }
0x141: {  	[sflag:s2] =	ssyncadd.s32 @p0 $0xFFFFF800;
	s2 =	sadd.s32 @p0 $0x180, s18  }
0x142: {  	[spmem:s4] =	stream.indirect.scatter.add.f32 @p0 [tilespmem:s21], [sflag:$0x14], $0x10, s2, s22, $0xb8;
	[tilespmem:$0x1EC00] =	vst v63  }
0x143: {  	s21 =	simm.s32 @p0 $0x1BC00  }
0x144: {  	[spmem:s3] =	stream.indirect.scatter.add.f32 @p0 [tilespmem:s21], [sflag:$0xC], $0x10, s2, s22, $0xb8;
	[tilespmem:$0x1EC00] =	vst v63  }
0x145: {  	s2 =	simm.s32 @p0 $0x10  }
0x146: {  	_ =	swait.ge @p0 [sflag:s2], $0x800  }
0x147: {  	[sflag:s2] =	ssyncset.done @p0 $0x0  }
0x148: {  	[sflag:s2] =	ssyncadd.s32 @p0 $0xFFFFF800;
	s2 =	sadd.s32 @!p0 $0x180, s18  }
0x149: {  	[spmem:s4] =	stream.indirect.scatter.add.f32 @!p0 [tilespmem:s8], [sflag:$0x14], $0x10, s2, s31, $0xb8;
	[tilespmem:$0x1EC00] =	vst v63  }
0x14a: {  	s8 =	sadd.s32 @p0 $0xE00, s7  }
0x14b: {  	s18 =	simm.s32 @!p0 $0x1BC00;
	s8 =	simm.s32 @!p0 $0xE00  }
0x14c: {  	[spmem:s3] =	stream.indirect.scatter.add.f32 @!p0 [tilespmem:s18], [sflag:$0xC], $0x10, s2, s31, $0xb8;
	[tilespmem:$0x1EC00] =	vst v63  }
0x14d: {  	s18 =	sshra.s32 s8, $0x2  }
.Ltmp2:
0x14e: {  	s31 =	sadd.s32 $0x17C00, s18;
	(pc) =	sbr.rel @!p0 .LBB2_5-.Ltmp2, $4  }
0x14f: {  	[tilespmem:s25], [sflag:$0x8] =	stream.indirect.gather [hbm4b:s6+s29], $0x10, s31, s29, $0xb8;
	[tilespmem:$0x1EC00] =	vst v63  }
0x150: {  	_ =	swait.ge [sflag:s9], $0x800  }
0x151: {  	s1 =	simm.s32 $0x1C400;
	s21 =	simm.s32 $0x1DC00;
	[sflag:s9] =	ssyncset.done $0x0  }
0x152: {  	s8 =	sadd.s32 $0x19000, s19;
	s2 =	simm.s32 $0x1D400;
	[sflag:s9] =	ssyncadd.s32 $0xFFFFF800  }
0x153: {  	s19 =	simm.s32 $0x15  }
0x154: {  	p1 =	seq.s32 s5, $0x0;
	_ =	swait.ge [sflag:s19], $0x800  }
.Ltmp3:
0x155: {  	[sflag:s19] =	ssyncset.done $0x0;
	(pc) =	sbr.rel @!p1 .LBB2_7-.Ltmp3, $4  }
0x156: {  	[sflag:s19] =	ssyncadd.s32 $0xFFFFF800  }
0x157: {  	[spmem:s4] =	stream.indirect.scatter.add.f32 [tilespmem:s23], [sflag:$0x15], $0x10, s8, s29, $0xb8;
	[tilespmem:$0x1EC00] =	vst v63  }
0x158: {  	s30 =	simm.s32 $0x1C400  }
0x159: {  	[spmem:s3] =	stream.indirect.scatter.add.f32 [tilespmem:s1], [sflag:$0xD], $0x10, s8, s29, $0xb8;
	[tilespmem:$0x1EC00] =	vst v63  }
0x15a: {  	_ =	swait.ge [sflag:s11], $0x800  }
0x15b: {  	[sflag:s11] =	ssyncset.done $0x0  }
0x15c: {  	s5 =	simm.s32 $0x16;
	[sflag:s11] =	ssyncadd.s32 $0xFFFFF800  }
0x15d: {  	_ =	swait.ge [sflag:s5], $0x800  }
0x15e: {  	[sflag:s5] =	ssyncset.done $0x0  }
0x15f: {  	s0 =	sadd.s32 $0x19000, s0;
	[sflag:s5] =	ssyncadd.s32 $0xFFFFF800  }
0x160: {  	[spmem:s4] =	stream.indirect.scatter.add.f32 [tilespmem:s23], [sflag:$0x16], $0x10, s0, s29, $0xb8;
	[tilespmem:$0x1EC00] =	vst v63  }
0x161: {  	s1 =	simm.s32 $0x1CC00  }
0x162: {  	[spmem:s3] =	stream.indirect.scatter.add.f32 [tilespmem:s1], [sflag:$0xE], $0x10, s0, s29, $0xb8;
	[tilespmem:$0x1EC00] =	vst v63  }
0x163: {  	_ =	swait.ge [sflag:s13], $0x800  }
0x164: {  	[sflag:s13] =	ssyncset.done $0x0  }
0x165: {  	s1 =	simm.s32 $0x17;
	[sflag:s13] =	ssyncadd.s32 $0xFFFFF800  }
0x166: {  	_ =	swait.ge [sflag:s1], $0x800  }
0x167: {  	[sflag:s1] =	ssyncset.done $0x0  }
0x168: {  	s20 =	sadd.s32 $0x19000, s16;
	[sflag:s1] =	ssyncadd.s32 $0xFFFFF800  }
0x169: {  	[spmem:s4] =	stream.indirect.scatter.add.f32 [tilespmem:s23], [sflag:$0x17], $0x10, s20, s29, $0xb8;
	[tilespmem:$0x1EC00] =	vst v63  }
0x16a: {  	_ = 	snop  }
0x16b: {  	[spmem:s3] =	stream.indirect.scatter.add.f32 [tilespmem:s2], [sflag:$0xF], $0x10, s20, s29, $0xb8;
	[tilespmem:$0x1EC00] =	vst v63  }
0x16c: {  	_ =	swait.ge [sflag:s15], $0x800  }
0x16d: {  	[sflag:s15] =	ssyncset.done $0x0  }
0x16e: {  	s2 =	simm.s32 $0x18;
	[sflag:s15] =	ssyncadd.s32 $0xFFFFF800  }
0x16f: {  	_ =	swait.ge [sflag:s2], $0x800  }
0x170: {  	[sflag:s2] =	ssyncset.done $0x0  }
0x171: {  	s22 =	sadd.s32 $0x19000, s18;
	[sflag:s2] =	ssyncadd.s32 $0xFFFFF800  }
0x172: {  	[spmem:s4] =	stream.indirect.scatter.add.f32 [tilespmem:s23], [sflag:$0x18], $0x10, s22, s29, $0xb8;
	[tilespmem:$0x1EC00] =	vst v63  }
0x173: {  	_ = 	snop  }
0x174: {  	[spmem:s3] =	stream.indirect.scatter.add.f32 [tilespmem:s21], [sflag:$0x10], $0x10, s22, s29, $0xb8;
	[tilespmem:$0x1EC00] =	vst v63  }
0x175: {  	_ =	swait.ge [sflag:s10], $0x800  }
0x176: {  	[sflag:s10] =	ssyncset.done $0x0  }
0x177: {  	s24 =	simm.s32 $0x11;
	[sflag:s10] =	ssyncadd.s32 $0xFFFFF800  }
0x178: {  	_ =	swait.ge [sflag:s24], $0x800  }
0x179: {  	[sflag:s24] =	ssyncset.done $0x0  }
0x17a: {  	[sflag:s24] =	ssyncadd.s32 $0xFFFFF800  }
0x17b: {  	_ =	swait.ge [sflag:s12], $0x800  }
0x17c: {  	[sflag:s12] =	ssyncset.done $0x0  }
0x17d: {  	s25 =	simm.s32 $0x12;
	[sflag:s12] =	ssyncadd.s32 $0xFFFFF800  }
0x17e: {  	_ =	swait.ge [sflag:s25], $0x800  }
0x17f: {  	[sflag:s25] =	ssyncset.done $0x0  }
0x180: {  	[sflag:s25] =	ssyncadd.s32 $0xFFFFF800  }
0x181: {  	_ =	swait.ge [sflag:s14], $0x800  }
0x182: {  	[sflag:s14] =	ssyncset.done $0x0  }
0x183: {  	s31 =	simm.s32 $0x13;
	[sflag:s14] =	ssyncadd.s32 $0xFFFFF800  }
0x184: {  	_ =	swait.ge [sflag:s31], $0x800  }
0x185: {  	[sflag:s31] =	ssyncset.done $0x0  }
0x186: {  	[sflag:s31] =	ssyncadd.s32 $0xFFFFF800  }
0x187: {  	_ =	swait.ge [sflag:s17], $0x800  }
0x188: {  	[sflag:s17] =	ssyncset.done $0x0  }
0x189: {  	s7 =	simm.s32 $0x14;
	[sflag:s17] =	ssyncadd.s32 $0xFFFFF800  }
0x18a: {  	_ =	swait.ge [sflag:s7], $0x800  }
0x18b: {  	[sflag:s7] =	ssyncset.done $0x0  }
0x18c: {  	s8 =	simm.s32 $0xD;
	[sflag:s7] =	ssyncadd.s32 $0xFFFFF800  }
0x18d: {  	_ =	swait.ge [sflag:s8], $0x800  }
0x18e: {  	[sflag:s8] =	ssyncset.done $0x0  }
0x18f: {  	s16 =	simm.s32 $0x15;
	[sflag:s8] =	ssyncadd.s32 $0xFFFFF800  }
0x190: {  	_ =	swait.ge [sflag:s16], $0x800  }
0x191: {  	[sflag:s16] =	ssyncset.done $0x0  }
0x192: {  	s18 =	simm.s32 $0xE;
	[sflag:s16] =	ssyncadd.s32 $0xFFFFF800  }
0x193: {  	_ =	swait.ge [sflag:s18], $0x800  }
0x194: {  	[sflag:s18] =	ssyncset.done $0x0  }
0x195: {  	[sflag:s18] =	ssyncadd.s32 $0xFFFFF800  }
0x196: {  	_ =	swait.ge [sflag:s5], $0x800  }
0x197: {  	[sflag:s5] =	ssyncset.done $0x0  }
0x198: {  	s19 =	simm.s32 $0xF;
	[sflag:s5] =	ssyncadd.s32 $0xFFFFF800  }
0x199: {  	_ =	swait.ge [sflag:s19], $0x800  }
0x19a: {  	[sflag:s19] =	ssyncset.done $0x0  }
0x19b: {  	[sflag:s19] =	ssyncadd.s32 $0xFFFFF800  }
0x19c: {  	_ =	swait.ge [sflag:s1], $0x800  }
0x19d: {  	[sflag:s1] =	ssyncset.done $0x0  }
0x19e: {  	s20 =	simm.s32 $0x10;
	[sflag:s1] =	ssyncadd.s32 $0xFFFFF800  }
0x19f: {  	_ =	swait.ge [sflag:s20], $0x800  }
0x1a0: {  	[sflag:s20] =	ssyncset.done $0x0  }
0x1a1: {  	[sflag:s20] =	ssyncadd.s32 $0xFFFFF800  }
0x1a2: {  	_ =	swait.ge [sflag:s2], $0x800  }
0x1a3: {  	[sflag:s2] =	ssyncset.done $0x0  }
0x1a4: {  	[sflag:s2] =	ssyncadd.s32 $0xFFFFF800  }
0x1a5: {  	[bflag:$0x0] =	sbarrier.arrive $0xFFFF  }
0x1a6: {  	s21 =	rddreg [dreg:$0x7]  }
0x1a7: {  	s22 =	rddreg [dreg:$0xc]  }
0x1a8: {  	s8 =	simm.s32 $0x19;
	s5 =	rddreg [dreg:$0xf];
	s0 =	sor.u32 $0x1C19, s21  }
0x1a9: {  	[hbm:s22], [sflag:s0] =	dma.local [spmem:s5], $0x1400  }
0x1aa: {  	_ =	swait.ge [sflag:s8], $0x1400  }
0x1ab: {  	[sflag:s8] =	ssyncset.done $0x0;
	s24 =	rddreg [dreg:$0xd]  }
0x1ac: {  	s7 =	rddreg [dreg:$0x11];
	[sflag:s8] =	ssyncadd.s32 $0xFFFFEC00  }
0x1ad: {  	[hbm:s24], [sflag:s0] =	dma.local [spmem:s7], $0x1400  }
0x1ae: {  	_ =	swait.ge [sflag:s8], $0x1400  }
0x1af: {  	s25 =	rddreg [dreg:$0x12]  }
0x1b0: {  	s31 =	rddreg [dreg:$0xe];
	s1 =	sadd.s32 $0x1, s25  }
0x1b1: {  	p0 =	sne.s32 s1, s31  }
.Ltmp4:
0x1b2: {  	_ = 	snop;
	(pc) =	sbr.rel @p0 .LBB2_1-.Ltmp4, $3  }
0x1b3: {  	_ =	sdelay $0x1  }
0x1b4: {  	[sflag:s8] =	ssyncset.done $0x0  }
0x1b5: {  	[sflag:s8] =	ssyncadd.s32 $0xFFFFEC00  }
0x1b6: {  	_ =	sfence.sel $0x180000  }
0x1b7: {  	[bflag:$0x0] =	sbarrier.arrive $0xFFFF  }
0x1b8: {  	_ =	strace $0x90000047  }
0x1b9: {  	s0 =	stileid.u32;
	[bflag:$0x2] =	sbarrier.arrive $0xFFFF  }
0x1ba: {  	p0 =	sne.s32 s0, $0x0;
	s0 =	rddreg [dreg:$0x5]  }
0x1bb: {  	s0 =	sadd.s32 @!p0 $0x100000, s0  }
0x1bc: {  	[sflag:s0] =	ssyncadd.tile.s32 @!p0 $0x1;
	_ =	shalt  }
.Lfunc_end2:
_tile_overlayer_lowered:
.L_overlay_start_2:
0x1bd: {  	(tag) =	ssettag $0x2  }
0x1be: {  	s0 =	rddreg [dreg:$0x0];
	s2 =	stileid.u32  }
0x1bf: {  	s1 =	rddreg [dreg:$0x1];
	p0 =	sne.s32 s2, $0x0  }
0x1c0: {  	s3 =	rddreg [dreg:$0x2];
	[bflag:$0x3] =	sbarrier.arrive $0xFFFF;
	s2 =	simm.s32 @!p0 $0x1C19  }
0x1c1: {  	[timem:s3], [sflag:s2] =	dma.local @!p0 [hbm:s0], s1  }
0x1c2: {  	s0 =	simm.s32 @!p0 $0x19  }
0x1c3: {  	_ =	swait.ge @!p0 [sflag:s0], s1  }
0x1c4: {  	s1 =	ssub.s32 @!p0 $0x0, s1;
	[sflag:s0] =	ssyncset.done @!p0 $0x0  }
0x1c5: {  	[sflag:s0] =	ssyncadd.s32 @!p0 s1  }
0x1c6: {  	[bflag:$0x3] =	sbarrier.arrive $0xFFFF  }
0x1c7: {  	_ =	shalt  }

</sc_bundles>
